<compile_context>
chip_gen: v7x
topology: tpu7x:2x2x1
jax: 0.10.2.dev20260603
libtpu: 0.0.44.dev20260713+nightly
codegen_flags: <defaults>
</compile_context>

<pallas_src>
import jax
import jax.numpy as jnp
from jax.experimental import pallas as pl
from jax.experimental.pallas import tpu as pltpu
from jax.experimental.pallas import tpu_sc as plsc

VOCABN = 16384
DIMN = 1024
NH = 16
NG = 4
HPGN = 4
DKN = 64
DVN = 64
LCMP = 32
DSTR = 16
LSELN = 32
NSELN = 4
WWIN = 256
HIDN = 4096
SEQ = 2048

QT = 256
NCMP = (SEQ - LCMP) // DSTR + 1
NBLK = SEQ // LSELN
SCALE = 1.0 / (DKN ** 0.5)
GATHER_W = 128
GSPLIT = 4
GDIM = DIMN // GSPLIT
GN = SEQ * GSPLIT


def _embed_gather(idx, embed):
    mesh = plsc.VectorSubcoreMesh(core_axis_name="core",
                                  subcore_axis_name="subcore")
    embed4 = embed.reshape(VOCABN * GSPLIT, GDIM)
    idx4 = (idx.reshape(SEQ, 1) * GSPLIT
            + jnp.arange(GSPLIT, dtype=jnp.int32).reshape(1, GSPLIT)
            ).reshape(1, GN)

    @pl.kernel(out_type=jax.ShapeDtypeStruct((GN, GDIM), jnp.float32),
               mesh=mesh)
    def gk(x_hbm, i_hbm, o_hbm):
        def body(i_vmem, o_vmem):
            pltpu.sync_copy(x_hbm.at[i_vmem.at[0]], o_vmem)

        pltpu.emit_pipeline(
            body,
            grid=(GN // GATHER_W,),
            in_specs=[pl.BlockSpec((1, GATHER_W), index_map=lambda i: (0, i))],
            out_specs=[pl.BlockSpec((GATHER_W, GDIM),
                                    index_map=lambda i: (i, 0))],
            core_axis_name=("core", "subcore"),
            dimension_semantics=(pltpu.PARALLEL,),
        )(i_hbm, o_hbm)

    return gk(embed4, idx4).reshape(SEQ, DIMN)


def _bdot(a, b, dims):
    return jax.lax.dot_general(a, b, dims, preferred_element_type=jnp.float32)


def _rope_all(mat, nheads, cos, sin):
    parts = []
    for h in range(nheads):
        x1 = mat[:, h * DKN:h * DKN + DKN // 2]
        x2 = mat[:, h * DKN + DKN // 2:(h + 1) * DKN]
        parts.append(x1 * cos - x2 * sin)
        parts.append(x1 * sin + x2 * cos)
    return jnp.concatenate(parts, axis=1)


def _proj_body(x_ref, ln1_ref, wq_ref, wk_ref, wv_ref, wg_ref, cos_ref,
               sin_ref, q_ref, k_ref, v_ref, g_ref):
    x = x_ref[...]
    ms = jnp.mean(x * x, axis=-1, keepdims=True)
    xn = x * jax.lax.rsqrt(ms + 1e-6) * ln1_ref[...]
    cos = cos_ref[...]
    sin = sin_ref[...]

    q = _bdot(xn, wq_ref[...], (((1,), (0,)), ((), ())))
    k = _bdot(xn, wk_ref[...], (((1,), (0,)), ((), ())))
    v = _bdot(xn, wv_ref[...], (((1,), (0,)), ((), ())))
    g = _bdot(xn, wg_ref[...], (((1,), (0,)), ((), ())))
    q_ref[...] = _rope_all(q, NH, cos, sin)
    k_ref[...] = _rope_all(k, NG, cos, sin)
    v_ref[...] = v
    g_ref[...] = jax.nn.sigmoid(g)


def _proj(x, ln1, Wq, Wk, Wv, Wg, cos, sin):
    nst = SEQ // QT
    return pl.pallas_call(
        _proj_body,
        grid=(nst,),
        in_specs=[
            pl.BlockSpec((QT, DIMN), lambda i: (i, 0)),
            pl.BlockSpec((1, DIMN), lambda i: (0, 0)),
            pl.BlockSpec((DIMN, NH * DKN), lambda i: (0, 0)),
            pl.BlockSpec((DIMN, NG * DKN), lambda i: (0, 0)),
            pl.BlockSpec((DIMN, NG * DVN), lambda i: (0, 0)),
            pl.BlockSpec((DIMN, NH * 3), lambda i: (0, 0)),
            pl.BlockSpec((QT, DKN // 2), lambda i: (i, 0)),
            pl.BlockSpec((QT, DKN // 2), lambda i: (i, 0)),
        ],
        out_specs=[
            pl.BlockSpec((QT, NH * DKN), lambda i: (i, 0)),
            pl.BlockSpec((QT, NG * DKN), lambda i: (i, 0)),
            pl.BlockSpec((QT, NG * DVN), lambda i: (i, 0)),
            pl.BlockSpec((QT, NH * 3), lambda i: (i, 0)),
        ],
        out_shape=[
            jax.ShapeDtypeStruct((SEQ, NH * DKN), jnp.float32),
            jax.ShapeDtypeStruct((SEQ, NG * DKN), jnp.float32),
            jax.ShapeDtypeStruct((SEQ, NG * DVN), jnp.float32),
            jax.ShapeDtypeStruct((SEQ, NH * 3), jnp.float32),
        ],
    )(x, ln1, Wq, Wk, Wv, Wg, cos, sin)


def _attn_body(q_ref, k_ref, v_ref, g_ref, x_ref, wo_ref, ln2_ref,
               h_ref, hn_ref, scr_ref):
    i = pl.program_id(0)
    NEG = -1e30

    srow_i = i * QT + jax.lax.broadcasted_iota(jnp.int32, (QT, 1), 0)

    start = jnp.maximum(i - 1, 0) * QT

    out_chunks = []
    for g in range(NG):
        kg = k_ref[:, g * DKN:(g + 1) * DKN]
        vg = v_ref[:, g * DVN:(g + 1) * DVN]

        p16k = jnp.mean(kg.reshape(SEQ // DSTR, DSTR, DKN), axis=1)
        p16v = jnp.mean(vg.reshape(SEQ // DSTR, DSTR, DVN), axis=1)
        k_cmp = (p16k[:NCMP] + p16k[1:NCMP + 1]) * 0.5
        v_cmp = (p16v[:NCMP] + p16v[1:NCMP + 1]) * 0.5

        ncol = jax.lax.broadcasted_iota(jnp.int32, (QT, NCMP), 1)
        mcmp = (DSTR * ncol + LCMP - 1) <= srow_i

        o_cmp = []
        phsum = jnp.zeros((QT, NCMP), jnp.float32)
        for h in range(HPGN):
            hh = g * HPGN + h
            qh = q_ref[:, hh * DKN:(hh + 1) * DKN]
            sc = _bdot(
                qh, k_cmp, (((1,), (1,)), ((), ()))) * SCALE
            sc = jnp.where(mcmp, sc, NEG)
            mmax = jnp.max(sc, axis=-1, keepdims=True)
            e = jnp.exp(sc - mmax) * mcmp.astype(jnp.float32)
            p = e / jnp.maximum(jnp.sum(e, axis=-1, keepdims=True), 1e-9)
            phsum = phsum + p
            o_cmp.append(_bdot(
                p, v_cmp, (((1,), (0,)), ((), ()))))

        nrow = jax.lax.broadcasted_iota(jnp.int32, (NCMP, NBLK), 0)
        mcol = jax.lax.broadcasted_iota(jnp.int32, (NCMP, NBLK), 1)
        fold = ((nrow // 2) == mcol).astype(jnp.float32)
        imp = _bdot(phsum, fold, (((1,), (0,)), ((), ())))

        bcol = jax.lax.broadcasted_iota(jnp.int32, (QT, NBLK), 1)
        cur = srow_i // LSELN
        bonus = (jnp.where(bcol == cur, 1e6, 0.0)
                 + jnp.where(bcol == 0, 1e6, 0.0))
        valid = (bcol * LSELN) <= srow_i
        impv = jnp.where(valid, imp + bonus, -jnp.inf)

        selmask = jnp.zeros((QT, NBLK), jnp.bool_)
        for _ in range(NSELN):
            mx = jnp.max(impv, axis=-1, keepdims=True)
            cand = jnp.where(impv == mx, bcol, NBLK + 1)
            first = jnp.min(cand, axis=-1, keepdims=True)
            hit = bcol == first
            selmask = selmask | hit
            impv = jnp.where(hit, -jnp.inf, impv)

        selmask_f = selmask.astype(jnp.float32)
        erow = jax.lax.broadcasted_iota(jnp.int32, (NBLK, QT), 0)
        ecolb = jax.lax.broadcasted_iota(jnp.int32, (NBLK, QT), 1) // LSELN
        tcol0 = jax.lax.broadcasted_iota(jnp.int32, (QT, QT), 1)
        qhs = [q_ref[:, (g * HPGN + h) * DKN:(g * HPGN + h + 1) * DKN]
               for h in range(HPGN)]

        def tbody(t, ls):
            kt = k_ref[pl.ds(t * QT, QT), g * DKN:(g + 1) * DKN]
            e_t = (erow == (t * (QT // LSELN) + ecolb)).astype(jnp.float32)
            tmask = _bdot(selmask_f, e_t, (((1,), (0,)), ((), ())))
            tcol = t * QT + tcol0
            madd = jnp.where((tmask > 0.5) & (tcol <= srow_i), 0.0, NEG)
            new = []
            for h in range(HPGN):
                sc = _bdot(qhs[h], kt, (((1,), (1,)), ((), ()))) * SCALE
                e = jnp.exp(sc + madd)
                scr_ref[h, t] = e
                new.append(ls[h] + jnp.sum(e, axis=-1, keepdims=True))
            return tuple(new)

        ls0 = tuple(jnp.zeros((QT, 1), jnp.float32) for _ in range(HPGN))
        ls = jax.lax.fori_loop(0, i + 1, tbody, ls0)
        linvs = [1.0 / jnp.maximum(ls[h], 1e-9) for h in range(HPGN)]

        def pvbody(t, os):
            vt = v_ref[pl.ds(t * QT, QT), g * DVN:(g + 1) * DVN]
            return tuple(
                os[h] + _bdot(scr_ref[h, t] * linvs[h], vt,
                              (((1,), (0,)), ((), ())))
                for h in range(HPGN))

        os0 = tuple(jnp.zeros((QT, DVN), jnp.float32) for _ in range(HPGN))
        osel = jax.lax.fori_loop(0, i + 1, pvbody, os0)

        kwin = k_ref[pl.ds(start, 2 * QT), g * DKN:(g + 1) * DKN]
        vwin = v_ref[pl.ds(start, 2 * QT), g * DVN:(g + 1) * DVN]
        twin = start + jax.lax.broadcasted_iota(jnp.int32, (QT, 2 * QT), 1)
        wadd = jnp.where((twin <= srow_i) & ((srow_i - twin) < WWIN),
                         0.0, NEG)

        for h in range(HPGN):
            hh = g * HPGN + h

            sw = _bdot(qhs[h], kwin, (((1,), (1,)), ((), ()))) * SCALE
            ew = jnp.exp(sw + wadd)
            pw = ew / jnp.sum(ew, axis=-1, keepdims=True)
            o_w = _bdot(pw, vwin, (((1,), (0,)), ((), ())))

            g0 = g_ref[:, 3 * hh:3 * hh + 1]
            g1 = g_ref[:, 3 * hh + 1:3 * hh + 2]
            g2 = g_ref[:, 3 * hh + 2:3 * hh + 3]
            out_chunks.append(g0 * o_cmp[h] + g1 * osel[h] + g2 * o_w)

    att = jnp.concatenate(out_chunks, axis=1)
    h = x_ref[...] + _bdot(att, wo_ref[...], (((1,), (0,)), ((), ())))
    h_ref[...] = h
    ms = jnp.mean(h * h, axis=-1, keepdims=True)
    hn_ref[...] = h * jax.lax.rsqrt(ms + 1e-6) * ln2_ref[...]


def _attention(q_r, k_r, v_p, gates, x, Wo, ln2):
    nst = SEQ // QT
    return pl.pallas_call(
        _attn_body,
        grid=(nst,),
        in_specs=[
            pl.BlockSpec((QT, NH * DKN), lambda i: (i, 0)),
            pl.BlockSpec((SEQ, NG * DKN), lambda i: (0, 0)),
            pl.BlockSpec((SEQ, NG * DVN), lambda i: (0, 0)),
            pl.BlockSpec((QT, NH * 3), lambda i: (i, 0)),
            pl.BlockSpec((QT, DIMN), lambda i: (i, 0)),
            pl.BlockSpec((NH * DVN, DIMN), lambda i: (0, 0)),
            pl.BlockSpec((1, DIMN), lambda i: (0, 0)),
        ],
        out_specs=[
            pl.BlockSpec((QT, DIMN), lambda i: (i, 0)),
            pl.BlockSpec((QT, DIMN), lambda i: (i, 0)),
        ],
        out_shape=[
            jax.ShapeDtypeStruct((SEQ, DIMN), jnp.float32),
            jax.ShapeDtypeStruct((SEQ, DIMN), jnp.float32),
        ],
        scratch_shapes=[pltpu.VMEM((HPGN, SEQ // QT, QT, QT), jnp.float32)],
    )(q_r, k_r, v_p, gates, x, Wo, ln2)


HT = 512


def _mlp_body(hn_ref, h_ref, w1_ref, w3_ref, w2_ref, o_ref):
    j = pl.program_id(0)
    hn = hn_ref[...]
    u = jax.nn.silu(_bdot(
        hn, w1_ref[...], (((1,), (0,)), ((), ())))) * _bdot(
        hn, w3_ref[...], (((1,), (0,)), ((), ())))
    contrib = _bdot(u, w2_ref[...], (((1,), (0,)), ((), ())))

    @pl.when(j == 0)
    def _():
        o_ref[...] = h_ref[...] + contrib

    @pl.when(j > 0)
    def _():
        o_ref[...] = o_ref[...] + contrib


def _mlp(hn, h1, w1, w3, w2):
    return pl.pallas_call(
        _mlp_body,
        grid=(HIDN // HT,),
        in_specs=[
            pl.BlockSpec((SEQ, DIMN), lambda j: (0, 0)),
            pl.BlockSpec((SEQ, DIMN), lambda j: (0, 0)),
            pl.BlockSpec((DIMN, HT), lambda j: (0, j)),
            pl.BlockSpec((DIMN, HT), lambda j: (0, j)),
            pl.BlockSpec((HT, DIMN), lambda j: (j, 0)),
        ],
        out_specs=pl.BlockSpec((SEQ, DIMN), lambda j: (0, 0)),
        out_shape=jax.ShapeDtypeStruct((SEQ, DIMN), jnp.float32),
    )(hn, h1, w1, w3, w2)


VT = 1024


def _lmhead_body(h_ref, w_ref, o_ref):
    o_ref[...] = _bdot(
        h_ref[...], w_ref[...], (((1,), (0,)), ((), ())))


def _lmhead(h2, lm_head):
    return pl.pallas_call(
        _lmhead_body,
        grid=(VOCABN // VT,),
        in_specs=[
            pl.BlockSpec((SEQ, DIMN), lambda j: (0, 0)),
            pl.BlockSpec((DIMN, VT), lambda j: (0, j)),
        ],
        out_specs=pl.BlockSpec((SEQ, VT), lambda j: (0, j)),
        out_shape=jax.ShapeDtypeStruct((SEQ, VOCABN), jnp.float32),
    )(h2, lm_head)


def kernel(x_tok, embed, Wq, Wk, Wv, Wg, Wo, w1, w2, w3, lm_head, ln1, ln2):
    idx = x_tok.reshape(1, SEQ).astype(jnp.int32)
    x = _embed_gather(idx, embed)
    pos = jnp.arange(SEQ, dtype=jnp.float32)
    jf = jnp.arange(DKN // 2, dtype=jnp.float32)
    freqs = 1.0 / (10000.0 ** (jf / (DKN // 2)))
    ang = pos[:, None] * freqs[None, :]
    cos = jnp.cos(ang)
    sin = jnp.sin(ang)
    q_r, k_r, v_p, gates = _proj(x, ln1.reshape(1, DIMN), Wq, Wk, Wv, Wg,
                                 cos, sin)
    h1, hn = _attention(q_r, k_r, v_p, gates, x, Wo, ln2.reshape(1, DIMN))
    h2 = _mlp(hn, h1, w1, w3, w2)
    logits = _lmhead(h2, lm_head)
    return logits.reshape(1, SEQ, VOCABN)

# --- scband reference (transcript-rebuilt; emitter-appended) ---
"""Pipeline reference for scband-tiny-lm-2147483648624 (READ-ONLY COPY).

The authoritative reference and input builder live on the scoring server;
editing this copy changes nothing except your own understanding.
"""

import jax, jax.numpy as jnp
import numpy as np

VOCAB = 16384
DIM = 1024
H = 16
G = 4
DK = 64
DV = 64
L = 32
D = 16
LSEL = 32
NSEL = 4
W = 256
HID = 4096
HPG = H // G
B = 1
S = 2048


def rmsnorm(x, g):
    return x * jax.lax.rsqrt(jnp.mean(x * x, axis=-1, keepdims=True) + 1e-6) * g


def rope(x, pos):
    half = x.shape[-1] // 2
    freqs = 1.0 / (10000.0 ** (jnp.arange(half, dtype=jnp.float32) / half))
    ang = pos[:, None] * freqs[None, :]
    cos = jnp.cos(ang)[None, :, None, :]
    sin = jnp.sin(ang)[None, :, None, :]
    x1, x2 = x[..., :half], x[..., half:]
    return jnp.concatenate([x1 * cos - x2 * sin, x1 * sin + x2 * cos], axis=-1)


def setup_inputs(seed: int = 0):
    key = jax.random.key(seed)
    ks = jax.random.split(key, 12)
    init = lambda k, shp: (jax.random.normal(k, shp, dtype=jnp.float32) * 0.02)
    inp = {}
    inp['x_tok'] = jax.random.randint(ks[0], (B, S), 0, VOCAB)
    inp['embed'] = init(ks[1], (VOCAB, DIM))
    inp['Wq'] = init(ks[2], (DIM, H * DK))
    inp['Wk'] = init(ks[3], (DIM, G * DK))
    inp['Wv'] = init(ks[4], (DIM, G * DV))
    inp['Wg'] = init(ks[5], (DIM, H * 3))
    inp['Wo'] = init(ks[6], (H * DV, DIM))
    inp['w1'] = init(ks[7], (DIM, HID))
    inp['w3'] = init(ks[8], (DIM, HID))
    inp['w2'] = init(ks[9], (HID, DIM))
    inp['lm_head'] = init(ks[10], (DIM, VOCAB))
    inp['ln1'] = jnp.ones((DIM,), jnp.float32)
    inp['ln2'] = jnp.ones((DIM,), jnp.float32)
    return inp


def nsa_attention(xn, Wq, Wk, Wv, Wg, Wo):
    Bb, Ss, _ = xn.shape
    q = (xn @ Wq).reshape(Bb, Ss, H, DK)
    k = (xn @ Wk).reshape(Bb, Ss, G, DK)
    v = (xn @ Wv).reshape(Bb, Ss, G, DV)
    pos = jnp.arange(Ss, dtype=jnp.float32)
    q = rope(q, pos)
    k = rope(k, pos)
    qg = jnp.transpose(q.reshape(Bb, Ss, G, HPG, DK), (0, 2, 3, 1, 4))
    kT = jnp.transpose(k, (0, 2, 1, 3))
    vT = jnp.transpose(v, (0, 2, 1, 3))
    scale = 1.0 / (DK ** 0.5)
    t_idx = jnp.arange(Ss)

    # --- compressed coarse branch: overlapping blocks of length L, stride D, mean-pooled ---
    ncmp = (Ss - L) // D + 1
    starts = jnp.arange(ncmp) * D
    blk = starts[:, None] + jnp.arange(L)[None, :]
    k_cmp = kT[:, :, blk].mean(axis=3)
    v_cmp = vT[:, :, blk].mean(axis=3)
    sc = jnp.einsum('bghsd,bgnd->bghsn', qg, k_cmp) * scale
    mcmp = (starts + L - 1)[None, :] <= t_idx[:, None]
    sc = jnp.where(mcmp[None, None, None], sc, -1e30)
    mmax = jnp.max(sc, axis=-1, keepdims=True)
    e = jnp.exp(sc - mmax) * mcmp[None, None, None]
    p_cmp = e / jnp.maximum(e.sum(axis=-1, keepdims=True), 1e-9)
    o_cmp = jnp.einsum('bghsn,bgnd->bghsd', p_cmp, v_cmp)

    # --- blockwise selection branch: importance from compressed scores, top-NSEL blocks ---
    nblk = Ss // LSEL
    sel_map = jax.nn.one_hot(starts // LSEL, nblk, dtype=p_cmp.dtype)
    imp = jnp.einsum('bghsn,nm->bgsm', p_cmp, sel_map)
    cur = t_idx // LSEL
    bonus = jax.nn.one_hot(cur, nblk) * 1e6 + jax.nn.one_hot(jnp.zeros_like(cur), nblk) * 1e6
    valid = (jnp.arange(nblk) * LSEL)[None, :] <= t_idx[:, None]
    imp = jnp.where(valid[None, None], imp + bonus[None, None], -jnp.inf)
    _, top_idx = jax.lax.top_k(imp, NSEL)
    tok = (top_idx[..., None] * LSEL + jnp.arange(LSEL)[None, None, None, None, :]).reshape(Bb, G, Ss, NSEL * LSEL)
    k_sel = jnp.take_along_axis(kT[:, :, None, :, :], tok[:, :, :, :, None], axis=3)
    v_sel = jnp.take_along_axis(vT[:, :, None, :, :], tok[:, :, :, :, None], axis=3)
    scs = jnp.einsum('bghsd,bgsjd->bghsj', qg, k_sel) * scale
    msel = tok <= t_idx[None, None, :, None]
    scs = jnp.where(msel[:, :, None], scs, -1e30)
    mmax = jnp.max(scs, axis=-1, keepdims=True)
    e = jnp.exp(scs - mmax) * msel[:, :, None]
    p_sel = e / jnp.maximum(e.sum(axis=-1, keepdims=True), 1e-9)
    o_sel = jnp.einsum('bghsj,bgsjd->bghsd', p_sel, v_sel)

    # --- sliding-window branch ---
    scw = jnp.einsum('bghsd,bgtd->bghst', qg, kT) * scale
    win = (t_idx[None, :] <= t_idx[:, None]) & (t_idx[:, None] - t_idx[None, :] < W)
    scw = jnp.where(win[None, None, None], scw, -1e30)
    p_w = jax.nn.softmax(scw, axis=-1)
    o_w = jnp.einsum('bghst,bgtd->bghsd', p_w, vT)

    def merge(o):
        return jnp.transpose(o, (0, 3, 1, 2, 4)).reshape(Bb, Ss, H, DV)

    gates = jax.nn.sigmoid(xn @ Wg).reshape(Bb, Ss, H, 3)
    out = gates[..., 0:1] * merge(o_cmp) + gates[..., 1:2] * merge(o_sel) + gates[..., 2:3] * merge(o_w)
    return out.reshape(Bb, Ss, H * DV) @ Wo


def reference(x_tok, embed, Wq, Wk, Wv, Wg, Wo, w1, w2, w3, lm_head, ln1, ln2):
    x = embed[x_tok]
    h = x + nsa_attention(rmsnorm(x, ln1), Wq, Wk, Wv, Wg, Wo)
    hn = rmsnorm(h, ln2)
    h = h + (jax.nn.silu(hn @ w1) * (hn @ w3)) @ w2
    return h @ lm_head

if __name__ == "__main__":
    import jax
    _d = setup_inputs()
    print(jax.jit(kernel)(*tuple(_d.values())))

</pallas_src>

<mosaic_0001>
#map = affine_map<(d0, d1) -> (0, 0)>
module attributes {stable_mosaic.version = 14 : i64} {
  func.func @gk(%arg0: i32, %arg1: i32, %arg2: memref<65536x256xf32, #tpu.memory_space<hbm>>, %arg3: memref<1x8192xi32, #tpu.memory_space<hbm>>, %arg4: memref<8192x256xf32, #tpu.memory_space<hbm>>) attributes {dimension_semantics = [#tpu.dimension_semantics<core_parallel>, #tpu.dimension_semantics<subcore_parallel>], iteration_bounds = array<i64: 2, 16>, scalar_prefetch = 0 : i64, scratch_operands = 0 : i64, tpu.core_type = #tpu.core_type<sc_vector_subcore>, window_params = [{transform_indices = #map}, {transform_indices = #map}, {transform_indices = #map}]} {
    %mul3A = arith.constant 1 : i32
    %mul3A_0 = arith.muli %arg1, %mul3A : i32
    %add3A = arith.constant 0 : i32
    %add3A_1 = arith.addi %add3A, %mul3A_0 : i32
    %mul3A_2 = arith.constant 16 : i32
    %mul3A_3 = arith.muli %arg0, %mul3A_2 : i32
    %add3A_4 = arith.addi %add3A_1, %mul3A_3 : i32
    %mul3A_5 = arith.constant 2 : i32
    %mul3A_6 = arith.muli %add3A_4, %mul3A_5 : i32
    "tpu.region"() ({
      %run_scoped3A = memref.alloca() : memref<2x1x128xi32, #tpu.memory_space<vmem>>
      %run_scoped3A_7 = tpu.sem_alloc : memref<2x!tpu.dma_semaphore, #tpu.memory_space<semaphore_mem>>
      %run_scoped3A_8 = memref.alloca() : memref<2x128x256xf32, #tpu.memory_space<vmem>>
      %run_scoped3A_9 = tpu.sem_alloc : memref<2x!tpu.dma_semaphore, #tpu.memory_space<semaphore_mem>>
      %add3A_10 = arith.constant 0 : i32
      %add3A_11 = arith.addi %add3A_10, %mul3A_6 : i32
      %select_n3A = arith.constant true
      %select_n3A_12 = arith.constant 0 : i32
      %select_n3A_13 = arith.constant -1 : i32
      %select_n3A_14 = arith.select %select_n3A, %select_n3A_13, %select_n3A_12 : i32
      %eq3A = arith.constant -1 : i32
      %eq3A_15 = arith.cmpi eq, %select_n3A_14, %eq3A : i32
      %select_n3A_16 = arith.constant 1 : i32
      %select_n3A_17 = arith.select %eq3A_15, %select_n3A_16, %select_n3A_14 : i32
      %add3A_18 = arith.addi %select_n3A_17, %mul3A_6 : i32
      %select_n3A_19 = arith.constant true
      %select_n3A_20 = arith.constant 0 : i32
      %select_n3A_21 = arith.constant 1 : i32
      %select_n3A_22 = arith.select %select_n3A_19, %select_n3A_21, %select_n3A_20 : i32
      %eq3A_23 = arith.constant 2 : i32
      %eq3A_24 = arith.cmpi eq, %select_n3A_22, %eq3A_23 : i32
      %select_n3A_25 = arith.constant 0 : i32
      %select_n3A_26 = arith.select %eq3A_24, %select_n3A_25, %select_n3A_22 : i32
      %add3A_27 = arith.addi %select_n3A_26, %mul3A_6 : i32
      %add3A_28 = arith.constant 1 : i32
      %add3A_29 = arith.addi %select_n3A_26, %add3A_28 : i32
      %select_n3A_30 = arith.constant true
      %select_n3A_31 = arith.select %select_n3A_30, %add3A_29, %select_n3A_26 : i32
      %eq3A_32 = arith.constant 2 : i32
      %eq3A_33 = arith.cmpi eq, %select_n3A_31, %eq3A_32 : i32
      %select_n3A_34 = arith.constant 0 : i32
      %select_n3A_35 = arith.select %eq3A_33, %select_n3A_34, %select_n3A_31 : i32
      %add3A_36 = arith.addi %select_n3A_35, %mul3A_6 : i32
      "tpu.trace_start"() <{level = 10 : i32, message = "ep_initialize_0"}> : () -> ()
      %rem3A = arith.constant 0 : i32
      %rem3A_37 = arith.constant 2 : i32
      %rem3A_38 = arith.remui %rem3A, %rem3A_37 : i32
      %mul3A_39 = arith.constant 128 : i32
      %mul3A_40 = arith.muli %mul3A_39, %add3A_11 : i32
      %dma_start3A = arith.constant 0 : i32
      %dma_start3A_41 = arith.constant 0 : i32
      %dma_start3A_42 = tpu.memref_slice %run_scoped3A[%rem3A_38, %dma_start3A, %dma_start3A_41] : memref<2x1x128xi32, #tpu.memory_space<vmem>> -> memref<1x1x128xi32, #tpu.memory_space<vmem>>
      %dma_start3A_43 = tpu.memref_squeeze %dma_start3A_42 : memref<1x1x128xi32, #tpu.memory_space<vmem>> -> memref<1x128xi32, #tpu.memory_space<vmem>>
      %dma_start3A_44 = arith.constant 0 : i32
      %dma_start3A_45 = tpu.memref_slice %arg3[%dma_start3A_44, %mul3A_40] : memref<1x8192xi32, #tpu.memory_space<hbm>> -> memref<1x128xi32, #tpu.memory_space<hbm>>
      %dma_start3A_46 = tpu.memref_slice %run_scoped3A_7[%rem3A_38] : memref<2x!tpu.dma_semaphore, #tpu.memory_space<semaphore_mem>> -> memref<1x!tpu.dma_semaphore, #tpu.memory_space<semaphore_mem>>
      %dma_start3A_47 = tpu.memref_squeeze %dma_start3A_46 : memref<1x!tpu.dma_semaphore, #tpu.memory_space<semaphore_mem>> -> memref<!tpu.dma_semaphore, #tpu.memory_space<semaphore_mem>>
      %dma_start3A_48 = arith.constant 0 : i32
      %dma_start3A_49 = arith.constant 0 : i32
      %dma_start3A_50 = tpu.memref_slice %run_scoped3A[%rem3A_38, %dma_start3A_48, %dma_start3A_49] : memref<2x1x128xi32, #tpu.memory_space<vmem>> -> memref<1x1x128xi32, #tpu.memory_space<vmem>>
      %dma_start3A_51 = tpu.memref_squeeze %dma_start3A_50 : memref<1x1x128xi32, #tpu.memory_space<vmem>> -> memref<1x128xi32, #tpu.memory_space<vmem>>
      %dma_start3A_52 = arith.constant 0 : i32
      %dma_start3A_53 = tpu.memref_slice %arg3[%dma_start3A_52, %mul3A_40] : memref<1x8192xi32, #tpu.memory_space<hbm>> -> memref<1x128xi32, #tpu.memory_space<hbm>>
      tpu.enqueue_dma source(%dma_start3A_53 : memref<1x128xi32, #tpu.memory_space<hbm>>) target(%dma_start3A_51 : memref<1x128xi32, #tpu.memory_space<vmem>>) target_semaphore(%dma_start3A_47 : memref<!tpu.dma_semaphore, #tpu.memory_space<semaphore_mem>>)
      %add3A_54 = arith.constant 0 : i32
      %add3A_55 = arith.constant 1 : i32
      %add3A_56 = arith.addi %add3A_54, %add3A_55 : i32
      %select_n3A_57 = arith.constant true
      %select_n3A_58 = arith.constant 0 : i32
      %select_n3A_59 = arith.select %select_n3A_57, %add3A_56, %select_n3A_58 : i32
      "tpu.trace_stop"() : () -> ()
      %scan3A = arith.constant 0 : i32
      %scan3A_60 = arith.constant 0 : i32
      %scan3A_61 = arith.constant 0 : i32
      %scan3A_62 = arith.constant 0 : i32
      %scan3A_63 = arith.constant 0 : i32
      %scan3A_64 = arith.constant 2 : i32
      %scan3A_65 = arith.addi %scan3A_63, %scan3A_64 : i32
      %scan3A_66 = arith.constant 1 : i32
      %scan3A_67:5 = scf.for %scan3A_121 = %scan3A_63 to %scan3A_65 step %scan3A_66 iter_args(%scan3A_122 = %select_n3A_59, %scan3A_123 = %scan3A, %scan3A_124 = %scan3A_60, %scan3A_125 = %scan3A_61, %scan3A_126 = %scan3A_62) -> (i32, i32, i32, i32, i32)  : i32 {
        %eq3A_127 = arith.constant 0 : i32
        %eq3A_128 = arith.cmpi eq, %scan3A_121, %eq3A_127 : i32
        %eq3A_129 = arith.constant 1 : i32
        %eq3A_130 = arith.cmpi eq, %scan3A_121, %eq3A_129 : i32
        %add3A_131 = arith.addi %scan3A_126, %mul3A_6 : i32
        %sub3A_132 = arith.constant 1 : i32
        %sub3A_133 = arith.subi %scan3A_126, %sub3A_132 : i32
        %select_n3A_134 = arith.constant true
        %select_n3A_135 = arith.select %select_n3A_134, %sub3A_133, %scan3A_126 : i32
        %eq3A_136 = arith.constant -1 : i32
        %eq3A_137 = arith.cmpi eq, %select_n3A_135, %eq3A_136 : i32
        %select_n3A_138 = arith.constant 1 : i32
        %select_n3A_139 = arith.select %eq3A_137, %select_n3A_138, %select_n3A_135 : i32
        %add3A_140 = arith.addi %select_n3A_139, %mul3A_6 : i32
        %add3A_141 = arith.constant 1 : i32
        %add3A_142 = arith.addi %scan3A_126, %add3A_141 : i32
        %select_n3A_143 = arith.constant true
        %select_n3A_144 = arith.select %select_n3A_143, %add3A_142, %scan3A_126 : i32
        %eq3A_145 = arith.constant 2 : i32
        %eq3A_146 = arith.cmpi eq, %select_n3A_144, %eq3A_145 : i32
        %select_n3A_147 = arith.constant 0 : i32
        %select_n3A_148 = arith.select %eq3A_146, %select_n3A_147, %select_n3A_144 : i32
        %add3A_149 = arith.addi %select_n3A_148, %mul3A_6 : i32
        %add3A_150 = arith.constant 1 : i32
        %add3A_151 = arith.addi %select_n3A_148, %add3A_150 : i32
        %select_n3A_152 = arith.constant true
        %select_n3A_153 = arith.select %select_n3A_152, %add3A_151, %select_n3A_148 : i32
        %eq3A_154 = arith.constant 2 : i32
        %eq3A_155 = arith.cmpi eq, %select_n3A_153, %eq3A_154 : i32
        %select_n3A_156 = arith.constant 0 : i32
        %select_n3A_157 = arith.select %eq3A_155, %select_n3A_156, %select_n3A_153 : i32
        %add3A_158 = arith.addi %select_n3A_157, %mul3A_6 : i32
        %ne3A = arith.cmpi ne, %add3A_131, %add3A_149 : i32
        %or3A = arith.constant false
        %or3A_159 = arith.ori %or3A, %ne3A : i1
        %ge3A = arith.constant 1 : i32
        %ge3A_160 = arith.cmpi sge, %scan3A_121, %ge3A : i32
        %not3A = arith.constant true
        %not3A_161 = arith.xori %ge3A_160, %not3A : i1
        %and3A = arith.andi %or3A_159, %not3A_161 : i1
        %convert_element_type3A = arith.extui %and3A : i1 to i32
        %cond3A = arith.constant 0 : i32
        %cond3A_162 = arith.cmpi ne, %convert_element_type3A, %cond3A : i32
        scf.if %cond3A_162 {
          "tpu.trace_start"() <{level = 10 : i32, message = "ep_copy_in"}> : () -> ()
          %rem3A_264 = arith.constant 2 : i32
          %rem3A_265 = arith.remui %scan3A_122, %rem3A_264 : i32
          %mul3A_266 = arith.constant 128 : i32
          %mul3A_267 = arith.muli %mul3A_266, %add3A_149 : i32
          %dma_start3A_268 = arith.constant 0 : i32
          %dma_start3A_269 = arith.constant 0 : i32
          %dma_start3A_270 = tpu.memref_slice %run_scoped3A[%rem3A_265, %dma_start3A_268, %dma_start3A_269] : memref<2x1x128xi32, #tpu.memory_space<vmem>> -> memref<1x1x128xi32, #tpu.memory_space<vmem>>
          %dma_start3A_271 = tpu.memref_squeeze %dma_start3A_270 : memref<1x1x128xi32, #tpu.memory_space<vmem>> -> memref<1x128xi32, #tpu.memory_space<vmem>>
          %dma_start3A_272 = arith.constant 0 : i32
          %dma_start3A_273 = tpu.memref_slice %arg3[%dma_start3A_272, %mul3A_267] : memref<1x8192xi32, #tpu.memory_space<hbm>> -> memref<1x128xi32, #tpu.memory_space<hbm>>
          %dma_start3A_274 = tpu.memref_slice %run_scoped3A_7[%rem3A_265] : memref<2x!tpu.dma_semaphore, #tpu.memory_space<semaphore_mem>> -> memref<1x!tpu.dma_semaphore, #tpu.memory_space<semaphore_mem>>
          %dma_start3A_275 = tpu.memref_squeeze %dma_start3A_274 : memref<1x!tpu.dma_semaphore, #tpu.memory_space<semaphore_mem>> -> memref<!tpu.dma_semaphore, #tpu.memory_space<semaphore_mem>>
          %dma_start3A_276 = arith.constant 0 : i32
          %dma_start3A_277 = arith.constant 0 : i32
          %dma_start3A_278 = tpu.memref_slice %run_scoped3A[%rem3A_265, %dma_start3A_276, %dma_start3A_277] : memref<2x1x128xi32, #tpu.memory_space<vmem>> -> memref<1x1x128xi32, #tpu.memory_space<vmem>>
          %dma_start3A_279 = tpu.memref_squeeze %dma_start3A_278 : memref<1x1x128xi32, #tpu.memory_space<vmem>> -> memref<1x128xi32, #tpu.memory_space<vmem>>
          %dma_start3A_280 = arith.constant 0 : i32
          %dma_start3A_281 = tpu.memref_slice %arg3[%dma_start3A_280, %mul3A_267] : memref<1x8192xi32, #tpu.memory_space<hbm>> -> memref<1x128xi32, #tpu.memory_space<hbm>>
          tpu.enqueue_dma source(%dma_start3A_281 : memref<1x128xi32, #tpu.memory_space<hbm>>) target(%dma_start3A_279 : memref<1x128xi32, #tpu.memory_space<vmem>>) target_semaphore(%dma_start3A_275 : memref<!tpu.dma_semaphore, #tpu.memory_space<semaphore_mem>>)
          "tpu.trace_stop"() : () -> ()
        } else {
        }
        %and3A_163 = arith.constant true
        %and3A_164 = arith.andi %and3A, %and3A_163 : i1
        %add3A_165 = arith.constant 1 : i32
        %add3A_166 = arith.addi %scan3A_122, %add3A_165 : i32
        %select_n3A_167 = arith.select %and3A_164, %add3A_166, %scan3A_122 : i32
        %ne3A_168 = arith.cmpi ne, %add3A_131, %add3A_149 : i32
        %or3A_169 = arith.constant false
        %or3A_170 = arith.ori %or3A_169, %ne3A_168 : i1
        %or3A_171 = arith.constant false
        %or3A_172 = arith.ori %or3A_170, %or3A_171 : i1
        %ge3A_173 = arith.constant 1 : i32
        %ge3A_174 = arith.cmpi sge, %scan3A_121, %ge3A_173 : i32
        %not3A_175 = arith.constant true
        %not3A_176 = arith.xori %ge3A_174, %not3A_175 : i1
        %and3A_177 = arith.andi %or3A_172, %not3A_176 : i1
        %ne3A_178 = arith.cmpi ne, %add3A_131, %add3A_140 : i32
        %or3A_179 = arith.constant false
        %or3A_180 = arith.ori %or3A_179, %ne3A_178 : i1
        %or3A_181 = arith.ori %or3A_180, %eq3A_128 : i1
        %convert_element_type3A_182 = arith.extui %or3A_181 : i1 to i32
        %cond3A_183 = arith.constant 0 : i32
        %cond3A_184 = arith.cmpi ne, %convert_element_type3A_182, %cond3A_183 : i32
        scf.if %cond3A_184 {
          "tpu.trace_start"() <{level = 10 : i32, message = "ep_wait_in"}> : () -> ()
          %mul3A_264 = arith.constant 128 : i32
          %mul3A_265 = arith.muli %mul3A_264, %add3A_131 : i32
          %rem3A_266 = arith.constant 2 : i32
          %rem3A_267 = arith.remui %scan3A_123, %rem3A_266 : i32
          %dma_wait3A_268 = arith.constant 0 : i32
          %dma_wait3A_269 = arith.constant 0 : i32
          %dma_wait3A_270 = tpu.memref_slice %run_scoped3A[%rem3A_267, %dma_wait3A_268, %dma_wait3A_269] : memref<2x1x128xi32, #tpu.memory_space<vmem>> -> memref<1x1x128xi32, #tpu.memory_space<vmem>>
          %dma_wait3A_271 = tpu.memref_squeeze %dma_wait3A_270 : memref<1x1x128xi32, #tpu.memory_space<vmem>> -> memref<1x128xi32, #tpu.memory_space<vmem>>
          %dma_wait3A_272 = arith.constant 0 : i32
          %dma_wait3A_273 = tpu.memref_slice %arg3[%dma_wait3A_272, %mul3A_265] : memref<1x8192xi32, #tpu.memory_space<hbm>> -> memref<1x128xi32, #tpu.memory_space<hbm>>
          %dma_wait3A_274 = tpu.memref_slice %run_scoped3A_7[%rem3A_267] : memref<2x!tpu.dma_semaphore, #tpu.memory_space<semaphore_mem>> -> memref<1x!tpu.dma_semaphore, #tpu.memory_space<semaphore_mem>>
          %dma_wait3A_275 = tpu.memref_squeeze %dma_wait3A_274 : memref<1x!tpu.dma_semaphore, #tpu.memory_space<semaphore_mem>> -> memref<!tpu.dma_semaphore, #tpu.memory_space<semaphore_mem>>
          %dma_wait3A_276 = arith.constant 0 : i32
          %dma_wait3A_277 = arith.constant 0 : i32
          %dma_wait3A_278 = tpu.memref_slice %run_scoped3A[%rem3A_267, %dma_wait3A_276, %dma_wait3A_277] : memref<2x1x128xi32, #tpu.memory_space<vmem>> -> memref<1x1x128xi32, #tpu.memory_space<vmem>>
          %dma_wait3A_279 = tpu.memref_squeeze %dma_wait3A_278 : memref<1x1x128xi32, #tpu.memory_space<vmem>> -> memref<1x128xi32, #tpu.memory_space<vmem>>
          %dma_wait3A_280 = arith.constant 0 : i32
          %dma_wait3A_281 = tpu.memref_slice %arg3[%dma_wait3A_280, %mul3A_265] : memref<1x8192xi32, #tpu.memory_space<hbm>> -> memref<1x128xi32, #tpu.memory_space<hbm>>
          tpu.wait_dma2 semaphore(%dma_wait3A_275 : memref<!tpu.dma_semaphore, #tpu.memory_space<semaphore_mem>>) src(%dma_wait3A_281 : memref<1x128xi32, #tpu.memory_space<hbm>>) dst(%dma_wait3A_279 : memref<1x128xi32, #tpu.memory_space<vmem>>)
          "tpu.trace_stop"() : () -> ()
        } else {
        }
        %ne3A_185 = arith.cmpi ne, %add3A_131, %add3A_140 : i32
        %or3A_186 = arith.constant false
        %or3A_187 = arith.ori %or3A_186, %ne3A_185 : i1
        %or3A_188 = arith.constant false
        %or3A_189 = arith.ori %or3A_187, %or3A_188 : i1
        %or3A_190 = arith.ori %or3A_189, %eq3A_128 : i1
        %convert_element_type3A_191 = arith.extui %or3A_190 : i1 to i32
        %cond3A_192 = arith.constant 0 : i32
        %cond3A_193 = arith.cmpi ne, %convert_element_type3A_191, %cond3A_192 : i32
        scf.if %cond3A_193 {
        } else {
        }
        %rem3A_194 = arith.constant 2 : i32
        %rem3A_195 = arith.remui %scan3A_123, %rem3A_194 : i32
        %rem3A_196 = arith.constant 2 : i32
        %rem3A_197 = arith.remui %scan3A_124, %rem3A_196 : i32
        %run_scoped3A_198 = arith.constant 0 : i32
        "tpu.trace_start"() <{level = 10 : i32, message = "ep_run_kernel"}> : () -> ()
        "tpu.region"() ({
          %run_scoped3A_264 = tpu.sem_alloc : memref<!tpu.dma_semaphore, #tpu.memory_space<semaphore_mem>>
          %dma_start3A_265 = arith.constant 0 : i32
          %dma_start3A_266 = arith.constant 0 : i32
          %dma_start3A_267 = tpu.memref_slice %run_scoped3A_8[%rem3A_197, %dma_start3A_265, %dma_start3A_266] : memref<2x128x256xf32, #tpu.memory_space<vmem>> -> memref<1x128x256xf32, #tpu.memory_space<vmem>>
          %dma_start3A_268 = tpu.memref_squeeze %dma_start3A_267 : memref<1x128x256xf32, #tpu.memory_space<vmem>> -> memref<128x256xf32, #tpu.memory_space<vmem>>
          %dma_start3A_269 = arith.constant 0 : i32
          %dma_start3A_270 = arith.constant 0 : i32
          %dma_start3A_271 = tpu.memref_slice %run_scoped3A[%rem3A_195, %dma_start3A_269, %dma_start3A_270] : memref<2x1x128xi32, #tpu.memory_space<vmem>> -> memref<1x1x128xi32, #tpu.memory_space<vmem>>
          %dma_start3A_272 = tpu.memref_squeeze %dma_start3A_271 : memref<1x1x128xi32, #tpu.memory_space<vmem>> -> memref<1x128xi32, #tpu.memory_space<vmem>>
          %dma_start3A_273 = arith.constant 0 : i32
          %dma_start3A_274 = tpu.memref_slice %dma_start3A_272[%run_scoped3A_198, %dma_start3A_273] : memref<1x128xi32, #tpu.memory_space<vmem>> -> memref<1x128xi32, #tpu.memory_space<vmem>>
          %dma_start3A_275 = tpu.memref_squeeze %dma_start3A_274 : memref<1x128xi32, #tpu.memory_space<vmem>> -> memref<128xi32, #tpu.memory_space<vmem>>
          %dma_start3A_276 = arith.constant 0 : i32
          %dma_start3A_277 = arith.constant 0 : i32
          %dma_start3A_278 = tpu.memref_slice %arg2[%dma_start3A_276, %dma_start3A_277] : memref<65536x256xf32, #tpu.memory_space<hbm>> -> memref<65536x256xf32, #tpu.memory_space<hbm>>
          tpu.enqueue_indirect_dma source(%dma_start3A_278 : memref<65536x256xf32, #tpu.memory_space<hbm>>) target(%dma_start3A_268 : memref<128x256xf32, #tpu.memory_space<vmem>>) offsets(%dma_start3A_275 : memref<128xi32, #tpu.memory_space<vmem>>) semaphore(%run_scoped3A_264 : memref<!tpu.dma_semaphore, #tpu.memory_space<semaphore_mem>>)
          %dma_wait3A_279 = arith.constant 0 : i32
          %dma_wait3A_280 = arith.constant 0 : i32
          %dma_wait3A_281 = tpu.memref_slice %run_scoped3A_8[%rem3A_197, %dma_wait3A_279, %dma_wait3A_280] : memref<2x128x256xf32, #tpu.memory_space<vmem>> -> memref<1x128x256xf32, #tpu.memory_space<vmem>>
          %dma_wait3A_282 = tpu.memref_squeeze %dma_wait3A_281 : memref<1x128x256xf32, #tpu.memory_space<vmem>> -> memref<128x256xf32, #tpu.memory_space<vmem>>
          %dma_wait3A_283 = arith.constant 0 : i32
          %dma_wait3A_284 = arith.constant 0 : i32
          %dma_wait3A_285 = tpu.memref_slice %run_scoped3A[%rem3A_195, %dma_wait3A_283, %dma_wait3A_284] : memref<2x1x128xi32, #tpu.memory_space<vmem>> -> memref<1x1x128xi32, #tpu.memory_space<vmem>>
          %dma_wait3A_286 = tpu.memref_squeeze %dma_wait3A_285 : memref<1x1x128xi32, #tpu.memory_space<vmem>> -> memref<1x128xi32, #tpu.memory_space<vmem>>
          %dma_wait3A_287 = arith.constant 0 : i32
          %dma_wait3A_288 = tpu.memref_slice %dma_wait3A_286[%run_scoped3A_198, %dma_wait3A_287] : memref<1x128xi32, #tpu.memory_space<vmem>> -> memref<1x128xi32, #tpu.memory_space<vmem>>
          %dma_wait3A_289 = tpu.memref_squeeze %dma_wait3A_288 : memref<1x128xi32, #tpu.memory_space<vmem>> -> memref<128xi32, #tpu.memory_space<vmem>>
          %dma_wait3A_290 = arith.constant 0 : i32
          %dma_wait3A_291 = arith.constant 0 : i32
          %dma_wait3A_292 = tpu.memref_slice %arg2[%dma_wait3A_290, %dma_wait3A_291] : memref<65536x256xf32, #tpu.memory_space<hbm>> -> memref<65536x256xf32, #tpu.memory_space<hbm>>
          tpu.wait_indirect_dma semaphore(%run_scoped3A_264 : memref<!tpu.dma_semaphore, #tpu.memory_space<semaphore_mem>>) src(%dma_wait3A_292 : memref<65536x256xf32, #tpu.memory_space<hbm>>) dst(%dma_wait3A_282 : memref<128x256xf32, #tpu.memory_space<vmem>>)
          tpu.yield
        }) : () -> ()
        "tpu.trace_stop"() : () -> ()
        %ne3A_199 = arith.cmpi ne, %add3A_131, %add3A_149 : i32
        %or3A_200 = arith.constant false
        %or3A_201 = arith.ori %or3A_200, %ne3A_199 : i1
        %or3A_202 = arith.ori %or3A_201, %eq3A_130 : i1
        %convert_element_type3A_203 = arith.extui %or3A_202 : i1 to i32
        %cond3A_204 = arith.constant 0 : i32
        %cond3A_205 = arith.cmpi ne, %convert_element_type3A_203, %cond3A_204 : i32
        scf.if %cond3A_205 {
        } else {
        }
        %and3A_206 = arith.constant false
        %and3A_207 = arith.andi %or3A_202, %and3A_206 : i1
        %ne3A_208 = arith.cmpi ne, %add3A_131, %add3A_149 : i32
        %or3A_209 = arith.constant false
        %or3A_210 = arith.ori %or3A_209, %ne3A_208 : i1
        %or3A_211 = arith.constant false
        %or3A_212 = arith.ori %or3A_210, %or3A_211 : i1
        %or3A_213 = arith.ori %or3A_212, %eq3A_130 : i1
        %convert_element_type3A_214 = arith.extui %or3A_213 : i1 to i32
        %cond3A_215 = arith.constant 0 : i32
        %cond3A_216 = arith.cmpi ne, %convert_element_type3A_214, %cond3A_215 : i32
        scf.if %cond3A_216 {
          "tpu.trace_start"() <{level = 10 : i32, message = "ep_copy_out"}> : () -> ()
          %rem3A_264 = arith.constant 2 : i32
          %rem3A_265 = arith.remui %scan3A_124, %rem3A_264 : i32
          %mul3A_266 = arith.constant 128 : i32
          %mul3A_267 = arith.muli %mul3A_266, %add3A_131 : i32
          %dma_start3A_268 = arith.constant 0 : i32
          %dma_start3A_269 = arith.constant 0 : i32
          %dma_start3A_270 = tpu.memref_slice %run_scoped3A_8[%rem3A_265, %dma_start3A_268, %dma_start3A_269] : memref<2x128x256xf32, #tpu.memory_space<vmem>> -> memref<1x128x256xf32, #tpu.memory_space<vmem>>
          %dma_start3A_271 = tpu.memref_squeeze %dma_start3A_270 : memref<1x128x256xf32, #tpu.memory_space<vmem>> -> memref<128x256xf32, #tpu.memory_space<vmem>>
          %dma_start3A_272 = arith.constant 0 : i32
          %dma_start3A_273 = tpu.memref_slice %arg4[%mul3A_267, %dma_start3A_272] : memref<8192x256xf32, #tpu.memory_space<hbm>> -> memref<128x256xf32, #tpu.memory_space<hbm>>
          %dma_start3A_274 = tpu.memref_slice %run_scoped3A_9[%rem3A_265] : memref<2x!tpu.dma_semaphore, #tpu.memory_space<semaphore_mem>> -> memref<1x!tpu.dma_semaphore, #tpu.memory_space<semaphore_mem>>
          %dma_start3A_275 = tpu.memref_squeeze %dma_start3A_274 : memref<1x!tpu.dma_semaphore, #tpu.memory_space<semaphore_mem>> -> memref<!tpu.dma_semaphore, #tpu.memory_space<semaphore_mem>>
          %dma_start3A_276 = arith.constant 0 : i32
          %dma_start3A_277 = tpu.memref_slice %arg4[%mul3A_267, %dma_start3A_276] : memref<8192x256xf32, #tpu.memory_space<hbm>> -> memref<128x256xf32, #tpu.memory_space<hbm>>
          %dma_start3A_278 = arith.constant 0 : i32
          %dma_start3A_279 = arith.constant 0 : i32
          %dma_start3A_280 = tpu.memref_slice %run_scoped3A_8[%rem3A_265, %dma_start3A_278, %dma_start3A_279] : memref<2x128x256xf32, #tpu.memory_space<vmem>> -> memref<1x128x256xf32, #tpu.memory_space<vmem>>
          %dma_start3A_281 = tpu.memref_squeeze %dma_start3A_280 : memref<1x128x256xf32, #tpu.memory_space<vmem>> -> memref<128x256xf32, #tpu.memory_space<vmem>>
          tpu.enqueue_dma source(%dma_start3A_281 : memref<128x256xf32, #tpu.memory_space<vmem>>) target(%dma_start3A_277 : memref<128x256xf32, #tpu.memory_space<hbm>>) target_semaphore(%dma_start3A_275 : memref<!tpu.dma_semaphore, #tpu.memory_space<semaphore_mem>>)
          "tpu.trace_stop"() : () -> ()
        } else {
        }
        %and3A_217 = arith.constant true
        %and3A_218 = arith.andi %or3A_213, %and3A_217 : i1
        %add3A_219 = arith.constant 1 : i32
        %add3A_220 = arith.addi %scan3A_124, %add3A_219 : i32
        %select_n3A_221 = arith.select %and3A_218, %add3A_220, %scan3A_124 : i32
        %ne3A_222 = arith.cmpi ne, %add3A_131, %add3A_140 : i32
        %or3A_223 = arith.constant false
        %or3A_224 = arith.ori %or3A_223, %ne3A_222 : i1
        %not3A_225 = arith.constant true
        %not3A_226 = arith.xori %eq3A_128, %not3A_225 : i1
        %and3A_227 = arith.andi %or3A_224, %not3A_226 : i1
        %convert_element_type3A_228 = arith.extui %and3A_227 : i1 to i32
        %cond3A_229 = arith.constant 0 : i32
        %cond3A_230 = arith.cmpi ne, %convert_element_type3A_228, %cond3A_229 : i32
        scf.if %cond3A_230 {
        } else {
        }
        %and3A_231 = arith.constant false
        %and3A_232 = arith.andi %and3A_227, %and3A_231 : i1
        %ne3A_233 = arith.cmpi ne, %add3A_131, %add3A_140 : i32
        %or3A_234 = arith.constant false
        %or3A_235 = arith.ori %or3A_234, %ne3A_233 : i1
        %or3A_236 = arith.constant false
        %or3A_237 = arith.ori %or3A_235, %or3A_236 : i1
        %not3A_238 = arith.constant true
        %not3A_239 = arith.xori %eq3A_128, %not3A_238 : i1
        %and3A_240 = arith.andi %or3A_237, %not3A_239 : i1
        %convert_element_type3A_241 = arith.extui %and3A_240 : i1 to i32
        %cond3A_242 = arith.constant 0 : i32
        %cond3A_243 = arith.cmpi ne, %convert_element_type3A_241, %cond3A_242 : i32
        scf.if %cond3A_243 {
          "tpu.trace_start"() <{level = 10 : i32, message = "ep_wait_out"}> : () -> ()
          %rem3A_264 = arith.constant 2 : i32
          %rem3A_265 = arith.remui %scan3A_125, %rem3A_264 : i32
          %mul3A_266 = arith.constant 128 : i32
          %mul3A_267 = arith.muli %mul3A_266, %add3A_140 : i32
          %dma_wait3A_268 = arith.constant 0 : i32
          %dma_wait3A_269 = arith.constant 0 : i32
          %dma_wait3A_270 = tpu.memref_slice %run_scoped3A_8[%rem3A_265, %dma_wait3A_268, %dma_wait3A_269] : memref<2x128x256xf32, #tpu.memory_space<vmem>> -> memref<1x128x256xf32, #tpu.memory_space<vmem>>
          %dma_wait3A_271 = tpu.memref_squeeze %dma_wait3A_270 : memref<1x128x256xf32, #tpu.memory_space<vmem>> -> memref<128x256xf32, #tpu.memory_space<vmem>>
          %dma_wait3A_272 = arith.constant 0 : i32
          %dma_wait3A_273 = tpu.memref_slice %arg4[%mul3A_267, %dma_wait3A_272] : memref<8192x256xf32, #tpu.memory_space<hbm>> -> memref<128x256xf32, #tpu.memory_space<hbm>>
          %dma_wait3A_274 = tpu.memref_slice %run_scoped3A_9[%rem3A_265] : memref<2x!tpu.dma_semaphore, #tpu.memory_space<semaphore_mem>> -> memref<1x!tpu.dma_semaphore, #tpu.memory_space<semaphore_mem>>
          %dma_wait3A_275 = tpu.memref_squeeze %dma_wait3A_274 : memref<1x!tpu.dma_semaphore, #tpu.memory_space<semaphore_mem>> -> memref<!tpu.dma_semaphore, #tpu.memory_space<semaphore_mem>>
          %dma_wait3A_276 = arith.constant 0 : i32
          %dma_wait3A_277 = tpu.memref_slice %arg4[%mul3A_267, %dma_wait3A_276] : memref<8192x256xf32, #tpu.memory_space<hbm>> -> memref<128x256xf32, #tpu.memory_space<hbm>>
          %dma_wait3A_278 = arith.constant 0 : i32
          %dma_wait3A_279 = arith.constant 0 : i32
          %dma_wait3A_280 = tpu.memref_slice %run_scoped3A_8[%rem3A_265, %dma_wait3A_278, %dma_wait3A_279] : memref<2x128x256xf32, #tpu.memory_space<vmem>> -> memref<1x128x256xf32, #tpu.memory_space<vmem>>
          %dma_wait3A_281 = tpu.memref_squeeze %dma_wait3A_280 : memref<1x128x256xf32, #tpu.memory_space<vmem>> -> memref<128x256xf32, #tpu.memory_space<vmem>>
          tpu.wait_dma2 semaphore(%dma_wait3A_275 : memref<!tpu.dma_semaphore, #tpu.memory_space<semaphore_mem>>) src(%dma_wait3A_281 : memref<128x256xf32, #tpu.memory_space<vmem>>) dst(%dma_wait3A_277 : memref<128x256xf32, #tpu.memory_space<hbm>>)
          "tpu.trace_stop"() : () -> ()
        } else {
        }
        %and3A_244 = arith.constant true
        %and3A_245 = arith.andi %and3A_240, %and3A_244 : i1
        %add3A_246 = arith.constant 1 : i32
        %add3A_247 = arith.addi %scan3A_125, %add3A_246 : i32
        %select_n3A_248 = arith.select %and3A_245, %add3A_247, %scan3A_125 : i32
        %ne3A_249 = arith.cmpi ne, %add3A_131, %add3A_149 : i32
        %or3A_250 = arith.constant false
        %or3A_251 = arith.ori %or3A_250, %ne3A_249 : i1
        %or3A_252 = arith.ori %or3A_251, %eq3A_130 : i1
        %add3A_253 = arith.constant 1 : i32
        %add3A_254 = arith.addi %scan3A_123, %add3A_253 : i32
        %select_n3A_255 = arith.select %or3A_252, %add3A_254, %scan3A_123 : i32
        %add3A_256 = arith.constant 1 : i32
        %add3A_257 = arith.addi %scan3A_126, %add3A_256 : i32
        %select_n3A_258 = arith.constant true
        %select_n3A_259 = arith.select %select_n3A_258, %add3A_257, %scan3A_126 : i32
        %eq3A_260 = arith.constant 2 : i32
        %eq3A_261 = arith.cmpi eq, %select_n3A_259, %eq3A_260 : i32
        %select_n3A_262 = arith.constant 0 : i32
        %select_n3A_263 = arith.select %eq3A_261, %select_n3A_262, %select_n3A_259 : i32
        scf.yield %select_n3A_167, %select_n3A_255, %select_n3A_221, %select_n3A_248, %select_n3A_263 : i32, i32, i32, i32, i32
      }
      %scan3A_68 = arith.constant 2 : i32
      %sub3A = arith.constant 1 : i32
      %sub3A_69 = arith.subi %scan3A_67#4, %sub3A : i32
      %select_n3A_70 = arith.constant true
      %select_n3A_71 = arith.select %select_n3A_70, %sub3A_69, %scan3A_67#4 : i32
      %eq3A_72 = arith.constant -1 : i32
      %eq3A_73 = arith.cmpi eq, %select_n3A_71, %eq3A_72 : i32
      %select_n3A_74 = arith.constant 1 : i32
      %select_n3A_75 = arith.select %eq3A_73, %select_n3A_74, %select_n3A_71 : i32
      %add3A_76 = arith.addi %select_n3A_75, %mul3A_6 : i32
      %sub3A_77 = arith.constant 1 : i32
      %sub3A_78 = arith.subi %select_n3A_75, %sub3A_77 : i32
      %select_n3A_79 = arith.constant true
      %select_n3A_80 = arith.select %select_n3A_79, %sub3A_78, %select_n3A_75 : i32
      %eq3A_81 = arith.constant -1 : i32
      %eq3A_82 = arith.cmpi eq, %select_n3A_80, %eq3A_81 : i32
      %select_n3A_83 = arith.constant 1 : i32
      %select_n3A_84 = arith.select %eq3A_82, %select_n3A_83, %select_n3A_80 : i32
      %add3A_85 = arith.addi %select_n3A_84, %mul3A_6 : i32
      %add3A_86 = arith.constant 1 : i32
      %add3A_87 = arith.addi %select_n3A_75, %add3A_86 : i32
      %select_n3A_88 = arith.constant true
      %select_n3A_89 = arith.select %select_n3A_88, %add3A_87, %select_n3A_75 : i32
      %eq3A_90 = arith.constant 2 : i32
      %eq3A_91 = arith.cmpi eq, %select_n3A_89, %eq3A_90 : i32
      %select_n3A_92 = arith.constant 0 : i32
      %select_n3A_93 = arith.select %eq3A_91, %select_n3A_92, %select_n3A_89 : i32
      %add3A_94 = arith.addi %select_n3A_93, %mul3A_6 : i32
      %add3A_95 = arith.constant 1 : i32
      %add3A_96 = arith.addi %select_n3A_93, %add3A_95 : i32
      %select_n3A_97 = arith.constant true
      %select_n3A_98 = arith.select %select_n3A_97, %add3A_96, %select_n3A_93 : i32
      %eq3A_99 = arith.constant 2 : i32
      %eq3A_100 = arith.cmpi eq, %select_n3A_98, %eq3A_99 : i32
      %select_n3A_101 = arith.constant 0 : i32
      %select_n3A_102 = arith.select %eq3A_100, %select_n3A_101, %select_n3A_98 : i32
      %add3A_103 = arith.addi %select_n3A_102, %mul3A_6 : i32
      "tpu.trace_start"() <{level = 10 : i32, message = "ep_finalize"}> : () -> ()
      %rem3A_104 = arith.constant 2 : i32
      %rem3A_105 = arith.remui %scan3A_67#3, %rem3A_104 : i32
      %mul3A_106 = arith.constant 128 : i32
      %mul3A_107 = arith.muli %mul3A_106, %add3A_76 : i32
      %dma_wait3A = arith.constant 0 : i32
      %dma_wait3A_108 = arith.constant 0 : i32
      %dma_wait3A_109 = tpu.memref_slice %run_scoped3A_8[%rem3A_105, %dma_wait3A, %dma_wait3A_108] : memref<2x128x256xf32, #tpu.memory_space<vmem>> -> memref<1x128x256xf32, #tpu.memory_space<vmem>>
      %dma_wait3A_110 = tpu.memref_squeeze %dma_wait3A_109 : memref<1x128x256xf32, #tpu.memory_space<vmem>> -> memref<128x256xf32, #tpu.memory_space<vmem>>
      %dma_wait3A_111 = arith.constant 0 : i32
      %dma_wait3A_112 = tpu.memref_slice %arg4[%mul3A_107, %dma_wait3A_111] : memref<8192x256xf32, #tpu.memory_space<hbm>> -> memref<128x256xf32, #tpu.memory_space<hbm>>
      %dma_wait3A_113 = tpu.memref_slice %run_scoped3A_9[%rem3A_105] : memref<2x!tpu.dma_semaphore, #tpu.memory_space<semaphore_mem>> -> memref<1x!tpu.dma_semaphore, #tpu.memory_space<semaphore_mem>>
      %dma_wait3A_114 = tpu.memref_squeeze %dma_wait3A_113 : memref<1x!tpu.dma_semaphore, #tpu.memory_space<semaphore_mem>> -> memref<!tpu.dma_semaphore, #tpu.memory_space<semaphore_mem>>
      %dma_wait3A_115 = arith.constant 0 : i32
      %dma_wait3A_116 = tpu.memref_slice %arg4[%mul3A_107, %dma_wait3A_115] : memref<8192x256xf32, #tpu.memory_space<hbm>> -> memref<128x256xf32, #tpu.memory_space<hbm>>
      %dma_wait3A_117 = arith.constant 0 : i32
      %dma_wait3A_118 = arith.constant 0 : i32
      %dma_wait3A_119 = tpu.memref_slice %run_scoped3A_8[%rem3A_105, %dma_wait3A_117, %dma_wait3A_118] : memref<2x128x256xf32, #tpu.memory_space<vmem>> -> memref<1x128x256xf32, #tpu.memory_space<vmem>>
      %dma_wait3A_120 = tpu.memref_squeeze %dma_wait3A_119 : memref<1x128x256xf32, #tpu.memory_space<vmem>> -> memref<128x256xf32, #tpu.memory_space<vmem>>
      tpu.wait_dma2 semaphore(%dma_wait3A_114 : memref<!tpu.dma_semaphore, #tpu.memory_space<semaphore_mem>>) src(%dma_wait3A_120 : memref<128x256xf32, #tpu.memory_space<vmem>>) dst(%dma_wait3A_116 : memref<128x256xf32, #tpu.memory_space<hbm>>)
      "tpu.trace_stop"() : () -> ()
      tpu.yield
    }) : () -> ()
    return
  }
}

module attributes {stable_mosaic.version = 14 : i64} {
  func.func @_proj_body(%arg0: i32, %arg1: memref<256x1024xf32, #tpu.memory_space<vmem>>, %arg2: memref<1x1024xf32, #tpu.memory_space<vmem>>, %arg3: memref<1024x1024xf32, #tpu.memory_space<vmem>>, %arg4: memref<1024x256xf32, #tpu.memory_space<vmem>>, %arg5: memref<1024x256xf32, #tpu.memory_space<vmem>>, %arg6: memref<1024x48xf32, #tpu.memory_space<vmem>>, %arg7: memref<256x32xf32, #tpu.memory_space<vmem>>, %arg8: memref<256x32xf32, #tpu.memory_space<vmem>>, %arg9: memref<256x1024xf32, #tpu.memory_space<vmem>>, %arg10: memref<256x256xf32, #tpu.memory_space<vmem>>, %arg11: memref<256x256xf32, #tpu.memory_space<vmem>>, %arg12: memref<256x48xf32, #tpu.memory_space<vmem>>) attributes {dimension_semantics = [#tpu.dimension_semantics<arbitrary>], iteration_bounds = array<i64: 8>, scalar_prefetch = 0 : i64, scratch_operands = 0 : i64, tpu.core_type = #tpu.core_type<tc>, window_params = [{transform_indices = @transform_0, window_bounds = array<i64: 256, 1024>}, {pipeline_mode = #tpu.pipeline_mode<synchronous>, transform_indices = @transform_1, window_bounds = array<i64: 1, 1024>}, {pipeline_mode = #tpu.pipeline_mode<synchronous>, transform_indices = @transform_2, window_bounds = array<i64: 1024, 1024>}, {pipeline_mode = #tpu.pipeline_mode<synchronous>, transform_indices = @transform_3, window_bounds = array<i64: 1024, 256>}, {pipeline_mode = #tpu.pipeline_mode<synchronous>, transform_indices = @transform_4, window_bounds = array<i64: 1024, 256>}, {pipeline_mode = #tpu.pipeline_mode<synchronous>, transform_indices = @transform_5, window_bounds = array<i64: 1024, 48>}, {transform_indices = @transform_6, window_bounds = array<i64: 256, 32>}, {transform_indices = @transform_7, window_bounds = array<i64: 256, 32>}, {transform_indices = @transform_8, window_bounds = array<i64: 256, 1024>}, {transform_indices = @transform_9, window_bounds = array<i64: 256, 256>}, {transform_indices = @transform_10, window_bounds = array<i64: 256, 256>}, {transform_indices = @transform_11, window_bounds = array<i64: 256, 48>}]} {
    %get3A = arith.constant 0 : index
    %get3A_0 = arith.constant 0 : index
    %get3A_1 = vector.load %arg1[%get3A, %get3A_0] : memref<256x1024xf32, #tpu.memory_space<vmem>>, vector<256x1024xf32>
    %mul3A = arith.mulf %get3A_1, %get3A_1 : vector<256x1024xf32>
    %reduce_sum3A = arith.constant dense<0.000000e+00> : vector<256xf32>
    %reduce_sum3A_2 = vector.multi_reduction <add>, %mul3A, %reduce_sum3A [1] : vector<256x1024xf32> to vector<256xf32>
    %broadcast_in_dim3A = vector.shape_cast %reduce_sum3A_2 : vector<256xf32> to vector<256x1xf32>
    %div3A = arith.constant 1.024000e+03 : f32
    %div3A_3 = vector.broadcast %div3A : f32 to vector<256x1xf32>
    %div3A_4 = arith.divf %broadcast_in_dim3A, %div3A_3 : vector<256x1xf32>
    %add3A = arith.constant 9.99999997E-7 : f32
    %add3A_5 = vector.broadcast %add3A : f32 to vector<256x1xf32>
    %add3A_6 = arith.addf %div3A_4, %add3A_5 : vector<256x1xf32>
    %rsqrt3A = math.rsqrt %add3A_6 : vector<256x1xf32>
    %mul3A_7 = vector.broadcast %rsqrt3A : vector<256x1xf32> to vector<256x1024xf32>
    %mul3A_8 = arith.mulf %get3A_1, %mul3A_7 : vector<256x1024xf32>
    %get3A_9 = arith.constant 0 : index
    %get3A_10 = arith.constant 0 : index
    %get3A_11 = vector.load %arg2[%get3A_9, %get3A_10] : memref<1x1024xf32, #tpu.memory_space<vmem>>, vector<1x1024xf32>
    %mul3A_12 = vector.broadcast %get3A_11 : vector<1x1024xf32> to vector<256x1024xf32>
    %mul3A_13 = arith.mulf %mul3A_8, %mul3A_12 : vector<256x1024xf32>
    %get3A_14 = arith.constant 0 : index
    %get3A_15 = arith.constant 0 : index
    %get3A_16 = vector.load %arg7[%get3A_14, %get3A_15] : memref<256x32xf32, #tpu.memory_space<vmem>>, vector<256x32xf32>
    %get3A_17 = arith.constant 0 : index
    %get3A_18 = arith.constant 0 : index
    %get3A_19 = vector.load %arg8[%get3A_17, %get3A_18] : memref<256x32xf32, #tpu.memory_space<vmem>>, vector<256x32xf32>
    %get3A_20 = arith.constant 0 : index
    %get3A_21 = arith.constant 0 : index
    %get3A_22 = vector.load %arg3[%get3A_20, %get3A_21] : memref<1024x1024xf32, #tpu.memory_space<vmem>>, vector<1024x1024xf32>
    %dot_general3A = arith.constant dense<0.000000e+00> : vector<256x1024xf32>
    %dot_general3A_23 = tpu.matmul %mul3A_13, %get3A_22, %dot_general3A {dimension_numbers = #tpu.dot_dimension_numbers<[1], [0], [0], [1], [0, 0, 1, 1], [], []>, transpose_lhs_hint = false} : vector<256x1024xf32>, vector<1024x1024xf32>, vector<256x1024xf32> -> vector<256x1024xf32>
    %get3A_24 = arith.constant 0 : index
    %get3A_25 = arith.constant 0 : index
    %get3A_26 = vector.load %arg4[%get3A_24, %get3A_25] : memref<1024x256xf32, #tpu.memory_space<vmem>>, vector<1024x256xf32>
    %dot_general3A_27 = arith.constant dense<0.000000e+00> : vector<256x256xf32>
    %dot_general3A_28 = tpu.matmul %mul3A_13, %get3A_26, %dot_general3A_27 {dimension_numbers = #tpu.dot_dimension_numbers<[1], [0], [0], [1], [0, 0, 1, 1], [], []>, transpose_lhs_hint = false} : vector<256x1024xf32>, vector<1024x256xf32>, vector<256x256xf32> -> vector<256x256xf32>
    %get3A_29 = arith.constant 0 : index
    %get3A_30 = arith.constant 0 : index
    %get3A_31 = vector.load %arg5[%get3A_29, %get3A_30] : memref<1024x256xf32, #tpu.memory_space<vmem>>, vector<1024x256xf32>
    %dot_general3A_32 = arith.constant dense<0.000000e+00> : vector<256x256xf32>
    %dot_general3A_33 = tpu.matmul %mul3A_13, %get3A_31, %dot_general3A_32 {dimension_numbers = #tpu.dot_dimension_numbers<[1], [0], [0], [1], [0, 0, 1, 1], [], []>, transpose_lhs_hint = false} : vector<256x1024xf32>, vector<1024x256xf32>, vector<256x256xf32> -> vector<256x256xf32>
    %get3A_34 = arith.constant 0 : index
    %get3A_35 = arith.constant 0 : index
    %get3A_36 = vector.load %arg6[%get3A_34, %get3A_35] : memref<1024x48xf32, #tpu.memory_space<vmem>>, vector<1024x48xf32>
    %dot_general3A_37 = arith.constant dense<0.000000e+00> : vector<256x48xf32>
    %dot_general3A_38 = tpu.matmul %mul3A_13, %get3A_36, %dot_general3A_37 {dimension_numbers = #tpu.dot_dimension_numbers<[1], [0], [0], [1], [0, 0, 1, 1], [], []>, transpose_lhs_hint = false} : vector<256x1024xf32>, vector<1024x48xf32>, vector<256x48xf32> -> vector<256x48xf32>
    %slice3A = vector.extract_strided_slice %dot_general3A_23 {offsets = [0, 0], sizes = [256, 32], strides = [1, 1]} : vector<256x1024xf32> to vector<256x32xf32>
    %slice3A_39 = vector.extract_strided_slice %dot_general3A_23 {offsets = [0, 32], sizes = [256, 32], strides = [1, 1]} : vector<256x1024xf32> to vector<256x32xf32>
    %mul3A_40 = arith.mulf %slice3A, %get3A_16 : vector<256x32xf32>
    %mul3A_41 = arith.mulf %slice3A_39, %get3A_19 : vector<256x32xf32>
    %sub3A = arith.subf %mul3A_40, %mul3A_41 : vector<256x32xf32>
    %mul3A_42 = arith.mulf %slice3A, %get3A_19 : vector<256x32xf32>
    %mul3A_43 = arith.mulf %slice3A_39, %get3A_16 : vector<256x32xf32>
    %add3A_44 = arith.addf %mul3A_42, %mul3A_43 : vector<256x32xf32>
    %slice3A_45 = vector.extract_strided_slice %dot_general3A_23 {offsets = [0, 64], sizes = [256, 32], strides = [1, 1]} : vector<256x1024xf32> to vector<256x32xf32>
    %slice3A_46 = vector.extract_strided_slice %dot_general3A_23 {offsets = [0, 96], sizes = [256, 32], strides = [1, 1]} : vector<256x1024xf32> to vector<256x32xf32>
    %mul3A_47 = arith.mulf %slice3A_45, %get3A_16 : vector<256x32xf32>
    %mul3A_48 = arith.mulf %slice3A_46, %get3A_19 : vector<256x32xf32>
    %sub3A_49 = arith.subf %mul3A_47, %mul3A_48 : vector<256x32xf32>
    %mul3A_50 = arith.mulf %slice3A_45, %get3A_19 : vector<256x32xf32>
    %mul3A_51 = arith.mulf %slice3A_46, %get3A_16 : vector<256x32xf32>
    %add3A_52 = arith.addf %mul3A_50, %mul3A_51 : vector<256x32xf32>
    %slice3A_53 = vector.extract_strided_slice %dot_general3A_23 {offsets = [0, 128], sizes = [256, 32], strides = [1, 1]} : vector<256x1024xf32> to vector<256x32xf32>
    %slice3A_54 = vector.extract_strided_slice %dot_general3A_23 {offsets = [0, 160], sizes = [256, 32], strides = [1, 1]} : vector<256x1024xf32> to vector<256x32xf32>
    %mul3A_55 = arith.mulf %slice3A_53, %get3A_16 : vector<256x32xf32>
    %mul3A_56 = arith.mulf %slice3A_54, %get3A_19 : vector<256x32xf32>
    %sub3A_57 = arith.subf %mul3A_55, %mul3A_56 : vector<256x32xf32>
    %mul3A_58 = arith.mulf %slice3A_53, %get3A_19 : vector<256x32xf32>
    %mul3A_59 = arith.mulf %slice3A_54, %get3A_16 : vector<256x32xf32>
    %add3A_60 = arith.addf %mul3A_58, %mul3A_59 : vector<256x32xf32>
    %slice3A_61 = vector.extract_strided_slice %dot_general3A_23 {offsets = [0, 192], sizes = [256, 32], strides = [1, 1]} : vector<256x1024xf32> to vector<256x32xf32>
    %slice3A_62 = vector.extract_strided_slice %dot_general3A_23 {offsets = [0, 224], sizes = [256, 32], strides = [1, 1]} : vector<256x1024xf32> to vector<256x32xf32>
    %mul3A_63 = arith.mulf %slice3A_61, %get3A_16 : vector<256x32xf32>
    %mul3A_64 = arith.mulf %slice3A_62, %get3A_19 : vector<256x32xf32>
    %sub3A_65 = arith.subf %mul3A_63, %mul3A_64 : vector<256x32xf32>
    %mul3A_66 = arith.mulf %slice3A_61, %get3A_19 : vector<256x32xf32>
    %mul3A_67 = arith.mulf %slice3A_62, %get3A_16 : vector<256x32xf32>
    %add3A_68 = arith.addf %mul3A_66, %mul3A_67 : vector<256x32xf32>
    %slice3A_69 = vector.extract_strided_slice %dot_general3A_23 {offsets = [0, 256], sizes = [256, 32], strides = [1, 1]} : vector<256x1024xf32> to vector<256x32xf32>
    %slice3A_70 = vector.extract_strided_slice %dot_general3A_23 {offsets = [0, 288], sizes = [256, 32], strides = [1, 1]} : vector<256x1024xf32> to vector<256x32xf32>
    %mul3A_71 = arith.mulf %slice3A_69, %get3A_16 : vector<256x32xf32>
    %mul3A_72 = arith.mulf %slice3A_70, %get3A_19 : vector<256x32xf32>
    %sub3A_73 = arith.subf %mul3A_71, %mul3A_72 : vector<256x32xf32>
    %mul3A_74 = arith.mulf %slice3A_69, %get3A_19 : vector<256x32xf32>
    %mul3A_75 = arith.mulf %slice3A_70, %get3A_16 : vector<256x32xf32>
    %add3A_76 = arith.addf %mul3A_74, %mul3A_75 : vector<256x32xf32>
    %slice3A_77 = vector.extract_strided_slice %dot_general3A_23 {offsets = [0, 320], sizes = [256, 32], strides = [1, 1]} : vector<256x1024xf32> to vector<256x32xf32>
    %slice3A_78 = vector.extract_strided_slice %dot_general3A_23 {offsets = [0, 352], sizes = [256, 32], strides = [1, 1]} : vector<256x1024xf32> to vector<256x32xf32>
    %mul3A_79 = arith.mulf %slice3A_77, %get3A_16 : vector<256x32xf32>
    %mul3A_80 = arith.mulf %slice3A_78, %get3A_19 : vector<256x32xf32>
    %sub3A_81 = arith.subf %mul3A_79, %mul3A_80 : vector<256x32xf32>
    %mul3A_82 = arith.mulf %slice3A_77, %get3A_19 : vector<256x32xf32>
    %mul3A_83 = arith.mulf %slice3A_78, %get3A_16 : vector<256x32xf32>
    %add3A_84 = arith.addf %mul3A_82, %mul3A_83 : vector<256x32xf32>
    %slice3A_85 = vector.extract_strided_slice %dot_general3A_23 {offsets = [0, 384], sizes = [256, 32], strides = [1, 1]} : vector<256x1024xf32> to vector<256x32xf32>
    %slice3A_86 = vector.extract_strided_slice %dot_general3A_23 {offsets = [0, 416], sizes = [256, 32], strides = [1, 1]} : vector<256x1024xf32> to vector<256x32xf32>
    %mul3A_87 = arith.mulf %slice3A_85, %get3A_16 : vector<256x32xf32>
    %mul3A_88 = arith.mulf %slice3A_86, %get3A_19 : vector<256x32xf32>
    %sub3A_89 = arith.subf %mul3A_87, %mul3A_88 : vector<256x32xf32>
    %mul3A_90 = arith.mulf %slice3A_85, %get3A_19 : vector<256x32xf32>
    %mul3A_91 = arith.mulf %slice3A_86, %get3A_16 : vector<256x32xf32>
    %add3A_92 = arith.addf %mul3A_90, %mul3A_91 : vector<256x32xf32>
    %slice3A_93 = vector.extract_strided_slice %dot_general3A_23 {offsets = [0, 448], sizes = [256, 32], strides = [1, 1]} : vector<256x1024xf32> to vector<256x32xf32>
    %slice3A_94 = vector.extract_strided_slice %dot_general3A_23 {offsets = [0, 480], sizes = [256, 32], strides = [1, 1]} : vector<256x1024xf32> to vector<256x32xf32>
    %mul3A_95 = arith.mulf %slice3A_93, %get3A_16 : vector<256x32xf32>
    %mul3A_96 = arith.mulf %slice3A_94, %get3A_19 : vector<256x32xf32>
    %sub3A_97 = arith.subf %mul3A_95, %mul3A_96 : vector<256x32xf32>
    %mul3A_98 = arith.mulf %slice3A_93, %get3A_19 : vector<256x32xf32>
    %mul3A_99 = arith.mulf %slice3A_94, %get3A_16 : vector<256x32xf32>
    %add3A_100 = arith.addf %mul3A_98, %mul3A_99 : vector<256x32xf32>
    %slice3A_101 = vector.extract_strided_slice %dot_general3A_23 {offsets = [0, 512], sizes = [256, 32], strides = [1, 1]} : vector<256x1024xf32> to vector<256x32xf32>
    %slice3A_102 = vector.extract_strided_slice %dot_general3A_23 {offsets = [0, 544], sizes = [256, 32], strides = [1, 1]} : vector<256x1024xf32> to vector<256x32xf32>
    %mul3A_103 = arith.mulf %slice3A_101, %get3A_16 : vector<256x32xf32>
    %mul3A_104 = arith.mulf %slice3A_102, %get3A_19 : vector<256x32xf32>
    %sub3A_105 = arith.subf %mul3A_103, %mul3A_104 : vector<256x32xf32>
    %mul3A_106 = arith.mulf %slice3A_101, %get3A_19 : vector<256x32xf32>
    %mul3A_107 = arith.mulf %slice3A_102, %get3A_16 : vector<256x32xf32>
    %add3A_108 = arith.addf %mul3A_106, %mul3A_107 : vector<256x32xf32>
    %slice3A_109 = vector.extract_strided_slice %dot_general3A_23 {offsets = [0, 576], sizes = [256, 32], strides = [1, 1]} : vector<256x1024xf32> to vector<256x32xf32>
    %slice3A_110 = vector.extract_strided_slice %dot_general3A_23 {offsets = [0, 608], sizes = [256, 32], strides = [1, 1]} : vector<256x1024xf32> to vector<256x32xf32>
    %mul3A_111 = arith.mulf %slice3A_109, %get3A_16 : vector<256x32xf32>
    %mul3A_112 = arith.mulf %slice3A_110, %get3A_19 : vector<256x32xf32>
    %sub3A_113 = arith.subf %mul3A_111, %mul3A_112 : vector<256x32xf32>
    %mul3A_114 = arith.mulf %slice3A_109, %get3A_19 : vector<256x32xf32>
    %mul3A_115 = arith.mulf %slice3A_110, %get3A_16 : vector<256x32xf32>
    %add3A_116 = arith.addf %mul3A_114, %mul3A_115 : vector<256x32xf32>
    %slice3A_117 = vector.extract_strided_slice %dot_general3A_23 {offsets = [0, 640], sizes = [256, 32], strides = [1, 1]} : vector<256x1024xf32> to vector<256x32xf32>
    %slice3A_118 = vector.extract_strided_slice %dot_general3A_23 {offsets = [0, 672], sizes = [256, 32], strides = [1, 1]} : vector<256x1024xf32> to vector<256x32xf32>
    %mul3A_119 = arith.mulf %slice3A_117, %get3A_16 : vector<256x32xf32>
    %mul3A_120 = arith.mulf %slice3A_118, %get3A_19 : vector<256x32xf32>
    %sub3A_121 = arith.subf %mul3A_119, %mul3A_120 : vector<256x32xf32>
    %mul3A_122 = arith.mulf %slice3A_117, %get3A_19 : vector<256x32xf32>
    %mul3A_123 = arith.mulf %slice3A_118, %get3A_16 : vector<256x32xf32>
    %add3A_124 = arith.addf %mul3A_122, %mul3A_123 : vector<256x32xf32>
    %slice3A_125 = vector.extract_strided_slice %dot_general3A_23 {offsets = [0, 704], sizes = [256, 32], strides = [1, 1]} : vector<256x1024xf32> to vector<256x32xf32>
    %slice3A_126 = vector.extract_strided_slice %dot_general3A_23 {offsets = [0, 736], sizes = [256, 32], strides = [1, 1]} : vector<256x1024xf32> to vector<256x32xf32>
    %mul3A_127 = arith.mulf %slice3A_125, %get3A_16 : vector<256x32xf32>
    %mul3A_128 = arith.mulf %slice3A_126, %get3A_19 : vector<256x32xf32>
    %sub3A_129 = arith.subf %mul3A_127, %mul3A_128 : vector<256x32xf32>
    %mul3A_130 = arith.mulf %slice3A_125, %get3A_19 : vector<256x32xf32>
    %mul3A_131 = arith.mulf %slice3A_126, %get3A_16 : vector<256x32xf32>
    %add3A_132 = arith.addf %mul3A_130, %mul3A_131 : vector<256x32xf32>
    %slice3A_133 = vector.extract_strided_slice %dot_general3A_23 {offsets = [0, 768], sizes = [256, 32], strides = [1, 1]} : vector<256x1024xf32> to vector<256x32xf32>
    %slice3A_134 = vector.extract_strided_slice %dot_general3A_23 {offsets = [0, 800], sizes = [256, 32], strides = [1, 1]} : vector<256x1024xf32> to vector<256x32xf32>
    %mul3A_135 = arith.mulf %slice3A_133, %get3A_16 : vector<256x32xf32>
    %mul3A_136 = arith.mulf %slice3A_134, %get3A_19 : vector<256x32xf32>
    %sub3A_137 = arith.subf %mul3A_135, %mul3A_136 : vector<256x32xf32>
    %mul3A_138 = arith.mulf %slice3A_133, %get3A_19 : vector<256x32xf32>
    %mul3A_139 = arith.mulf %slice3A_134, %get3A_16 : vector<256x32xf32>
    %add3A_140 = arith.addf %mul3A_138, %mul3A_139 : vector<256x32xf32>
    %slice3A_141 = vector.extract_strided_slice %dot_general3A_23 {offsets = [0, 832], sizes = [256, 32], strides = [1, 1]} : vector<256x1024xf32> to vector<256x32xf32>
    %slice3A_142 = vector.extract_strided_slice %dot_general3A_23 {offsets = [0, 864], sizes = [256, 32], strides = [1, 1]} : vector<256x1024xf32> to vector<256x32xf32>
    %mul3A_143 = arith.mulf %slice3A_141, %get3A_16 : vector<256x32xf32>
    %mul3A_144 = arith.mulf %slice3A_142, %get3A_19 : vector<256x32xf32>
    %sub3A_145 = arith.subf %mul3A_143, %mul3A_144 : vector<256x32xf32>
    %mul3A_146 = arith.mulf %slice3A_141, %get3A_19 : vector<256x32xf32>
    %mul3A_147 = arith.mulf %slice3A_142, %get3A_16 : vector<256x32xf32>
    %add3A_148 = arith.addf %mul3A_146, %mul3A_147 : vector<256x32xf32>
    %slice3A_149 = vector.extract_strided_slice %dot_general3A_23 {offsets = [0, 896], sizes = [256, 32], strides = [1, 1]} : vector<256x1024xf32> to vector<256x32xf32>
    %slice3A_150 = vector.extract_strided_slice %dot_general3A_23 {offsets = [0, 928], sizes = [256, 32], strides = [1, 1]} : vector<256x1024xf32> to vector<256x32xf32>
    %mul3A_151 = arith.mulf %slice3A_149, %get3A_16 : vector<256x32xf32>
    %mul3A_152 = arith.mulf %slice3A_150, %get3A_19 : vector<256x32xf32>
    %sub3A_153 = arith.subf %mul3A_151, %mul3A_152 : vector<256x32xf32>
    %mul3A_154 = arith.mulf %slice3A_149, %get3A_19 : vector<256x32xf32>
    %mul3A_155 = arith.mulf %slice3A_150, %get3A_16 : vector<256x32xf32>
    %add3A_156 = arith.addf %mul3A_154, %mul3A_155 : vector<256x32xf32>
    %slice3A_157 = vector.extract_strided_slice %dot_general3A_23 {offsets = [0, 960], sizes = [256, 32], strides = [1, 1]} : vector<256x1024xf32> to vector<256x32xf32>
    %slice3A_158 = vector.extract_strided_slice %dot_general3A_23 {offsets = [0, 992], sizes = [256, 32], strides = [1, 1]} : vector<256x1024xf32> to vector<256x32xf32>
    %mul3A_159 = arith.mulf %slice3A_157, %get3A_16 : vector<256x32xf32>
    %mul3A_160 = arith.mulf %slice3A_158, %get3A_19 : vector<256x32xf32>
    %sub3A_161 = arith.subf %mul3A_159, %mul3A_160 : vector<256x32xf32>
    %mul3A_162 = arith.mulf %slice3A_157, %get3A_19 : vector<256x32xf32>
    %mul3A_163 = arith.mulf %slice3A_158, %get3A_16 : vector<256x32xf32>
    %add3A_164 = arith.addf %mul3A_162, %mul3A_163 : vector<256x32xf32>
    %concatenate3A = tpu.concatenate %sub3A, %add3A_44, %sub3A_49, %add3A_52, %sub3A_57, %add3A_60, %sub3A_65, %add3A_68, %sub3A_73, %add3A_76, %sub3A_81, %add3A_84, %sub3A_89, %add3A_92, %sub3A_97, %add3A_100, %sub3A_105, %add3A_108, %sub3A_113, %add3A_116, %sub3A_121, %add3A_124, %sub3A_129, %add3A_132, %sub3A_137, %add3A_140, %sub3A_145, %add3A_148, %sub3A_153, %add3A_156, %sub3A_161, %add3A_164 in 1 : vector<256x32xf32>, vector<256x32xf32>, vector<256x32xf32>, vector<256x32xf32>, vector<256x32xf32>, vector<256x32xf32>, vector<256x32xf32>, vector<256x32xf32>, vector<256x32xf32>, vector<256x32xf32>, vector<256x32xf32>, vector<256x32xf32>, vector<256x32xf32>, vector<256x32xf32>, vector<256x32xf32>, vector<256x32xf32>, vector<256x32xf32>, vector<256x32xf32>, vector<256x32xf32>, vector<256x32xf32>, vector<256x32xf32>, vector<256x32xf32>, vector<256x32xf32>, vector<256x32xf32>, vector<256x32xf32>, vector<256x32xf32>, vector<256x32xf32>, vector<256x32xf32>, vector<256x32xf32>, vector<256x32xf32>, vector<256x32xf32>, vector<256x32xf32> -> vector<256x1024xf32>
    %swap3A = arith.constant 0 : index
    %swap3A_165 = arith.constant 0 : index
    %swap3A_166 = vector.load %arg9[%swap3A, %swap3A_165] : memref<256x1024xf32, #tpu.memory_space<vmem>>, vector<256x1024xf32>
    tpu.vector_store %arg9[%swap3A, %swap3A_165], %concatenate3A {strides = array<i32>} : memref<256x1024xf32, #tpu.memory_space<vmem>>, vector<256x1024xf32>,
    %slice3A_167 = vector.extract_strided_slice %dot_general3A_28 {offsets = [0, 0], sizes = [256, 32], strides = [1, 1]} : vector<256x256xf32> to vector<256x32xf32>
    %slice3A_168 = vector.extract_strided_slice %dot_general3A_28 {offsets = [0, 32], sizes = [256, 32], strides = [1, 1]} : vector<256x256xf32> to vector<256x32xf32>
    %mul3A_169 = arith.mulf %slice3A_167, %get3A_16 : vector<256x32xf32>
    %mul3A_170 = arith.mulf %slice3A_168, %get3A_19 : vector<256x32xf32>
    %sub3A_171 = arith.subf %mul3A_169, %mul3A_170 : vector<256x32xf32>
    %mul3A_172 = arith.mulf %slice3A_167, %get3A_19 : vector<256x32xf32>
    %mul3A_173 = arith.mulf %slice3A_168, %get3A_16 : vector<256x32xf32>
    %add3A_174 = arith.addf %mul3A_172, %mul3A_173 : vector<256x32xf32>
    %slice3A_175 = vector.extract_strided_slice %dot_general3A_28 {offsets = [0, 64], sizes = [256, 32], strides = [1, 1]} : vector<256x256xf32> to vector<256x32xf32>
    %slice3A_176 = vector.extract_strided_slice %dot_general3A_28 {offsets = [0, 96], sizes = [256, 32], strides = [1, 1]} : vector<256x256xf32> to vector<256x32xf32>
    %mul3A_177 = arith.mulf %slice3A_175, %get3A_16 : vector<256x32xf32>
    %mul3A_178 = arith.mulf %slice3A_176, %get3A_19 : vector<256x32xf32>
    %sub3A_179 = arith.subf %mul3A_177, %mul3A_178 : vector<256x32xf32>
    %mul3A_180 = arith.mulf %slice3A_175, %get3A_19 : vector<256x32xf32>
    %mul3A_181 = arith.mulf %slice3A_176, %get3A_16 : vector<256x32xf32>
    %add3A_182 = arith.addf %mul3A_180, %mul3A_181 : vector<256x32xf32>
    %slice3A_183 = vector.extract_strided_slice %dot_general3A_28 {offsets = [0, 128], sizes = [256, 32], strides = [1, 1]} : vector<256x256xf32> to vector<256x32xf32>
    %slice3A_184 = vector.extract_strided_slice %dot_general3A_28 {offsets = [0, 160], sizes = [256, 32], strides = [1, 1]} : vector<256x256xf32> to vector<256x32xf32>
    %mul3A_185 = arith.mulf %slice3A_183, %get3A_16 : vector<256x32xf32>
    %mul3A_186 = arith.mulf %slice3A_184, %get3A_19 : vector<256x32xf32>
    %sub3A_187 = arith.subf %mul3A_185, %mul3A_186 : vector<256x32xf32>
    %mul3A_188 = arith.mulf %slice3A_183, %get3A_19 : vector<256x32xf32>
    %mul3A_189 = arith.mulf %slice3A_184, %get3A_16 : vector<256x32xf32>
    %add3A_190 = arith.addf %mul3A_188, %mul3A_189 : vector<256x32xf32>
    %slice3A_191 = vector.extract_strided_slice %dot_general3A_28 {offsets = [0, 192], sizes = [256, 32], strides = [1, 1]} : vector<256x256xf32> to vector<256x32xf32>
    %slice3A_192 = vector.extract_strided_slice %dot_general3A_28 {offsets = [0, 224], sizes = [256, 32], strides = [1, 1]} : vector<256x256xf32> to vector<256x32xf32>
    %mul3A_193 = arith.mulf %slice3A_191, %get3A_16 : vector<256x32xf32>
    %mul3A_194 = arith.mulf %slice3A_192, %get3A_19 : vector<256x32xf32>
    %sub3A_195 = arith.subf %mul3A_193, %mul3A_194 : vector<256x32xf32>
    %mul3A_196 = arith.mulf %slice3A_191, %get3A_19 : vector<256x32xf32>
    %mul3A_197 = arith.mulf %slice3A_192, %get3A_16 : vector<256x32xf32>
    %add3A_198 = arith.addf %mul3A_196, %mul3A_197 : vector<256x32xf32>
    %concatenate3A_199 = tpu.concatenate %sub3A_171, %add3A_174, %sub3A_179, %add3A_182, %sub3A_187, %add3A_190, %sub3A_195, %add3A_198 in 1 : vector<256x32xf32>, vector<256x32xf32>, vector<256x32xf32>, vector<256x32xf32>, vector<256x32xf32>, vector<256x32xf32>, vector<256x32xf32>, vector<256x32xf32> -> vector<256x256xf32>
    %swap3A_200 = arith.constant 0 : index
    %swap3A_201 = arith.constant 0 : index
    %swap3A_202 = vector.load %arg10[%swap3A_200, %swap3A_201] : memref<256x256xf32, #tpu.memory_space<vmem>>, vector<256x256xf32>
    tpu.vector_store %arg10[%swap3A_200, %swap3A_201], %concatenate3A_199 {strides = array<i32>} : memref<256x256xf32, #tpu.memory_space<vmem>>, vector<256x256xf32>,
    %swap3A_203 = arith.constant 0 : index
    %swap3A_204 = arith.constant 0 : index
    %swap3A_205 = vector.load %arg11[%swap3A_203, %swap3A_204] : memref<256x256xf32, #tpu.memory_space<vmem>>, vector<256x256xf32>
    tpu.vector_store %arg11[%swap3A_203, %swap3A_204], %dot_general3A_33 {strides = array<i32>} : memref<256x256xf32, #tpu.memory_space<vmem>>, vector<256x256xf32>,
    %logistic3A = arith.negf %dot_general3A_38 : vector<256x48xf32>
    %logistic3A_206 = math.exp %logistic3A : vector<256x48xf32>
    %logistic3A_207 = arith.constant 1.000000e+00 : f32
    %logistic3A_208 = vector.broadcast %logistic3A_207 : f32 to vector<256x48xf32>
    %logistic3A_209 = arith.addf %logistic3A_208, %logistic3A_206 : vector<256x48xf32>
    %logistic3A_210 = arith.divf %logistic3A_208, %logistic3A_209 : vector<256x48xf32>
    %swap3A_211 = arith.constant 0 : index
    %swap3A_212 = arith.constant 0 : index
    %swap3A_213 = vector.load %arg12[%swap3A_211, %swap3A_212] : memref<256x48xf32, #tpu.memory_space<vmem>>, vector<256x48xf32>
    tpu.vector_store %arg12[%swap3A_211, %swap3A_212], %logistic3A_210 {strides = array<i32>} : memref<256x48xf32, #tpu.memory_space<vmem>>, vector<256x48xf32>,
    return
  }
  func.func @transform_0(%arg0: i32) -> (i32, i32) {
    %c0_i32 = arith.constant 0 : i32
    %c0_i32_0 = arith.constant 0 : i32
    return %arg0, %c0_i32 : i32, i32
  }
  func.func @transform_1(%arg0: i32) -> (i32, i32) {
    %c0_i32 = arith.constant 0 : i32
    %c0_i32_0 = arith.constant 0 : i32
    %c0_i32_1 = arith.constant 0 : i32
    return %c0_i32, %c0_i32_0 : i32, i32
  }
  func.func @transform_2(%arg0: i32) -> (i32, i32) {
    %c0_i32 = arith.constant 0 : i32
    %c0_i32_0 = arith.constant 0 : i32
    %c0_i32_1 = arith.constant 0 : i32
    return %c0_i32, %c0_i32_0 : i32, i32
  }
  func.func @transform_3(%arg0: i32) -> (i32, i32) {
    %c0_i32 = arith.constant 0 : i32
    %c0_i32_0 = arith.constant 0 : i32
    %c0_i32_1 = arith.constant 0 : i32
    return %c0_i32, %c0_i32_0 : i32, i32
  }
  func.func @transform_4(%arg0: i32) -> (i32, i32) {
    %c0_i32 = arith.constant 0 : i32
    %c0_i32_0 = arith.constant 0 : i32
    %c0_i32_1 = arith.constant 0 : i32
    return %c0_i32, %c0_i32_0 : i32, i32
  }
  func.func @transform_5(%arg0: i32) -> (i32, i32) {
    %c0_i32 = arith.constant 0 : i32
    %c0_i32_0 = arith.constant 0 : i32
    %c0_i32_1 = arith.constant 0 : i32
    return %c0_i32, %c0_i32_0 : i32, i32
  }
  func.func @transform_6(%arg0: i32) -> (i32, i32) {
    %c0_i32 = arith.constant 0 : i32
    %c0_i32_0 = arith.constant 0 : i32
    return %arg0, %c0_i32 : i32, i32
  }
  func.func @transform_7(%arg0: i32) -> (i32, i32) {
    %c0_i32 = arith.constant 0 : i32
    %c0_i32_0 = arith.constant 0 : i32
    return %arg0, %c0_i32 : i32, i32
  }
  func.func @transform_8(%arg0: i32) -> (i32, i32) {
    %c0_i32 = arith.constant 0 : i32
    %c0_i32_0 = arith.constant 0 : i32
    return %arg0, %c0_i32 : i32, i32
  }
  func.func @transform_9(%arg0: i32) -> (i32, i32) {
    %c0_i32 = arith.constant 0 : i32
    %c0_i32_0 = arith.constant 0 : i32
    return %arg0, %c0_i32 : i32, i32
  }
  func.func @transform_10(%arg0: i32) -> (i32, i32) {
    %c0_i32 = arith.constant 0 : i32
    %c0_i32_0 = arith.constant 0 : i32
    return %arg0, %c0_i32 : i32, i32
  }
  func.func @transform_11(%arg0: i32) -> (i32, i32) {
    %c0_i32 = arith.constant 0 : i32
    %c0_i32_0 = arith.constant 0 : i32
    return %arg0, %c0_i32 : i32, i32
  }
}

module attributes {stable_mosaic.version = 14 : i64} {
  func.func @_attn_body(%arg0: i32, %arg1: memref<256x1024xf32, #tpu.memory_space<vmem>>, %arg2: memref<2048x256xf32, #tpu.memory_space<vmem>>, %arg3: memref<2048x256xf32, #tpu.memory_space<vmem>>, %arg4: memref<256x48xf32, #tpu.memory_space<vmem>>, %arg5: memref<256x1024xf32, #tpu.memory_space<vmem>>, %arg6: memref<1024x1024xf32, #tpu.memory_space<vmem>>, %arg7: memref<1x1024xf32, #tpu.memory_space<vmem>>, %arg8: memref<256x1024xf32, #tpu.memory_space<vmem>>, %arg9: memref<256x1024xf32, #tpu.memory_space<vmem>>, %arg10: memref<4x8x256x256xf32, #tpu.memory_space<vmem>>) attributes {dimension_semantics = [#tpu.dimension_semantics<arbitrary>], iteration_bounds = array<i64: 8>, scalar_prefetch = 0 : i64, scratch_operands = 1 : i64, tpu.core_type = #tpu.core_type<tc>, window_params = [{transform_indices = @transform_0, window_bounds = array<i64: 256, 1024>}, {pipeline_mode = #tpu.pipeline_mode<synchronous>, transform_indices = @transform_1, window_bounds = array<i64: 2048, 256>}, {pipeline_mode = #tpu.pipeline_mode<synchronous>, transform_indices = @transform_2, window_bounds = array<i64: 2048, 256>}, {transform_indices = @transform_3, window_bounds = array<i64: 256, 48>}, {transform_indices = @transform_4, window_bounds = array<i64: 256, 1024>}, {pipeline_mode = #tpu.pipeline_mode<synchronous>, transform_indices = @transform_5, window_bounds = array<i64: 1024, 1024>}, {pipeline_mode = #tpu.pipeline_mode<synchronous>, transform_indices = @transform_6, window_bounds = array<i64: 1, 1024>}, {transform_indices = @transform_7, window_bounds = array<i64: 256, 1024>}, {transform_indices = @transform_8, window_bounds = array<i64: 256, 1024>}]} {
    %mul3A = arith.constant 256 : i32
    %mul3A_0 = arith.muli %arg0, %mul3A : i32
    %iota3A = tpu.iota {dimensions = array<i32: 0>} : vector<256x1xi32>
    %add3A = vector.broadcast %mul3A_0 : i32 to vector<256x1xi32>
    %add3A_1 = arith.addi %add3A, %iota3A : vector<256x1xi32>
    %sub3A = arith.constant 1 : i32
    %sub3A_2 = arith.subi %arg0, %sub3A : i32
    %max3A = arith.constant 0 : i32
    %max3A_3 = arith.maxsi %sub3A_2, %max3A : i32
    %mul3A_4 = arith.constant 256 : i32
    %mul3A_5 = arith.muli %max3A_3, %mul3A_4 : i32
    %get3A = arith.constant 0 : index
    %get3A_6 = arith.constant 0 : index
    %get3A_7 = vector.load %arg2[%get3A, %get3A_6] : memref<2048x256xf32, #tpu.memory_space<vmem>>, vector<2048x64xf32>
    %get3A_8 = arith.constant 0 : index
    %get3A_9 = arith.constant 0 : index
    %get3A_10 = vector.load %arg3[%get3A_8, %get3A_9] : memref<2048x256xf32, #tpu.memory_space<vmem>>, vector<2048x64xf32>
    %reshape3A = vector.shape_cast %get3A_7 : vector<2048x64xf32> to vector<128x16x64xf32>
    %reduce_sum3A = arith.constant dense<0.000000e+00> : vector<128x64xf32>
    %reduce_sum3A_11 = vector.multi_reduction <add>, %reshape3A, %reduce_sum3A [1] : vector<128x16x64xf32> to vector<128x64xf32>
    %div3A = arith.constant 1.600000e+01 : f32
    %div3A_12 = vector.broadcast %div3A : f32 to vector<128x64xf32>
    %div3A_13 = arith.divf %reduce_sum3A_11, %div3A_12 : vector<128x64xf32>
    %reshape3A_14 = vector.shape_cast %get3A_10 : vector<2048x64xf32> to vector<128x16x64xf32>
    %reduce_sum3A_15 = arith.constant dense<0.000000e+00> : vector<128x64xf32>
    %reduce_sum3A_16 = vector.multi_reduction <add>, %reshape3A_14, %reduce_sum3A_15 [1] : vector<128x16x64xf32> to vector<128x64xf32>
    %div3A_17 = arith.constant 1.600000e+01 : f32
    %div3A_18 = vector.broadcast %div3A_17 : f32 to vector<128x64xf32>
    %div3A_19 = arith.divf %reduce_sum3A_16, %div3A_18 : vector<128x64xf32>
    %slice3A = vector.extract_strided_slice %div3A_13 {offsets = [0, 0], sizes = [127, 64], strides = [1, 1]} : vector<128x64xf32> to vector<127x64xf32>
    %slice3A_20 = vector.extract_strided_slice %div3A_13 {offsets = [1, 0], sizes = [127, 64], strides = [1, 1]} : vector<128x64xf32> to vector<127x64xf32>
    %add3A_21 = arith.addf %slice3A, %slice3A_20 : vector<127x64xf32>
    %mul3A_22 = arith.constant 5.000000e-01 : f32
    %mul3A_23 = vector.broadcast %mul3A_22 : f32 to vector<127x64xf32>
    %mul3A_24 = arith.mulf %add3A_21, %mul3A_23 : vector<127x64xf32>
    %slice3A_25 = vector.extract_strided_slice %div3A_19 {offsets = [0, 0], sizes = [127, 64], strides = [1, 1]} : vector<128x64xf32> to vector<127x64xf32>
    %slice3A_26 = vector.extract_strided_slice %div3A_19 {offsets = [1, 0], sizes = [127, 64], strides = [1, 1]} : vector<128x64xf32> to vector<127x64xf32>
    %add3A_27 = arith.addf %slice3A_25, %slice3A_26 : vector<127x64xf32>
    %mul3A_28 = arith.constant 5.000000e-01 : f32
    %mul3A_29 = vector.broadcast %mul3A_28 : f32 to vector<127x64xf32>
    %mul3A_30 = arith.mulf %add3A_27, %mul3A_29 : vector<127x64xf32>
    %iota3A_31 = tpu.iota {dimensions = array<i32: 1>} : vector<256x127xi32>
    %mul3A_32 = arith.constant 16 : i32
    %mul3A_33 = vector.broadcast %mul3A_32 : i32 to vector<256x127xi32>
    %mul3A_34 = arith.muli %mul3A_33, %iota3A_31 : vector<256x127xi32>
    %add3A_35 = arith.constant 32 : i32
    %add3A_36 = vector.broadcast %add3A_35 : i32 to vector<256x127xi32>
    %add3A_37 = arith.addi %mul3A_34, %add3A_36 : vector<256x127xi32>
    %sub3A_38 = arith.constant 1 : i32
    %sub3A_39 = vector.broadcast %sub3A_38 : i32 to vector<256x127xi32>
    %sub3A_40 = arith.subi %add3A_37, %sub3A_39 : vector<256x127xi32>
    %le3A = vector.broadcast %add3A_1 : vector<256x1xi32> to vector<256x127xi32>
    %le3A_41 = arith.cmpi sle, %sub3A_40, %le3A : vector<256x127xi32>
    %broadcast_in_dim3A = arith.constant 0.000000e+00 : f32
    %broadcast_in_dim3A_42 = vector.broadcast %broadcast_in_dim3A : f32 to vector<256x127xf32>
    %get3A_43 = arith.constant 0 : index
    %get3A_44 = arith.constant 0 : index
    %get3A_45 = vector.load %arg1[%get3A_43, %get3A_44] : memref<256x1024xf32, #tpu.memory_space<vmem>>, vector<256x64xf32>
    %dot_general3A = arith.constant dense<0.000000e+00> : vector<256x127xf32>
    %dot_general3A_46 = tpu.matmul %get3A_45, %mul3A_24, %dot_general3A {dimension_numbers = #tpu.dot_dimension_numbers<[1], [1], [0], [0], [0, 0, 1, 0], [], []>, transpose_lhs_hint = false} : vector<256x64xf32>, vector<127x64xf32>, vector<256x127xf32> -> vector<256x127xf32>
    %mul3A_47 = arith.constant 1.250000e-01 : f32
    %mul3A_48 = vector.broadcast %mul3A_47 : f32 to vector<256x127xf32>
    %mul3A_49 = arith.mulf %dot_general3A_46, %mul3A_48 : vector<256x127xf32>
    %jit3A = arith.constant -1.000000e+30 : f32
    %broadcast_in_dim3A_50 = vector.broadcast %jit3A : f32 to vector<256x127xf32>
    %select_n3A = arith.select %le3A_41, %mul3A_49, %broadcast_in_dim3A_50 : vector<256x127xi1>, vector<256x127xf32>
    %reduce_max3A = arith.constant dense<0xFF800000> : vector<256xf32>
    %reduce_max3A_51 = vector.multi_reduction <maximumf>, %select_n3A, %reduce_max3A [1] : vector<256x127xf32> to vector<256xf32>
    %broadcast_in_dim3A_52 = vector.shape_cast %reduce_max3A_51 : vector<256xf32> to vector<256x1xf32>
    %sub3A_53 = vector.broadcast %broadcast_in_dim3A_52 : vector<256x1xf32> to vector<256x127xf32>
    %sub3A_54 = arith.subf %select_n3A, %sub3A_53 : vector<256x127xf32>
    %exp3A = math.exp %sub3A_54 : vector<256x127xf32>
    %convert_element_type3A = arith.extui %le3A_41 : vector<256x127xi1> to vector<256x127xi32>
    %convert_element_type3A_55 = arith.sitofp %convert_element_type3A : vector<256x127xi32> to vector<256x127xf32>
    %mul3A_56 = arith.mulf %exp3A, %convert_element_type3A_55 : vector<256x127xf32>
    %reduce_sum3A_57 = arith.constant dense<0.000000e+00> : vector<256xf32>
    %reduce_sum3A_58 = vector.multi_reduction <add>, %mul3A_56, %reduce_sum3A_57 [1] : vector<256x127xf32> to vector<256xf32>
    %broadcast_in_dim3A_59 = vector.shape_cast %reduce_sum3A_58 : vector<256xf32> to vector<256x1xf32>
    %max3A_60 = arith.constant 9.99999971E-10 : f32
    %max3A_61 = vector.broadcast %max3A_60 : f32 to vector<256x1xf32>
    %max3A_62 = arith.maximumf %broadcast_in_dim3A_59, %max3A_61 : vector<256x1xf32>
    %div3A_63 = vector.broadcast %max3A_62 : vector<256x1xf32> to vector<256x127xf32>
    %div3A_64 = arith.divf %mul3A_56, %div3A_63 : vector<256x127xf32>
    %add3A_65 = arith.addf %broadcast_in_dim3A_42, %div3A_64 : vector<256x127xf32>
    %dot_general3A_66 = arith.constant dense<0.000000e+00> : vector<256x64xf32>
    %dot_general3A_67 = tpu.matmul %div3A_64, %mul3A_30, %dot_general3A_66 {dimension_numbers = #tpu.dot_dimension_numbers<[1], [0], [0], [1], [0, 0, 1, 1], [], []>, transpose_lhs_hint = false} : vector<256x127xf32>, vector<127x64xf32>, vector<256x64xf32> -> vector<256x64xf32>
    %get3A_68 = arith.constant 0 : index
    %get3A_69 = arith.constant 64 : index
    %get3A_70 = vector.load %arg1[%get3A_68, %get3A_69] : memref<256x1024xf32, #tpu.memory_space<vmem>>, vector<256x64xf32>
    %dot_general3A_71 = arith.constant dense<0.000000e+00> : vector<256x127xf32>
    %dot_general3A_72 = tpu.matmul %get3A_70, %mul3A_24, %dot_general3A_71 {dimension_numbers = #tpu.dot_dimension_numbers<[1], [1], [0], [0], [0, 0, 1, 0], [], []>, transpose_lhs_hint = false} : vector<256x64xf32>, vector<127x64xf32>, vector<256x127xf32> -> vector<256x127xf32>
    %mul3A_73 = arith.constant 1.250000e-01 : f32
    %mul3A_74 = vector.broadcast %mul3A_73 : f32 to vector<256x127xf32>
    %mul3A_75 = arith.mulf %dot_general3A_72, %mul3A_74 : vector<256x127xf32>
    %jit3A_76 = arith.constant -1.000000e+30 : f32
    %broadcast_in_dim3A_77 = vector.broadcast %jit3A_76 : f32 to vector<256x127xf32>
    %select_n3A_78 = arith.select %le3A_41, %mul3A_75, %broadcast_in_dim3A_77 : vector<256x127xi1>, vector<256x127xf32>
    %reduce_max3A_79 = arith.constant dense<0xFF800000> : vector<256xf32>
    %reduce_max3A_80 = vector.multi_reduction <maximumf>, %select_n3A_78, %reduce_max3A_79 [1] : vector<256x127xf32> to vector<256xf32>
    %broadcast_in_dim3A_81 = vector.shape_cast %reduce_max3A_80 : vector<256xf32> to vector<256x1xf32>
    %sub3A_82 = vector.broadcast %broadcast_in_dim3A_81 : vector<256x1xf32> to vector<256x127xf32>
    %sub3A_83 = arith.subf %select_n3A_78, %sub3A_82 : vector<256x127xf32>
    %exp3A_84 = math.exp %sub3A_83 : vector<256x127xf32>
    %convert_element_type3A_85 = arith.extui %le3A_41 : vector<256x127xi1> to vector<256x127xi32>
    %convert_element_type3A_86 = arith.sitofp %convert_element_type3A_85 : vector<256x127xi32> to vector<256x127xf32>
    %mul3A_87 = arith.mulf %exp3A_84, %convert_element_type3A_86 : vector<256x127xf32>
    %reduce_sum3A_88 = arith.constant dense<0.000000e+00> : vector<256xf32>
    %reduce_sum3A_89 = vector.multi_reduction <add>, %mul3A_87, %reduce_sum3A_88 [1] : vector<256x127xf32> to vector<256xf32>
    %broadcast_in_dim3A_90 = vector.shape_cast %reduce_sum3A_89 : vector<256xf32> to vector<256x1xf32>
    %max3A_91 = arith.constant 9.99999971E-10 : f32
    %max3A_92 = vector.broadcast %max3A_91 : f32 to vector<256x1xf32>
    %max3A_93 = arith.maximumf %broadcast_in_dim3A_90, %max3A_92 : vector<256x1xf32>
    %div3A_94 = vector.broadcast %max3A_93 : vector<256x1xf32> to vector<256x127xf32>
    %div3A_95 = arith.divf %mul3A_87, %div3A_94 : vector<256x127xf32>
    %add3A_96 = arith.addf %add3A_65, %div3A_95 : vector<256x127xf32>
    %dot_general3A_97 = arith.constant dense<0.000000e+00> : vector<256x64xf32>
    %dot_general3A_98 = tpu.matmul %div3A_95, %mul3A_30, %dot_general3A_97 {dimension_numbers = #tpu.dot_dimension_numbers<[1], [0], [0], [1], [0, 0, 1, 1], [], []>, transpose_lhs_hint = false} : vector<256x127xf32>, vector<127x64xf32>, vector<256x64xf32> -> vector<256x64xf32>
    %get3A_99 = arith.constant 0 : index
    %get3A_100 = arith.constant 128 : index
    %get3A_101 = vector.load %arg1[%get3A_99, %get3A_100] : memref<256x1024xf32, #tpu.memory_space<vmem>>, vector<256x64xf32>
    %dot_general3A_102 = arith.constant dense<0.000000e+00> : vector<256x127xf32>
    %dot_general3A_103 = tpu.matmul %get3A_101, %mul3A_24, %dot_general3A_102 {dimension_numbers = #tpu.dot_dimension_numbers<[1], [1], [0], [0], [0, 0, 1, 0], [], []>, transpose_lhs_hint = false} : vector<256x64xf32>, vector<127x64xf32>, vector<256x127xf32> -> vector<256x127xf32>
    %mul3A_104 = arith.constant 1.250000e-01 : f32
    %mul3A_105 = vector.broadcast %mul3A_104 : f32 to vector<256x127xf32>
    %mul3A_106 = arith.mulf %dot_general3A_103, %mul3A_105 : vector<256x127xf32>
    %jit3A_107 = arith.constant -1.000000e+30 : f32
    %broadcast_in_dim3A_108 = vector.broadcast %jit3A_107 : f32 to vector<256x127xf32>
    %select_n3A_109 = arith.select %le3A_41, %mul3A_106, %broadcast_in_dim3A_108 : vector<256x127xi1>, vector<256x127xf32>
    %reduce_max3A_110 = arith.constant dense<0xFF800000> : vector<256xf32>
    %reduce_max3A_111 = vector.multi_reduction <maximumf>, %select_n3A_109, %reduce_max3A_110 [1] : vector<256x127xf32> to vector<256xf32>
    %broadcast_in_dim3A_112 = vector.shape_cast %reduce_max3A_111 : vector<256xf32> to vector<256x1xf32>
    %sub3A_113 = vector.broadcast %broadcast_in_dim3A_112 : vector<256x1xf32> to vector<256x127xf32>
    %sub3A_114 = arith.subf %select_n3A_109, %sub3A_113 : vector<256x127xf32>
    %exp3A_115 = math.exp %sub3A_114 : vector<256x127xf32>
    %convert_element_type3A_116 = arith.extui %le3A_41 : vector<256x127xi1> to vector<256x127xi32>
    %convert_element_type3A_117 = arith.sitofp %convert_element_type3A_116 : vector<256x127xi32> to vector<256x127xf32>
    %mul3A_118 = arith.mulf %exp3A_115, %convert_element_type3A_117 : vector<256x127xf32>
    %reduce_sum3A_119 = arith.constant dense<0.000000e+00> : vector<256xf32>
    %reduce_sum3A_120 = vector.multi_reduction <add>, %mul3A_118, %reduce_sum3A_119 [1] : vector<256x127xf32> to vector<256xf32>
    %broadcast_in_dim3A_121 = vector.shape_cast %reduce_sum3A_120 : vector<256xf32> to vector<256x1xf32>
    %max3A_122 = arith.constant 9.99999971E-10 : f32
    %max3A_123 = vector.broadcast %max3A_122 : f32 to vector<256x1xf32>
    %max3A_124 = arith.maximumf %broadcast_in_dim3A_121, %max3A_123 : vector<256x1xf32>
    %div3A_125 = vector.broadcast %max3A_124 : vector<256x1xf32> to vector<256x127xf32>
    %div3A_126 = arith.divf %mul3A_118, %div3A_125 : vector<256x127xf32>
    %add3A_127 = arith.addf %add3A_96, %div3A_126 : vector<256x127xf32>
    %dot_general3A_128 = arith.constant dense<0.000000e+00> : vector<256x64xf32>
    %dot_general3A_129 = tpu.matmul %div3A_126, %mul3A_30, %dot_general3A_128 {dimension_numbers = #tpu.dot_dimension_numbers<[1], [0], [0], [1], [0, 0, 1, 1], [], []>, transpose_lhs_hint = false} : vector<256x127xf32>, vector<127x64xf32>, vector<256x64xf32> -> vector<256x64xf32>
    %get3A_130 = arith.constant 0 : index
    %get3A_131 = arith.constant 192 : index
    %get3A_132 = vector.load %arg1[%get3A_130, %get3A_131] : memref<256x1024xf32, #tpu.memory_space<vmem>>, vector<256x64xf32>
    %dot_general3A_133 = arith.constant dense<0.000000e+00> : vector<256x127xf32>
    %dot_general3A_134 = tpu.matmul %get3A_132, %mul3A_24, %dot_general3A_133 {dimension_numbers = #tpu.dot_dimension_numbers<[1], [1], [0], [0], [0, 0, 1, 0], [], []>, transpose_lhs_hint = false} : vector<256x64xf32>, vector<127x64xf32>, vector<256x127xf32> -> vector<256x127xf32>
    %mul3A_135 = arith.constant 1.250000e-01 : f32
    %mul3A_136 = vector.broadcast %mul3A_135 : f32 to vector<256x127xf32>
    %mul3A_137 = arith.mulf %dot_general3A_134, %mul3A_136 : vector<256x127xf32>
    %jit3A_138 = arith.constant -1.000000e+30 : f32
    %broadcast_in_dim3A_139 = vector.broadcast %jit3A_138 : f32 to vector<256x127xf32>
    %select_n3A_140 = arith.select %le3A_41, %mul3A_137, %broadcast_in_dim3A_139 : vector<256x127xi1>, vector<256x127xf32>
    %reduce_max3A_141 = arith.constant dense<0xFF800000> : vector<256xf32>
    %reduce_max3A_142 = vector.multi_reduction <maximumf>, %select_n3A_140, %reduce_max3A_141 [1] : vector<256x127xf32> to vector<256xf32>
    %broadcast_in_dim3A_143 = vector.shape_cast %reduce_max3A_142 : vector<256xf32> to vector<256x1xf32>
    %sub3A_144 = vector.broadcast %broadcast_in_dim3A_143 : vector<256x1xf32> to vector<256x127xf32>
    %sub3A_145 = arith.subf %select_n3A_140, %sub3A_144 : vector<256x127xf32>
    %exp3A_146 = math.exp %sub3A_145 : vector<256x127xf32>
    %convert_element_type3A_147 = arith.extui %le3A_41 : vector<256x127xi1> to vector<256x127xi32>
    %convert_element_type3A_148 = arith.sitofp %convert_element_type3A_147 : vector<256x127xi32> to vector<256x127xf32>
    %mul3A_149 = arith.mulf %exp3A_146, %convert_element_type3A_148 : vector<256x127xf32>
    %reduce_sum3A_150 = arith.constant dense<0.000000e+00> : vector<256xf32>
    %reduce_sum3A_151 = vector.multi_reduction <add>, %mul3A_149, %reduce_sum3A_150 [1] : vector<256x127xf32> to vector<256xf32>
    %broadcast_in_dim3A_152 = vector.shape_cast %reduce_sum3A_151 : vector<256xf32> to vector<256x1xf32>
    %max3A_153 = arith.constant 9.99999971E-10 : f32
    %max3A_154 = vector.broadcast %max3A_153 : f32 to vector<256x1xf32>
    %max3A_155 = arith.maximumf %broadcast_in_dim3A_152, %max3A_154 : vector<256x1xf32>
    %div3A_156 = vector.broadcast %max3A_155 : vector<256x1xf32> to vector<256x127xf32>
    %div3A_157 = arith.divf %mul3A_149, %div3A_156 : vector<256x127xf32>
    %add3A_158 = arith.addf %add3A_127, %div3A_157 : vector<256x127xf32>
    %dot_general3A_159 = arith.constant dense<0.000000e+00> : vector<256x64xf32>
    %dot_general3A_160 = tpu.matmul %div3A_157, %mul3A_30, %dot_general3A_159 {dimension_numbers = #tpu.dot_dimension_numbers<[1], [0], [0], [1], [0, 0, 1, 1], [], []>, transpose_lhs_hint = false} : vector<256x127xf32>, vector<127x64xf32>, vector<256x64xf32> -> vector<256x64xf32>
    %iota3A_161 = tpu.iota {dimensions = array<i32: 0>} : vector<127x64xi32>
    %iota3A_162 = tpu.iota {dimensions = array<i32: 1>} : vector<127x64xi32>
    %jit3A_163 = arith.constant 2 : i32
    %div3A_164 = vector.broadcast %jit3A_163 : i32 to vector<127x64xi32>
    %div3A_165 = arith.divsi %iota3A_161, %div3A_164 : vector<127x64xi32>
    %sign3A = arith.constant 0 : i32
    %sign3A_166 = vector.broadcast %sign3A : i32 to vector<127x64xi32>
    %sign3A_167 = arith.cmpi sgt, %iota3A_161, %sign3A_166 : vector<127x64xi32>
    %sign3A_168 = arith.extui %sign3A_167 : vector<127x64xi1> to vector<127x64xi32>
    %sign3A_169 = arith.constant 0 : i32
    %sign3A_170 = vector.broadcast %sign3A_169 : i32 to vector<127x64xi32>
    %sign3A_171 = arith.cmpi slt, %iota3A_161, %sign3A_170 : vector<127x64xi32>
    %sign3A_172 = arith.extui %sign3A_171 : vector<127x64xi1> to vector<127x64xi32>
    %sign3A_173 = arith.subi %sign3A_168, %sign3A_172 : vector<127x64xi32>
    %sign3A_174 = arith.constant 0 : i32
    %sign3A_175 = arith.cmpi sgt, %jit3A_163, %sign3A_174 : i32
    %sign3A_176 = arith.extui %sign3A_175 : i1 to i32
    %sign3A_177 = arith.constant 0 : i32
    %sign3A_178 = arith.cmpi slt, %jit3A_163, %sign3A_177 : i32
    %sign3A_179 = arith.extui %sign3A_178 : i1 to i32
    %sign3A_180 = arith.subi %sign3A_176, %sign3A_179 : i32
    %ne3A = vector.broadcast %sign3A_180 : i32 to vector<127x64xi32>
    %ne3A_181 = arith.cmpi ne, %sign3A_173, %ne3A : vector<127x64xi32>
    %rem3A = vector.broadcast %jit3A_163 : i32 to vector<127x64xi32>
    %rem3A_182 = arith.remsi %iota3A_161, %rem3A : vector<127x64xi32>
    %ne3A_183 = arith.constant 0 : i32
    %ne3A_184 = vector.broadcast %ne3A_183 : i32 to vector<127x64xi32>
    %ne3A_185 = arith.cmpi ne, %rem3A_182, %ne3A_184 : vector<127x64xi32>
    %and3A = arith.andi %ne3A_181, %ne3A_185 : vector<127x64xi1>
    %sub3A_186 = arith.constant 1 : i32
    %sub3A_187 = vector.broadcast %sub3A_186 : i32 to vector<127x64xi32>
    %sub3A_188 = arith.subi %div3A_165, %sub3A_187 : vector<127x64xi32>
    %select_n3A_189 = arith.select %and3A, %sub3A_188, %div3A_165 : vector<127x64xi1>, vector<127x64xi32>
    %eq3A = arith.cmpi eq, %select_n3A_189, %iota3A_162 : vector<127x64xi32>
    %convert_element_type3A_190 = arith.extui %eq3A : vector<127x64xi1> to vector<127x64xi32>
    %convert_element_type3A_191 = arith.sitofp %convert_element_type3A_190 : vector<127x64xi32> to vector<127x64xf32>
    %dot_general3A_192 = arith.constant dense<0.000000e+00> : vector<256x64xf32>
    %dot_general3A_193 = tpu.matmul %add3A_158, %convert_element_type3A_191, %dot_general3A_192 {dimension_numbers = #tpu.dot_dimension_numbers<[1], [0], [0], [1], [0, 0, 1, 1], [], []>, transpose_lhs_hint = false} : vector<256x127xf32>, vector<127x64xf32>, vector<256x64xf32> -> vector<256x64xf32>
    %iota3A_194 = tpu.iota {dimensions = array<i32: 1>} : vector<256x64xi32>
    %jit3A_195 = arith.constant 32 : i32
    %div3A_196 = vector.broadcast %jit3A_195 : i32 to vector<256x1xi32>
    %div3A_197 = arith.divsi %add3A_1, %div3A_196 : vector<256x1xi32>
    %sign3A_198 = arith.constant 0 : i32
    %sign3A_199 = vector.broadcast %sign3A_198 : i32 to vector<256x1xi32>
    %sign3A_200 = arith.cmpi sgt, %add3A_1, %sign3A_199 : vector<256x1xi32>
    %sign3A_201 = arith.extui %sign3A_200 : vector<256x1xi1> to vector<256x1xi32>
    %sign3A_202 = arith.constant 0 : i32
    %sign3A_203 = vector.broadcast %sign3A_202 : i32 to vector<256x1xi32>
    %sign3A_204 = arith.cmpi slt, %add3A_1, %sign3A_203 : vector<256x1xi32>
    %sign3A_205 = arith.extui %sign3A_204 : vector<256x1xi1> to vector<256x1xi32>
    %sign3A_206 = arith.subi %sign3A_201, %sign3A_205 : vector<256x1xi32>
    %sign3A_207 = arith.constant 0 : i32
    %sign3A_208 = arith.cmpi sgt, %jit3A_195, %sign3A_207 : i32
    %sign3A_209 = arith.extui %sign3A_208 : i1 to i32
    %sign3A_210 = arith.constant 0 : i32
    %sign3A_211 = arith.cmpi slt, %jit3A_195, %sign3A_210 : i32
    %sign3A_212 = arith.extui %sign3A_211 : i1 to i32
    %sign3A_213 = arith.subi %sign3A_209, %sign3A_212 : i32
    %ne3A_214 = vector.broadcast %sign3A_213 : i32 to vector<256x1xi32>
    %ne3A_215 = arith.cmpi ne, %sign3A_206, %ne3A_214 : vector<256x1xi32>
    %rem3A_216 = vector.broadcast %jit3A_195 : i32 to vector<256x1xi32>
    %rem3A_217 = arith.remsi %add3A_1, %rem3A_216 : vector<256x1xi32>
    %ne3A_218 = arith.constant 0 : i32
    %ne3A_219 = vector.broadcast %ne3A_218 : i32 to vector<256x1xi32>
    %ne3A_220 = arith.cmpi ne, %rem3A_217, %ne3A_219 : vector<256x1xi32>
    %and3A_221 = arith.andi %ne3A_215, %ne3A_220 : vector<256x1xi1>
    %sub3A_222 = arith.constant 1 : i32
    %sub3A_223 = vector.broadcast %sub3A_222 : i32 to vector<256x1xi32>
    %sub3A_224 = arith.subi %div3A_197, %sub3A_223 : vector<256x1xi32>
    %select_n3A_225 = arith.select %and3A_221, %sub3A_224, %div3A_197 : vector<256x1xi1>, vector<256x1xi32>
    %eq3A_226 = vector.broadcast %select_n3A_225 : vector<256x1xi32> to vector<256x64xi32>
    %eq3A_227 = arith.cmpi eq, %iota3A_194, %eq3A_226 : vector<256x64xi32>
    %jit3A_228 = arith.constant 1.000000e+06 : f32
    %jit3A_229 = arith.constant 0.000000e+00 : f32
    %broadcast_in_dim3A_230 = vector.broadcast %jit3A_228 : f32 to vector<256x64xf32>
    %broadcast_in_dim3A_231 = vector.broadcast %jit3A_229 : f32 to vector<256x64xf32>
    %select_n3A_232 = arith.select %eq3A_227, %broadcast_in_dim3A_230, %broadcast_in_dim3A_231 : vector<256x64xi1>, vector<256x64xf32>
    %eq3A_233 = arith.constant 0 : i32
    %eq3A_234 = vector.broadcast %eq3A_233 : i32 to vector<256x64xi32>
    %eq3A_235 = arith.cmpi eq, %iota3A_194, %eq3A_234 : vector<256x64xi32>
    %jit3A_236 = arith.constant 1.000000e+06 : f32
    %jit3A_237 = arith.constant 0.000000e+00 : f32
    %broadcast_in_dim3A_238 = vector.broadcast %jit3A_236 : f32 to vector<256x64xf32>
    %broadcast_in_dim3A_239 = vector.broadcast %jit3A_237 : f32 to vector<256x64xf32>
    %select_n3A_240 = arith.select %eq3A_235, %broadcast_in_dim3A_238, %broadcast_in_dim3A_239 : vector<256x64xi1>, vector<256x64xf32>
    %add3A_241 = arith.addf %select_n3A_232, %select_n3A_240 : vector<256x64xf32>
    %mul3A_242 = arith.constant 32 : i32
    %mul3A_243 = vector.broadcast %mul3A_242 : i32 to vector<256x64xi32>
    %mul3A_244 = arith.muli %iota3A_194, %mul3A_243 : vector<256x64xi32>
    %le3A_245 = vector.broadcast %add3A_1 : vector<256x1xi32> to vector<256x64xi32>
    %le3A_246 = arith.cmpi sle, %mul3A_244, %le3A_245 : vector<256x64xi32>
    %add3A_247 = arith.addf %dot_general3A_193, %add3A_241 : vector<256x64xf32>
    %jit3A_248 = arith.constant 0xFF800000 : f32
    %broadcast_in_dim3A_249 = vector.broadcast %jit3A_248 : f32 to vector<256x64xf32>
    %select_n3A_250 = arith.select %le3A_246, %add3A_247, %broadcast_in_dim3A_249 : vector<256x64xi1>, vector<256x64xf32>
    %broadcast_in_dim3A_251 = arith.constant false
    %broadcast_in_dim3A_252 = vector.broadcast %broadcast_in_dim3A_251 : i1 to vector<256x64xi1>
    %reduce_max3A_253 = arith.constant dense<0xFF800000> : vector<256xf32>
    %reduce_max3A_254 = vector.multi_reduction <maximumf>, %select_n3A_250, %reduce_max3A_253 [1] : vector<256x64xf32> to vector<256xf32>
    %broadcast_in_dim3A_255 = vector.shape_cast %reduce_max3A_254 : vector<256xf32> to vector<256x1xf32>
    %eq3A_256 = vector.broadcast %broadcast_in_dim3A_255 : vector<256x1xf32> to vector<256x64xf32>
    %eq3A_257 = arith.cmpf oeq, %select_n3A_250, %eq3A_256 : vector<256x64xf32>
    %jit3A_258 = arith.constant 65 : i32
    %broadcast_in_dim3A_259 = vector.broadcast %jit3A_258 : i32 to vector<256x64xi32>
    %select_n3A_260 = arith.select %eq3A_257, %iota3A_194, %broadcast_in_dim3A_259 : vector<256x64xi1>, vector<256x64xi32>
    %reduce_min3A = arith.constant dense<2147483647> : vector<256xi32>
    %reduce_min3A_261 = vector.multi_reduction <minsi>, %select_n3A_260, %reduce_min3A [1] : vector<256x64xi32> to vector<256xi32>
    %broadcast_in_dim3A_262 = vector.shape_cast %reduce_min3A_261 : vector<256xi32> to vector<256x1xi32>
    %eq3A_263 = vector.broadcast %broadcast_in_dim3A_262 : vector<256x1xi32> to vector<256x64xi32>
    %eq3A_264 = arith.cmpi eq, %iota3A_194, %eq3A_263 : vector<256x64xi32>
    %or3A = arith.ori %broadcast_in_dim3A_252, %eq3A_264 : vector<256x64xi1>
    %jit3A_265 = arith.constant 0xFF800000 : f32
    %broadcast_in_dim3A_266 = vector.broadcast %jit3A_265 : f32 to vector<256x64xf32>
    %select_n3A_267 = arith.select %eq3A_264, %broadcast_in_dim3A_266, %select_n3A_250 : vector<256x64xi1>, vector<256x64xf32>
    %reduce_max3A_268 = arith.constant dense<0xFF800000> : vector<256xf32>
    %reduce_max3A_269 = vector.multi_reduction <maximumf>, %select_n3A_267, %reduce_max3A_268 [1] : vector<256x64xf32> to vector<256xf32>
    %broadcast_in_dim3A_270 = vector.shape_cast %reduce_max3A_269 : vector<256xf32> to vector<256x1xf32>
    %eq3A_271 = vector.broadcast %broadcast_in_dim3A_270 : vector<256x1xf32> to vector<256x64xf32>
    %eq3A_272 = arith.cmpf oeq, %select_n3A_267, %eq3A_271 : vector<256x64xf32>
    %jit3A_273 = arith.constant 65 : i32
    %broadcast_in_dim3A_274 = vector.broadcast %jit3A_273 : i32 to vector<256x64xi32>
    %select_n3A_275 = arith.select %eq3A_272, %iota3A_194, %broadcast_in_dim3A_274 : vector<256x64xi1>, vector<256x64xi32>
    %reduce_min3A_276 = arith.constant dense<2147483647> : vector<256xi32>
    %reduce_min3A_277 = vector.multi_reduction <minsi>, %select_n3A_275, %reduce_min3A_276 [1] : vector<256x64xi32> to vector<256xi32>
    %broadcast_in_dim3A_278 = vector.shape_cast %reduce_min3A_277 : vector<256xi32> to vector<256x1xi32>
    %eq3A_279 = vector.broadcast %broadcast_in_dim3A_278 : vector<256x1xi32> to vector<256x64xi32>
    %eq3A_280 = arith.cmpi eq, %iota3A_194, %eq3A_279 : vector<256x64xi32>
    %or3A_281 = arith.ori %or3A, %eq3A_280 : vector<256x64xi1>
    %jit3A_282 = arith.constant 0xFF800000 : f32
    %broadcast_in_dim3A_283 = vector.broadcast %jit3A_282 : f32 to vector<256x64xf32>
    %select_n3A_284 = arith.select %eq3A_280, %broadcast_in_dim3A_283, %select_n3A_267 : vector<256x64xi1>, vector<256x64xf32>
    %reduce_max3A_285 = arith.constant dense<0xFF800000> : vector<256xf32>
    %reduce_max3A_286 = vector.multi_reduction <maximumf>, %select_n3A_284, %reduce_max3A_285 [1] : vector<256x64xf32> to vector<256xf32>
    %broadcast_in_dim3A_287 = vector.shape_cast %reduce_max3A_286 : vector<256xf32> to vector<256x1xf32>
    %eq3A_288 = vector.broadcast %broadcast_in_dim3A_287 : vector<256x1xf32> to vector<256x64xf32>
    %eq3A_289 = arith.cmpf oeq, %select_n3A_284, %eq3A_288 : vector<256x64xf32>
    %jit3A_290 = arith.constant 65 : i32
    %broadcast_in_dim3A_291 = vector.broadcast %jit3A_290 : i32 to vector<256x64xi32>
    %select_n3A_292 = arith.select %eq3A_289, %iota3A_194, %broadcast_in_dim3A_291 : vector<256x64xi1>, vector<256x64xi32>
    %reduce_min3A_293 = arith.constant dense<2147483647> : vector<256xi32>
    %reduce_min3A_294 = vector.multi_reduction <minsi>, %select_n3A_292, %reduce_min3A_293 [1] : vector<256x64xi32> to vector<256xi32>
    %broadcast_in_dim3A_295 = vector.shape_cast %reduce_min3A_294 : vector<256xi32> to vector<256x1xi32>
    %eq3A_296 = vector.broadcast %broadcast_in_dim3A_295 : vector<256x1xi32> to vector<256x64xi32>
    %eq3A_297 = arith.cmpi eq, %iota3A_194, %eq3A_296 : vector<256x64xi32>
    %or3A_298 = arith.ori %or3A_281, %eq3A_297 : vector<256x64xi1>
    %jit3A_299 = arith.constant 0xFF800000 : f32
    %broadcast_in_dim3A_300 = vector.broadcast %jit3A_299 : f32 to vector<256x64xf32>
    %select_n3A_301 = arith.select %eq3A_297, %broadcast_in_dim3A_300, %select_n3A_284 : vector<256x64xi1>, vector<256x64xf32>
    %reduce_max3A_302 = arith.constant dense<0xFF800000> : vector<256xf32>
    %reduce_max3A_303 = vector.multi_reduction <maximumf>, %select_n3A_301, %reduce_max3A_302 [1] : vector<256x64xf32> to vector<256xf32>
    %broadcast_in_dim3A_304 = vector.shape_cast %reduce_max3A_303 : vector<256xf32> to vector<256x1xf32>
    %eq3A_305 = vector.broadcast %broadcast_in_dim3A_304 : vector<256x1xf32> to vector<256x64xf32>
    %eq3A_306 = arith.cmpf oeq, %select_n3A_301, %eq3A_305 : vector<256x64xf32>
    %jit3A_307 = arith.constant 65 : i32
    %broadcast_in_dim3A_308 = vector.broadcast %jit3A_307 : i32 to vector<256x64xi32>
    %select_n3A_309 = arith.select %eq3A_306, %iota3A_194, %broadcast_in_dim3A_308 : vector<256x64xi1>, vector<256x64xi32>
    %reduce_min3A_310 = arith.constant dense<2147483647> : vector<256xi32>
    %reduce_min3A_311 = vector.multi_reduction <minsi>, %select_n3A_309, %reduce_min3A_310 [1] : vector<256x64xi32> to vector<256xi32>
    %broadcast_in_dim3A_312 = vector.shape_cast %reduce_min3A_311 : vector<256xi32> to vector<256x1xi32>
    %eq3A_313 = vector.broadcast %broadcast_in_dim3A_312 : vector<256x1xi32> to vector<256x64xi32>
    %eq3A_314 = arith.cmpi eq, %iota3A_194, %eq3A_313 : vector<256x64xi32>
    %or3A_315 = arith.ori %or3A_298, %eq3A_314 : vector<256x64xi1>
    %convert_element_type3A_316 = arith.extui %or3A_315 : vector<256x64xi1> to vector<256x64xi32>
    %convert_element_type3A_317 = arith.sitofp %convert_element_type3A_316 : vector<256x64xi32> to vector<256x64xf32>
    %iota3A_318 = tpu.iota {dimensions = array<i32: 0>} : vector<64x256xi32>
    %iota3A_319 = tpu.iota {dimensions = array<i32: 1>} : vector<64x256xi32>
    %jit3A_320 = arith.constant 32 : i32
    %div3A_321 = vector.broadcast %jit3A_320 : i32 to vector<64x256xi32>
    %div3A_322 = arith.divsi %iota3A_319, %div3A_321 : vector<64x256xi32>
    %sign3A_323 = arith.constant 0 : i32
    %sign3A_324 = vector.broadcast %sign3A_323 : i32 to vector<64x256xi32>
    %sign3A_325 = arith.cmpi sgt, %iota3A_319, %sign3A_324 : vector<64x256xi32>
    %sign3A_326 = arith.extui %sign3A_325 : vector<64x256xi1> to vector<64x256xi32>
    %sign3A_327 = arith.constant 0 : i32
    %sign3A_328 = vector.broadcast %sign3A_327 : i32 to vector<64x256xi32>
    %sign3A_329 = arith.cmpi slt, %iota3A_319, %sign3A_328 : vector<64x256xi32>
    %sign3A_330 = arith.extui %sign3A_329 : vector<64x256xi1> to vector<64x256xi32>
    %sign3A_331 = arith.subi %sign3A_326, %sign3A_330 : vector<64x256xi32>
    %sign3A_332 = arith.constant 0 : i32
    %sign3A_333 = arith.cmpi sgt, %jit3A_320, %sign3A_332 : i32
    %sign3A_334 = arith.extui %sign3A_333 : i1 to i32
    %sign3A_335 = arith.constant 0 : i32
    %sign3A_336 = arith.cmpi slt, %jit3A_320, %sign3A_335 : i32
    %sign3A_337 = arith.extui %sign3A_336 : i1 to i32
    %sign3A_338 = arith.subi %sign3A_334, %sign3A_337 : i32
    %ne3A_339 = vector.broadcast %sign3A_338 : i32 to vector<64x256xi32>
    %ne3A_340 = arith.cmpi ne, %sign3A_331, %ne3A_339 : vector<64x256xi32>
    %rem3A_341 = vector.broadcast %jit3A_320 : i32 to vector<64x256xi32>
    %rem3A_342 = arith.remsi %iota3A_319, %rem3A_341 : vector<64x256xi32>
    %ne3A_343 = arith.constant 0 : i32
    %ne3A_344 = vector.broadcast %ne3A_343 : i32 to vector<64x256xi32>
    %ne3A_345 = arith.cmpi ne, %rem3A_342, %ne3A_344 : vector<64x256xi32>
    %and3A_346 = arith.andi %ne3A_340, %ne3A_345 : vector<64x256xi1>
    %sub3A_347 = arith.constant 1 : i32
    %sub3A_348 = vector.broadcast %sub3A_347 : i32 to vector<64x256xi32>
    %sub3A_349 = arith.subi %div3A_322, %sub3A_348 : vector<64x256xi32>
    %select_n3A_350 = arith.select %and3A_346, %sub3A_349, %div3A_322 : vector<64x256xi1>, vector<64x256xi32>
    %iota3A_351 = tpu.iota {dimensions = array<i32: 1>} : vector<256x256xi32>
    %get3A_352 = arith.constant 0 : index
    %get3A_353 = arith.constant 0 : index
    %get3A_354 = vector.load %arg1[%get3A_352, %get3A_353] : memref<256x1024xf32, #tpu.memory_space<vmem>>, vector<256x64xf32>
    %get3A_355 = arith.constant 0 : index
    %get3A_356 = arith.constant 64 : index
    %get3A_357 = vector.load %arg1[%get3A_355, %get3A_356] : memref<256x1024xf32, #tpu.memory_space<vmem>>, vector<256x64xf32>
    %get3A_358 = arith.constant 0 : index
    %get3A_359 = arith.constant 128 : index
    %get3A_360 = vector.load %arg1[%get3A_358, %get3A_359] : memref<256x1024xf32, #tpu.memory_space<vmem>>, vector<256x64xf32>
    %get3A_361 = arith.constant 0 : index
    %get3A_362 = arith.constant 192 : index
    %get3A_363 = vector.load %arg1[%get3A_361, %get3A_362] : memref<256x1024xf32, #tpu.memory_space<vmem>>, vector<256x64xf32>
    %broadcast_in_dim3A_364 = arith.constant 0.000000e+00 : f32
    %broadcast_in_dim3A_365 = vector.broadcast %broadcast_in_dim3A_364 : f32 to vector<256x1xf32>
    %broadcast_in_dim3A_366 = arith.constant 0.000000e+00 : f32
    %broadcast_in_dim3A_367 = vector.broadcast %broadcast_in_dim3A_366 : f32 to vector<256x1xf32>
    %broadcast_in_dim3A_368 = arith.constant 0.000000e+00 : f32
    %broadcast_in_dim3A_369 = vector.broadcast %broadcast_in_dim3A_368 : f32 to vector<256x1xf32>
    %broadcast_in_dim3A_370 = arith.constant 0.000000e+00 : f32
    %broadcast_in_dim3A_371 = vector.broadcast %broadcast_in_dim3A_370 : f32 to vector<256x1xf32>
    %add3A_372 = arith.constant 1 : i32
    %add3A_373 = arith.addi %arg0, %add3A_372 : i32
    %while3A = arith.constant 0 : i32
    %while3A_374 = arith.subi %add3A_373, %while3A : i32
    %while3A_375 = arith.addi %while3A, %while3A_374 : i32
    %while3A_376 = arith.constant 1 : i32
    %while3A_377 = arith.divsi %while3A_374, %while3A_376 : i32
    %while3A_378 = arith.muli %while3A_377, %while3A_376 : i32
    %while3A_379 = arith.addi %while3A, %while3A_378 : i32
    %while3A_380 = arith.constant 1 : i32
    %while3A_381:4 = scf.for %while3A_2375 = %while3A to %while3A_379 step %while3A_380 iter_args(%while3A_2376 = %broadcast_in_dim3A_365, %while3A_2377 = %broadcast_in_dim3A_367, %while3A_2378 = %broadcast_in_dim3A_369, %while3A_2379 = %broadcast_in_dim3A_371) -> (vector<256x1xf32>, vector<256x1xf32>, vector<256x1xf32>, vector<256x1xf32>)  : i32 {
      %mul3A_2380 = arith.constant 256 : i32
      %mul3A_2381 = arith.muli %while3A_2375, %mul3A_2380 : i32
      %get3A_2382 = arith.index_cast %mul3A_2381 : i32 to index
      %get3A_2383 = arith.constant 0 : index
      %get3A_2384 = vector.load %arg2[%get3A_2382, %get3A_2383] : memref<2048x256xf32, #tpu.memory_space<vmem>>, vector<256x64xf32>
      %mul3A_2385 = arith.constant 8 : i32
      %mul3A_2386 = arith.muli %while3A_2375, %mul3A_2385 : i32
      %add3A_2387 = vector.broadcast %mul3A_2386 : i32 to vector<64x256xi32>
      %add3A_2388 = arith.addi %add3A_2387, %select_n3A_350 : vector<64x256xi32>
      %eq3A_2389 = arith.cmpi eq, %iota3A_318, %add3A_2388 : vector<64x256xi32>
      %convert_element_type3A_2390 = arith.extui %eq3A_2389 : vector<64x256xi1> to vector<64x256xi32>
      %convert_element_type3A_2391 = arith.sitofp %convert_element_type3A_2390 : vector<64x256xi32> to vector<64x256xf32>
      %dot_general3A_2392 = arith.constant dense<0.000000e+00> : vector<256x256xf32>
      %dot_general3A_2393 = tpu.matmul %convert_element_type3A_317, %convert_element_type3A_2391, %dot_general3A_2392 {dimension_numbers = #tpu.dot_dimension_numbers<[1], [0], [0], [1], [0, 0, 1, 1], [], []>, transpose_lhs_hint = false} : vector<256x64xf32>, vector<64x256xf32>, vector<256x256xf32> -> vector<256x256xf32>
      %mul3A_2394 = arith.constant 256 : i32
      %mul3A_2395 = arith.muli %while3A_2375, %mul3A_2394 : i32
      %add3A_2396 = vector.broadcast %mul3A_2395 : i32 to vector<256x256xi32>
      %add3A_2397 = arith.addi %add3A_2396, %iota3A_351 : vector<256x256xi32>
      %gt3A = arith.constant 5.000000e-01 : f32
      %gt3A_2398 = vector.broadcast %gt3A : f32 to vector<256x256xf32>
      %gt3A_2399 = arith.cmpf ogt, %dot_general3A_2393, %gt3A_2398 : vector<256x256xf32>
      %le3A_2400 = vector.broadcast %add3A_1 : vector<256x1xi32> to vector<256x256xi32>
      %le3A_2401 = arith.cmpi sle, %add3A_2397, %le3A_2400 : vector<256x256xi32>
      %and3A_2402 = arith.andi %gt3A_2399, %le3A_2401 : vector<256x256xi1>
      %jit3A_2403 = arith.constant 0.000000e+00 : f32
      %jit3A_2404 = arith.constant -1.000000e+30 : f32
      %broadcast_in_dim3A_2405 = vector.broadcast %jit3A_2403 : f32 to vector<256x256xf32>
      %broadcast_in_dim3A_2406 = vector.broadcast %jit3A_2404 : f32 to vector<256x256xf32>
      %select_n3A_2407 = arith.select %and3A_2402, %broadcast_in_dim3A_2405, %broadcast_in_dim3A_2406 : vector<256x256xi1>, vector<256x256xf32>
      %dot_general3A_2408 = arith.constant dense<0.000000e+00> : vector<256x256xf32>
      %dot_general3A_2409 = tpu.matmul %get3A_354, %get3A_2384, %dot_general3A_2408 {dimension_numbers = #tpu.dot_dimension_numbers<[1], [1], [0], [0], [0, 0, 1, 0], [], []>, transpose_lhs_hint = false} : vector<256x64xf32>, vector<256x64xf32>, vector<256x256xf32> -> vector<256x256xf32>
      %mul3A_2410 = arith.constant 1.250000e-01 : f32
      %mul3A_2411 = vector.broadcast %mul3A_2410 : f32 to vector<256x256xf32>
      %mul3A_2412 = arith.mulf %dot_general3A_2409, %mul3A_2411 : vector<256x256xf32>
      %add3A_2413 = arith.addf %mul3A_2412, %select_n3A_2407 : vector<256x256xf32>
      %exp3A_2414 = math.exp %add3A_2413 : vector<256x256xf32>
      %swap3A_2415 = arith.constant 0 : index
      %swap3A_2416 = arith.index_cast %while3A_2375 : i32 to index
      %swap3A_2417 = arith.constant 0 : index
      %swap3A_2418 = arith.constant 0 : index
      %swap3A_2419 = vector.load %arg10[%swap3A_2415, %swap3A_2416, %swap3A_2417, %swap3A_2418] : memref<4x8x256x256xf32, #tpu.memory_space<vmem>>, vector<1x1x256x256xf32>
      %swap3A_2420 = vector.shape_cast %swap3A_2419 : vector<1x1x256x256xf32> to vector<256x256xf32>
      %swap3A_2421 = vector.shape_cast %exp3A_2414 : vector<256x256xf32> to vector<1x1x256x256xf32>
      tpu.vector_store %arg10[%swap3A_2415, %swap3A_2416, %swap3A_2417, %swap3A_2418], %swap3A_2421 {strides = array<i32>} : memref<4x8x256x256xf32, #tpu.memory_space<vmem>>, vector<1x1x256x256xf32>,
      %reduce_sum3A_2422 = arith.constant dense<0.000000e+00> : vector<256xf32>
      %reduce_sum3A_2423 = vector.multi_reduction <add>, %exp3A_2414, %reduce_sum3A_2422 [1] : vector<256x256xf32> to vector<256xf32>
      %broadcast_in_dim3A_2424 = vector.shape_cast %reduce_sum3A_2423 : vector<256xf32> to vector<256x1xf32>
      %add3A_2425 = arith.addf %while3A_2376, %broadcast_in_dim3A_2424 : vector<256x1xf32>
      %dot_general3A_2426 = arith.constant dense<0.000000e+00> : vector<256x256xf32>
      %dot_general3A_2427 = tpu.matmul %get3A_357, %get3A_2384, %dot_general3A_2426 {dimension_numbers = #tpu.dot_dimension_numbers<[1], [1], [0], [0], [0, 0, 1, 0], [], []>, transpose_lhs_hint = false} : vector<256x64xf32>, vector<256x64xf32>, vector<256x256xf32> -> vector<256x256xf32>
      %mul3A_2428 = arith.constant 1.250000e-01 : f32
      %mul3A_2429 = vector.broadcast %mul3A_2428 : f32 to vector<256x256xf32>
      %mul3A_2430 = arith.mulf %dot_general3A_2427, %mul3A_2429 : vector<256x256xf32>
      %add3A_2431 = arith.addf %mul3A_2430, %select_n3A_2407 : vector<256x256xf32>
      %exp3A_2432 = math.exp %add3A_2431 : vector<256x256xf32>
      %swap3A_2433 = arith.constant 1 : index
      %swap3A_2434 = arith.index_cast %while3A_2375 : i32 to index
      %swap3A_2435 = arith.constant 0 : index
      %swap3A_2436 = arith.constant 0 : index
      %swap3A_2437 = vector.load %arg10[%swap3A_2433, %swap3A_2434, %swap3A_2435, %swap3A_2436] : memref<4x8x256x256xf32, #tpu.memory_space<vmem>>, vector<1x1x256x256xf32>
      %swap3A_2438 = vector.shape_cast %swap3A_2437 : vector<1x1x256x256xf32> to vector<256x256xf32>
      %swap3A_2439 = vector.shape_cast %exp3A_2432 : vector<256x256xf32> to vector<1x1x256x256xf32>
      tpu.vector_store %arg10[%swap3A_2433, %swap3A_2434, %swap3A_2435, %swap3A_2436], %swap3A_2439 {strides = array<i32>} : memref<4x8x256x256xf32, #tpu.memory_space<vmem>>, vector<1x1x256x256xf32>,
      %reduce_sum3A_2440 = arith.constant dense<0.000000e+00> : vector<256xf32>
      %reduce_sum3A_2441 = vector.multi_reduction <add>, %exp3A_2432, %reduce_sum3A_2440 [1] : vector<256x256xf32> to vector<256xf32>
      %broadcast_in_dim3A_2442 = vector.shape_cast %reduce_sum3A_2441 : vector<256xf32> to vector<256x1xf32>
      %add3A_2443 = arith.addf %while3A_2377, %broadcast_in_dim3A_2442 : vector<256x1xf32>
      %dot_general3A_2444 = arith.constant dense<0.000000e+00> : vector<256x256xf32>
      %dot_general3A_2445 = tpu.matmul %get3A_360, %get3A_2384, %dot_general3A_2444 {dimension_numbers = #tpu.dot_dimension_numbers<[1], [1], [0], [0], [0, 0, 1, 0], [], []>, transpose_lhs_hint = false} : vector<256x64xf32>, vector<256x64xf32>, vector<256x256xf32> -> vector<256x256xf32>
      %mul3A_2446 = arith.constant 1.250000e-01 : f32
      %mul3A_2447 = vector.broadcast %mul3A_2446 : f32 to vector<256x256xf32>
      %mul3A_2448 = arith.mulf %dot_general3A_2445, %mul3A_2447 : vector<256x256xf32>
      %add3A_2449 = arith.addf %mul3A_2448, %select_n3A_2407 : vector<256x256xf32>
      %exp3A_2450 = math.exp %add3A_2449 : vector<256x256xf32>
      %swap3A_2451 = arith.constant 2 : index
      %swap3A_2452 = arith.index_cast %while3A_2375 : i32 to index
      %swap3A_2453 = arith.constant 0 : index
      %swap3A_2454 = arith.constant 0 : index
      %swap3A_2455 = vector.load %arg10[%swap3A_2451, %swap3A_2452, %swap3A_2453, %swap3A_2454] : memref<4x8x256x256xf32, #tpu.memory_space<vmem>>, vector<1x1x256x256xf32>
      %swap3A_2456 = vector.shape_cast %swap3A_2455 : vector<1x1x256x256xf32> to vector<256x256xf32>
      %swap3A_2457 = vector.shape_cast %exp3A_2450 : vector<256x256xf32> to vector<1x1x256x256xf32>
      tpu.vector_store %arg10[%swap3A_2451, %swap3A_2452, %swap3A_2453, %swap3A_2454], %swap3A_2457 {strides = array<i32>} : memref<4x8x256x256xf32, #tpu.memory_space<vmem>>, vector<1x1x256x256xf32>,
      %reduce_sum3A_2458 = arith.constant dense<0.000000e+00> : vector<256xf32>
      %reduce_sum3A_2459 = vector.multi_reduction <add>, %exp3A_2450, %reduce_sum3A_2458 [1] : vector<256x256xf32> to vector<256xf32>
      %broadcast_in_dim3A_2460 = vector.shape_cast %reduce_sum3A_2459 : vector<256xf32> to vector<256x1xf32>
      %add3A_2461 = arith.addf %while3A_2378, %broadcast_in_dim3A_2460 : vector<256x1xf32>
      %dot_general3A_2462 = arith.constant dense<0.000000e+00> : vector<256x256xf32>
      %dot_general3A_2463 = tpu.matmul %get3A_363, %get3A_2384, %dot_general3A_2462 {dimension_numbers = #tpu.dot_dimension_numbers<[1], [1], [0], [0], [0, 0, 1, 0], [], []>, transpose_lhs_hint = false} : vector<256x64xf32>, vector<256x64xf32>, vector<256x256xf32> -> vector<256x256xf32>
      %mul3A_2464 = arith.constant 1.250000e-01 : f32
      %mul3A_2465 = vector.broadcast %mul3A_2464 : f32 to vector<256x256xf32>
      %mul3A_2466 = arith.mulf %dot_general3A_2463, %mul3A_2465 : vector<256x256xf32>
      %add3A_2467 = arith.addf %mul3A_2466, %select_n3A_2407 : vector<256x256xf32>
      %exp3A_2468 = math.exp %add3A_2467 : vector<256x256xf32>
      %swap3A_2469 = arith.constant 3 : index
      %swap3A_2470 = arith.index_cast %while3A_2375 : i32 to index
      %swap3A_2471 = arith.constant 0 : index
      %swap3A_2472 = arith.constant 0 : index
      %swap3A_2473 = vector.load %arg10[%swap3A_2469, %swap3A_2470, %swap3A_2471, %swap3A_2472] : memref<4x8x256x256xf32, #tpu.memory_space<vmem>>, vector<1x1x256x256xf32>
      %swap3A_2474 = vector.shape_cast %swap3A_2473 : vector<1x1x256x256xf32> to vector<256x256xf32>
      %swap3A_2475 = vector.shape_cast %exp3A_2468 : vector<256x256xf32> to vector<1x1x256x256xf32>
      tpu.vector_store %arg10[%swap3A_2469, %swap3A_2470, %swap3A_2471, %swap3A_2472], %swap3A_2475 {strides = array<i32>} : memref<4x8x256x256xf32, #tpu.memory_space<vmem>>, vector<1x1x256x256xf32>,
      %reduce_sum3A_2476 = arith.constant dense<0.000000e+00> : vector<256xf32>
      %reduce_sum3A_2477 = vector.multi_reduction <add>, %exp3A_2468, %reduce_sum3A_2476 [1] : vector<256x256xf32> to vector<256xf32>
      %broadcast_in_dim3A_2478 = vector.shape_cast %reduce_sum3A_2477 : vector<256xf32> to vector<256x1xf32>
      %add3A_2479 = arith.addf %while3A_2379, %broadcast_in_dim3A_2478 : vector<256x1xf32>
      scf.yield %add3A_2425, %add3A_2443, %add3A_2461, %add3A_2479 : vector<256x1xf32>, vector<256x1xf32>, vector<256x1xf32>, vector<256x1xf32>
    }
    %while3A_382 = arith.constant 1 : i32
    %while3A_383:4 = scf.for %while3A_2375 = %while3A_379 to %while3A_375 step %while3A_382 iter_args(%while3A_2376 = %while3A_381#0, %while3A_2377 = %while3A_381#1, %while3A_2378 = %while3A_381#2, %while3A_2379 = %while3A_381#3) -> (vector<256x1xf32>, vector<256x1xf32>, vector<256x1xf32>, vector<256x1xf32>)  : i32 {
      %mul3A_2380 = arith.constant 256 : i32
      %mul3A_2381 = arith.muli %while3A_2375, %mul3A_2380 : i32
      %get3A_2382 = arith.index_cast %mul3A_2381 : i32 to index
      %get3A_2383 = arith.constant 0 : index
      %get3A_2384 = vector.load %arg2[%get3A_2382, %get3A_2383] : memref<2048x256xf32, #tpu.memory_space<vmem>>, vector<256x64xf32>
      %mul3A_2385 = arith.constant 8 : i32
      %mul3A_2386 = arith.muli %while3A_2375, %mul3A_2385 : i32
      %add3A_2387 = vector.broadcast %mul3A_2386 : i32 to vector<64x256xi32>
      %add3A_2388 = arith.addi %add3A_2387, %select_n3A_350 : vector<64x256xi32>
      %eq3A_2389 = arith.cmpi eq, %iota3A_318, %add3A_2388 : vector<64x256xi32>
      %convert_element_type3A_2390 = arith.extui %eq3A_2389 : vector<64x256xi1> to vector<64x256xi32>
      %convert_element_type3A_2391 = arith.sitofp %convert_element_type3A_2390 : vector<64x256xi32> to vector<64x256xf32>
      %dot_general3A_2392 = arith.constant dense<0.000000e+00> : vector<256x256xf32>
      %dot_general3A_2393 = tpu.matmul %convert_element_type3A_317, %convert_element_type3A_2391, %dot_general3A_2392 {dimension_numbers = #tpu.dot_dimension_numbers<[1], [0], [0], [1], [0, 0, 1, 1], [], []>, transpose_lhs_hint = false} : vector<256x64xf32>, vector<64x256xf32>, vector<256x256xf32> -> vector<256x256xf32>
      %mul3A_2394 = arith.constant 256 : i32
      %mul3A_2395 = arith.muli %while3A_2375, %mul3A_2394 : i32
      %add3A_2396 = vector.broadcast %mul3A_2395 : i32 to vector<256x256xi32>
      %add3A_2397 = arith.addi %add3A_2396, %iota3A_351 : vector<256x256xi32>
      %gt3A = arith.constant 5.000000e-01 : f32
      %gt3A_2398 = vector.broadcast %gt3A : f32 to vector<256x256xf32>
      %gt3A_2399 = arith.cmpf ogt, %dot_general3A_2393, %gt3A_2398 : vector<256x256xf32>
      %le3A_2400 = vector.broadcast %add3A_1 : vector<256x1xi32> to vector<256x256xi32>
      %le3A_2401 = arith.cmpi sle, %add3A_2397, %le3A_2400 : vector<256x256xi32>
      %and3A_2402 = arith.andi %gt3A_2399, %le3A_2401 : vector<256x256xi1>
      %jit3A_2403 = arith.constant 0.000000e+00 : f32
      %jit3A_2404 = arith.constant -1.000000e+30 : f32
      %broadcast_in_dim3A_2405 = vector.broadcast %jit3A_2403 : f32 to vector<256x256xf32>
      %broadcast_in_dim3A_2406 = vector.broadcast %jit3A_2404 : f32 to vector<256x256xf32>
      %select_n3A_2407 = arith.select %and3A_2402, %broadcast_in_dim3A_2405, %broadcast_in_dim3A_2406 : vector<256x256xi1>, vector<256x256xf32>
      %dot_general3A_2408 = arith.constant dense<0.000000e+00> : vector<256x256xf32>
      %dot_general3A_2409 = tpu.matmul %get3A_354, %get3A_2384, %dot_general3A_2408 {dimension_numbers = #tpu.dot_dimension_numbers<[1], [1], [0], [0], [0, 0, 1, 0], [], []>, transpose_lhs_hint = false} : vector<256x64xf32>, vector<256x64xf32>, vector<256x256xf32> -> vector<256x256xf32>
      %mul3A_2410 = arith.constant 1.250000e-01 : f32
      %mul3A_2411 = vector.broadcast %mul3A_2410 : f32 to vector<256x256xf32>
      %mul3A_2412 = arith.mulf %dot_general3A_2409, %mul3A_2411 : vector<256x256xf32>
      %add3A_2413 = arith.addf %mul3A_2412, %select_n3A_2407 : vector<256x256xf32>
      %exp3A_2414 = math.exp %add3A_2413 : vector<256x256xf32>
      %swap3A_2415 = arith.constant 0 : index
      %swap3A_2416 = arith.index_cast %while3A_2375 : i32 to index
      %swap3A_2417 = arith.constant 0 : index
      %swap3A_2418 = arith.constant 0 : index
      %swap3A_2419 = vector.load %arg10[%swap3A_2415, %swap3A_2416, %swap3A_2417, %swap3A_2418] : memref<4x8x256x256xf32, #tpu.memory_space<vmem>>, vector<1x1x256x256xf32>
      %swap3A_2420 = vector.shape_cast %swap3A_2419 : vector<1x1x256x256xf32> to vector<256x256xf32>
      %swap3A_2421 = vector.shape_cast %exp3A_2414 : vector<256x256xf32> to vector<1x1x256x256xf32>
      tpu.vector_store %arg10[%swap3A_2415, %swap3A_2416, %swap3A_2417, %swap3A_2418], %swap3A_2421 {strides = array<i32>} : memref<4x8x256x256xf32, #tpu.memory_space<vmem>>, vector<1x1x256x256xf32>,
      %reduce_sum3A_2422 = arith.constant dense<0.000000e+00> : vector<256xf32>
      %reduce_sum3A_2423 = vector.multi_reduction <add>, %exp3A_2414, %reduce_sum3A_2422 [1] : vector<256x256xf32> to vector<256xf32>
      %broadcast_in_dim3A_2424 = vector.shape_cast %reduce_sum3A_2423 : vector<256xf32> to vector<256x1xf32>
      %add3A_2425 = arith.addf %while3A_2376, %broadcast_in_dim3A_2424 : vector<256x1xf32>
      %dot_general3A_2426 = arith.constant dense<0.000000e+00> : vector<256x256xf32>
      %dot_general3A_2427 = tpu.matmul %get3A_357, %get3A_2384, %dot_general3A_2426 {dimension_numbers = #tpu.dot_dimension_numbers<[1], [1], [0], [0], [0, 0, 1, 0], [], []>, transpose_lhs_hint = false} : vector<256x64xf32>, vector<256x64xf32>, vector<256x256xf32> -> vector<256x256xf32>
      %mul3A_2428 = arith.constant 1.250000e-01 : f32
      %mul3A_2429 = vector.broadcast %mul3A_2428 : f32 to vector<256x256xf32>
      %mul3A_2430 = arith.mulf %dot_general3A_2427, %mul3A_2429 : vector<256x256xf32>
      %add3A_2431 = arith.addf %mul3A_2430, %select_n3A_2407 : vector<256x256xf32>
      %exp3A_2432 = math.exp %add3A_2431 : vector<256x256xf32>
      %swap3A_2433 = arith.constant 1 : index
      %swap3A_2434 = arith.index_cast %while3A_2375 : i32 to index
      %swap3A_2435 = arith.constant 0 : index
      %swap3A_2436 = arith.constant 0 : index
      %swap3A_2437 = vector.load %arg10[%swap3A_2433, %swap3A_2434, %swap3A_2435, %swap3A_2436] : memref<4x8x256x256xf32, #tpu.memory_space<vmem>>, vector<1x1x256x256xf32>
      %swap3A_2438 = vector.shape_cast %swap3A_2437 : vector<1x1x256x256xf32> to vector<256x256xf32>
      %swap3A_2439 = vector.shape_cast %exp3A_2432 : vector<256x256xf32> to vector<1x1x256x256xf32>
      tpu.vector_store %arg10[%swap3A_2433, %swap3A_2434, %swap3A_2435, %swap3A_2436], %swap3A_2439 {strides = array<i32>} : memref<4x8x256x256xf32, #tpu.memory_space<vmem>>, vector<1x1x256x256xf32>,
      %reduce_sum3A_2440 = arith.constant dense<0.000000e+00> : vector<256xf32>
      %reduce_sum3A_2441 = vector.multi_reduction <add>, %exp3A_2432, %reduce_sum3A_2440 [1] : vector<256x256xf32> to vector<256xf32>
      %broadcast_in_dim3A_2442 = vector.shape_cast %reduce_sum3A_2441 : vector<256xf32> to vector<256x1xf32>
      %add3A_2443 = arith.addf %while3A_2377, %broadcast_in_dim3A_2442 : vector<256x1xf32>
      %dot_general3A_2444 = arith.constant dense<0.000000e+00> : vector<256x256xf32>
      %dot_general3A_2445 = tpu.matmul %get3A_360, %get3A_2384, %dot_general3A_2444 {dimension_numbers = #tpu.dot_dimension_numbers<[1], [1], [0], [0], [0, 0, 1, 0], [], []>, transpose_lhs_hint = false} : vector<256x64xf32>, vector<256x64xf32>, vector<256x256xf32> -> vector<256x256xf32>
      %mul3A_2446 = arith.constant 1.250000e-01 : f32
      %mul3A_2447 = vector.broadcast %mul3A_2446 : f32 to vector<256x256xf32>
      %mul3A_2448 = arith.mulf %dot_general3A_2445, %mul3A_2447 : vector<256x256xf32>
      %add3A_2449 = arith.addf %mul3A_2448, %select_n3A_2407 : vector<256x256xf32>
      %exp3A_2450 = math.exp %add3A_2449 : vector<256x256xf32>
      %swap3A_2451 = arith.constant 2 : index
      %swap3A_2452 = arith.index_cast %while3A_2375 : i32 to index
      %swap3A_2453 = arith.constant 0 : index
      %swap3A_2454 = arith.constant 0 : index
      %swap3A_2455 = vector.load %arg10[%swap3A_2451, %swap3A_2452, %swap3A_2453, %swap3A_2454] : memref<4x8x256x256xf32, #tpu.memory_space<vmem>>, vector<1x1x256x256xf32>
      %swap3A_2456 = vector.shape_cast %swap3A_2455 : vector<1x1x256x256xf32> to vector<256x256xf32>
      %swap3A_2457 = vector.shape_cast %exp3A_2450 : vector<256x256xf32> to vector<1x1x256x256xf32>
      tpu.vector_store %arg10[%swap3A_2451, %swap3A_2452, %swap3A_2453, %swap3A_2454], %swap3A_2457 {strides = array<i32>} : memref<4x8x256x256xf32, #tpu.memory_space<vmem>>, vector<1x1x256x256xf32>,
      %reduce_sum3A_2458 = arith.constant dense<0.000000e+00> : vector<256xf32>
      %reduce_sum3A_2459 = vector.multi_reduction <add>, %exp3A_2450, %reduce_sum3A_2458 [1] : vector<256x256xf32> to vector<256xf32>
      %broadcast_in_dim3A_2460 = vector.shape_cast %reduce_sum3A_2459 : vector<256xf32> to vector<256x1xf32>
      %add3A_2461 = arith.addf %while3A_2378, %broadcast_in_dim3A_2460 : vector<256x1xf32>
      %dot_general3A_2462 = arith.constant dense<0.000000e+00> : vector<256x256xf32>
      %dot_general3A_2463 = tpu.matmul %get3A_363, %get3A_2384, %dot_general3A_2462 {dimension_numbers = #tpu.dot_dimension_numbers<[1], [1], [0], [0], [0, 0, 1, 0], [], []>, transpose_lhs_hint = false} : vector<256x64xf32>, vector<256x64xf32>, vector<256x256xf32> -> vector<256x256xf32>
      %mul3A_2464 = arith.constant 1.250000e-01 : f32
      %mul3A_2465 = vector.broadcast %mul3A_2464 : f32 to vector<256x256xf32>
      %mul3A_2466 = arith.mulf %dot_general3A_2463, %mul3A_2465 : vector<256x256xf32>
      %add3A_2467 = arith.addf %mul3A_2466, %select_n3A_2407 : vector<256x256xf32>
      %exp3A_2468 = math.exp %add3A_2467 : vector<256x256xf32>
      %swap3A_2469 = arith.constant 3 : index
      %swap3A_2470 = arith.index_cast %while3A_2375 : i32 to index
      %swap3A_2471 = arith.constant 0 : index
      %swap3A_2472 = arith.constant 0 : index
      %swap3A_2473 = vector.load %arg10[%swap3A_2469, %swap3A_2470, %swap3A_2471, %swap3A_2472] : memref<4x8x256x256xf32, #tpu.memory_space<vmem>>, vector<1x1x256x256xf32>
      %swap3A_2474 = vector.shape_cast %swap3A_2473 : vector<1x1x256x256xf32> to vector<256x256xf32>
      %swap3A_2475 = vector.shape_cast %exp3A_2468 : vector<256x256xf32> to vector<1x1x256x256xf32>
      tpu.vector_store %arg10[%swap3A_2469, %swap3A_2470, %swap3A_2471, %swap3A_2472], %swap3A_2475 {strides = array<i32>} : memref<4x8x256x256xf32, #tpu.memory_space<vmem>>, vector<1x1x256x256xf32>,
      %reduce_sum3A_2476 = arith.constant dense<0.000000e+00> : vector<256xf32>
      %reduce_sum3A_2477 = vector.multi_reduction <add>, %exp3A_2468, %reduce_sum3A_2476 [1] : vector<256x256xf32> to vector<256xf32>
      %broadcast_in_dim3A_2478 = vector.shape_cast %reduce_sum3A_2477 : vector<256xf32> to vector<256x1xf32>
      %add3A_2479 = arith.addf %while3A_2379, %broadcast_in_dim3A_2478 : vector<256x1xf32>
      scf.yield %add3A_2425, %add3A_2443, %add3A_2461, %add3A_2479 : vector<256x1xf32>, vector<256x1xf32>, vector<256x1xf32>, vector<256x1xf32>
    }
    %max3A_384 = arith.constant 9.99999971E-10 : f32
    %max3A_385 = vector.broadcast %max3A_384 : f32 to vector<256x1xf32>
    %max3A_386 = arith.maximumf %while3A_383#0, %max3A_385 : vector<256x1xf32>
    %div3A_387 = arith.constant 1.000000e+00 : f32
    %div3A_388 = vector.broadcast %div3A_387 : f32 to vector<256x1xf32>
    %div3A_389 = arith.divf %div3A_388, %max3A_386 : vector<256x1xf32>
    %max3A_390 = arith.constant 9.99999971E-10 : f32
    %max3A_391 = vector.broadcast %max3A_390 : f32 to vector<256x1xf32>
    %max3A_392 = arith.maximumf %while3A_383#1, %max3A_391 : vector<256x1xf32>
    %div3A_393 = arith.constant 1.000000e+00 : f32
    %div3A_394 = vector.broadcast %div3A_393 : f32 to vector<256x1xf32>
    %div3A_395 = arith.divf %div3A_394, %max3A_392 : vector<256x1xf32>
    %max3A_396 = arith.constant 9.99999971E-10 : f32
    %max3A_397 = vector.broadcast %max3A_396 : f32 to vector<256x1xf32>
    %max3A_398 = arith.maximumf %while3A_383#2, %max3A_397 : vector<256x1xf32>
    %div3A_399 = arith.constant 1.000000e+00 : f32
    %div3A_400 = vector.broadcast %div3A_399 : f32 to vector<256x1xf32>
    %div3A_401 = arith.divf %div3A_400, %max3A_398 : vector<256x1xf32>
    %max3A_402 = arith.constant 9.99999971E-10 : f32
    %max3A_403 = vector.broadcast %max3A_402 : f32 to vector<256x1xf32>
    %max3A_404 = arith.maximumf %while3A_383#3, %max3A_403 : vector<256x1xf32>
    %div3A_405 = arith.constant 1.000000e+00 : f32
    %div3A_406 = vector.broadcast %div3A_405 : f32 to vector<256x1xf32>
    %div3A_407 = arith.divf %div3A_406, %max3A_404 : vector<256x1xf32>
    %broadcast_in_dim3A_408 = arith.constant 0.000000e+00 : f32
    %broadcast_in_dim3A_409 = vector.broadcast %broadcast_in_dim3A_408 : f32 to vector<256x64xf32>
    %broadcast_in_dim3A_410 = arith.constant 0.000000e+00 : f32
    %broadcast_in_dim3A_411 = vector.broadcast %broadcast_in_dim3A_410 : f32 to vector<256x64xf32>
    %broadcast_in_dim3A_412 = arith.constant 0.000000e+00 : f32
    %broadcast_in_dim3A_413 = vector.broadcast %broadcast_in_dim3A_412 : f32 to vector<256x64xf32>
    %broadcast_in_dim3A_414 = arith.constant 0.000000e+00 : f32
    %broadcast_in_dim3A_415 = vector.broadcast %broadcast_in_dim3A_414 : f32 to vector<256x64xf32>
    %add3A_416 = arith.constant 1 : i32
    %add3A_417 = arith.addi %arg0, %add3A_416 : i32
    %while3A_418 = arith.constant 0 : i32
    %while3A_419 = arith.subi %add3A_417, %while3A_418 : i32
    %while3A_420 = arith.addi %while3A_418, %while3A_419 : i32
    %while3A_421 = arith.constant 1 : i32
    %while3A_422 = arith.divsi %while3A_419, %while3A_421 : i32
    %while3A_423 = arith.muli %while3A_422, %while3A_421 : i32
    %while3A_424 = arith.addi %while3A_418, %while3A_423 : i32
    %while3A_425 = arith.constant 1 : i32
    %while3A_426:4 = scf.for %while3A_2375 = %while3A_418 to %while3A_424 step %while3A_425 iter_args(%while3A_2376 = %broadcast_in_dim3A_409, %while3A_2377 = %broadcast_in_dim3A_411, %while3A_2378 = %broadcast_in_dim3A_413, %while3A_2379 = %broadcast_in_dim3A_415) -> (vector<256x64xf32>, vector<256x64xf32>, vector<256x64xf32>, vector<256x64xf32>)  : i32 {
      %mul3A_2380 = arith.constant 256 : i32
      %mul3A_2381 = arith.muli %while3A_2375, %mul3A_2380 : i32
      %get3A_2382 = arith.index_cast %mul3A_2381 : i32 to index
      %get3A_2383 = arith.constant 0 : index
      %get3A_2384 = vector.load %arg3[%get3A_2382, %get3A_2383] : memref<2048x256xf32, #tpu.memory_space<vmem>>, vector<256x64xf32>
      %get3A_2385 = arith.constant 0 : index
      %get3A_2386 = arith.index_cast %while3A_2375 : i32 to index
      %get3A_2387 = arith.constant 0 : index
      %get3A_2388 = arith.constant 0 : index
      %get3A_2389 = vector.load %arg10[%get3A_2385, %get3A_2386, %get3A_2387, %get3A_2388] : memref<4x8x256x256xf32, #tpu.memory_space<vmem>>, vector<1x1x256x256xf32>
      %get3A_2390 = vector.shape_cast %get3A_2389 : vector<1x1x256x256xf32> to vector<256x256xf32>
      %mul3A_2391 = vector.broadcast %div3A_389 : vector<256x1xf32> to vector<256x256xf32>
      %mul3A_2392 = arith.mulf %get3A_2390, %mul3A_2391 : vector<256x256xf32>
      %dot_general3A_2393 = arith.constant dense<0.000000e+00> : vector<256x64xf32>
      %dot_general3A_2394 = tpu.matmul %mul3A_2392, %get3A_2384, %dot_general3A_2393 {dimension_numbers = #tpu.dot_dimension_numbers<[1], [0], [0], [1], [0, 0, 1, 1], [], []>, transpose_lhs_hint = false} : vector<256x256xf32>, vector<256x64xf32>, vector<256x64xf32> -> vector<256x64xf32>
      %add3A_2395 = arith.addf %while3A_2376, %dot_general3A_2394 : vector<256x64xf32>
      %get3A_2396 = arith.constant 1 : index
      %get3A_2397 = arith.index_cast %while3A_2375 : i32 to index
      %get3A_2398 = arith.constant 0 : index
      %get3A_2399 = arith.constant 0 : index
      %get3A_2400 = vector.load %arg10[%get3A_2396, %get3A_2397, %get3A_2398, %get3A_2399] : memref<4x8x256x256xf32, #tpu.memory_space<vmem>>, vector<1x1x256x256xf32>
      %get3A_2401 = vector.shape_cast %get3A_2400 : vector<1x1x256x256xf32> to vector<256x256xf32>
      %mul3A_2402 = vector.broadcast %div3A_395 : vector<256x1xf32> to vector<256x256xf32>
      %mul3A_2403 = arith.mulf %get3A_2401, %mul3A_2402 : vector<256x256xf32>
      %dot_general3A_2404 = arith.constant dense<0.000000e+00> : vector<256x64xf32>
      %dot_general3A_2405 = tpu.matmul %mul3A_2403, %get3A_2384, %dot_general3A_2404 {dimension_numbers = #tpu.dot_dimension_numbers<[1], [0], [0], [1], [0, 0, 1, 1], [], []>, transpose_lhs_hint = false} : vector<256x256xf32>, vector<256x64xf32>, vector<256x64xf32> -> vector<256x64xf32>
      %add3A_2406 = arith.addf %while3A_2377, %dot_general3A_2405 : vector<256x64xf32>
      %get3A_2407 = arith.constant 2 : index
      %get3A_2408 = arith.index_cast %while3A_2375 : i32 to index
      %get3A_2409 = arith.constant 0 : index
      %get3A_2410 = arith.constant 0 : index
      %get3A_2411 = vector.load %arg10[%get3A_2407, %get3A_2408, %get3A_2409, %get3A_2410] : memref<4x8x256x256xf32, #tpu.memory_space<vmem>>, vector<1x1x256x256xf32>
      %get3A_2412 = vector.shape_cast %get3A_2411 : vector<1x1x256x256xf32> to vector<256x256xf32>
      %mul3A_2413 = vector.broadcast %div3A_401 : vector<256x1xf32> to vector<256x256xf32>
      %mul3A_2414 = arith.mulf %get3A_2412, %mul3A_2413 : vector<256x256xf32>
      %dot_general3A_2415 = arith.constant dense<0.000000e+00> : vector<256x64xf32>
      %dot_general3A_2416 = tpu.matmul %mul3A_2414, %get3A_2384, %dot_general3A_2415 {dimension_numbers = #tpu.dot_dimension_numbers<[1], [0], [0], [1], [0, 0, 1, 1], [], []>, transpose_lhs_hint = false} : vector<256x256xf32>, vector<256x64xf32>, vector<256x64xf32> -> vector<256x64xf32>
      %add3A_2417 = arith.addf %while3A_2378, %dot_general3A_2416 : vector<256x64xf32>
      %get3A_2418 = arith.constant 3 : index
      %get3A_2419 = arith.index_cast %while3A_2375 : i32 to index
      %get3A_2420 = arith.constant 0 : index
      %get3A_2421 = arith.constant 0 : index
      %get3A_2422 = vector.load %arg10[%get3A_2418, %get3A_2419, %get3A_2420, %get3A_2421] : memref<4x8x256x256xf32, #tpu.memory_space<vmem>>, vector<1x1x256x256xf32>
      %get3A_2423 = vector.shape_cast %get3A_2422 : vector<1x1x256x256xf32> to vector<256x256xf32>
      %mul3A_2424 = vector.broadcast %div3A_407 : vector<256x1xf32> to vector<256x256xf32>
      %mul3A_2425 = arith.mulf %get3A_2423, %mul3A_2424 : vector<256x256xf32>
      %dot_general3A_2426 = arith.constant dense<0.000000e+00> : vector<256x64xf32>
      %dot_general3A_2427 = tpu.matmul %mul3A_2425, %get3A_2384, %dot_general3A_2426 {dimension_numbers = #tpu.dot_dimension_numbers<[1], [0], [0], [1], [0, 0, 1, 1], [], []>, transpose_lhs_hint = false} : vector<256x256xf32>, vector<256x64xf32>, vector<256x64xf32> -> vector<256x64xf32>
      %add3A_2428 = arith.addf %while3A_2379, %dot_general3A_2427 : vector<256x64xf32>
      scf.yield %add3A_2395, %add3A_2406, %add3A_2417, %add3A_2428 : vector<256x64xf32>, vector<256x64xf32>, vector<256x64xf32>, vector<256x64xf32>
    }
    %while3A_427 = arith.constant 1 : i32
    %while3A_428:4 = scf.for %while3A_2375 = %while3A_424 to %while3A_420 step %while3A_427 iter_args(%while3A_2376 = %while3A_426#0, %while3A_2377 = %while3A_426#1, %while3A_2378 = %while3A_426#2, %while3A_2379 = %while3A_426#3) -> (vector<256x64xf32>, vector<256x64xf32>, vector<256x64xf32>, vector<256x64xf32>)  : i32 {
      %mul3A_2380 = arith.constant 256 : i32
      %mul3A_2381 = arith.muli %while3A_2375, %mul3A_2380 : i32
      %get3A_2382 = arith.index_cast %mul3A_2381 : i32 to index
      %get3A_2383 = arith.constant 0 : index
      %get3A_2384 = vector.load %arg3[%get3A_2382, %get3A_2383] : memref<2048x256xf32, #tpu.memory_space<vmem>>, vector<256x64xf32>
      %get3A_2385 = arith.constant 0 : index
      %get3A_2386 = arith.index_cast %while3A_2375 : i32 to index
      %get3A_2387 = arith.constant 0 : index
      %get3A_2388 = arith.constant 0 : index
      %get3A_2389 = vector.load %arg10[%get3A_2385, %get3A_2386, %get3A_2387, %get3A_2388] : memref<4x8x256x256xf32, #tpu.memory_space<vmem>>, vector<1x1x256x256xf32>
      %get3A_2390 = vector.shape_cast %get3A_2389 : vector<1x1x256x256xf32> to vector<256x256xf32>
      %mul3A_2391 = vector.broadcast %div3A_389 : vector<256x1xf32> to vector<256x256xf32>
      %mul3A_2392 = arith.mulf %get3A_2390, %mul3A_2391 : vector<256x256xf32>
      %dot_general3A_2393 = arith.constant dense<0.000000e+00> : vector<256x64xf32>
      %dot_general3A_2394 = tpu.matmul %mul3A_2392, %get3A_2384, %dot_general3A_2393 {dimension_numbers = #tpu.dot_dimension_numbers<[1], [0], [0], [1], [0, 0, 1, 1], [], []>, transpose_lhs_hint = false} : vector<256x256xf32>, vector<256x64xf32>, vector<256x64xf32> -> vector<256x64xf32>
      %add3A_2395 = arith.addf %while3A_2376, %dot_general3A_2394 : vector<256x64xf32>
      %get3A_2396 = arith.constant 1 : index
      %get3A_2397 = arith.index_cast %while3A_2375 : i32 to index
      %get3A_2398 = arith.constant 0 : index
      %get3A_2399 = arith.constant 0 : index
      %get3A_2400 = vector.load %arg10[%get3A_2396, %get3A_2397, %get3A_2398, %get3A_2399] : memref<4x8x256x256xf32, #tpu.memory_space<vmem>>, vector<1x1x256x256xf32>
      %get3A_2401 = vector.shape_cast %get3A_2400 : vector<1x1x256x256xf32> to vector<256x256xf32>
      %mul3A_2402 = vector.broadcast %div3A_395 : vector<256x1xf32> to vector<256x256xf32>
      %mul3A_2403 = arith.mulf %get3A_2401, %mul3A_2402 : vector<256x256xf32>
      %dot_general3A_2404 = arith.constant dense<0.000000e+00> : vector<256x64xf32>
      %dot_general3A_2405 = tpu.matmul %mul3A_2403, %get3A_2384, %dot_general3A_2404 {dimension_numbers = #tpu.dot_dimension_numbers<[1], [0], [0], [1], [0, 0, 1, 1], [], []>, transpose_lhs_hint = false} : vector<256x256xf32>, vector<256x64xf32>, vector<256x64xf32> -> vector<256x64xf32>
      %add3A_2406 = arith.addf %while3A_2377, %dot_general3A_2405 : vector<256x64xf32>
      %get3A_2407 = arith.constant 2 : index
      %get3A_2408 = arith.index_cast %while3A_2375 : i32 to index
      %get3A_2409 = arith.constant 0 : index
      %get3A_2410 = arith.constant 0 : index
      %get3A_2411 = vector.load %arg10[%get3A_2407, %get3A_2408, %get3A_2409, %get3A_2410] : memref<4x8x256x256xf32, #tpu.memory_space<vmem>>, vector<1x1x256x256xf32>
      %get3A_2412 = vector.shape_cast %get3A_2411 : vector<1x1x256x256xf32> to vector<256x256xf32>
      %mul3A_2413 = vector.broadcast %div3A_401 : vector<256x1xf32> to vector<256x256xf32>
      %mul3A_2414 = arith.mulf %get3A_2412, %mul3A_2413 : vector<256x256xf32>
      %dot_general3A_2415 = arith.constant dense<0.000000e+00> : vector<256x64xf32>
      %dot_general3A_2416 = tpu.matmul %mul3A_2414, %get3A_2384, %dot_general3A_2415 {dimension_numbers = #tpu.dot_dimension_numbers<[1], [0], [0], [1], [0, 0, 1, 1], [], []>, transpose_lhs_hint = false} : vector<256x256xf32>, vector<256x64xf32>, vector<256x64xf32> -> vector<256x64xf32>
      %add3A_2417 = arith.addf %while3A_2378, %dot_general3A_2416 : vector<256x64xf32>
      %get3A_2418 = arith.constant 3 : index
      %get3A_2419 = arith.index_cast %while3A_2375 : i32 to index
      %get3A_2420 = arith.constant 0 : index
      %get3A_2421 = arith.constant 0 : index
      %get3A_2422 = vector.load %arg10[%get3A_2418, %get3A_2419, %get3A_2420, %get3A_2421] : memref<4x8x256x256xf32, #tpu.memory_space<vmem>>, vector<1x1x256x256xf32>
      %get3A_2423 = vector.shape_cast %get3A_2422 : vector<1x1x256x256xf32> to vector<256x256xf32>
      %mul3A_2424 = vector.broadcast %div3A_407 : vector<256x1xf32> to vector<256x256xf32>
      %mul3A_2425 = arith.mulf %get3A_2423, %mul3A_2424 : vector<256x256xf32>
      %dot_general3A_2426 = arith.constant dense<0.000000e+00> : vector<256x64xf32>
      %dot_general3A_2427 = tpu.matmul %mul3A_2425, %get3A_2384, %dot_general3A_2426 {dimension_numbers = #tpu.dot_dimension_numbers<[1], [0], [0], [1], [0, 0, 1, 1], [], []>, transpose_lhs_hint = false} : vector<256x256xf32>, vector<256x64xf32>, vector<256x64xf32> -> vector<256x64xf32>
      %add3A_2428 = arith.addf %while3A_2379, %dot_general3A_2427 : vector<256x64xf32>
      scf.yield %add3A_2395, %add3A_2406, %add3A_2417, %add3A_2428 : vector<256x64xf32>, vector<256x64xf32>, vector<256x64xf32>, vector<256x64xf32>
    }
    %get3A_429 = arith.index_cast %mul3A_5 : i32 to index
    %get3A_430 = arith.constant 0 : index
    %get3A_431 = vector.load %arg2[%get3A_429, %get3A_430] : memref<2048x256xf32, #tpu.memory_space<vmem>>, vector<512x64xf32>
    %get3A_432 = arith.index_cast %mul3A_5 : i32 to index
    %get3A_433 = arith.constant 0 : index
    %get3A_434 = vector.load %arg3[%get3A_432, %get3A_433] : memref<2048x256xf32, #tpu.memory_space<vmem>>, vector<512x64xf32>
    %iota3A_435 = tpu.iota {dimensions = array<i32: 1>} : vector<256x512xi32>
    %add3A_436 = vector.broadcast %mul3A_5 : i32 to vector<256x512xi32>
    %add3A_437 = arith.addi %add3A_436, %iota3A_435 : vector<256x512xi32>
    %le3A_438 = vector.broadcast %add3A_1 : vector<256x1xi32> to vector<256x512xi32>
    %le3A_439 = arith.cmpi sle, %add3A_437, %le3A_438 : vector<256x512xi32>
    %sub3A_440 = vector.broadcast %add3A_1 : vector<256x1xi32> to vector<256x512xi32>
    %sub3A_441 = arith.subi %sub3A_440, %add3A_437 : vector<256x512xi32>
    %lt3A = arith.constant 256 : i32
    %lt3A_442 = vector.broadcast %lt3A : i32 to vector<256x512xi32>
    %lt3A_443 = arith.cmpi slt, %sub3A_441, %lt3A_442 : vector<256x512xi32>
    %and3A_444 = arith.andi %le3A_439, %lt3A_443 : vector<256x512xi1>
    %jit3A_445 = arith.constant 0.000000e+00 : f32
    %jit3A_446 = arith.constant -1.000000e+30 : f32
    %broadcast_in_dim3A_447 = vector.broadcast %jit3A_445 : f32 to vector<256x512xf32>
    %broadcast_in_dim3A_448 = vector.broadcast %jit3A_446 : f32 to vector<256x512xf32>
    %select_n3A_449 = arith.select %and3A_444, %broadcast_in_dim3A_447, %broadcast_in_dim3A_448 : vector<256x512xi1>, vector<256x512xf32>
    %dot_general3A_450 = arith.constant dense<0.000000e+00> : vector<256x512xf32>
    %dot_general3A_451 = tpu.matmul %get3A_354, %get3A_431, %dot_general3A_450 {dimension_numbers = #tpu.dot_dimension_numbers<[1], [1], [0], [0], [0, 0, 1, 0], [], []>, transpose_lhs_hint = false} : vector<256x64xf32>, vector<512x64xf32>, vector<256x512xf32> -> vector<256x512xf32>
    %mul3A_452 = arith.constant 1.250000e-01 : f32
    %mul3A_453 = vector.broadcast %mul3A_452 : f32 to vector<256x512xf32>
    %mul3A_454 = arith.mulf %dot_general3A_451, %mul3A_453 : vector<256x512xf32>
    %add3A_455 = arith.addf %mul3A_454, %select_n3A_449 : vector<256x512xf32>
    %exp3A_456 = math.exp %add3A_455 : vector<256x512xf32>
    %reduce_sum3A_457 = arith.constant dense<0.000000e+00> : vector<256xf32>
    %reduce_sum3A_458 = vector.multi_reduction <add>, %exp3A_456, %reduce_sum3A_457 [1] : vector<256x512xf32> to vector<256xf32>
    %broadcast_in_dim3A_459 = vector.shape_cast %reduce_sum3A_458 : vector<256xf32> to vector<256x1xf32>
    %div3A_460 = vector.broadcast %broadcast_in_dim3A_459 : vector<256x1xf32> to vector<256x512xf32>
    %div3A_461 = arith.divf %exp3A_456, %div3A_460 : vector<256x512xf32>
    %dot_general3A_462 = arith.constant dense<0.000000e+00> : vector<256x64xf32>
    %dot_general3A_463 = tpu.matmul %div3A_461, %get3A_434, %dot_general3A_462 {dimension_numbers = #tpu.dot_dimension_numbers<[1], [0], [0], [1], [0, 0, 1, 1], [], []>, transpose_lhs_hint = false} : vector<256x512xf32>, vector<512x64xf32>, vector<256x64xf32> -> vector<256x64xf32>
    %get3A_464 = arith.constant 0 : index
    %get3A_465 = arith.constant 0 : index
    %get3A_466 = vector.load %arg4[%get3A_464, %get3A_465] : memref<256x48xf32, #tpu.memory_space<vmem>>, vector<256x1xf32>
    %get3A_467 = arith.constant 0 : index
    %get3A_468 = arith.constant 1 : index
    %get3A_469 = vector.load %arg4[%get3A_467, %get3A_468] : memref<256x48xf32, #tpu.memory_space<vmem>>, vector<256x1xf32>
    %get3A_470 = arith.constant 0 : index
    %get3A_471 = arith.constant 2 : index
    %get3A_472 = vector.load %arg4[%get3A_470, %get3A_471] : memref<256x48xf32, #tpu.memory_space<vmem>>, vector<256x1xf32>
    %mul3A_473 = vector.broadcast %get3A_466 : vector<256x1xf32> to vector<256x64xf32>
    %mul3A_474 = arith.mulf %mul3A_473, %dot_general3A_67 : vector<256x64xf32>
    %mul3A_475 = vector.broadcast %get3A_469 : vector<256x1xf32> to vector<256x64xf32>
    %mul3A_476 = arith.mulf %mul3A_475, %while3A_428#0 : vector<256x64xf32>
    %add3A_477 = arith.addf %mul3A_474, %mul3A_476 : vector<256x64xf32>
    %mul3A_478 = vector.broadcast %get3A_472 : vector<256x1xf32> to vector<256x64xf32>
    %mul3A_479 = arith.mulf %mul3A_478, %dot_general3A_463 : vector<256x64xf32>
    %add3A_480 = arith.addf %add3A_477, %mul3A_479 : vector<256x64xf32>
    %dot_general3A_481 = arith.constant dense<0.000000e+00> : vector<256x512xf32>
    %dot_general3A_482 = tpu.matmul %get3A_357, %get3A_431, %dot_general3A_481 {dimension_numbers = #tpu.dot_dimension_numbers<[1], [1], [0], [0], [0, 0, 1, 0], [], []>, transpose_lhs_hint = false} : vector<256x64xf32>, vector<512x64xf32>, vector<256x512xf32> -> vector<256x512xf32>
    %mul3A_483 = arith.constant 1.250000e-01 : f32
    %mul3A_484 = vector.broadcast %mul3A_483 : f32 to vector<256x512xf32>
    %mul3A_485 = arith.mulf %dot_general3A_482, %mul3A_484 : vector<256x512xf32>
    %add3A_486 = arith.addf %mul3A_485, %select_n3A_449 : vector<256x512xf32>
    %exp3A_487 = math.exp %add3A_486 : vector<256x512xf32>
    %reduce_sum3A_488 = arith.constant dense<0.000000e+00> : vector<256xf32>
    %reduce_sum3A_489 = vector.multi_reduction <add>, %exp3A_487, %reduce_sum3A_488 [1] : vector<256x512xf32> to vector<256xf32>
    %broadcast_in_dim3A_490 = vector.shape_cast %reduce_sum3A_489 : vector<256xf32> to vector<256x1xf32>
    %div3A_491 = vector.broadcast %broadcast_in_dim3A_490 : vector<256x1xf32> to vector<256x512xf32>
    %div3A_492 = arith.divf %exp3A_487, %div3A_491 : vector<256x512xf32>
    %dot_general3A_493 = arith.constant dense<0.000000e+00> : vector<256x64xf32>
    %dot_general3A_494 = tpu.matmul %div3A_492, %get3A_434, %dot_general3A_493 {dimension_numbers = #tpu.dot_dimension_numbers<[1], [0], [0], [1], [0, 0, 1, 1], [], []>, transpose_lhs_hint = false} : vector<256x512xf32>, vector<512x64xf32>, vector<256x64xf32> -> vector<256x64xf32>
    %get3A_495 = arith.constant 0 : index
    %get3A_496 = arith.constant 3 : index
    %get3A_497 = vector.load %arg4[%get3A_495, %get3A_496] : memref<256x48xf32, #tpu.memory_space<vmem>>, vector<256x1xf32>
    %get3A_498 = arith.constant 0 : index
    %get3A_499 = arith.constant 4 : index
    %get3A_500 = vector.load %arg4[%get3A_498, %get3A_499] : memref<256x48xf32, #tpu.memory_space<vmem>>, vector<256x1xf32>
    %get3A_501 = arith.constant 0 : index
    %get3A_502 = arith.constant 5 : index
    %get3A_503 = vector.load %arg4[%get3A_501, %get3A_502] : memref<256x48xf32, #tpu.memory_space<vmem>>, vector<256x1xf32>
    %mul3A_504 = vector.broadcast %get3A_497 : vector<256x1xf32> to vector<256x64xf32>
    %mul3A_505 = arith.mulf %mul3A_504, %dot_general3A_98 : vector<256x64xf32>
    %mul3A_506 = vector.broadcast %get3A_500 : vector<256x1xf32> to vector<256x64xf32>
    %mul3A_507 = arith.mulf %mul3A_506, %while3A_428#1 : vector<256x64xf32>
    %add3A_508 = arith.addf %mul3A_505, %mul3A_507 : vector<256x64xf32>
    %mul3A_509 = vector.broadcast %get3A_503 : vector<256x1xf32> to vector<256x64xf32>
    %mul3A_510 = arith.mulf %mul3A_509, %dot_general3A_494 : vector<256x64xf32>
    %add3A_511 = arith.addf %add3A_508, %mul3A_510 : vector<256x64xf32>
    %dot_general3A_512 = arith.constant dense<0.000000e+00> : vector<256x512xf32>
    %dot_general3A_513 = tpu.matmul %get3A_360, %get3A_431, %dot_general3A_512 {dimension_numbers = #tpu.dot_dimension_numbers<[1], [1], [0], [0], [0, 0, 1, 0], [], []>, transpose_lhs_hint = false} : vector<256x64xf32>, vector<512x64xf32>, vector<256x512xf32> -> vector<256x512xf32>
    %mul3A_514 = arith.constant 1.250000e-01 : f32
    %mul3A_515 = vector.broadcast %mul3A_514 : f32 to vector<256x512xf32>
    %mul3A_516 = arith.mulf %dot_general3A_513, %mul3A_515 : vector<256x512xf32>
    %add3A_517 = arith.addf %mul3A_516, %select_n3A_449 : vector<256x512xf32>
    %exp3A_518 = math.exp %add3A_517 : vector<256x512xf32>
    %reduce_sum3A_519 = arith.constant dense<0.000000e+00> : vector<256xf32>
    %reduce_sum3A_520 = vector.multi_reduction <add>, %exp3A_518, %reduce_sum3A_519 [1] : vector<256x512xf32> to vector<256xf32>
    %broadcast_in_dim3A_521 = vector.shape_cast %reduce_sum3A_520 : vector<256xf32> to vector<256x1xf32>
    %div3A_522 = vector.broadcast %broadcast_in_dim3A_521 : vector<256x1xf32> to vector<256x512xf32>
    %div3A_523 = arith.divf %exp3A_518, %div3A_522 : vector<256x512xf32>
    %dot_general3A_524 = arith.constant dense<0.000000e+00> : vector<256x64xf32>
    %dot_general3A_525 = tpu.matmul %div3A_523, %get3A_434, %dot_general3A_524 {dimension_numbers = #tpu.dot_dimension_numbers<[1], [0], [0], [1], [0, 0, 1, 1], [], []>, transpose_lhs_hint = false} : vector<256x512xf32>, vector<512x64xf32>, vector<256x64xf32> -> vector<256x64xf32>
    %get3A_526 = arith.constant 0 : index
    %get3A_527 = arith.constant 6 : index
    %get3A_528 = vector.load %arg4[%get3A_526, %get3A_527] : memref<256x48xf32, #tpu.memory_space<vmem>>, vector<256x1xf32>
    %get3A_529 = arith.constant 0 : index
    %get3A_530 = arith.constant 7 : index
    %get3A_531 = vector.load %arg4[%get3A_529, %get3A_530] : memref<256x48xf32, #tpu.memory_space<vmem>>, vector<256x1xf32>
    %get3A_532 = arith.constant 0 : index
    %get3A_533 = arith.constant 8 : index
    %get3A_534 = vector.load %arg4[%get3A_532, %get3A_533] : memref<256x48xf32, #tpu.memory_space<vmem>>, vector<256x1xf32>
    %mul3A_535 = vector.broadcast %get3A_528 : vector<256x1xf32> to vector<256x64xf32>
    %mul3A_536 = arith.mulf %mul3A_535, %dot_general3A_129 : vector<256x64xf32>
    %mul3A_537 = vector.broadcast %get3A_531 : vector<256x1xf32> to vector<256x64xf32>
    %mul3A_538 = arith.mulf %mul3A_537, %while3A_428#2 : vector<256x64xf32>
    %add3A_539 = arith.addf %mul3A_536, %mul3A_538 : vector<256x64xf32>
    %mul3A_540 = vector.broadcast %get3A_534 : vector<256x1xf32> to vector<256x64xf32>
    %mul3A_541 = arith.mulf %mul3A_540, %dot_general3A_525 : vector<256x64xf32>
    %add3A_542 = arith.addf %add3A_539, %mul3A_541 : vector<256x64xf32>
    %dot_general3A_543 = arith.constant dense<0.000000e+00> : vector<256x512xf32>
    %dot_general3A_544 = tpu.matmul %get3A_363, %get3A_431, %dot_general3A_543 {dimension_numbers = #tpu.dot_dimension_numbers<[1], [1], [0], [0], [0, 0, 1, 0], [], []>, transpose_lhs_hint = false} : vector<256x64xf32>, vector<512x64xf32>, vector<256x512xf32> -> vector<256x512xf32>
    %mul3A_545 = arith.constant 1.250000e-01 : f32
    %mul3A_546 = vector.broadcast %mul3A_545 : f32 to vector<256x512xf32>
    %mul3A_547 = arith.mulf %dot_general3A_544, %mul3A_546 : vector<256x512xf32>
    %add3A_548 = arith.addf %mul3A_547, %select_n3A_449 : vector<256x512xf32>
    %exp3A_549 = math.exp %add3A_548 : vector<256x512xf32>
    %reduce_sum3A_550 = arith.constant dense<0.000000e+00> : vector<256xf32>
    %reduce_sum3A_551 = vector.multi_reduction <add>, %exp3A_549, %reduce_sum3A_550 [1] : vector<256x512xf32> to vector<256xf32>
    %broadcast_in_dim3A_552 = vector.shape_cast %reduce_sum3A_551 : vector<256xf32> to vector<256x1xf32>
    %div3A_553 = vector.broadcast %broadcast_in_dim3A_552 : vector<256x1xf32> to vector<256x512xf32>
    %div3A_554 = arith.divf %exp3A_549, %div3A_553 : vector<256x512xf32>
    %dot_general3A_555 = arith.constant dense<0.000000e+00> : vector<256x64xf32>
    %dot_general3A_556 = tpu.matmul %div3A_554, %get3A_434, %dot_general3A_555 {dimension_numbers = #tpu.dot_dimension_numbers<[1], [0], [0], [1], [0, 0, 1, 1], [], []>, transpose_lhs_hint = false} : vector<256x512xf32>, vector<512x64xf32>, vector<256x64xf32> -> vector<256x64xf32>
    %get3A_557 = arith.constant 0 : index
    %get3A_558 = arith.constant 9 : index
    %get3A_559 = vector.load %arg4[%get3A_557, %get3A_558] : memref<256x48xf32, #tpu.memory_space<vmem>>, vector<256x1xf32>
    %get3A_560 = arith.constant 0 : index
    %get3A_561 = arith.constant 10 : index
    %get3A_562 = vector.load %arg4[%get3A_560, %get3A_561] : memref<256x48xf32, #tpu.memory_space<vmem>>, vector<256x1xf32>
    %get3A_563 = arith.constant 0 : index
    %get3A_564 = arith.constant 11 : index
    %get3A_565 = vector.load %arg4[%get3A_563, %get3A_564] : memref<256x48xf32, #tpu.memory_space<vmem>>, vector<256x1xf32>
    %mul3A_566 = vector.broadcast %get3A_559 : vector<256x1xf32> to vector<256x64xf32>
    %mul3A_567 = arith.mulf %mul3A_566, %dot_general3A_160 : vector<256x64xf32>
    %mul3A_568 = vector.broadcast %get3A_562 : vector<256x1xf32> to vector<256x64xf32>
    %mul3A_569 = arith.mulf %mul3A_568, %while3A_428#3 : vector<256x64xf32>
    %add3A_570 = arith.addf %mul3A_567, %mul3A_569 : vector<256x64xf32>
    %mul3A_571 = vector.broadcast %get3A_565 : vector<256x1xf32> to vector<256x64xf32>
    %mul3A_572 = arith.mulf %mul3A_571, %dot_general3A_556 : vector<256x64xf32>
    %add3A_573 = arith.addf %add3A_570, %mul3A_572 : vector<256x64xf32>
    %get3A_574 = arith.constant 0 : index
    %get3A_575 = arith.constant 64 : index
    %get3A_576 = vector.load %arg2[%get3A_574, %get3A_575] : memref<2048x256xf32, #tpu.memory_space<vmem>>, vector<2048x64xf32>
    %get3A_577 = arith.constant 0 : index
    %get3A_578 = arith.constant 64 : index
    %get3A_579 = vector.load %arg3[%get3A_577, %get3A_578] : memref<2048x256xf32, #tpu.memory_space<vmem>>, vector<2048x64xf32>
    %reshape3A_580 = vector.shape_cast %get3A_576 : vector<2048x64xf32> to vector<128x16x64xf32>
    %reduce_sum3A_581 = arith.constant dense<0.000000e+00> : vector<128x64xf32>
    %reduce_sum3A_582 = vector.multi_reduction <add>, %reshape3A_580, %reduce_sum3A_581 [1] : vector<128x16x64xf32> to vector<128x64xf32>
    %div3A_583 = arith.constant 1.600000e+01 : f32
    %div3A_584 = vector.broadcast %div3A_583 : f32 to vector<128x64xf32>
    %div3A_585 = arith.divf %reduce_sum3A_582, %div3A_584 : vector<128x64xf32>
    %reshape3A_586 = vector.shape_cast %get3A_579 : vector<2048x64xf32> to vector<128x16x64xf32>
    %reduce_sum3A_587 = arith.constant dense<0.000000e+00> : vector<128x64xf32>
    %reduce_sum3A_588 = vector.multi_reduction <add>, %reshape3A_586, %reduce_sum3A_587 [1] : vector<128x16x64xf32> to vector<128x64xf32>
    %div3A_589 = arith.constant 1.600000e+01 : f32
    %div3A_590 = vector.broadcast %div3A_589 : f32 to vector<128x64xf32>
    %div3A_591 = arith.divf %reduce_sum3A_588, %div3A_590 : vector<128x64xf32>
    %slice3A_592 = vector.extract_strided_slice %div3A_585 {offsets = [0, 0], sizes = [127, 64], strides = [1, 1]} : vector<128x64xf32> to vector<127x64xf32>
    %slice3A_593 = vector.extract_strided_slice %div3A_585 {offsets = [1, 0], sizes = [127, 64], strides = [1, 1]} : vector<128x64xf32> to vector<127x64xf32>
    %add3A_594 = arith.addf %slice3A_592, %slice3A_593 : vector<127x64xf32>
    %mul3A_595 = arith.constant 5.000000e-01 : f32
    %mul3A_596 = vector.broadcast %mul3A_595 : f32 to vector<127x64xf32>
    %mul3A_597 = arith.mulf %add3A_594, %mul3A_596 : vector<127x64xf32>
    %slice3A_598 = vector.extract_strided_slice %div3A_591 {offsets = [0, 0], sizes = [127, 64], strides = [1, 1]} : vector<128x64xf32> to vector<127x64xf32>
    %slice3A_599 = vector.extract_strided_slice %div3A_591 {offsets = [1, 0], sizes = [127, 64], strides = [1, 1]} : vector<128x64xf32> to vector<127x64xf32>
    %add3A_600 = arith.addf %slice3A_598, %slice3A_599 : vector<127x64xf32>
    %mul3A_601 = arith.constant 5.000000e-01 : f32
    %mul3A_602 = vector.broadcast %mul3A_601 : f32 to vector<127x64xf32>
    %mul3A_603 = arith.mulf %add3A_600, %mul3A_602 : vector<127x64xf32>
    %iota3A_604 = tpu.iota {dimensions = array<i32: 1>} : vector<256x127xi32>
    %mul3A_605 = arith.constant 16 : i32
    %mul3A_606 = vector.broadcast %mul3A_605 : i32 to vector<256x127xi32>
    %mul3A_607 = arith.muli %mul3A_606, %iota3A_604 : vector<256x127xi32>
    %add3A_608 = arith.constant 32 : i32
    %add3A_609 = vector.broadcast %add3A_608 : i32 to vector<256x127xi32>
    %add3A_610 = arith.addi %mul3A_607, %add3A_609 : vector<256x127xi32>
    %sub3A_611 = arith.constant 1 : i32
    %sub3A_612 = vector.broadcast %sub3A_611 : i32 to vector<256x127xi32>
    %sub3A_613 = arith.subi %add3A_610, %sub3A_612 : vector<256x127xi32>
    %le3A_614 = vector.broadcast %add3A_1 : vector<256x1xi32> to vector<256x127xi32>
    %le3A_615 = arith.cmpi sle, %sub3A_613, %le3A_614 : vector<256x127xi32>
    %broadcast_in_dim3A_616 = arith.constant 0.000000e+00 : f32
    %broadcast_in_dim3A_617 = vector.broadcast %broadcast_in_dim3A_616 : f32 to vector<256x127xf32>
    %get3A_618 = arith.constant 0 : index
    %get3A_619 = arith.constant 256 : index
    %get3A_620 = vector.load %arg1[%get3A_618, %get3A_619] : memref<256x1024xf32, #tpu.memory_space<vmem>>, vector<256x64xf32>
    %dot_general3A_621 = arith.constant dense<0.000000e+00> : vector<256x127xf32>
    %dot_general3A_622 = tpu.matmul %get3A_620, %mul3A_597, %dot_general3A_621 {dimension_numbers = #tpu.dot_dimension_numbers<[1], [1], [0], [0], [0, 0, 1, 0], [], []>, transpose_lhs_hint = false} : vector<256x64xf32>, vector<127x64xf32>, vector<256x127xf32> -> vector<256x127xf32>
    %mul3A_623 = arith.constant 1.250000e-01 : f32
    %mul3A_624 = vector.broadcast %mul3A_623 : f32 to vector<256x127xf32>
    %mul3A_625 = arith.mulf %dot_general3A_622, %mul3A_624 : vector<256x127xf32>
    %jit3A_626 = arith.constant -1.000000e+30 : f32
    %broadcast_in_dim3A_627 = vector.broadcast %jit3A_626 : f32 to vector<256x127xf32>
    %select_n3A_628 = arith.select %le3A_615, %mul3A_625, %broadcast_in_dim3A_627 : vector<256x127xi1>, vector<256x127xf32>
    %reduce_max3A_629 = arith.constant dense<0xFF800000> : vector<256xf32>
    %reduce_max3A_630 = vector.multi_reduction <maximumf>, %select_n3A_628, %reduce_max3A_629 [1] : vector<256x127xf32> to vector<256xf32>
    %broadcast_in_dim3A_631 = vector.shape_cast %reduce_max3A_630 : vector<256xf32> to vector<256x1xf32>
    %sub3A_632 = vector.broadcast %broadcast_in_dim3A_631 : vector<256x1xf32> to vector<256x127xf32>
    %sub3A_633 = arith.subf %select_n3A_628, %sub3A_632 : vector<256x127xf32>
    %exp3A_634 = math.exp %sub3A_633 : vector<256x127xf32>
    %convert_element_type3A_635 = arith.extui %le3A_615 : vector<256x127xi1> to vector<256x127xi32>
    %convert_element_type3A_636 = arith.sitofp %convert_element_type3A_635 : vector<256x127xi32> to vector<256x127xf32>
    %mul3A_637 = arith.mulf %exp3A_634, %convert_element_type3A_636 : vector<256x127xf32>
    %reduce_sum3A_638 = arith.constant dense<0.000000e+00> : vector<256xf32>
    %reduce_sum3A_639 = vector.multi_reduction <add>, %mul3A_637, %reduce_sum3A_638 [1] : vector<256x127xf32> to vector<256xf32>
    %broadcast_in_dim3A_640 = vector.shape_cast %reduce_sum3A_639 : vector<256xf32> to vector<256x1xf32>
    %max3A_641 = arith.constant 9.99999971E-10 : f32
    %max3A_642 = vector.broadcast %max3A_641 : f32 to vector<256x1xf32>
    %max3A_643 = arith.maximumf %broadcast_in_dim3A_640, %max3A_642 : vector<256x1xf32>
    %div3A_644 = vector.broadcast %max3A_643 : vector<256x1xf32> to vector<256x127xf32>
    %div3A_645 = arith.divf %mul3A_637, %div3A_644 : vector<256x127xf32>
    %add3A_646 = arith.addf %broadcast_in_dim3A_617, %div3A_645 : vector<256x127xf32>
    %dot_general3A_647 = arith.constant dense<0.000000e+00> : vector<256x64xf32>
    %dot_general3A_648 = tpu.matmul %div3A_645, %mul3A_603, %dot_general3A_647 {dimension_numbers = #tpu.dot_dimension_numbers<[1], [0], [0], [1], [0, 0, 1, 1], [], []>, transpose_lhs_hint = false} : vector<256x127xf32>, vector<127x64xf32>, vector<256x64xf32> -> vector<256x64xf32>
    %get3A_649 = arith.constant 0 : index
    %get3A_650 = arith.constant 320 : index
    %get3A_651 = vector.load %arg1[%get3A_649, %get3A_650] : memref<256x1024xf32, #tpu.memory_space<vmem>>, vector<256x64xf32>
    %dot_general3A_652 = arith.constant dense<0.000000e+00> : vector<256x127xf32>
    %dot_general3A_653 = tpu.matmul %get3A_651, %mul3A_597, %dot_general3A_652 {dimension_numbers = #tpu.dot_dimension_numbers<[1], [1], [0], [0], [0, 0, 1, 0], [], []>, transpose_lhs_hint = false} : vector<256x64xf32>, vector<127x64xf32>, vector<256x127xf32> -> vector<256x127xf32>
    %mul3A_654 = arith.constant 1.250000e-01 : f32
    %mul3A_655 = vector.broadcast %mul3A_654 : f32 to vector<256x127xf32>
    %mul3A_656 = arith.mulf %dot_general3A_653, %mul3A_655 : vector<256x127xf32>
    %jit3A_657 = arith.constant -1.000000e+30 : f32
    %broadcast_in_dim3A_658 = vector.broadcast %jit3A_657 : f32 to vector<256x127xf32>
    %select_n3A_659 = arith.select %le3A_615, %mul3A_656, %broadcast_in_dim3A_658 : vector<256x127xi1>, vector<256x127xf32>
    %reduce_max3A_660 = arith.constant dense<0xFF800000> : vector<256xf32>
    %reduce_max3A_661 = vector.multi_reduction <maximumf>, %select_n3A_659, %reduce_max3A_660 [1] : vector<256x127xf32> to vector<256xf32>
    %broadcast_in_dim3A_662 = vector.shape_cast %reduce_max3A_661 : vector<256xf32> to vector<256x1xf32>
    %sub3A_663 = vector.broadcast %broadcast_in_dim3A_662 : vector<256x1xf32> to vector<256x127xf32>
    %sub3A_664 = arith.subf %select_n3A_659, %sub3A_663 : vector<256x127xf32>
    %exp3A_665 = math.exp %sub3A_664 : vector<256x127xf32>
    %convert_element_type3A_666 = arith.extui %le3A_615 : vector<256x127xi1> to vector<256x127xi32>
    %convert_element_type3A_667 = arith.sitofp %convert_element_type3A_666 : vector<256x127xi32> to vector<256x127xf32>
    %mul3A_668 = arith.mulf %exp3A_665, %convert_element_type3A_667 : vector<256x127xf32>
    %reduce_sum3A_669 = arith.constant dense<0.000000e+00> : vector<256xf32>
    %reduce_sum3A_670 = vector.multi_reduction <add>, %mul3A_668, %reduce_sum3A_669 [1] : vector<256x127xf32> to vector<256xf32>
    %broadcast_in_dim3A_671 = vector.shape_cast %reduce_sum3A_670 : vector<256xf32> to vector<256x1xf32>
    %max3A_672 = arith.constant 9.99999971E-10 : f32
    %max3A_673 = vector.broadcast %max3A_672 : f32 to vector<256x1xf32>
    %max3A_674 = arith.maximumf %broadcast_in_dim3A_671, %max3A_673 : vector<256x1xf32>
    %div3A_675 = vector.broadcast %max3A_674 : vector<256x1xf32> to vector<256x127xf32>
    %div3A_676 = arith.divf %mul3A_668, %div3A_675 : vector<256x127xf32>
    %add3A_677 = arith.addf %add3A_646, %div3A_676 : vector<256x127xf32>
    %dot_general3A_678 = arith.constant dense<0.000000e+00> : vector<256x64xf32>
    %dot_general3A_679 = tpu.matmul %div3A_676, %mul3A_603, %dot_general3A_678 {dimension_numbers = #tpu.dot_dimension_numbers<[1], [0], [0], [1], [0, 0, 1, 1], [], []>, transpose_lhs_hint = false} : vector<256x127xf32>, vector<127x64xf32>, vector<256x64xf32> -> vector<256x64xf32>
    %get3A_680 = arith.constant 0 : index
    %get3A_681 = arith.constant 384 : index
    %get3A_682 = vector.load %arg1[%get3A_680, %get3A_681] : memref<256x1024xf32, #tpu.memory_space<vmem>>, vector<256x64xf32>
    %dot_general3A_683 = arith.constant dense<0.000000e+00> : vector<256x127xf32>
    %dot_general3A_684 = tpu.matmul %get3A_682, %mul3A_597, %dot_general3A_683 {dimension_numbers = #tpu.dot_dimension_numbers<[1], [1], [0], [0], [0, 0, 1, 0], [], []>, transpose_lhs_hint = false} : vector<256x64xf32>, vector<127x64xf32>, vector<256x127xf32> -> vector<256x127xf32>
    %mul3A_685 = arith.constant 1.250000e-01 : f32
    %mul3A_686 = vector.broadcast %mul3A_685 : f32 to vector<256x127xf32>
    %mul3A_687 = arith.mulf %dot_general3A_684, %mul3A_686 : vector<256x127xf32>
    %jit3A_688 = arith.constant -1.000000e+30 : f32
    %broadcast_in_dim3A_689 = vector.broadcast %jit3A_688 : f32 to vector<256x127xf32>
    %select_n3A_690 = arith.select %le3A_615, %mul3A_687, %broadcast_in_dim3A_689 : vector<256x127xi1>, vector<256x127xf32>
    %reduce_max3A_691 = arith.constant dense<0xFF800000> : vector<256xf32>
    %reduce_max3A_692 = vector.multi_reduction <maximumf>, %select_n3A_690, %reduce_max3A_691 [1] : vector<256x127xf32> to vector<256xf32>
    %broadcast_in_dim3A_693 = vector.shape_cast %reduce_max3A_692 : vector<256xf32> to vector<256x1xf32>
    %sub3A_694 = vector.broadcast %broadcast_in_dim3A_693 : vector<256x1xf32> to vector<256x127xf32>
    %sub3A_695 = arith.subf %select_n3A_690, %sub3A_694 : vector<256x127xf32>
    %exp3A_696 = math.exp %sub3A_695 : vector<256x127xf32>
    %convert_element_type3A_697 = arith.extui %le3A_615 : vector<256x127xi1> to vector<256x127xi32>
    %convert_element_type3A_698 = arith.sitofp %convert_element_type3A_697 : vector<256x127xi32> to vector<256x127xf32>
    %mul3A_699 = arith.mulf %exp3A_696, %convert_element_type3A_698 : vector<256x127xf32>
    %reduce_sum3A_700 = arith.constant dense<0.000000e+00> : vector<256xf32>
    %reduce_sum3A_701 = vector.multi_reduction <add>, %mul3A_699, %reduce_sum3A_700 [1] : vector<256x127xf32> to vector<256xf32>
    %broadcast_in_dim3A_702 = vector.shape_cast %reduce_sum3A_701 : vector<256xf32> to vector<256x1xf32>
    %max3A_703 = arith.constant 9.99999971E-10 : f32
    %max3A_704 = vector.broadcast %max3A_703 : f32 to vector<256x1xf32>
    %max3A_705 = arith.maximumf %broadcast_in_dim3A_702, %max3A_704 : vector<256x1xf32>
    %div3A_706 = vector.broadcast %max3A_705 : vector<256x1xf32> to vector<256x127xf32>
    %div3A_707 = arith.divf %mul3A_699, %div3A_706 : vector<256x127xf32>
    %add3A_708 = arith.addf %add3A_677, %div3A_707 : vector<256x127xf32>
    %dot_general3A_709 = arith.constant dense<0.000000e+00> : vector<256x64xf32>
    %dot_general3A_710 = tpu.matmul %div3A_707, %mul3A_603, %dot_general3A_709 {dimension_numbers = #tpu.dot_dimension_numbers<[1], [0], [0], [1], [0, 0, 1, 1], [], []>, transpose_lhs_hint = false} : vector<256x127xf32>, vector<127x64xf32>, vector<256x64xf32> -> vector<256x64xf32>
    %get3A_711 = arith.constant 0 : index
    %get3A_712 = arith.constant 448 : index
    %get3A_713 = vector.load %arg1[%get3A_711, %get3A_712] : memref<256x1024xf32, #tpu.memory_space<vmem>>, vector<256x64xf32>
    %dot_general3A_714 = arith.constant dense<0.000000e+00> : vector<256x127xf32>
    %dot_general3A_715 = tpu.matmul %get3A_713, %mul3A_597, %dot_general3A_714 {dimension_numbers = #tpu.dot_dimension_numbers<[1], [1], [0], [0], [0, 0, 1, 0], [], []>, transpose_lhs_hint = false} : vector<256x64xf32>, vector<127x64xf32>, vector<256x127xf32> -> vector<256x127xf32>
    %mul3A_716 = arith.constant 1.250000e-01 : f32
    %mul3A_717 = vector.broadcast %mul3A_716 : f32 to vector<256x127xf32>
    %mul3A_718 = arith.mulf %dot_general3A_715, %mul3A_717 : vector<256x127xf32>
    %jit3A_719 = arith.constant -1.000000e+30 : f32
    %broadcast_in_dim3A_720 = vector.broadcast %jit3A_719 : f32 to vector<256x127xf32>
    %select_n3A_721 = arith.select %le3A_615, %mul3A_718, %broadcast_in_dim3A_720 : vector<256x127xi1>, vector<256x127xf32>
    %reduce_max3A_722 = arith.constant dense<0xFF800000> : vector<256xf32>
    %reduce_max3A_723 = vector.multi_reduction <maximumf>, %select_n3A_721, %reduce_max3A_722 [1] : vector<256x127xf32> to vector<256xf32>
    %broadcast_in_dim3A_724 = vector.shape_cast %reduce_max3A_723 : vector<256xf32> to vector<256x1xf32>
    %sub3A_725 = vector.broadcast %broadcast_in_dim3A_724 : vector<256x1xf32> to vector<256x127xf32>
    %sub3A_726 = arith.subf %select_n3A_721, %sub3A_725 : vector<256x127xf32>
    %exp3A_727 = math.exp %sub3A_726 : vector<256x127xf32>
    %convert_element_type3A_728 = arith.extui %le3A_615 : vector<256x127xi1> to vector<256x127xi32>
    %convert_element_type3A_729 = arith.sitofp %convert_element_type3A_728 : vector<256x127xi32> to vector<256x127xf32>
    %mul3A_730 = arith.mulf %exp3A_727, %convert_element_type3A_729 : vector<256x127xf32>
    %reduce_sum3A_731 = arith.constant dense<0.000000e+00> : vector<256xf32>
    %reduce_sum3A_732 = vector.multi_reduction <add>, %mul3A_730, %reduce_sum3A_731 [1] : vector<256x127xf32> to vector<256xf32>
    %broadcast_in_dim3A_733 = vector.shape_cast %reduce_sum3A_732 : vector<256xf32> to vector<256x1xf32>
    %max3A_734 = arith.constant 9.99999971E-10 : f32
    %max3A_735 = vector.broadcast %max3A_734 : f32 to vector<256x1xf32>
    %max3A_736 = arith.maximumf %broadcast_in_dim3A_733, %max3A_735 : vector<256x1xf32>
    %div3A_737 = vector.broadcast %max3A_736 : vector<256x1xf32> to vector<256x127xf32>
    %div3A_738 = arith.divf %mul3A_730, %div3A_737 : vector<256x127xf32>
    %add3A_739 = arith.addf %add3A_708, %div3A_738 : vector<256x127xf32>
    %dot_general3A_740 = arith.constant dense<0.000000e+00> : vector<256x64xf32>
    %dot_general3A_741 = tpu.matmul %div3A_738, %mul3A_603, %dot_general3A_740 {dimension_numbers = #tpu.dot_dimension_numbers<[1], [0], [0], [1], [0, 0, 1, 1], [], []>, transpose_lhs_hint = false} : vector<256x127xf32>, vector<127x64xf32>, vector<256x64xf32> -> vector<256x64xf32>
    %iota3A_742 = tpu.iota {dimensions = array<i32: 0>} : vector<127x64xi32>
    %iota3A_743 = tpu.iota {dimensions = array<i32: 1>} : vector<127x64xi32>
    %jit3A_744 = arith.constant 2 : i32
    %div3A_745 = vector.broadcast %jit3A_744 : i32 to vector<127x64xi32>
    %div3A_746 = arith.divsi %iota3A_742, %div3A_745 : vector<127x64xi32>
    %sign3A_747 = arith.constant 0 : i32
    %sign3A_748 = vector.broadcast %sign3A_747 : i32 to vector<127x64xi32>
    %sign3A_749 = arith.cmpi sgt, %iota3A_742, %sign3A_748 : vector<127x64xi32>
    %sign3A_750 = arith.extui %sign3A_749 : vector<127x64xi1> to vector<127x64xi32>
    %sign3A_751 = arith.constant 0 : i32
    %sign3A_752 = vector.broadcast %sign3A_751 : i32 to vector<127x64xi32>
    %sign3A_753 = arith.cmpi slt, %iota3A_742, %sign3A_752 : vector<127x64xi32>
    %sign3A_754 = arith.extui %sign3A_753 : vector<127x64xi1> to vector<127x64xi32>
    %sign3A_755 = arith.subi %sign3A_750, %sign3A_754 : vector<127x64xi32>
    %sign3A_756 = arith.constant 0 : i32
    %sign3A_757 = arith.cmpi sgt, %jit3A_744, %sign3A_756 : i32
    %sign3A_758 = arith.extui %sign3A_757 : i1 to i32
    %sign3A_759 = arith.constant 0 : i32
    %sign3A_760 = arith.cmpi slt, %jit3A_744, %sign3A_759 : i32
    %sign3A_761 = arith.extui %sign3A_760 : i1 to i32
    %sign3A_762 = arith.subi %sign3A_758, %sign3A_761 : i32
    %ne3A_763 = vector.broadcast %sign3A_762 : i32 to vector<127x64xi32>
    %ne3A_764 = arith.cmpi ne, %sign3A_755, %ne3A_763 : vector<127x64xi32>
    %rem3A_765 = vector.broadcast %jit3A_744 : i32 to vector<127x64xi32>
    %rem3A_766 = arith.remsi %iota3A_742, %rem3A_765 : vector<127x64xi32>
    %ne3A_767 = arith.constant 0 : i32
    %ne3A_768 = vector.broadcast %ne3A_767 : i32 to vector<127x64xi32>
    %ne3A_769 = arith.cmpi ne, %rem3A_766, %ne3A_768 : vector<127x64xi32>
    %and3A_770 = arith.andi %ne3A_764, %ne3A_769 : vector<127x64xi1>
    %sub3A_771 = arith.constant 1 : i32
    %sub3A_772 = vector.broadcast %sub3A_771 : i32 to vector<127x64xi32>
    %sub3A_773 = arith.subi %div3A_746, %sub3A_772 : vector<127x64xi32>
    %select_n3A_774 = arith.select %and3A_770, %sub3A_773, %div3A_746 : vector<127x64xi1>, vector<127x64xi32>
    %eq3A_775 = arith.cmpi eq, %select_n3A_774, %iota3A_743 : vector<127x64xi32>
    %convert_element_type3A_776 = arith.extui %eq3A_775 : vector<127x64xi1> to vector<127x64xi32>
    %convert_element_type3A_777 = arith.sitofp %convert_element_type3A_776 : vector<127x64xi32> to vector<127x64xf32>
    %dot_general3A_778 = arith.constant dense<0.000000e+00> : vector<256x64xf32>
    %dot_general3A_779 = tpu.matmul %add3A_739, %convert_element_type3A_777, %dot_general3A_778 {dimension_numbers = #tpu.dot_dimension_numbers<[1], [0], [0], [1], [0, 0, 1, 1], [], []>, transpose_lhs_hint = false} : vector<256x127xf32>, vector<127x64xf32>, vector<256x64xf32> -> vector<256x64xf32>
    %iota3A_780 = tpu.iota {dimensions = array<i32: 1>} : vector<256x64xi32>
    %jit3A_781 = arith.constant 32 : i32
    %div3A_782 = vector.broadcast %jit3A_781 : i32 to vector<256x1xi32>
    %div3A_783 = arith.divsi %add3A_1, %div3A_782 : vector<256x1xi32>
    %sign3A_784 = arith.constant 0 : i32
    %sign3A_785 = vector.broadcast %sign3A_784 : i32 to vector<256x1xi32>
    %sign3A_786 = arith.cmpi sgt, %add3A_1, %sign3A_785 : vector<256x1xi32>
    %sign3A_787 = arith.extui %sign3A_786 : vector<256x1xi1> to vector<256x1xi32>
    %sign3A_788 = arith.constant 0 : i32
    %sign3A_789 = vector.broadcast %sign3A_788 : i32 to vector<256x1xi32>
    %sign3A_790 = arith.cmpi slt, %add3A_1, %sign3A_789 : vector<256x1xi32>
    %sign3A_791 = arith.extui %sign3A_790 : vector<256x1xi1> to vector<256x1xi32>
    %sign3A_792 = arith.subi %sign3A_787, %sign3A_791 : vector<256x1xi32>
    %sign3A_793 = arith.constant 0 : i32
    %sign3A_794 = arith.cmpi sgt, %jit3A_781, %sign3A_793 : i32
    %sign3A_795 = arith.extui %sign3A_794 : i1 to i32
    %sign3A_796 = arith.constant 0 : i32
    %sign3A_797 = arith.cmpi slt, %jit3A_781, %sign3A_796 : i32
    %sign3A_798 = arith.extui %sign3A_797 : i1 to i32
    %sign3A_799 = arith.subi %sign3A_795, %sign3A_798 : i32
    %ne3A_800 = vector.broadcast %sign3A_799 : i32 to vector<256x1xi32>
    %ne3A_801 = arith.cmpi ne, %sign3A_792, %ne3A_800 : vector<256x1xi32>
    %rem3A_802 = vector.broadcast %jit3A_781 : i32 to vector<256x1xi32>
    %rem3A_803 = arith.remsi %add3A_1, %rem3A_802 : vector<256x1xi32>
    %ne3A_804 = arith.constant 0 : i32
    %ne3A_805 = vector.broadcast %ne3A_804 : i32 to vector<256x1xi32>
    %ne3A_806 = arith.cmpi ne, %rem3A_803, %ne3A_805 : vector<256x1xi32>
    %and3A_807 = arith.andi %ne3A_801, %ne3A_806 : vector<256x1xi1>
    %sub3A_808 = arith.constant 1 : i32
    %sub3A_809 = vector.broadcast %sub3A_808 : i32 to vector<256x1xi32>
    %sub3A_810 = arith.subi %div3A_783, %sub3A_809 : vector<256x1xi32>
    %select_n3A_811 = arith.select %and3A_807, %sub3A_810, %div3A_783 : vector<256x1xi1>, vector<256x1xi32>
    %eq3A_812 = vector.broadcast %select_n3A_811 : vector<256x1xi32> to vector<256x64xi32>
    %eq3A_813 = arith.cmpi eq, %iota3A_780, %eq3A_812 : vector<256x64xi32>
    %jit3A_814 = arith.constant 1.000000e+06 : f32
    %jit3A_815 = arith.constant 0.000000e+00 : f32
    %broadcast_in_dim3A_816 = vector.broadcast %jit3A_814 : f32 to vector<256x64xf32>
    %broadcast_in_dim3A_817 = vector.broadcast %jit3A_815 : f32 to vector<256x64xf32>
    %select_n3A_818 = arith.select %eq3A_813, %broadcast_in_dim3A_816, %broadcast_in_dim3A_817 : vector<256x64xi1>, vector<256x64xf32>
    %eq3A_819 = arith.constant 0 : i32
    %eq3A_820 = vector.broadcast %eq3A_819 : i32 to vector<256x64xi32>
    %eq3A_821 = arith.cmpi eq, %iota3A_780, %eq3A_820 : vector<256x64xi32>
    %jit3A_822 = arith.constant 1.000000e+06 : f32
    %jit3A_823 = arith.constant 0.000000e+00 : f32
    %broadcast_in_dim3A_824 = vector.broadcast %jit3A_822 : f32 to vector<256x64xf32>
    %broadcast_in_dim3A_825 = vector.broadcast %jit3A_823 : f32 to vector<256x64xf32>
    %select_n3A_826 = arith.select %eq3A_821, %broadcast_in_dim3A_824, %broadcast_in_dim3A_825 : vector<256x64xi1>, vector<256x64xf32>
    %add3A_827 = arith.addf %select_n3A_818, %select_n3A_826 : vector<256x64xf32>
    %mul3A_828 = arith.constant 32 : i32
    %mul3A_829 = vector.broadcast %mul3A_828 : i32 to vector<256x64xi32>
    %mul3A_830 = arith.muli %iota3A_780, %mul3A_829 : vector<256x64xi32>
    %le3A_831 = vector.broadcast %add3A_1 : vector<256x1xi32> to vector<256x64xi32>
    %le3A_832 = arith.cmpi sle, %mul3A_830, %le3A_831 : vector<256x64xi32>
    %add3A_833 = arith.addf %dot_general3A_779, %add3A_827 : vector<256x64xf32>
    %jit3A_834 = arith.constant 0xFF800000 : f32
    %broadcast_in_dim3A_835 = vector.broadcast %jit3A_834 : f32 to vector<256x64xf32>
    %select_n3A_836 = arith.select %le3A_832, %add3A_833, %broadcast_in_dim3A_835 : vector<256x64xi1>, vector<256x64xf32>
    %broadcast_in_dim3A_837 = arith.constant false
    %broadcast_in_dim3A_838 = vector.broadcast %broadcast_in_dim3A_837 : i1 to vector<256x64xi1>
    %reduce_max3A_839 = arith.constant dense<0xFF800000> : vector<256xf32>
    %reduce_max3A_840 = vector.multi_reduction <maximumf>, %select_n3A_836, %reduce_max3A_839 [1] : vector<256x64xf32> to vector<256xf32>
    %broadcast_in_dim3A_841 = vector.shape_cast %reduce_max3A_840 : vector<256xf32> to vector<256x1xf32>
    %eq3A_842 = vector.broadcast %broadcast_in_dim3A_841 : vector<256x1xf32> to vector<256x64xf32>
    %eq3A_843 = arith.cmpf oeq, %select_n3A_836, %eq3A_842 : vector<256x64xf32>
    %jit3A_844 = arith.constant 65 : i32
    %broadcast_in_dim3A_845 = vector.broadcast %jit3A_844 : i32 to vector<256x64xi32>
    %select_n3A_846 = arith.select %eq3A_843, %iota3A_780, %broadcast_in_dim3A_845 : vector<256x64xi1>, vector<256x64xi32>
    %reduce_min3A_847 = arith.constant dense<2147483647> : vector<256xi32>
    %reduce_min3A_848 = vector.multi_reduction <minsi>, %select_n3A_846, %reduce_min3A_847 [1] : vector<256x64xi32> to vector<256xi32>
    %broadcast_in_dim3A_849 = vector.shape_cast %reduce_min3A_848 : vector<256xi32> to vector<256x1xi32>
    %eq3A_850 = vector.broadcast %broadcast_in_dim3A_849 : vector<256x1xi32> to vector<256x64xi32>
    %eq3A_851 = arith.cmpi eq, %iota3A_780, %eq3A_850 : vector<256x64xi32>
    %or3A_852 = arith.ori %broadcast_in_dim3A_838, %eq3A_851 : vector<256x64xi1>
    %jit3A_853 = arith.constant 0xFF800000 : f32
    %broadcast_in_dim3A_854 = vector.broadcast %jit3A_853 : f32 to vector<256x64xf32>
    %select_n3A_855 = arith.select %eq3A_851, %broadcast_in_dim3A_854, %select_n3A_836 : vector<256x64xi1>, vector<256x64xf32>
    %reduce_max3A_856 = arith.constant dense<0xFF800000> : vector<256xf32>
    %reduce_max3A_857 = vector.multi_reduction <maximumf>, %select_n3A_855, %reduce_max3A_856 [1] : vector<256x64xf32> to vector<256xf32>
    %broadcast_in_dim3A_858 = vector.shape_cast %reduce_max3A_857 : vector<256xf32> to vector<256x1xf32>
    %eq3A_859 = vector.broadcast %broadcast_in_dim3A_858 : vector<256x1xf32> to vector<256x64xf32>
    %eq3A_860 = arith.cmpf oeq, %select_n3A_855, %eq3A_859 : vector<256x64xf32>
    %jit3A_861 = arith.constant 65 : i32
    %broadcast_in_dim3A_862 = vector.broadcast %jit3A_861 : i32 to vector<256x64xi32>
    %select_n3A_863 = arith.select %eq3A_860, %iota3A_780, %broadcast_in_dim3A_862 : vector<256x64xi1>, vector<256x64xi32>
    %reduce_min3A_864 = arith.constant dense<2147483647> : vector<256xi32>
    %reduce_min3A_865 = vector.multi_reduction <minsi>, %select_n3A_863, %reduce_min3A_864 [1] : vector<256x64xi32> to vector<256xi32>
    %broadcast_in_dim3A_866 = vector.shape_cast %reduce_min3A_865 : vector<256xi32> to vector<256x1xi32>
    %eq3A_867 = vector.broadcast %broadcast_in_dim3A_866 : vector<256x1xi32> to vector<256x64xi32>
    %eq3A_868 = arith.cmpi eq, %iota3A_780, %eq3A_867 : vector<256x64xi32>
    %or3A_869 = arith.ori %or3A_852, %eq3A_868 : vector<256x64xi1>
    %jit3A_870 = arith.constant 0xFF800000 : f32
    %broadcast_in_dim3A_871 = vector.broadcast %jit3A_870 : f32 to vector<256x64xf32>
    %select_n3A_872 = arith.select %eq3A_868, %broadcast_in_dim3A_871, %select_n3A_855 : vector<256x64xi1>, vector<256x64xf32>
    %reduce_max3A_873 = arith.constant dense<0xFF800000> : vector<256xf32>
    %reduce_max3A_874 = vector.multi_reduction <maximumf>, %select_n3A_872, %reduce_max3A_873 [1] : vector<256x64xf32> to vector<256xf32>
    %broadcast_in_dim3A_875 = vector.shape_cast %reduce_max3A_874 : vector<256xf32> to vector<256x1xf32>
    %eq3A_876 = vector.broadcast %broadcast_in_dim3A_875 : vector<256x1xf32> to vector<256x64xf32>
    %eq3A_877 = arith.cmpf oeq, %select_n3A_872, %eq3A_876 : vector<256x64xf32>
    %jit3A_878 = arith.constant 65 : i32
    %broadcast_in_dim3A_879 = vector.broadcast %jit3A_878 : i32 to vector<256x64xi32>
    %select_n3A_880 = arith.select %eq3A_877, %iota3A_780, %broadcast_in_dim3A_879 : vector<256x64xi1>, vector<256x64xi32>
    %reduce_min3A_881 = arith.constant dense<2147483647> : vector<256xi32>
    %reduce_min3A_882 = vector.multi_reduction <minsi>, %select_n3A_880, %reduce_min3A_881 [1] : vector<256x64xi32> to vector<256xi32>
    %broadcast_in_dim3A_883 = vector.shape_cast %reduce_min3A_882 : vector<256xi32> to vector<256x1xi32>
    %eq3A_884 = vector.broadcast %broadcast_in_dim3A_883 : vector<256x1xi32> to vector<256x64xi32>
    %eq3A_885 = arith.cmpi eq, %iota3A_780, %eq3A_884 : vector<256x64xi32>
    %or3A_886 = arith.ori %or3A_869, %eq3A_885 : vector<256x64xi1>
    %jit3A_887 = arith.constant 0xFF800000 : f32
    %broadcast_in_dim3A_888 = vector.broadcast %jit3A_887 : f32 to vector<256x64xf32>
    %select_n3A_889 = arith.select %eq3A_885, %broadcast_in_dim3A_888, %select_n3A_872 : vector<256x64xi1>, vector<256x64xf32>
    %reduce_max3A_890 = arith.constant dense<0xFF800000> : vector<256xf32>
    %reduce_max3A_891 = vector.multi_reduction <maximumf>, %select_n3A_889, %reduce_max3A_890 [1] : vector<256x64xf32> to vector<256xf32>
    %broadcast_in_dim3A_892 = vector.shape_cast %reduce_max3A_891 : vector<256xf32> to vector<256x1xf32>
    %eq3A_893 = vector.broadcast %broadcast_in_dim3A_892 : vector<256x1xf32> to vector<256x64xf32>
    %eq3A_894 = arith.cmpf oeq, %select_n3A_889, %eq3A_893 : vector<256x64xf32>
    %jit3A_895 = arith.constant 65 : i32
    %broadcast_in_dim3A_896 = vector.broadcast %jit3A_895 : i32 to vector<256x64xi32>
    %select_n3A_897 = arith.select %eq3A_894, %iota3A_780, %broadcast_in_dim3A_896 : vector<256x64xi1>, vector<256x64xi32>
    %reduce_min3A_898 = arith.constant dense<2147483647> : vector<256xi32>
    %reduce_min3A_899 = vector.multi_reduction <minsi>, %select_n3A_897, %reduce_min3A_898 [1] : vector<256x64xi32> to vector<256xi32>
    %broadcast_in_dim3A_900 = vector.shape_cast %reduce_min3A_899 : vector<256xi32> to vector<256x1xi32>
    %eq3A_901 = vector.broadcast %broadcast_in_dim3A_900 : vector<256x1xi32> to vector<256x64xi32>
    %eq3A_902 = arith.cmpi eq, %iota3A_780, %eq3A_901 : vector<256x64xi32>
    %or3A_903 = arith.ori %or3A_886, %eq3A_902 : vector<256x64xi1>
    %convert_element_type3A_904 = arith.extui %or3A_903 : vector<256x64xi1> to vector<256x64xi32>
    %convert_element_type3A_905 = arith.sitofp %convert_element_type3A_904 : vector<256x64xi32> to vector<256x64xf32>
    %iota3A_906 = tpu.iota {dimensions = array<i32: 0>} : vector<64x256xi32>
    %iota3A_907 = tpu.iota {dimensions = array<i32: 1>} : vector<64x256xi32>
    %jit3A_908 = arith.constant 32 : i32
    %div3A_909 = vector.broadcast %jit3A_908 : i32 to vector<64x256xi32>
    %div3A_910 = arith.divsi %iota3A_907, %div3A_909 : vector<64x256xi32>
    %sign3A_911 = arith.constant 0 : i32
    %sign3A_912 = vector.broadcast %sign3A_911 : i32 to vector<64x256xi32>
    %sign3A_913 = arith.cmpi sgt, %iota3A_907, %sign3A_912 : vector<64x256xi32>
    %sign3A_914 = arith.extui %sign3A_913 : vector<64x256xi1> to vector<64x256xi32>
    %sign3A_915 = arith.constant 0 : i32
    %sign3A_916 = vector.broadcast %sign3A_915 : i32 to vector<64x256xi32>
    %sign3A_917 = arith.cmpi slt, %iota3A_907, %sign3A_916 : vector<64x256xi32>
    %sign3A_918 = arith.extui %sign3A_917 : vector<64x256xi1> to vector<64x256xi32>
    %sign3A_919 = arith.subi %sign3A_914, %sign3A_918 : vector<64x256xi32>
    %sign3A_920 = arith.constant 0 : i32
    %sign3A_921 = arith.cmpi sgt, %jit3A_908, %sign3A_920 : i32
    %sign3A_922 = arith.extui %sign3A_921 : i1 to i32
    %sign3A_923 = arith.constant 0 : i32
    %sign3A_924 = arith.cmpi slt, %jit3A_908, %sign3A_923 : i32
    %sign3A_925 = arith.extui %sign3A_924 : i1 to i32
    %sign3A_926 = arith.subi %sign3A_922, %sign3A_925 : i32
    %ne3A_927 = vector.broadcast %sign3A_926 : i32 to vector<64x256xi32>
    %ne3A_928 = arith.cmpi ne, %sign3A_919, %ne3A_927 : vector<64x256xi32>
    %rem3A_929 = vector.broadcast %jit3A_908 : i32 to vector<64x256xi32>
    %rem3A_930 = arith.remsi %iota3A_907, %rem3A_929 : vector<64x256xi32>
    %ne3A_931 = arith.constant 0 : i32
    %ne3A_932 = vector.broadcast %ne3A_931 : i32 to vector<64x256xi32>
    %ne3A_933 = arith.cmpi ne, %rem3A_930, %ne3A_932 : vector<64x256xi32>
    %and3A_934 = arith.andi %ne3A_928, %ne3A_933 : vector<64x256xi1>
    %sub3A_935 = arith.constant 1 : i32
    %sub3A_936 = vector.broadcast %sub3A_935 : i32 to vector<64x256xi32>
    %sub3A_937 = arith.subi %div3A_910, %sub3A_936 : vector<64x256xi32>
    %select_n3A_938 = arith.select %and3A_934, %sub3A_937, %div3A_910 : vector<64x256xi1>, vector<64x256xi32>
    %iota3A_939 = tpu.iota {dimensions = array<i32: 1>} : vector<256x256xi32>
    %get3A_940 = arith.constant 0 : index
    %get3A_941 = arith.constant 256 : index
    %get3A_942 = vector.load %arg1[%get3A_940, %get3A_941] : memref<256x1024xf32, #tpu.memory_space<vmem>>, vector<256x64xf32>
    %get3A_943 = arith.constant 0 : index
    %get3A_944 = arith.constant 320 : index
    %get3A_945 = vector.load %arg1[%get3A_943, %get3A_944] : memref<256x1024xf32, #tpu.memory_space<vmem>>, vector<256x64xf32>
    %get3A_946 = arith.constant 0 : index
    %get3A_947 = arith.constant 384 : index
    %get3A_948 = vector.load %arg1[%get3A_946, %get3A_947] : memref<256x1024xf32, #tpu.memory_space<vmem>>, vector<256x64xf32>
    %get3A_949 = arith.constant 0 : index
    %get3A_950 = arith.constant 448 : index
    %get3A_951 = vector.load %arg1[%get3A_949, %get3A_950] : memref<256x1024xf32, #tpu.memory_space<vmem>>, vector<256x64xf32>
    %broadcast_in_dim3A_952 = arith.constant 0.000000e+00 : f32
    %broadcast_in_dim3A_953 = vector.broadcast %broadcast_in_dim3A_952 : f32 to vector<256x1xf32>
    %broadcast_in_dim3A_954 = arith.constant 0.000000e+00 : f32
    %broadcast_in_dim3A_955 = vector.broadcast %broadcast_in_dim3A_954 : f32 to vector<256x1xf32>
    %broadcast_in_dim3A_956 = arith.constant 0.000000e+00 : f32
    %broadcast_in_dim3A_957 = vector.broadcast %broadcast_in_dim3A_956 : f32 to vector<256x1xf32>
    %broadcast_in_dim3A_958 = arith.constant 0.000000e+00 : f32
    %broadcast_in_dim3A_959 = vector.broadcast %broadcast_in_dim3A_958 : f32 to vector<256x1xf32>
    %add3A_960 = arith.constant 1 : i32
    %add3A_961 = arith.addi %arg0, %add3A_960 : i32
    %while3A_962 = arith.constant 0 : i32
    %while3A_963 = arith.subi %add3A_961, %while3A_962 : i32
    %while3A_964 = arith.addi %while3A_962, %while3A_963 : i32
    %while3A_965 = arith.constant 1 : i32
    %while3A_966 = arith.divsi %while3A_963, %while3A_965 : i32
    %while3A_967 = arith.muli %while3A_966, %while3A_965 : i32
    %while3A_968 = arith.addi %while3A_962, %while3A_967 : i32
    %while3A_969 = arith.constant 1 : i32
    %while3A_970:4 = scf.for %while3A_2375 = %while3A_962 to %while3A_968 step %while3A_969 iter_args(%while3A_2376 = %broadcast_in_dim3A_953, %while3A_2377 = %broadcast_in_dim3A_955, %while3A_2378 = %broadcast_in_dim3A_957, %while3A_2379 = %broadcast_in_dim3A_959) -> (vector<256x1xf32>, vector<256x1xf32>, vector<256x1xf32>, vector<256x1xf32>)  : i32 {
      %mul3A_2380 = arith.constant 256 : i32
      %mul3A_2381 = arith.muli %while3A_2375, %mul3A_2380 : i32
      %get3A_2382 = arith.index_cast %mul3A_2381 : i32 to index
      %get3A_2383 = arith.constant 64 : index
      %get3A_2384 = vector.load %arg2[%get3A_2382, %get3A_2383] : memref<2048x256xf32, #tpu.memory_space<vmem>>, vector<256x64xf32>
      %mul3A_2385 = arith.constant 8 : i32
      %mul3A_2386 = arith.muli %while3A_2375, %mul3A_2385 : i32
      %add3A_2387 = vector.broadcast %mul3A_2386 : i32 to vector<64x256xi32>
      %add3A_2388 = arith.addi %add3A_2387, %select_n3A_938 : vector<64x256xi32>
      %eq3A_2389 = arith.cmpi eq, %iota3A_906, %add3A_2388 : vector<64x256xi32>
      %convert_element_type3A_2390 = arith.extui %eq3A_2389 : vector<64x256xi1> to vector<64x256xi32>
      %convert_element_type3A_2391 = arith.sitofp %convert_element_type3A_2390 : vector<64x256xi32> to vector<64x256xf32>
      %dot_general3A_2392 = arith.constant dense<0.000000e+00> : vector<256x256xf32>
      %dot_general3A_2393 = tpu.matmul %convert_element_type3A_905, %convert_element_type3A_2391, %dot_general3A_2392 {dimension_numbers = #tpu.dot_dimension_numbers<[1], [0], [0], [1], [0, 0, 1, 1], [], []>, transpose_lhs_hint = false} : vector<256x64xf32>, vector<64x256xf32>, vector<256x256xf32> -> vector<256x256xf32>
      %mul3A_2394 = arith.constant 256 : i32
      %mul3A_2395 = arith.muli %while3A_2375, %mul3A_2394 : i32
      %add3A_2396 = vector.broadcast %mul3A_2395 : i32 to vector<256x256xi32>
      %add3A_2397 = arith.addi %add3A_2396, %iota3A_939 : vector<256x256xi32>
      %gt3A = arith.constant 5.000000e-01 : f32
      %gt3A_2398 = vector.broadcast %gt3A : f32 to vector<256x256xf32>
      %gt3A_2399 = arith.cmpf ogt, %dot_general3A_2393, %gt3A_2398 : vector<256x256xf32>
      %le3A_2400 = vector.broadcast %add3A_1 : vector<256x1xi32> to vector<256x256xi32>
      %le3A_2401 = arith.cmpi sle, %add3A_2397, %le3A_2400 : vector<256x256xi32>
      %and3A_2402 = arith.andi %gt3A_2399, %le3A_2401 : vector<256x256xi1>
      %jit3A_2403 = arith.constant 0.000000e+00 : f32
      %jit3A_2404 = arith.constant -1.000000e+30 : f32
      %broadcast_in_dim3A_2405 = vector.broadcast %jit3A_2403 : f32 to vector<256x256xf32>
      %broadcast_in_dim3A_2406 = vector.broadcast %jit3A_2404 : f32 to vector<256x256xf32>
      %select_n3A_2407 = arith.select %and3A_2402, %broadcast_in_dim3A_2405, %broadcast_in_dim3A_2406 : vector<256x256xi1>, vector<256x256xf32>
      %dot_general3A_2408 = arith.constant dense<0.000000e+00> : vector<256x256xf32>
      %dot_general3A_2409 = tpu.matmul %get3A_942, %get3A_2384, %dot_general3A_2408 {dimension_numbers = #tpu.dot_dimension_numbers<[1], [1], [0], [0], [0, 0, 1, 0], [], []>, transpose_lhs_hint = false} : vector<256x64xf32>, vector<256x64xf32>, vector<256x256xf32> -> vector<256x256xf32>
      %mul3A_2410 = arith.constant 1.250000e-01 : f32
      %mul3A_2411 = vector.broadcast %mul3A_2410 : f32 to vector<256x256xf32>
      %mul3A_2412 = arith.mulf %dot_general3A_2409, %mul3A_2411 : vector<256x256xf32>
      %add3A_2413 = arith.addf %mul3A_2412, %select_n3A_2407 : vector<256x256xf32>
      %exp3A_2414 = math.exp %add3A_2413 : vector<256x256xf32>
      %swap3A_2415 = arith.constant 0 : index
      %swap3A_2416 = arith.index_cast %while3A_2375 : i32 to index
      %swap3A_2417 = arith.constant 0 : index
      %swap3A_2418 = arith.constant 0 : index
      %swap3A_2419 = vector.load %arg10[%swap3A_2415, %swap3A_2416, %swap3A_2417, %swap3A_2418] : memref<4x8x256x256xf32, #tpu.memory_space<vmem>>, vector<1x1x256x256xf32>
      %swap3A_2420 = vector.shape_cast %swap3A_2419 : vector<1x1x256x256xf32> to vector<256x256xf32>
      %swap3A_2421 = vector.shape_cast %exp3A_2414 : vector<256x256xf32> to vector<1x1x256x256xf32>
      tpu.vector_store %arg10[%swap3A_2415, %swap3A_2416, %swap3A_2417, %swap3A_2418], %swap3A_2421 {strides = array<i32>} : memref<4x8x256x256xf32, #tpu.memory_space<vmem>>, vector<1x1x256x256xf32>,
      %reduce_sum3A_2422 = arith.constant dense<0.000000e+00> : vector<256xf32>
      %reduce_sum3A_2423 = vector.multi_reduction <add>, %exp3A_2414, %reduce_sum3A_2422 [1] : vector<256x256xf32> to vector<256xf32>
      %broadcast_in_dim3A_2424 = vector.shape_cast %reduce_sum3A_2423 : vector<256xf32> to vector<256x1xf32>
      %add3A_2425 = arith.addf %while3A_2376, %broadcast_in_dim3A_2424 : vector<256x1xf32>
      %dot_general3A_2426 = arith.constant dense<0.000000e+00> : vector<256x256xf32>
      %dot_general3A_2427 = tpu.matmul %get3A_945, %get3A_2384, %dot_general3A_2426 {dimension_numbers = #tpu.dot_dimension_numbers<[1], [1], [0], [0], [0, 0, 1, 0], [], []>, transpose_lhs_hint = false} : vector<256x64xf32>, vector<256x64xf32>, vector<256x256xf32> -> vector<256x256xf32>
      %mul3A_2428 = arith.constant 1.250000e-01 : f32
      %mul3A_2429 = vector.broadcast %mul3A_2428 : f32 to vector<256x256xf32>
      %mul3A_2430 = arith.mulf %dot_general3A_2427, %mul3A_2429 : vector<256x256xf32>
      %add3A_2431 = arith.addf %mul3A_2430, %select_n3A_2407 : vector<256x256xf32>
      %exp3A_2432 = math.exp %add3A_2431 : vector<256x256xf32>
      %swap3A_2433 = arith.constant 1 : index
      %swap3A_2434 = arith.index_cast %while3A_2375 : i32 to index
      %swap3A_2435 = arith.constant 0 : index
      %swap3A_2436 = arith.constant 0 : index
      %swap3A_2437 = vector.load %arg10[%swap3A_2433, %swap3A_2434, %swap3A_2435, %swap3A_2436] : memref<4x8x256x256xf32, #tpu.memory_space<vmem>>, vector<1x1x256x256xf32>
      %swap3A_2438 = vector.shape_cast %swap3A_2437 : vector<1x1x256x256xf32> to vector<256x256xf32>
      %swap3A_2439 = vector.shape_cast %exp3A_2432 : vector<256x256xf32> to vector<1x1x256x256xf32>
      tpu.vector_store %arg10[%swap3A_2433, %swap3A_2434, %swap3A_2435, %swap3A_2436], %swap3A_2439 {strides = array<i32>} : memref<4x8x256x256xf32, #tpu.memory_space<vmem>>, vector<1x1x256x256xf32>,
      %reduce_sum3A_2440 = arith.constant dense<0.000000e+00> : vector<256xf32>
      %reduce_sum3A_2441 = vector.multi_reduction <add>, %exp3A_2432, %reduce_sum3A_2440 [1] : vector<256x256xf32> to vector<256xf32>
      %broadcast_in_dim3A_2442 = vector.shape_cast %reduce_sum3A_2441 : vector<256xf32> to vector<256x1xf32>
      %add3A_2443 = arith.addf %while3A_2377, %broadcast_in_dim3A_2442 : vector<256x1xf32>
      %dot_general3A_2444 = arith.constant dense<0.000000e+00> : vector<256x256xf32>
      %dot_general3A_2445 = tpu.matmul %get3A_948, %get3A_2384, %dot_general3A_2444 {dimension_numbers = #tpu.dot_dimension_numbers<[1], [1], [0], [0], [0, 0, 1, 0], [], []>, transpose_lhs_hint = false} : vector<256x64xf32>, vector<256x64xf32>, vector<256x256xf32> -> vector<256x256xf32>
      %mul3A_2446 = arith.constant 1.250000e-01 : f32
      %mul3A_2447 = vector.broadcast %mul3A_2446 : f32 to vector<256x256xf32>
      %mul3A_2448 = arith.mulf %dot_general3A_2445, %mul3A_2447 : vector<256x256xf32>
      %add3A_2449 = arith.addf %mul3A_2448, %select_n3A_2407 : vector<256x256xf32>
      %exp3A_2450 = math.exp %add3A_2449 : vector<256x256xf32>
      %swap3A_2451 = arith.constant 2 : index
      %swap3A_2452 = arith.index_cast %while3A_2375 : i32 to index
      %swap3A_2453 = arith.constant 0 : index
      %swap3A_2454 = arith.constant 0 : index
      %swap3A_2455 = vector.load %arg10[%swap3A_2451, %swap3A_2452, %swap3A_2453, %swap3A_2454] : memref<4x8x256x256xf32, #tpu.memory_space<vmem>>, vector<1x1x256x256xf32>
      %swap3A_2456 = vector.shape_cast %swap3A_2455 : vector<1x1x256x256xf32> to vector<256x256xf32>
      %swap3A_2457 = vector.shape_cast %exp3A_2450 : vector<256x256xf32> to vector<1x1x256x256xf32>
      tpu.vector_store %arg10[%swap3A_2451, %swap3A_2452, %swap3A_2453, %swap3A_2454], %swap3A_2457 {strides = array<i32>} : memref<4x8x256x256xf32, #tpu.memory_space<vmem>>, vector<1x1x256x256xf32>,
      %reduce_sum3A_2458 = arith.constant dense<0.000000e+00> : vector<256xf32>
      %reduce_sum3A_2459 = vector.multi_reduction <add>, %exp3A_2450, %reduce_sum3A_2458 [1] : vector<256x256xf32> to vector<256xf32>
      %broadcast_in_dim3A_2460 = vector.shape_cast %reduce_sum3A_2459 : vector<256xf32> to vector<256x1xf32>
      %add3A_2461 = arith.addf %while3A_2378, %broadcast_in_dim3A_2460 : vector<256x1xf32>
      %dot_general3A_2462 = arith.constant dense<0.000000e+00> : vector<256x256xf32>
      %dot_general3A_2463 = tpu.matmul %get3A_951, %get3A_2384, %dot_general3A_2462 {dimension_numbers = #tpu.dot_dimension_numbers<[1], [1], [0], [0], [0, 0, 1, 0], [], []>, transpose_lhs_hint = false} : vector<256x64xf32>, vector<256x64xf32>, vector<256x256xf32> -> vector<256x256xf32>
      %mul3A_2464 = arith.constant 1.250000e-01 : f32
      %mul3A_2465 = vector.broadcast %mul3A_2464 : f32 to vector<256x256xf32>
      %mul3A_2466 = arith.mulf %dot_general3A_2463, %mul3A_2465 : vector<256x256xf32>
      %add3A_2467 = arith.addf %mul3A_2466, %select_n3A_2407 : vector<256x256xf32>
      %exp3A_2468 = math.exp %add3A_2467 : vector<256x256xf32>
      %swap3A_2469 = arith.constant 3 : index
      %swap3A_2470 = arith.index_cast %while3A_2375 : i32 to index
      %swap3A_2471 = arith.constant 0 : index
      %swap3A_2472 = arith.constant 0 : index
      %swap3A_2473 = vector.load %arg10[%swap3A_2469, %swap3A_2470, %swap3A_2471, %swap3A_2472] : memref<4x8x256x256xf32, #tpu.memory_space<vmem>>, vector<1x1x256x256xf32>
      %swap3A_2474 = vector.shape_cast %swap3A_2473 : vector<1x1x256x256xf32> to vector<256x256xf32>
      %swap3A_2475 = vector.shape_cast %exp3A_2468 : vector<256x256xf32> to vector<1x1x256x256xf32>
      tpu.vector_store %arg10[%swap3A_2469, %swap3A_2470, %swap3A_2471, %swap3A_2472], %swap3A_2475 {strides = array<i32>} : memref<4x8x256x256xf32, #tpu.memory_space<vmem>>, vector<1x1x256x256xf32>,
      %reduce_sum3A_2476 = arith.constant dense<0.000000e+00> : vector<256xf32>
      %reduce_sum3A_2477 = vector.multi_reduction <add>, %exp3A_2468, %reduce_sum3A_2476 [1] : vector<256x256xf32> to vector<256xf32>
      %broadcast_in_dim3A_2478 = vector.shape_cast %reduce_sum3A_2477 : vector<256xf32> to vector<256x1xf32>
      %add3A_2479 = arith.addf %while3A_2379, %broadcast_in_dim3A_2478 : vector<256x1xf32>
      scf.yield %add3A_2425, %add3A_2443, %add3A_2461, %add3A_2479 : vector<256x1xf32>, vector<256x1xf32>, vector<256x1xf32>, vector<256x1xf32>
    }
    %while3A_971 = arith.constant 1 : i32
    %while3A_972:4 = scf.for %while3A_2375 = %while3A_968 to %while3A_964 step %while3A_971 iter_args(%while3A_2376 = %while3A_970#0, %while3A_2377 = %while3A_970#1, %while3A_2378 = %while3A_970#2, %while3A_2379 = %while3A_970#3) -> (vector<256x1xf32>, vector<256x1xf32>, vector<256x1xf32>, vector<256x1xf32>)  : i32 {
      %mul3A_2380 = arith.constant 256 : i32
      %mul3A_2381 = arith.muli %while3A_2375, %mul3A_2380 : i32
      %get3A_2382 = arith.index_cast %mul3A_2381 : i32 to index
      %get3A_2383 = arith.constant 64 : index
      %get3A_2384 = vector.load %arg2[%get3A_2382, %get3A_2383] : memref<2048x256xf32, #tpu.memory_space<vmem>>, vector<256x64xf32>
      %mul3A_2385 = arith.constant 8 : i32
      %mul3A_2386 = arith.muli %while3A_2375, %mul3A_2385 : i32
      %add3A_2387 = vector.broadcast %mul3A_2386 : i32 to vector<64x256xi32>
      %add3A_2388 = arith.addi %add3A_2387, %select_n3A_938 : vector<64x256xi32>
      %eq3A_2389 = arith.cmpi eq, %iota3A_906, %add3A_2388 : vector<64x256xi32>
      %convert_element_type3A_2390 = arith.extui %eq3A_2389 : vector<64x256xi1> to vector<64x256xi32>
      %convert_element_type3A_2391 = arith.sitofp %convert_element_type3A_2390 : vector<64x256xi32> to vector<64x256xf32>
      %dot_general3A_2392 = arith.constant dense<0.000000e+00> : vector<256x256xf32>
      %dot_general3A_2393 = tpu.matmul %convert_element_type3A_905, %convert_element_type3A_2391, %dot_general3A_2392 {dimension_numbers = #tpu.dot_dimension_numbers<[1], [0], [0], [1], [0, 0, 1, 1], [], []>, transpose_lhs_hint = false} : vector<256x64xf32>, vector<64x256xf32>, vector<256x256xf32> -> vector<256x256xf32>
      %mul3A_2394 = arith.constant 256 : i32
      %mul3A_2395 = arith.muli %while3A_2375, %mul3A_2394 : i32
      %add3A_2396 = vector.broadcast %mul3A_2395 : i32 to vector<256x256xi32>
      %add3A_2397 = arith.addi %add3A_2396, %iota3A_939 : vector<256x256xi32>
      %gt3A = arith.constant 5.000000e-01 : f32
      %gt3A_2398 = vector.broadcast %gt3A : f32 to vector<256x256xf32>
      %gt3A_2399 = arith.cmpf ogt, %dot_general3A_2393, %gt3A_2398 : vector<256x256xf32>
      %le3A_2400 = vector.broadcast %add3A_1 : vector<256x1xi32> to vector<256x256xi32>
      %le3A_2401 = arith.cmpi sle, %add3A_2397, %le3A_2400 : vector<256x256xi32>
      %and3A_2402 = arith.andi %gt3A_2399, %le3A_2401 : vector<256x256xi1>
      %jit3A_2403 = arith.constant 0.000000e+00 : f32
      %jit3A_2404 = arith.constant -1.000000e+30 : f32
      %broadcast_in_dim3A_2405 = vector.broadcast %jit3A_2403 : f32 to vector<256x256xf32>
      %broadcast_in_dim3A_2406 = vector.broadcast %jit3A_2404 : f32 to vector<256x256xf32>
      %select_n3A_2407 = arith.select %and3A_2402, %broadcast_in_dim3A_2405, %broadcast_in_dim3A_2406 : vector<256x256xi1>, vector<256x256xf32>
      %dot_general3A_2408 = arith.constant dense<0.000000e+00> : vector<256x256xf32>
      %dot_general3A_2409 = tpu.matmul %get3A_942, %get3A_2384, %dot_general3A_2408 {dimension_numbers = #tpu.dot_dimension_numbers<[1], [1], [0], [0], [0, 0, 1, 0], [], []>, transpose_lhs_hint = false} : vector<256x64xf32>, vector<256x64xf32>, vector<256x256xf32> -> vector<256x256xf32>
      %mul3A_2410 = arith.constant 1.250000e-01 : f32
      %mul3A_2411 = vector.broadcast %mul3A_2410 : f32 to vector<256x256xf32>
      %mul3A_2412 = arith.mulf %dot_general3A_2409, %mul3A_2411 : vector<256x256xf32>
      %add3A_2413 = arith.addf %mul3A_2412, %select_n3A_2407 : vector<256x256xf32>
      %exp3A_2414 = math.exp %add3A_2413 : vector<256x256xf32>
      %swap3A_2415 = arith.constant 0 : index
      %swap3A_2416 = arith.index_cast %while3A_2375 : i32 to index
      %swap3A_2417 = arith.constant 0 : index
      %swap3A_2418 = arith.constant 0 : index
      %swap3A_2419 = vector.load %arg10[%swap3A_2415, %swap3A_2416, %swap3A_2417, %swap3A_2418] : memref<4x8x256x256xf32, #tpu.memory_space<vmem>>, vector<1x1x256x256xf32>
      %swap3A_2420 = vector.shape_cast %swap3A_2419 : vector<1x1x256x256xf32> to vector<256x256xf32>
      %swap3A_2421 = vector.shape_cast %exp3A_2414 : vector<256x256xf32> to vector<1x1x256x256xf32>
      tpu.vector_store %arg10[%swap3A_2415, %swap3A_2416, %swap3A_2417, %swap3A_2418], %swap3A_2421 {strides = array<i32>} : memref<4x8x256x256xf32, #tpu.memory_space<vmem>>, vector<1x1x256x256xf32>,
      %reduce_sum3A_2422 = arith.constant dense<0.000000e+00> : vector<256xf32>
      %reduce_sum3A_2423 = vector.multi_reduction <add>, %exp3A_2414, %reduce_sum3A_2422 [1] : vector<256x256xf32> to vector<256xf32>
      %broadcast_in_dim3A_2424 = vector.shape_cast %reduce_sum3A_2423 : vector<256xf32> to vector<256x1xf32>
      %add3A_2425 = arith.addf %while3A_2376, %broadcast_in_dim3A_2424 : vector<256x1xf32>
      %dot_general3A_2426 = arith.constant dense<0.000000e+00> : vector<256x256xf32>
      %dot_general3A_2427 = tpu.matmul %get3A_945, %get3A_2384, %dot_general3A_2426 {dimension_numbers = #tpu.dot_dimension_numbers<[1], [1], [0], [0], [0, 0, 1, 0], [], []>, transpose_lhs_hint = false} : vector<256x64xf32>, vector<256x64xf32>, vector<256x256xf32> -> vector<256x256xf32>
      %mul3A_2428 = arith.constant 1.250000e-01 : f32
      %mul3A_2429 = vector.broadcast %mul3A_2428 : f32 to vector<256x256xf32>
      %mul3A_2430 = arith.mulf %dot_general3A_2427, %mul3A_2429 : vector<256x256xf32>
      %add3A_2431 = arith.addf %mul3A_2430, %select_n3A_2407 : vector<256x256xf32>
      %exp3A_2432 = math.exp %add3A_2431 : vector<256x256xf32>
      %swap3A_2433 = arith.constant 1 : index
      %swap3A_2434 = arith.index_cast %while3A_2375 : i32 to index
      %swap3A_2435 = arith.constant 0 : index
      %swap3A_2436 = arith.constant 0 : index
      %swap3A_2437 = vector.load %arg10[%swap3A_2433, %swap3A_2434, %swap3A_2435, %swap3A_2436] : memref<4x8x256x256xf32, #tpu.memory_space<vmem>>, vector<1x1x256x256xf32>
      %swap3A_2438 = vector.shape_cast %swap3A_2437 : vector<1x1x256x256xf32> to vector<256x256xf32>
      %swap3A_2439 = vector.shape_cast %exp3A_2432 : vector<256x256xf32> to vector<1x1x256x256xf32>
      tpu.vector_store %arg10[%swap3A_2433, %swap3A_2434, %swap3A_2435, %swap3A_2436], %swap3A_2439 {strides = array<i32>} : memref<4x8x256x256xf32, #tpu.memory_space<vmem>>, vector<1x1x256x256xf32>,
      %reduce_sum3A_2440 = arith.constant dense<0.000000e+00> : vector<256xf32>
      %reduce_sum3A_2441 = vector.multi_reduction <add>, %exp3A_2432, %reduce_sum3A_2440 [1] : vector<256x256xf32> to vector<256xf32>
      %broadcast_in_dim3A_2442 = vector.shape_cast %reduce_sum3A_2441 : vector<256xf32> to vector<256x1xf32>
      %add3A_2443 = arith.addf %while3A_2377, %broadcast_in_dim3A_2442 : vector<256x1xf32>
      %dot_general3A_2444 = arith.constant dense<0.000000e+00> : vector<256x256xf32>
      %dot_general3A_2445 = tpu.matmul %get3A_948, %get3A_2384, %dot_general3A_2444 {dimension_numbers = #tpu.dot_dimension_numbers<[1], [1], [0], [0], [0, 0, 1, 0], [], []>, transpose_lhs_hint = false} : vector<256x64xf32>, vector<256x64xf32>, vector<256x256xf32> -> vector<256x256xf32>
      %mul3A_2446 = arith.constant 1.250000e-01 : f32
      %mul3A_2447 = vector.broadcast %mul3A_2446 : f32 to vector<256x256xf32>
      %mul3A_2448 = arith.mulf %dot_general3A_2445, %mul3A_2447 : vector<256x256xf32>
      %add3A_2449 = arith.addf %mul3A_2448, %select_n3A_2407 : vector<256x256xf32>
      %exp3A_2450 = math.exp %add3A_2449 : vector<256x256xf32>
      %swap3A_2451 = arith.constant 2 : index
      %swap3A_2452 = arith.index_cast %while3A_2375 : i32 to index
      %swap3A_2453 = arith.constant 0 : index
      %swap3A_2454 = arith.constant 0 : index
      %swap3A_2455 = vector.load %arg10[%swap3A_2451, %swap3A_2452, %swap3A_2453, %swap3A_2454] : memref<4x8x256x256xf32, #tpu.memory_space<vmem>>, vector<1x1x256x256xf32>
      %swap3A_2456 = vector.shape_cast %swap3A_2455 : vector<1x1x256x256xf32> to vector<256x256xf32>
      %swap3A_2457 = vector.shape_cast %exp3A_2450 : vector<256x256xf32> to vector<1x1x256x256xf32>
      tpu.vector_store %arg10[%swap3A_2451, %swap3A_2452, %swap3A_2453, %swap3A_2454], %swap3A_2457 {strides = array<i32>} : memref<4x8x256x256xf32, #tpu.memory_space<vmem>>, vector<1x1x256x256xf32>,
      %reduce_sum3A_2458 = arith.constant dense<0.000000e+00> : vector<256xf32>
      %reduce_sum3A_2459 = vector.multi_reduction <add>, %exp3A_2450, %reduce_sum3A_2458 [1] : vector<256x256xf32> to vector<256xf32>
      %broadcast_in_dim3A_2460 = vector.shape_cast %reduce_sum3A_2459 : vector<256xf32> to vector<256x1xf32>
      %add3A_2461 = arith.addf %while3A_2378, %broadcast_in_dim3A_2460 : vector<256x1xf32>
      %dot_general3A_2462 = arith.constant dense<0.000000e+00> : vector<256x256xf32>
      %dot_general3A_2463 = tpu.matmul %get3A_951, %get3A_2384, %dot_general3A_2462 {dimension_numbers = #tpu.dot_dimension_numbers<[1], [1], [0], [0], [0, 0, 1, 0], [], []>, transpose_lhs_hint = false} : vector<256x64xf32>, vector<256x64xf32>, vector<256x256xf32> -> vector<256x256xf32>
      %mul3A_2464 = arith.constant 1.250000e-01 : f32
      %mul3A_2465 = vector.broadcast %mul3A_2464 : f32 to vector<256x256xf32>
      %mul3A_2466 = arith.mulf %dot_general3A_2463, %mul3A_2465 : vector<256x256xf32>
      %add3A_2467 = arith.addf %mul3A_2466, %select_n3A_2407 : vector<256x256xf32>
      %exp3A_2468 = math.exp %add3A_2467 : vector<256x256xf32>
      %swap3A_2469 = arith.constant 3 : index
      %swap3A_2470 = arith.index_cast %while3A_2375 : i32 to index
      %swap3A_2471 = arith.constant 0 : index
      %swap3A_2472 = arith.constant 0 : index
      %swap3A_2473 = vector.load %arg10[%swap3A_2469, %swap3A_2470, %swap3A_2471, %swap3A_2472] : memref<4x8x256x256xf32, #tpu.memory_space<vmem>>, vector<1x1x256x256xf32>
      %swap3A_2474 = vector.shape_cast %swap3A_2473 : vector<1x1x256x256xf32> to vector<256x256xf32>
      %swap3A_2475 = vector.shape_cast %exp3A_2468 : vector<256x256xf32> to vector<1x1x256x256xf32>
      tpu.vector_store %arg10[%swap3A_2469, %swap3A_2470, %swap3A_2471, %swap3A_2472], %swap3A_2475 {strides = array<i32>} : memref<4x8x256x256xf32, #tpu.memory_space<vmem>>, vector<1x1x256x256xf32>,
      %reduce_sum3A_2476 = arith.constant dense<0.000000e+00> : vector<256xf32>
      %reduce_sum3A_2477 = vector.multi_reduction <add>, %exp3A_2468, %reduce_sum3A_2476 [1] : vector<256x256xf32> to vector<256xf32>
      %broadcast_in_dim3A_2478 = vector.shape_cast %reduce_sum3A_2477 : vector<256xf32> to vector<256x1xf32>
      %add3A_2479 = arith.addf %while3A_2379, %broadcast_in_dim3A_2478 : vector<256x1xf32>
      scf.yield %add3A_2425, %add3A_2443, %add3A_2461, %add3A_2479 : vector<256x1xf32>, vector<256x1xf32>, vector<256x1xf32>, vector<256x1xf32>
    }
    %max3A_973 = arith.constant 9.99999971E-10 : f32
    %max3A_974 = vector.broadcast %max3A_973 : f32 to vector<256x1xf32>
    %max3A_975 = arith.maximumf %while3A_972#0, %max3A_974 : vector<256x1xf32>
    %div3A_976 = arith.constant 1.000000e+00 : f32
    %div3A_977 = vector.broadcast %div3A_976 : f32 to vector<256x1xf32>
    %div3A_978 = arith.divf %div3A_977, %max3A_975 : vector<256x1xf32>
    %max3A_979 = arith.constant 9.99999971E-10 : f32
    %max3A_980 = vector.broadcast %max3A_979 : f32 to vector<256x1xf32>
    %max3A_981 = arith.maximumf %while3A_972#1, %max3A_980 : vector<256x1xf32>
    %div3A_982 = arith.constant 1.000000e+00 : f32
    %div3A_983 = vector.broadcast %div3A_982 : f32 to vector<256x1xf32>
    %div3A_984 = arith.divf %div3A_983, %max3A_981 : vector<256x1xf32>
    %max3A_985 = arith.constant 9.99999971E-10 : f32
    %max3A_986 = vector.broadcast %max3A_985 : f32 to vector<256x1xf32>
    %max3A_987 = arith.maximumf %while3A_972#2, %max3A_986 : vector<256x1xf32>
    %div3A_988 = arith.constant 1.000000e+00 : f32
    %div3A_989 = vector.broadcast %div3A_988 : f32 to vector<256x1xf32>
    %div3A_990 = arith.divf %div3A_989, %max3A_987 : vector<256x1xf32>
    %max3A_991 = arith.constant 9.99999971E-10 : f32
    %max3A_992 = vector.broadcast %max3A_991 : f32 to vector<256x1xf32>
    %max3A_993 = arith.maximumf %while3A_972#3, %max3A_992 : vector<256x1xf32>
    %div3A_994 = arith.constant 1.000000e+00 : f32
    %div3A_995 = vector.broadcast %div3A_994 : f32 to vector<256x1xf32>
    %div3A_996 = arith.divf %div3A_995, %max3A_993 : vector<256x1xf32>
    %broadcast_in_dim3A_997 = arith.constant 0.000000e+00 : f32
    %broadcast_in_dim3A_998 = vector.broadcast %broadcast_in_dim3A_997 : f32 to vector<256x64xf32>
    %broadcast_in_dim3A_999 = arith.constant 0.000000e+00 : f32
    %broadcast_in_dim3A_1000 = vector.broadcast %broadcast_in_dim3A_999 : f32 to vector<256x64xf32>
    %broadcast_in_dim3A_1001 = arith.constant 0.000000e+00 : f32
    %broadcast_in_dim3A_1002 = vector.broadcast %broadcast_in_dim3A_1001 : f32 to vector<256x64xf32>
    %broadcast_in_dim3A_1003 = arith.constant 0.000000e+00 : f32
    %broadcast_in_dim3A_1004 = vector.broadcast %broadcast_in_dim3A_1003 : f32 to vector<256x64xf32>
    %add3A_1005 = arith.constant 1 : i32
    %add3A_1006 = arith.addi %arg0, %add3A_1005 : i32
    %while3A_1007 = arith.constant 0 : i32
    %while3A_1008 = arith.subi %add3A_1006, %while3A_1007 : i32
    %while3A_1009 = arith.addi %while3A_1007, %while3A_1008 : i32
    %while3A_1010 = arith.constant 1 : i32
    %while3A_1011 = arith.divsi %while3A_1008, %while3A_1010 : i32
    %while3A_1012 = arith.muli %while3A_1011, %while3A_1010 : i32
    %while3A_1013 = arith.addi %while3A_1007, %while3A_1012 : i32
    %while3A_1014 = arith.constant 1 : i32
    %while3A_1015:4 = scf.for %while3A_2375 = %while3A_1007 to %while3A_1013 step %while3A_1014 iter_args(%while3A_2376 = %broadcast_in_dim3A_998, %while3A_2377 = %broadcast_in_dim3A_1000, %while3A_2378 = %broadcast_in_dim3A_1002, %while3A_2379 = %broadcast_in_dim3A_1004) -> (vector<256x64xf32>, vector<256x64xf32>, vector<256x64xf32>, vector<256x64xf32>)  : i32 {
      %mul3A_2380 = arith.constant 256 : i32
      %mul3A_2381 = arith.muli %while3A_2375, %mul3A_2380 : i32
      %get3A_2382 = arith.index_cast %mul3A_2381 : i32 to index
      %get3A_2383 = arith.constant 64 : index
      %get3A_2384 = vector.load %arg3[%get3A_2382, %get3A_2383] : memref<2048x256xf32, #tpu.memory_space<vmem>>, vector<256x64xf32>
      %get3A_2385 = arith.constant 0 : index
      %get3A_2386 = arith.index_cast %while3A_2375 : i32 to index
      %get3A_2387 = arith.constant 0 : index
      %get3A_2388 = arith.constant 0 : index
      %get3A_2389 = vector.load %arg10[%get3A_2385, %get3A_2386, %get3A_2387, %get3A_2388] : memref<4x8x256x256xf32, #tpu.memory_space<vmem>>, vector<1x1x256x256xf32>
      %get3A_2390 = vector.shape_cast %get3A_2389 : vector<1x1x256x256xf32> to vector<256x256xf32>
      %mul3A_2391 = vector.broadcast %div3A_978 : vector<256x1xf32> to vector<256x256xf32>
      %mul3A_2392 = arith.mulf %get3A_2390, %mul3A_2391 : vector<256x256xf32>
      %dot_general3A_2393 = arith.constant dense<0.000000e+00> : vector<256x64xf32>
      %dot_general3A_2394 = tpu.matmul %mul3A_2392, %get3A_2384, %dot_general3A_2393 {dimension_numbers = #tpu.dot_dimension_numbers<[1], [0], [0], [1], [0, 0, 1, 1], [], []>, transpose_lhs_hint = false} : vector<256x256xf32>, vector<256x64xf32>, vector<256x64xf32> -> vector<256x64xf32>
      %add3A_2395 = arith.addf %while3A_2376, %dot_general3A_2394 : vector<256x64xf32>
      %get3A_2396 = arith.constant 1 : index
      %get3A_2397 = arith.index_cast %while3A_2375 : i32 to index
      %get3A_2398 = arith.constant 0 : index
      %get3A_2399 = arith.constant 0 : index
      %get3A_2400 = vector.load %arg10[%get3A_2396, %get3A_2397, %get3A_2398, %get3A_2399] : memref<4x8x256x256xf32, #tpu.memory_space<vmem>>, vector<1x1x256x256xf32>
      %get3A_2401 = vector.shape_cast %get3A_2400 : vector<1x1x256x256xf32> to vector<256x256xf32>
      %mul3A_2402 = vector.broadcast %div3A_984 : vector<256x1xf32> to vector<256x256xf32>
      %mul3A_2403 = arith.mulf %get3A_2401, %mul3A_2402 : vector<256x256xf32>
      %dot_general3A_2404 = arith.constant dense<0.000000e+00> : vector<256x64xf32>
      %dot_general3A_2405 = tpu.matmul %mul3A_2403, %get3A_2384, %dot_general3A_2404 {dimension_numbers = #tpu.dot_dimension_numbers<[1], [0], [0], [1], [0, 0, 1, 1], [], []>, transpose_lhs_hint = false} : vector<256x256xf32>, vector<256x64xf32>, vector<256x64xf32> -> vector<256x64xf32>
      %add3A_2406 = arith.addf %while3A_2377, %dot_general3A_2405 : vector<256x64xf32>
      %get3A_2407 = arith.constant 2 : index
      %get3A_2408 = arith.index_cast %while3A_2375 : i32 to index
      %get3A_2409 = arith.constant 0 : index
      %get3A_2410 = arith.constant 0 : index
      %get3A_2411 = vector.load %arg10[%get3A_2407, %get3A_2408, %get3A_2409, %get3A_2410] : memref<4x8x256x256xf32, #tpu.memory_space<vmem>>, vector<1x1x256x256xf32>
      %get3A_2412 = vector.shape_cast %get3A_2411 : vector<1x1x256x256xf32> to vector<256x256xf32>
      %mul3A_2413 = vector.broadcast %div3A_990 : vector<256x1xf32> to vector<256x256xf32>
      %mul3A_2414 = arith.mulf %get3A_2412, %mul3A_2413 : vector<256x256xf32>
      %dot_general3A_2415 = arith.constant dense<0.000000e+00> : vector<256x64xf32>
      %dot_general3A_2416 = tpu.matmul %mul3A_2414, %get3A_2384, %dot_general3A_2415 {dimension_numbers = #tpu.dot_dimension_numbers<[1], [0], [0], [1], [0, 0, 1, 1], [], []>, transpose_lhs_hint = false} : vector<256x256xf32>, vector<256x64xf32>, vector<256x64xf32> -> vector<256x64xf32>
      %add3A_2417 = arith.addf %while3A_2378, %dot_general3A_2416 : vector<256x64xf32>
      %get3A_2418 = arith.constant 3 : index
      %get3A_2419 = arith.index_cast %while3A_2375 : i32 to index
      %get3A_2420 = arith.constant 0 : index
      %get3A_2421 = arith.constant 0 : index
      %get3A_2422 = vector.load %arg10[%get3A_2418, %get3A_2419, %get3A_2420, %get3A_2421] : memref<4x8x256x256xf32, #tpu.memory_space<vmem>>, vector<1x1x256x256xf32>
      %get3A_2423 = vector.shape_cast %get3A_2422 : vector<1x1x256x256xf32> to vector<256x256xf32>
      %mul3A_2424 = vector.broadcast %div3A_996 : vector<256x1xf32> to vector<256x256xf32>
      %mul3A_2425 = arith.mulf %get3A_2423, %mul3A_2424 : vector<256x256xf32>
      %dot_general3A_2426 = arith.constant dense<0.000000e+00> : vector<256x64xf32>
      %dot_general3A_2427 = tpu.matmul %mul3A_2425, %get3A_2384, %dot_general3A_2426 {dimension_numbers = #tpu.dot_dimension_numbers<[1], [0], [0], [1], [0, 0, 1, 1], [], []>, transpose_lhs_hint = false} : vector<256x256xf32>, vector<256x64xf32>, vector<256x64xf32> -> vector<256x64xf32>
      %add3A_2428 = arith.addf %while3A_2379, %dot_general3A_2427 : vector<256x64xf32>
      scf.yield %add3A_2395, %add3A_2406, %add3A_2417, %add3A_2428 : vector<256x64xf32>, vector<256x64xf32>, vector<256x64xf32>, vector<256x64xf32>
    }
    %while3A_1016 = arith.constant 1 : i32
    %while3A_1017:4 = scf.for %while3A_2375 = %while3A_1013 to %while3A_1009 step %while3A_1016 iter_args(%while3A_2376 = %while3A_1015#0, %while3A_2377 = %while3A_1015#1, %while3A_2378 = %while3A_1015#2, %while3A_2379 = %while3A_1015#3) -> (vector<256x64xf32>, vector<256x64xf32>, vector<256x64xf32>, vector<256x64xf32>)  : i32 {
      %mul3A_2380 = arith.constant 256 : i32
      %mul3A_2381 = arith.muli %while3A_2375, %mul3A_2380 : i32
      %get3A_2382 = arith.index_cast %mul3A_2381 : i32 to index
      %get3A_2383 = arith.constant 64 : index
      %get3A_2384 = vector.load %arg3[%get3A_2382, %get3A_2383] : memref<2048x256xf32, #tpu.memory_space<vmem>>, vector<256x64xf32>
      %get3A_2385 = arith.constant 0 : index
      %get3A_2386 = arith.index_cast %while3A_2375 : i32 to index
      %get3A_2387 = arith.constant 0 : index
      %get3A_2388 = arith.constant 0 : index
      %get3A_2389 = vector.load %arg10[%get3A_2385, %get3A_2386, %get3A_2387, %get3A_2388] : memref<4x8x256x256xf32, #tpu.memory_space<vmem>>, vector<1x1x256x256xf32>
      %get3A_2390 = vector.shape_cast %get3A_2389 : vector<1x1x256x256xf32> to vector<256x256xf32>
      %mul3A_2391 = vector.broadcast %div3A_978 : vector<256x1xf32> to vector<256x256xf32>
      %mul3A_2392 = arith.mulf %get3A_2390, %mul3A_2391 : vector<256x256xf32>
      %dot_general3A_2393 = arith.constant dense<0.000000e+00> : vector<256x64xf32>
      %dot_general3A_2394 = tpu.matmul %mul3A_2392, %get3A_2384, %dot_general3A_2393 {dimension_numbers = #tpu.dot_dimension_numbers<[1], [0], [0], [1], [0, 0, 1, 1], [], []>, transpose_lhs_hint = false} : vector<256x256xf32>, vector<256x64xf32>, vector<256x64xf32> -> vector<256x64xf32>
      %add3A_2395 = arith.addf %while3A_2376, %dot_general3A_2394 : vector<256x64xf32>
      %get3A_2396 = arith.constant 1 : index
      %get3A_2397 = arith.index_cast %while3A_2375 : i32 to index
      %get3A_2398 = arith.constant 0 : index
      %get3A_2399 = arith.constant 0 : index
      %get3A_2400 = vector.load %arg10[%get3A_2396, %get3A_2397, %get3A_2398, %get3A_2399] : memref<4x8x256x256xf32, #tpu.memory_space<vmem>>, vector<1x1x256x256xf32>
      %get3A_2401 = vector.shape_cast %get3A_2400 : vector<1x1x256x256xf32> to vector<256x256xf32>
      %mul3A_2402 = vector.broadcast %div3A_984 : vector<256x1xf32> to vector<256x256xf32>
      %mul3A_2403 = arith.mulf %get3A_2401, %mul3A_2402 : vector<256x256xf32>
      %dot_general3A_2404 = arith.constant dense<0.000000e+00> : vector<256x64xf32>
      %dot_general3A_2405 = tpu.matmul %mul3A_2403, %get3A_2384, %dot_general3A_2404 {dimension_numbers = #tpu.dot_dimension_numbers<[1], [0], [0], [1], [0, 0, 1, 1], [], []>, transpose_lhs_hint = false} : vector<256x256xf32>, vector<256x64xf32>, vector<256x64xf32> -> vector<256x64xf32>
      %add3A_2406 = arith.addf %while3A_2377, %dot_general3A_2405 : vector<256x64xf32>
      %get3A_2407 = arith.constant 2 : index
      %get3A_2408 = arith.index_cast %while3A_2375 : i32 to index
      %get3A_2409 = arith.constant 0 : index
      %get3A_2410 = arith.constant 0 : index
      %get3A_2411 = vector.load %arg10[%get3A_2407, %get3A_2408, %get3A_2409, %get3A_2410] : memref<4x8x256x256xf32, #tpu.memory_space<vmem>>, vector<1x1x256x256xf32>
      %get3A_2412 = vector.shape_cast %get3A_2411 : vector<1x1x256x256xf32> to vector<256x256xf32>
      %mul3A_2413 = vector.broadcast %div3A_990 : vector<256x1xf32> to vector<256x256xf32>
      %mul3A_2414 = arith.mulf %get3A_2412, %mul3A_2413 : vector<256x256xf32>
      %dot_general3A_2415 = arith.constant dense<0.000000e+00> : vector<256x64xf32>
      %dot_general3A_2416 = tpu.matmul %mul3A_2414, %get3A_2384, %dot_general3A_2415 {dimension_numbers = #tpu.dot_dimension_numbers<[1], [0], [0], [1], [0, 0, 1, 1], [], []>, transpose_lhs_hint = false} : vector<256x256xf32>, vector<256x64xf32>, vector<256x64xf32> -> vector<256x64xf32>
      %add3A_2417 = arith.addf %while3A_2378, %dot_general3A_2416 : vector<256x64xf32>
      %get3A_2418 = arith.constant 3 : index
      %get3A_2419 = arith.index_cast %while3A_2375 : i32 to index
      %get3A_2420 = arith.constant 0 : index
      %get3A_2421 = arith.constant 0 : index
      %get3A_2422 = vector.load %arg10[%get3A_2418, %get3A_2419, %get3A_2420, %get3A_2421] : memref<4x8x256x256xf32, #tpu.memory_space<vmem>>, vector<1x1x256x256xf32>
      %get3A_2423 = vector.shape_cast %get3A_2422 : vector<1x1x256x256xf32> to vector<256x256xf32>
      %mul3A_2424 = vector.broadcast %div3A_996 : vector<256x1xf32> to vector<256x256xf32>
      %mul3A_2425 = arith.mulf %get3A_2423, %mul3A_2424 : vector<256x256xf32>
      %dot_general3A_2426 = arith.constant dense<0.000000e+00> : vector<256x64xf32>
      %dot_general3A_2427 = tpu.matmul %mul3A_2425, %get3A_2384, %dot_general3A_2426 {dimension_numbers = #tpu.dot_dimension_numbers<[1], [0], [0], [1], [0, 0, 1, 1], [], []>, transpose_lhs_hint = false} : vector<256x256xf32>, vector<256x64xf32>, vector<256x64xf32> -> vector<256x64xf32>
      %add3A_2428 = arith.addf %while3A_2379, %dot_general3A_2427 : vector<256x64xf32>
      scf.yield %add3A_2395, %add3A_2406, %add3A_2417, %add3A_2428 : vector<256x64xf32>, vector<256x64xf32>, vector<256x64xf32>, vector<256x64xf32>
    }
    %get3A_1018 = arith.index_cast %mul3A_5 : i32 to index
    %get3A_1019 = arith.constant 64 : index
    %get3A_1020 = vector.load %arg2[%get3A_1018, %get3A_1019] : memref<2048x256xf32, #tpu.memory_space<vmem>>, vector<512x64xf32>
    %get3A_1021 = arith.index_cast %mul3A_5 : i32 to index
    %get3A_1022 = arith.constant 64 : index
    %get3A_1023 = vector.load %arg3[%get3A_1021, %get3A_1022] : memref<2048x256xf32, #tpu.memory_space<vmem>>, vector<512x64xf32>
    %iota3A_1024 = tpu.iota {dimensions = array<i32: 1>} : vector<256x512xi32>
    %add3A_1025 = vector.broadcast %mul3A_5 : i32 to vector<256x512xi32>
    %add3A_1026 = arith.addi %add3A_1025, %iota3A_1024 : vector<256x512xi32>
    %le3A_1027 = vector.broadcast %add3A_1 : vector<256x1xi32> to vector<256x512xi32>
    %le3A_1028 = arith.cmpi sle, %add3A_1026, %le3A_1027 : vector<256x512xi32>
    %sub3A_1029 = vector.broadcast %add3A_1 : vector<256x1xi32> to vector<256x512xi32>
    %sub3A_1030 = arith.subi %sub3A_1029, %add3A_1026 : vector<256x512xi32>
    %lt3A_1031 = arith.constant 256 : i32
    %lt3A_1032 = vector.broadcast %lt3A_1031 : i32 to vector<256x512xi32>
    %lt3A_1033 = arith.cmpi slt, %sub3A_1030, %lt3A_1032 : vector<256x512xi32>
    %and3A_1034 = arith.andi %le3A_1028, %lt3A_1033 : vector<256x512xi1>
    %jit3A_1035 = arith.constant 0.000000e+00 : f32
    %jit3A_1036 = arith.constant -1.000000e+30 : f32
    %broadcast_in_dim3A_1037 = vector.broadcast %jit3A_1035 : f32 to vector<256x512xf32>
    %broadcast_in_dim3A_1038 = vector.broadcast %jit3A_1036 : f32 to vector<256x512xf32>
    %select_n3A_1039 = arith.select %and3A_1034, %broadcast_in_dim3A_1037, %broadcast_in_dim3A_1038 : vector<256x512xi1>, vector<256x512xf32>
    %dot_general3A_1040 = arith.constant dense<0.000000e+00> : vector<256x512xf32>
    %dot_general3A_1041 = tpu.matmul %get3A_942, %get3A_1020, %dot_general3A_1040 {dimension_numbers = #tpu.dot_dimension_numbers<[1], [1], [0], [0], [0, 0, 1, 0], [], []>, transpose_lhs_hint = false} : vector<256x64xf32>, vector<512x64xf32>, vector<256x512xf32> -> vector<256x512xf32>
    %mul3A_1042 = arith.constant 1.250000e-01 : f32
    %mul3A_1043 = vector.broadcast %mul3A_1042 : f32 to vector<256x512xf32>
    %mul3A_1044 = arith.mulf %dot_general3A_1041, %mul3A_1043 : vector<256x512xf32>
    %add3A_1045 = arith.addf %mul3A_1044, %select_n3A_1039 : vector<256x512xf32>
    %exp3A_1046 = math.exp %add3A_1045 : vector<256x512xf32>
    %reduce_sum3A_1047 = arith.constant dense<0.000000e+00> : vector<256xf32>
    %reduce_sum3A_1048 = vector.multi_reduction <add>, %exp3A_1046, %reduce_sum3A_1047 [1] : vector<256x512xf32> to vector<256xf32>
    %broadcast_in_dim3A_1049 = vector.shape_cast %reduce_sum3A_1048 : vector<256xf32> to vector<256x1xf32>
    %div3A_1050 = vector.broadcast %broadcast_in_dim3A_1049 : vector<256x1xf32> to vector<256x512xf32>
    %div3A_1051 = arith.divf %exp3A_1046, %div3A_1050 : vector<256x512xf32>
    %dot_general3A_1052 = arith.constant dense<0.000000e+00> : vector<256x64xf32>
    %dot_general3A_1053 = tpu.matmul %div3A_1051, %get3A_1023, %dot_general3A_1052 {dimension_numbers = #tpu.dot_dimension_numbers<[1], [0], [0], [1], [0, 0, 1, 1], [], []>, transpose_lhs_hint = false} : vector<256x512xf32>, vector<512x64xf32>, vector<256x64xf32> -> vector<256x64xf32>
    %get3A_1054 = arith.constant 0 : index
    %get3A_1055 = arith.constant 12 : index
    %get3A_1056 = vector.load %arg4[%get3A_1054, %get3A_1055] : memref<256x48xf32, #tpu.memory_space<vmem>>, vector<256x1xf32>
    %get3A_1057 = arith.constant 0 : index
    %get3A_1058 = arith.constant 13 : index
    %get3A_1059 = vector.load %arg4[%get3A_1057, %get3A_1058] : memref<256x48xf32, #tpu.memory_space<vmem>>, vector<256x1xf32>
    %get3A_1060 = arith.constant 0 : index
    %get3A_1061 = arith.constant 14 : index
    %get3A_1062 = vector.load %arg4[%get3A_1060, %get3A_1061] : memref<256x48xf32, #tpu.memory_space<vmem>>, vector<256x1xf32>
    %mul3A_1063 = vector.broadcast %get3A_1056 : vector<256x1xf32> to vector<256x64xf32>
    %mul3A_1064 = arith.mulf %mul3A_1063, %dot_general3A_648 : vector<256x64xf32>
    %mul3A_1065 = vector.broadcast %get3A_1059 : vector<256x1xf32> to vector<256x64xf32>
    %mul3A_1066 = arith.mulf %mul3A_1065, %while3A_1017#0 : vector<256x64xf32>
    %add3A_1067 = arith.addf %mul3A_1064, %mul3A_1066 : vector<256x64xf32>
    %mul3A_1068 = vector.broadcast %get3A_1062 : vector<256x1xf32> to vector<256x64xf32>
    %mul3A_1069 = arith.mulf %mul3A_1068, %dot_general3A_1053 : vector<256x64xf32>
    %add3A_1070 = arith.addf %add3A_1067, %mul3A_1069 : vector<256x64xf32>
    %dot_general3A_1071 = arith.constant dense<0.000000e+00> : vector<256x512xf32>
    %dot_general3A_1072 = tpu.matmul %get3A_945, %get3A_1020, %dot_general3A_1071 {dimension_numbers = #tpu.dot_dimension_numbers<[1], [1], [0], [0], [0, 0, 1, 0], [], []>, transpose_lhs_hint = false} : vector<256x64xf32>, vector<512x64xf32>, vector<256x512xf32> -> vector<256x512xf32>
    %mul3A_1073 = arith.constant 1.250000e-01 : f32
    %mul3A_1074 = vector.broadcast %mul3A_1073 : f32 to vector<256x512xf32>
    %mul3A_1075 = arith.mulf %dot_general3A_1072, %mul3A_1074 : vector<256x512xf32>
    %add3A_1076 = arith.addf %mul3A_1075, %select_n3A_1039 : vector<256x512xf32>
    %exp3A_1077 = math.exp %add3A_1076 : vector<256x512xf32>
    %reduce_sum3A_1078 = arith.constant dense<0.000000e+00> : vector<256xf32>
    %reduce_sum3A_1079 = vector.multi_reduction <add>, %exp3A_1077, %reduce_sum3A_1078 [1] : vector<256x512xf32> to vector<256xf32>
    %broadcast_in_dim3A_1080 = vector.shape_cast %reduce_sum3A_1079 : vector<256xf32> to vector<256x1xf32>
    %div3A_1081 = vector.broadcast %broadcast_in_dim3A_1080 : vector<256x1xf32> to vector<256x512xf32>
    %div3A_1082 = arith.divf %exp3A_1077, %div3A_1081 : vector<256x512xf32>
    %dot_general3A_1083 = arith.constant dense<0.000000e+00> : vector<256x64xf32>
    %dot_general3A_1084 = tpu.matmul %div3A_1082, %get3A_1023, %dot_general3A_1083 {dimension_numbers = #tpu.dot_dimension_numbers<[1], [0], [0], [1], [0, 0, 1, 1], [], []>, transpose_lhs_hint = false} : vector<256x512xf32>, vector<512x64xf32>, vector<256x64xf32> -> vector<256x64xf32>
    %get3A_1085 = arith.constant 0 : index
    %get3A_1086 = arith.constant 15 : index
    %get3A_1087 = vector.load %arg4[%get3A_1085, %get3A_1086] : memref<256x48xf32, #tpu.memory_space<vmem>>, vector<256x1xf32>
    %get3A_1088 = arith.constant 0 : index
    %get3A_1089 = arith.constant 16 : index
    %get3A_1090 = vector.load %arg4[%get3A_1088, %get3A_1089] : memref<256x48xf32, #tpu.memory_space<vmem>>, vector<256x1xf32>
    %get3A_1091 = arith.constant 0 : index
    %get3A_1092 = arith.constant 17 : index
    %get3A_1093 = vector.load %arg4[%get3A_1091, %get3A_1092] : memref<256x48xf32, #tpu.memory_space<vmem>>, vector<256x1xf32>
    %mul3A_1094 = vector.broadcast %get3A_1087 : vector<256x1xf32> to vector<256x64xf32>
    %mul3A_1095 = arith.mulf %mul3A_1094, %dot_general3A_679 : vector<256x64xf32>
    %mul3A_1096 = vector.broadcast %get3A_1090 : vector<256x1xf32> to vector<256x64xf32>
    %mul3A_1097 = arith.mulf %mul3A_1096, %while3A_1017#1 : vector<256x64xf32>
    %add3A_1098 = arith.addf %mul3A_1095, %mul3A_1097 : vector<256x64xf32>
    %mul3A_1099 = vector.broadcast %get3A_1093 : vector<256x1xf32> to vector<256x64xf32>
    %mul3A_1100 = arith.mulf %mul3A_1099, %dot_general3A_1084 : vector<256x64xf32>
    %add3A_1101 = arith.addf %add3A_1098, %mul3A_1100 : vector<256x64xf32>
    %dot_general3A_1102 = arith.constant dense<0.000000e+00> : vector<256x512xf32>
    %dot_general3A_1103 = tpu.matmul %get3A_948, %get3A_1020, %dot_general3A_1102 {dimension_numbers = #tpu.dot_dimension_numbers<[1], [1], [0], [0], [0, 0, 1, 0], [], []>, transpose_lhs_hint = false} : vector<256x64xf32>, vector<512x64xf32>, vector<256x512xf32> -> vector<256x512xf32>
    %mul3A_1104 = arith.constant 1.250000e-01 : f32
    %mul3A_1105 = vector.broadcast %mul3A_1104 : f32 to vector<256x512xf32>
    %mul3A_1106 = arith.mulf %dot_general3A_1103, %mul3A_1105 : vector<256x512xf32>
    %add3A_1107 = arith.addf %mul3A_1106, %select_n3A_1039 : vector<256x512xf32>
    %exp3A_1108 = math.exp %add3A_1107 : vector<256x512xf32>
    %reduce_sum3A_1109 = arith.constant dense<0.000000e+00> : vector<256xf32>
    %reduce_sum3A_1110 = vector.multi_reduction <add>, %exp3A_1108, %reduce_sum3A_1109 [1] : vector<256x512xf32> to vector<256xf32>
    %broadcast_in_dim3A_1111 = vector.shape_cast %reduce_sum3A_1110 : vector<256xf32> to vector<256x1xf32>
    %div3A_1112 = vector.broadcast %broadcast_in_dim3A_1111 : vector<256x1xf32> to vector<256x512xf32>
    %div3A_1113 = arith.divf %exp3A_1108, %div3A_1112 : vector<256x512xf32>
    %dot_general3A_1114 = arith.constant dense<0.000000e+00> : vector<256x64xf32>
    %dot_general3A_1115 = tpu.matmul %div3A_1113, %get3A_1023, %dot_general3A_1114 {dimension_numbers = #tpu.dot_dimension_numbers<[1], [0], [0], [1], [0, 0, 1, 1], [], []>, transpose_lhs_hint = false} : vector<256x512xf32>, vector<512x64xf32>, vector<256x64xf32> -> vector<256x64xf32>
    %get3A_1116 = arith.constant 0 : index
    %get3A_1117 = arith.constant 18 : index
    %get3A_1118 = vector.load %arg4[%get3A_1116, %get3A_1117] : memref<256x48xf32, #tpu.memory_space<vmem>>, vector<256x1xf32>
    %get3A_1119 = arith.constant 0 : index
    %get3A_1120 = arith.constant 19 : index
    %get3A_1121 = vector.load %arg4[%get3A_1119, %get3A_1120] : memref<256x48xf32, #tpu.memory_space<vmem>>, vector<256x1xf32>
    %get3A_1122 = arith.constant 0 : index
    %get3A_1123 = arith.constant 20 : index
    %get3A_1124 = vector.load %arg4[%get3A_1122, %get3A_1123] : memref<256x48xf32, #tpu.memory_space<vmem>>, vector<256x1xf32>
    %mul3A_1125 = vector.broadcast %get3A_1118 : vector<256x1xf32> to vector<256x64xf32>
    %mul3A_1126 = arith.mulf %mul3A_1125, %dot_general3A_710 : vector<256x64xf32>
    %mul3A_1127 = vector.broadcast %get3A_1121 : vector<256x1xf32> to vector<256x64xf32>
    %mul3A_1128 = arith.mulf %mul3A_1127, %while3A_1017#2 : vector<256x64xf32>
    %add3A_1129 = arith.addf %mul3A_1126, %mul3A_1128 : vector<256x64xf32>
    %mul3A_1130 = vector.broadcast %get3A_1124 : vector<256x1xf32> to vector<256x64xf32>
    %mul3A_1131 = arith.mulf %mul3A_1130, %dot_general3A_1115 : vector<256x64xf32>
    %add3A_1132 = arith.addf %add3A_1129, %mul3A_1131 : vector<256x64xf32>
    %dot_general3A_1133 = arith.constant dense<0.000000e+00> : vector<256x512xf32>
    %dot_general3A_1134 = tpu.matmul %get3A_951, %get3A_1020, %dot_general3A_1133 {dimension_numbers = #tpu.dot_dimension_numbers<[1], [1], [0], [0], [0, 0, 1, 0], [], []>, transpose_lhs_hint = false} : vector<256x64xf32>, vector<512x64xf32>, vector<256x512xf32> -> vector<256x512xf32>
    %mul3A_1135 = arith.constant 1.250000e-01 : f32
    %mul3A_1136 = vector.broadcast %mul3A_1135 : f32 to vector<256x512xf32>
    %mul3A_1137 = arith.mulf %dot_general3A_1134, %mul3A_1136 : vector<256x512xf32>
    %add3A_1138 = arith.addf %mul3A_1137, %select_n3A_1039 : vector<256x512xf32>
    %exp3A_1139 = math.exp %add3A_1138 : vector<256x512xf32>
    %reduce_sum3A_1140 = arith.constant dense<0.000000e+00> : vector<256xf32>
    %reduce_sum3A_1141 = vector.multi_reduction <add>, %exp3A_1139, %reduce_sum3A_1140 [1] : vector<256x512xf32> to vector<256xf32>
    %broadcast_in_dim3A_1142 = vector.shape_cast %reduce_sum3A_1141 : vector<256xf32> to vector<256x1xf32>
    %div3A_1143 = vector.broadcast %broadcast_in_dim3A_1142 : vector<256x1xf32> to vector<256x512xf32>
    %div3A_1144 = arith.divf %exp3A_1139, %div3A_1143 : vector<256x512xf32>
    %dot_general3A_1145 = arith.constant dense<0.000000e+00> : vector<256x64xf32>
    %dot_general3A_1146 = tpu.matmul %div3A_1144, %get3A_1023, %dot_general3A_1145 {dimension_numbers = #tpu.dot_dimension_numbers<[1], [0], [0], [1], [0, 0, 1, 1], [], []>, transpose_lhs_hint = false} : vector<256x512xf32>, vector<512x64xf32>, vector<256x64xf32> -> vector<256x64xf32>
    %get3A_1147 = arith.constant 0 : index
    %get3A_1148 = arith.constant 21 : index
    %get3A_1149 = vector.load %arg4[%get3A_1147, %get3A_1148] : memref<256x48xf32, #tpu.memory_space<vmem>>, vector<256x1xf32>
    %get3A_1150 = arith.constant 0 : index
    %get3A_1151 = arith.constant 22 : index
    %get3A_1152 = vector.load %arg4[%get3A_1150, %get3A_1151] : memref<256x48xf32, #tpu.memory_space<vmem>>, vector<256x1xf32>
    %get3A_1153 = arith.constant 0 : index
    %get3A_1154 = arith.constant 23 : index
    %get3A_1155 = vector.load %arg4[%get3A_1153, %get3A_1154] : memref<256x48xf32, #tpu.memory_space<vmem>>, vector<256x1xf32>
    %mul3A_1156 = vector.broadcast %get3A_1149 : vector<256x1xf32> to vector<256x64xf32>
    %mul3A_1157 = arith.mulf %mul3A_1156, %dot_general3A_741 : vector<256x64xf32>
    %mul3A_1158 = vector.broadcast %get3A_1152 : vector<256x1xf32> to vector<256x64xf32>
    %mul3A_1159 = arith.mulf %mul3A_1158, %while3A_1017#3 : vector<256x64xf32>
    %add3A_1160 = arith.addf %mul3A_1157, %mul3A_1159 : vector<256x64xf32>
    %mul3A_1161 = vector.broadcast %get3A_1155 : vector<256x1xf32> to vector<256x64xf32>
    %mul3A_1162 = arith.mulf %mul3A_1161, %dot_general3A_1146 : vector<256x64xf32>
    %add3A_1163 = arith.addf %add3A_1160, %mul3A_1162 : vector<256x64xf32>
    %get3A_1164 = arith.constant 0 : index
    %get3A_1165 = arith.constant 128 : index
    %get3A_1166 = vector.load %arg2[%get3A_1164, %get3A_1165] : memref<2048x256xf32, #tpu.memory_space<vmem>>, vector<2048x64xf32>
    %get3A_1167 = arith.constant 0 : index
    %get3A_1168 = arith.constant 128 : index
    %get3A_1169 = vector.load %arg3[%get3A_1167, %get3A_1168] : memref<2048x256xf32, #tpu.memory_space<vmem>>, vector<2048x64xf32>
    %reshape3A_1170 = vector.shape_cast %get3A_1166 : vector<2048x64xf32> to vector<128x16x64xf32>
    %reduce_sum3A_1171 = arith.constant dense<0.000000e+00> : vector<128x64xf32>
    %reduce_sum3A_1172 = vector.multi_reduction <add>, %reshape3A_1170, %reduce_sum3A_1171 [1] : vector<128x16x64xf32> to vector<128x64xf32>
    %div3A_1173 = arith.constant 1.600000e+01 : f32
    %div3A_1174 = vector.broadcast %div3A_1173 : f32 to vector<128x64xf32>
    %div3A_1175 = arith.divf %reduce_sum3A_1172, %div3A_1174 : vector<128x64xf32>
    %reshape3A_1176 = vector.shape_cast %get3A_1169 : vector<2048x64xf32> to vector<128x16x64xf32>
    %reduce_sum3A_1177 = arith.constant dense<0.000000e+00> : vector<128x64xf32>
    %reduce_sum3A_1178 = vector.multi_reduction <add>, %reshape3A_1176, %reduce_sum3A_1177 [1] : vector<128x16x64xf32> to vector<128x64xf32>
    %div3A_1179 = arith.constant 1.600000e+01 : f32
    %div3A_1180 = vector.broadcast %div3A_1179 : f32 to vector<128x64xf32>
    %div3A_1181 = arith.divf %reduce_sum3A_1178, %div3A_1180 : vector<128x64xf32>
    %slice3A_1182 = vector.extract_strided_slice %div3A_1175 {offsets = [0, 0], sizes = [127, 64], strides = [1, 1]} : vector<128x64xf32> to vector<127x64xf32>
    %slice3A_1183 = vector.extract_strided_slice %div3A_1175 {offsets = [1, 0], sizes = [127, 64], strides = [1, 1]} : vector<128x64xf32> to vector<127x64xf32>
    %add3A_1184 = arith.addf %slice3A_1182, %slice3A_1183 : vector<127x64xf32>
    %mul3A_1185 = arith.constant 5.000000e-01 : f32
    %mul3A_1186 = vector.broadcast %mul3A_1185 : f32 to vector<127x64xf32>
    %mul3A_1187 = arith.mulf %add3A_1184, %mul3A_1186 : vector<127x64xf32>
    %slice3A_1188 = vector.extract_strided_slice %div3A_1181 {offsets = [0, 0], sizes = [127, 64], strides = [1, 1]} : vector<128x64xf32> to vector<127x64xf32>
    %slice3A_1189 = vector.extract_strided_slice %div3A_1181 {offsets = [1, 0], sizes = [127, 64], strides = [1, 1]} : vector<128x64xf32> to vector<127x64xf32>
    %add3A_1190 = arith.addf %slice3A_1188, %slice3A_1189 : vector<127x64xf32>
    %mul3A_1191 = arith.constant 5.000000e-01 : f32
    %mul3A_1192 = vector.broadcast %mul3A_1191 : f32 to vector<127x64xf32>
    %mul3A_1193 = arith.mulf %add3A_1190, %mul3A_1192 : vector<127x64xf32>
    %iota3A_1194 = tpu.iota {dimensions = array<i32: 1>} : vector<256x127xi32>
    %mul3A_1195 = arith.constant 16 : i32
    %mul3A_1196 = vector.broadcast %mul3A_1195 : i32 to vector<256x127xi32>
    %mul3A_1197 = arith.muli %mul3A_1196, %iota3A_1194 : vector<256x127xi32>
    %add3A_1198 = arith.constant 32 : i32
    %add3A_1199 = vector.broadcast %add3A_1198 : i32 to vector<256x127xi32>
    %add3A_1200 = arith.addi %mul3A_1197, %add3A_1199 : vector<256x127xi32>
    %sub3A_1201 = arith.constant 1 : i32
    %sub3A_1202 = vector.broadcast %sub3A_1201 : i32 to vector<256x127xi32>
    %sub3A_1203 = arith.subi %add3A_1200, %sub3A_1202 : vector<256x127xi32>
    %le3A_1204 = vector.broadcast %add3A_1 : vector<256x1xi32> to vector<256x127xi32>
    %le3A_1205 = arith.cmpi sle, %sub3A_1203, %le3A_1204 : vector<256x127xi32>
    %broadcast_in_dim3A_1206 = arith.constant 0.000000e+00 : f32
    %broadcast_in_dim3A_1207 = vector.broadcast %broadcast_in_dim3A_1206 : f32 to vector<256x127xf32>
    %get3A_1208 = arith.constant 0 : index
    %get3A_1209 = arith.constant 512 : index
    %get3A_1210 = vector.load %arg1[%get3A_1208, %get3A_1209] : memref<256x1024xf32, #tpu.memory_space<vmem>>, vector<256x64xf32>
    %dot_general3A_1211 = arith.constant dense<0.000000e+00> : vector<256x127xf32>
    %dot_general3A_1212 = tpu.matmul %get3A_1210, %mul3A_1187, %dot_general3A_1211 {dimension_numbers = #tpu.dot_dimension_numbers<[1], [1], [0], [0], [0, 0, 1, 0], [], []>, transpose_lhs_hint = false} : vector<256x64xf32>, vector<127x64xf32>, vector<256x127xf32> -> vector<256x127xf32>
    %mul3A_1213 = arith.constant 1.250000e-01 : f32
    %mul3A_1214 = vector.broadcast %mul3A_1213 : f32 to vector<256x127xf32>
    %mul3A_1215 = arith.mulf %dot_general3A_1212, %mul3A_1214 : vector<256x127xf32>
    %jit3A_1216 = arith.constant -1.000000e+30 : f32
    %broadcast_in_dim3A_1217 = vector.broadcast %jit3A_1216 : f32 to vector<256x127xf32>
    %select_n3A_1218 = arith.select %le3A_1205, %mul3A_1215, %broadcast_in_dim3A_1217 : vector<256x127xi1>, vector<256x127xf32>
    %reduce_max3A_1219 = arith.constant dense<0xFF800000> : vector<256xf32>
    %reduce_max3A_1220 = vector.multi_reduction <maximumf>, %select_n3A_1218, %reduce_max3A_1219 [1] : vector<256x127xf32> to vector<256xf32>
    %broadcast_in_dim3A_1221 = vector.shape_cast %reduce_max3A_1220 : vector<256xf32> to vector<256x1xf32>
    %sub3A_1222 = vector.broadcast %broadcast_in_dim3A_1221 : vector<256x1xf32> to vector<256x127xf32>
    %sub3A_1223 = arith.subf %select_n3A_1218, %sub3A_1222 : vector<256x127xf32>
    %exp3A_1224 = math.exp %sub3A_1223 : vector<256x127xf32>
    %convert_element_type3A_1225 = arith.extui %le3A_1205 : vector<256x127xi1> to vector<256x127xi32>
    %convert_element_type3A_1226 = arith.sitofp %convert_element_type3A_1225 : vector<256x127xi32> to vector<256x127xf32>
    %mul3A_1227 = arith.mulf %exp3A_1224, %convert_element_type3A_1226 : vector<256x127xf32>
    %reduce_sum3A_1228 = arith.constant dense<0.000000e+00> : vector<256xf32>
    %reduce_sum3A_1229 = vector.multi_reduction <add>, %mul3A_1227, %reduce_sum3A_1228 [1] : vector<256x127xf32> to vector<256xf32>
    %broadcast_in_dim3A_1230 = vector.shape_cast %reduce_sum3A_1229 : vector<256xf32> to vector<256x1xf32>
    %max3A_1231 = arith.constant 9.99999971E-10 : f32
    %max3A_1232 = vector.broadcast %max3A_1231 : f32 to vector<256x1xf32>
    %max3A_1233 = arith.maximumf %broadcast_in_dim3A_1230, %max3A_1232 : vector<256x1xf32>
    %div3A_1234 = vector.broadcast %max3A_1233 : vector<256x1xf32> to vector<256x127xf32>
    %div3A_1235 = arith.divf %mul3A_1227, %div3A_1234 : vector<256x127xf32>
    %add3A_1236 = arith.addf %broadcast_in_dim3A_1207, %div3A_1235 : vector<256x127xf32>
    %dot_general3A_1237 = arith.constant dense<0.000000e+00> : vector<256x64xf32>
    %dot_general3A_1238 = tpu.matmul %div3A_1235, %mul3A_1193, %dot_general3A_1237 {dimension_numbers = #tpu.dot_dimension_numbers<[1], [0], [0], [1], [0, 0, 1, 1], [], []>, transpose_lhs_hint = false} : vector<256x127xf32>, vector<127x64xf32>, vector<256x64xf32> -> vector<256x64xf32>
    %get3A_1239 = arith.constant 0 : index
    %get3A_1240 = arith.constant 576 : index
    %get3A_1241 = vector.load %arg1[%get3A_1239, %get3A_1240] : memref<256x1024xf32, #tpu.memory_space<vmem>>, vector<256x64xf32>
    %dot_general3A_1242 = arith.constant dense<0.000000e+00> : vector<256x127xf32>
    %dot_general3A_1243 = tpu.matmul %get3A_1241, %mul3A_1187, %dot_general3A_1242 {dimension_numbers = #tpu.dot_dimension_numbers<[1], [1], [0], [0], [0, 0, 1, 0], [], []>, transpose_lhs_hint = false} : vector<256x64xf32>, vector<127x64xf32>, vector<256x127xf32> -> vector<256x127xf32>
    %mul3A_1244 = arith.constant 1.250000e-01 : f32
    %mul3A_1245 = vector.broadcast %mul3A_1244 : f32 to vector<256x127xf32>
    %mul3A_1246 = arith.mulf %dot_general3A_1243, %mul3A_1245 : vector<256x127xf32>
    %jit3A_1247 = arith.constant -1.000000e+30 : f32
    %broadcast_in_dim3A_1248 = vector.broadcast %jit3A_1247 : f32 to vector<256x127xf32>
    %select_n3A_1249 = arith.select %le3A_1205, %mul3A_1246, %broadcast_in_dim3A_1248 : vector<256x127xi1>, vector<256x127xf32>
    %reduce_max3A_1250 = arith.constant dense<0xFF800000> : vector<256xf32>
    %reduce_max3A_1251 = vector.multi_reduction <maximumf>, %select_n3A_1249, %reduce_max3A_1250 [1] : vector<256x127xf32> to vector<256xf32>
    %broadcast_in_dim3A_1252 = vector.shape_cast %reduce_max3A_1251 : vector<256xf32> to vector<256x1xf32>
    %sub3A_1253 = vector.broadcast %broadcast_in_dim3A_1252 : vector<256x1xf32> to vector<256x127xf32>
    %sub3A_1254 = arith.subf %select_n3A_1249, %sub3A_1253 : vector<256x127xf32>
    %exp3A_1255 = math.exp %sub3A_1254 : vector<256x127xf32>
    %convert_element_type3A_1256 = arith.extui %le3A_1205 : vector<256x127xi1> to vector<256x127xi32>
    %convert_element_type3A_1257 = arith.sitofp %convert_element_type3A_1256 : vector<256x127xi32> to vector<256x127xf32>
    %mul3A_1258 = arith.mulf %exp3A_1255, %convert_element_type3A_1257 : vector<256x127xf32>
    %reduce_sum3A_1259 = arith.constant dense<0.000000e+00> : vector<256xf32>
    %reduce_sum3A_1260 = vector.multi_reduction <add>, %mul3A_1258, %reduce_sum3A_1259 [1] : vector<256x127xf32> to vector<256xf32>
    %broadcast_in_dim3A_1261 = vector.shape_cast %reduce_sum3A_1260 : vector<256xf32> to vector<256x1xf32>
    %max3A_1262 = arith.constant 9.99999971E-10 : f32
    %max3A_1263 = vector.broadcast %max3A_1262 : f32 to vector<256x1xf32>
    %max3A_1264 = arith.maximumf %broadcast_in_dim3A_1261, %max3A_1263 : vector<256x1xf32>
    %div3A_1265 = vector.broadcast %max3A_1264 : vector<256x1xf32> to vector<256x127xf32>
    %div3A_1266 = arith.divf %mul3A_1258, %div3A_1265 : vector<256x127xf32>
    %add3A_1267 = arith.addf %add3A_1236, %div3A_1266 : vector<256x127xf32>
    %dot_general3A_1268 = arith.constant dense<0.000000e+00> : vector<256x64xf32>
    %dot_general3A_1269 = tpu.matmul %div3A_1266, %mul3A_1193, %dot_general3A_1268 {dimension_numbers = #tpu.dot_dimension_numbers<[1], [0], [0], [1], [0, 0, 1, 1], [], []>, transpose_lhs_hint = false} : vector<256x127xf32>, vector<127x64xf32>, vector<256x64xf32> -> vector<256x64xf32>
    %get3A_1270 = arith.constant 0 : index
    %get3A_1271 = arith.constant 640 : index
    %get3A_1272 = vector.load %arg1[%get3A_1270, %get3A_1271] : memref<256x1024xf32, #tpu.memory_space<vmem>>, vector<256x64xf32>
    %dot_general3A_1273 = arith.constant dense<0.000000e+00> : vector<256x127xf32>
    %dot_general3A_1274 = tpu.matmul %get3A_1272, %mul3A_1187, %dot_general3A_1273 {dimension_numbers = #tpu.dot_dimension_numbers<[1], [1], [0], [0], [0, 0, 1, 0], [], []>, transpose_lhs_hint = false} : vector<256x64xf32>, vector<127x64xf32>, vector<256x127xf32> -> vector<256x127xf32>
    %mul3A_1275 = arith.constant 1.250000e-01 : f32
    %mul3A_1276 = vector.broadcast %mul3A_1275 : f32 to vector<256x127xf32>
    %mul3A_1277 = arith.mulf %dot_general3A_1274, %mul3A_1276 : vector<256x127xf32>
    %jit3A_1278 = arith.constant -1.000000e+30 : f32
    %broadcast_in_dim3A_1279 = vector.broadcast %jit3A_1278 : f32 to vector<256x127xf32>
    %select_n3A_1280 = arith.select %le3A_1205, %mul3A_1277, %broadcast_in_dim3A_1279 : vector<256x127xi1>, vector<256x127xf32>
    %reduce_max3A_1281 = arith.constant dense<0xFF800000> : vector<256xf32>
    %reduce_max3A_1282 = vector.multi_reduction <maximumf>, %select_n3A_1280, %reduce_max3A_1281 [1] : vector<256x127xf32> to vector<256xf32>
    %broadcast_in_dim3A_1283 = vector.shape_cast %reduce_max3A_1282 : vector<256xf32> to vector<256x1xf32>
    %sub3A_1284 = vector.broadcast %broadcast_in_dim3A_1283 : vector<256x1xf32> to vector<256x127xf32>
    %sub3A_1285 = arith.subf %select_n3A_1280, %sub3A_1284 : vector<256x127xf32>
    %exp3A_1286 = math.exp %sub3A_1285 : vector<256x127xf32>
    %convert_element_type3A_1287 = arith.extui %le3A_1205 : vector<256x127xi1> to vector<256x127xi32>
    %convert_element_type3A_1288 = arith.sitofp %convert_element_type3A_1287 : vector<256x127xi32> to vector<256x127xf32>
    %mul3A_1289 = arith.mulf %exp3A_1286, %convert_element_type3A_1288 : vector<256x127xf32>
    %reduce_sum3A_1290 = arith.constant dense<0.000000e+00> : vector<256xf32>
    %reduce_sum3A_1291 = vector.multi_reduction <add>, %mul3A_1289, %reduce_sum3A_1290 [1] : vector<256x127xf32> to vector<256xf32>
    %broadcast_in_dim3A_1292 = vector.shape_cast %reduce_sum3A_1291 : vector<256xf32> to vector<256x1xf32>
    %max3A_1293 = arith.constant 9.99999971E-10 : f32
    %max3A_1294 = vector.broadcast %max3A_1293 : f32 to vector<256x1xf32>
    %max3A_1295 = arith.maximumf %broadcast_in_dim3A_1292, %max3A_1294 : vector<256x1xf32>
    %div3A_1296 = vector.broadcast %max3A_1295 : vector<256x1xf32> to vector<256x127xf32>
    %div3A_1297 = arith.divf %mul3A_1289, %div3A_1296 : vector<256x127xf32>
    %add3A_1298 = arith.addf %add3A_1267, %div3A_1297 : vector<256x127xf32>
    %dot_general3A_1299 = arith.constant dense<0.000000e+00> : vector<256x64xf32>
    %dot_general3A_1300 = tpu.matmul %div3A_1297, %mul3A_1193, %dot_general3A_1299 {dimension_numbers = #tpu.dot_dimension_numbers<[1], [0], [0], [1], [0, 0, 1, 1], [], []>, transpose_lhs_hint = false} : vector<256x127xf32>, vector<127x64xf32>, vector<256x64xf32> -> vector<256x64xf32>
    %get3A_1301 = arith.constant 0 : index
    %get3A_1302 = arith.constant 704 : index
    %get3A_1303 = vector.load %arg1[%get3A_1301, %get3A_1302] : memref<256x1024xf32, #tpu.memory_space<vmem>>, vector<256x64xf32>
    %dot_general3A_1304 = arith.constant dense<0.000000e+00> : vector<256x127xf32>
    %dot_general3A_1305 = tpu.matmul %get3A_1303, %mul3A_1187, %dot_general3A_1304 {dimension_numbers = #tpu.dot_dimension_numbers<[1], [1], [0], [0], [0, 0, 1, 0], [], []>, transpose_lhs_hint = false} : vector<256x64xf32>, vector<127x64xf32>, vector<256x127xf32> -> vector<256x127xf32>
    %mul3A_1306 = arith.constant 1.250000e-01 : f32
    %mul3A_1307 = vector.broadcast %mul3A_1306 : f32 to vector<256x127xf32>
    %mul3A_1308 = arith.mulf %dot_general3A_1305, %mul3A_1307 : vector<256x127xf32>
    %jit3A_1309 = arith.constant -1.000000e+30 : f32
    %broadcast_in_dim3A_1310 = vector.broadcast %jit3A_1309 : f32 to vector<256x127xf32>
    %select_n3A_1311 = arith.select %le3A_1205, %mul3A_1308, %broadcast_in_dim3A_1310 : vector<256x127xi1>, vector<256x127xf32>
    %reduce_max3A_1312 = arith.constant dense<0xFF800000> : vector<256xf32>
    %reduce_max3A_1313 = vector.multi_reduction <maximumf>, %select_n3A_1311, %reduce_max3A_1312 [1] : vector<256x127xf32> to vector<256xf32>
    %broadcast_in_dim3A_1314 = vector.shape_cast %reduce_max3A_1313 : vector<256xf32> to vector<256x1xf32>
    %sub3A_1315 = vector.broadcast %broadcast_in_dim3A_1314 : vector<256x1xf32> to vector<256x127xf32>
    %sub3A_1316 = arith.subf %select_n3A_1311, %sub3A_1315 : vector<256x127xf32>
    %exp3A_1317 = math.exp %sub3A_1316 : vector<256x127xf32>
    %convert_element_type3A_1318 = arith.extui %le3A_1205 : vector<256x127xi1> to vector<256x127xi32>
    %convert_element_type3A_1319 = arith.sitofp %convert_element_type3A_1318 : vector<256x127xi32> to vector<256x127xf32>
    %mul3A_1320 = arith.mulf %exp3A_1317, %convert_element_type3A_1319 : vector<256x127xf32>
    %reduce_sum3A_1321 = arith.constant dense<0.000000e+00> : vector<256xf32>
    %reduce_sum3A_1322 = vector.multi_reduction <add>, %mul3A_1320, %reduce_sum3A_1321 [1] : vector<256x127xf32> to vector<256xf32>
    %broadcast_in_dim3A_1323 = vector.shape_cast %reduce_sum3A_1322 : vector<256xf32> to vector<256x1xf32>
    %max3A_1324 = arith.constant 9.99999971E-10 : f32
    %max3A_1325 = vector.broadcast %max3A_1324 : f32 to vector<256x1xf32>
    %max3A_1326 = arith.maximumf %broadcast_in_dim3A_1323, %max3A_1325 : vector<256x1xf32>
    %div3A_1327 = vector.broadcast %max3A_1326 : vector<256x1xf32> to vector<256x127xf32>
    %div3A_1328 = arith.divf %mul3A_1320, %div3A_1327 : vector<256x127xf32>
    %add3A_1329 = arith.addf %add3A_1298, %div3A_1328 : vector<256x127xf32>
    %dot_general3A_1330 = arith.constant dense<0.000000e+00> : vector<256x64xf32>
    %dot_general3A_1331 = tpu.matmul %div3A_1328, %mul3A_1193, %dot_general3A_1330 {dimension_numbers = #tpu.dot_dimension_numbers<[1], [0], [0], [1], [0, 0, 1, 1], [], []>, transpose_lhs_hint = false} : vector<256x127xf32>, vector<127x64xf32>, vector<256x64xf32> -> vector<256x64xf32>
    %iota3A_1332 = tpu.iota {dimensions = array<i32: 0>} : vector<127x64xi32>
    %iota3A_1333 = tpu.iota {dimensions = array<i32: 1>} : vector<127x64xi32>
    %jit3A_1334 = arith.constant 2 : i32
    %div3A_1335 = vector.broadcast %jit3A_1334 : i32 to vector<127x64xi32>
    %div3A_1336 = arith.divsi %iota3A_1332, %div3A_1335 : vector<127x64xi32>
    %sign3A_1337 = arith.constant 0 : i32
    %sign3A_1338 = vector.broadcast %sign3A_1337 : i32 to vector<127x64xi32>
    %sign3A_1339 = arith.cmpi sgt, %iota3A_1332, %sign3A_1338 : vector<127x64xi32>
    %sign3A_1340 = arith.extui %sign3A_1339 : vector<127x64xi1> to vector<127x64xi32>
    %sign3A_1341 = arith.constant 0 : i32
    %sign3A_1342 = vector.broadcast %sign3A_1341 : i32 to vector<127x64xi32>
    %sign3A_1343 = arith.cmpi slt, %iota3A_1332, %sign3A_1342 : vector<127x64xi32>
    %sign3A_1344 = arith.extui %sign3A_1343 : vector<127x64xi1> to vector<127x64xi32>
    %sign3A_1345 = arith.subi %sign3A_1340, %sign3A_1344 : vector<127x64xi32>
    %sign3A_1346 = arith.constant 0 : i32
    %sign3A_1347 = arith.cmpi sgt, %jit3A_1334, %sign3A_1346 : i32
    %sign3A_1348 = arith.extui %sign3A_1347 : i1 to i32
    %sign3A_1349 = arith.constant 0 : i32
    %sign3A_1350 = arith.cmpi slt, %jit3A_1334, %sign3A_1349 : i32
    %sign3A_1351 = arith.extui %sign3A_1350 : i1 to i32
    %sign3A_1352 = arith.subi %sign3A_1348, %sign3A_1351 : i32
    %ne3A_1353 = vector.broadcast %sign3A_1352 : i32 to vector<127x64xi32>
    %ne3A_1354 = arith.cmpi ne, %sign3A_1345, %ne3A_1353 : vector<127x64xi32>
    %rem3A_1355 = vector.broadcast %jit3A_1334 : i32 to vector<127x64xi32>
    %rem3A_1356 = arith.remsi %iota3A_1332, %rem3A_1355 : vector<127x64xi32>
    %ne3A_1357 = arith.constant 0 : i32
    %ne3A_1358 = vector.broadcast %ne3A_1357 : i32 to vector<127x64xi32>
    %ne3A_1359 = arith.cmpi ne, %rem3A_1356, %ne3A_1358 : vector<127x64xi32>
    %and3A_1360 = arith.andi %ne3A_1354, %ne3A_1359 : vector<127x64xi1>
    %sub3A_1361 = arith.constant 1 : i32
    %sub3A_1362 = vector.broadcast %sub3A_1361 : i32 to vector<127x64xi32>
    %sub3A_1363 = arith.subi %div3A_1336, %sub3A_1362 : vector<127x64xi32>
    %select_n3A_1364 = arith.select %and3A_1360, %sub3A_1363, %div3A_1336 : vector<127x64xi1>, vector<127x64xi32>
    %eq3A_1365 = arith.cmpi eq, %select_n3A_1364, %iota3A_1333 : vector<127x64xi32>
    %convert_element_type3A_1366 = arith.extui %eq3A_1365 : vector<127x64xi1> to vector<127x64xi32>
    %convert_element_type3A_1367 = arith.sitofp %convert_element_type3A_1366 : vector<127x64xi32> to vector<127x64xf32>
    %dot_general3A_1368 = arith.constant dense<0.000000e+00> : vector<256x64xf32>
    %dot_general3A_1369 = tpu.matmul %add3A_1329, %convert_element_type3A_1367, %dot_general3A_1368 {dimension_numbers = #tpu.dot_dimension_numbers<[1], [0], [0], [1], [0, 0, 1, 1], [], []>, transpose_lhs_hint = false} : vector<256x127xf32>, vector<127x64xf32>, vector<256x64xf32> -> vector<256x64xf32>
    %iota3A_1370 = tpu.iota {dimensions = array<i32: 1>} : vector<256x64xi32>
    %jit3A_1371 = arith.constant 32 : i32
    %div3A_1372 = vector.broadcast %jit3A_1371 : i32 to vector<256x1xi32>
    %div3A_1373 = arith.divsi %add3A_1, %div3A_1372 : vector<256x1xi32>
    %sign3A_1374 = arith.constant 0 : i32
    %sign3A_1375 = vector.broadcast %sign3A_1374 : i32 to vector<256x1xi32>
    %sign3A_1376 = arith.cmpi sgt, %add3A_1, %sign3A_1375 : vector<256x1xi32>
    %sign3A_1377 = arith.extui %sign3A_1376 : vector<256x1xi1> to vector<256x1xi32>
    %sign3A_1378 = arith.constant 0 : i32
    %sign3A_1379 = vector.broadcast %sign3A_1378 : i32 to vector<256x1xi32>
    %sign3A_1380 = arith.cmpi slt, %add3A_1, %sign3A_1379 : vector<256x1xi32>
    %sign3A_1381 = arith.extui %sign3A_1380 : vector<256x1xi1> to vector<256x1xi32>
    %sign3A_1382 = arith.subi %sign3A_1377, %sign3A_1381 : vector<256x1xi32>
    %sign3A_1383 = arith.constant 0 : i32
    %sign3A_1384 = arith.cmpi sgt, %jit3A_1371, %sign3A_1383 : i32
    %sign3A_1385 = arith.extui %sign3A_1384 : i1 to i32
    %sign3A_1386 = arith.constant 0 : i32
    %sign3A_1387 = arith.cmpi slt, %jit3A_1371, %sign3A_1386 : i32
    %sign3A_1388 = arith.extui %sign3A_1387 : i1 to i32
    %sign3A_1389 = arith.subi %sign3A_1385, %sign3A_1388 : i32
    %ne3A_1390 = vector.broadcast %sign3A_1389 : i32 to vector<256x1xi32>
    %ne3A_1391 = arith.cmpi ne, %sign3A_1382, %ne3A_1390 : vector<256x1xi32>
    %rem3A_1392 = vector.broadcast %jit3A_1371 : i32 to vector<256x1xi32>
    %rem3A_1393 = arith.remsi %add3A_1, %rem3A_1392 : vector<256x1xi32>
    %ne3A_1394 = arith.constant 0 : i32
    %ne3A_1395 = vector.broadcast %ne3A_1394 : i32 to vector<256x1xi32>
    %ne3A_1396 = arith.cmpi ne, %rem3A_1393, %ne3A_1395 : vector<256x1xi32>
    %and3A_1397 = arith.andi %ne3A_1391, %ne3A_1396 : vector<256x1xi1>
    %sub3A_1398 = arith.constant 1 : i32
    %sub3A_1399 = vector.broadcast %sub3A_1398 : i32 to vector<256x1xi32>
    %sub3A_1400 = arith.subi %div3A_1373, %sub3A_1399 : vector<256x1xi32>
    %select_n3A_1401 = arith.select %and3A_1397, %sub3A_1400, %div3A_1373 : vector<256x1xi1>, vector<256x1xi32>
    %eq3A_1402 = vector.broadcast %select_n3A_1401 : vector<256x1xi32> to vector<256x64xi32>
    %eq3A_1403 = arith.cmpi eq, %iota3A_1370, %eq3A_1402 : vector<256x64xi32>
    %jit3A_1404 = arith.constant 1.000000e+06 : f32
    %jit3A_1405 = arith.constant 0.000000e+00 : f32
    %broadcast_in_dim3A_1406 = vector.broadcast %jit3A_1404 : f32 to vector<256x64xf32>
    %broadcast_in_dim3A_1407 = vector.broadcast %jit3A_1405 : f32 to vector<256x64xf32>
    %select_n3A_1408 = arith.select %eq3A_1403, %broadcast_in_dim3A_1406, %broadcast_in_dim3A_1407 : vector<256x64xi1>, vector<256x64xf32>
    %eq3A_1409 = arith.constant 0 : i32
    %eq3A_1410 = vector.broadcast %eq3A_1409 : i32 to vector<256x64xi32>
    %eq3A_1411 = arith.cmpi eq, %iota3A_1370, %eq3A_1410 : vector<256x64xi32>
    %jit3A_1412 = arith.constant 1.000000e+06 : f32
    %jit3A_1413 = arith.constant 0.000000e+00 : f32
    %broadcast_in_dim3A_1414 = vector.broadcast %jit3A_1412 : f32 to vector<256x64xf32>
    %broadcast_in_dim3A_1415 = vector.broadcast %jit3A_1413 : f32 to vector<256x64xf32>
    %select_n3A_1416 = arith.select %eq3A_1411, %broadcast_in_dim3A_1414, %broadcast_in_dim3A_1415 : vector<256x64xi1>, vector<256x64xf32>
    %add3A_1417 = arith.addf %select_n3A_1408, %select_n3A_1416 : vector<256x64xf32>
    %mul3A_1418 = arith.constant 32 : i32
    %mul3A_1419 = vector.broadcast %mul3A_1418 : i32 to vector<256x64xi32>
    %mul3A_1420 = arith.muli %iota3A_1370, %mul3A_1419 : vector<256x64xi32>
    %le3A_1421 = vector.broadcast %add3A_1 : vector<256x1xi32> to vector<256x64xi32>
    %le3A_1422 = arith.cmpi sle, %mul3A_1420, %le3A_1421 : vector<256x64xi32>
    %add3A_1423 = arith.addf %dot_general3A_1369, %add3A_1417 : vector<256x64xf32>
    %jit3A_1424 = arith.constant 0xFF800000 : f32
    %broadcast_in_dim3A_1425 = vector.broadcast %jit3A_1424 : f32 to vector<256x64xf32>
    %select_n3A_1426 = arith.select %le3A_1422, %add3A_1423, %broadcast_in_dim3A_1425 : vector<256x64xi1>, vector<256x64xf32>
    %broadcast_in_dim3A_1427 = arith.constant false
    %broadcast_in_dim3A_1428 = vector.broadcast %broadcast_in_dim3A_1427 : i1 to vector<256x64xi1>
    %reduce_max3A_1429 = arith.constant dense<0xFF800000> : vector<256xf32>
    %reduce_max3A_1430 = vector.multi_reduction <maximumf>, %select_n3A_1426, %reduce_max3A_1429 [1] : vector<256x64xf32> to vector<256xf32>
    %broadcast_in_dim3A_1431 = vector.shape_cast %reduce_max3A_1430 : vector<256xf32> to vector<256x1xf32>
    %eq3A_1432 = vector.broadcast %broadcast_in_dim3A_1431 : vector<256x1xf32> to vector<256x64xf32>
    %eq3A_1433 = arith.cmpf oeq, %select_n3A_1426, %eq3A_1432 : vector<256x64xf32>
    %jit3A_1434 = arith.constant 65 : i32
    %broadcast_in_dim3A_1435 = vector.broadcast %jit3A_1434 : i32 to vector<256x64xi32>
    %select_n3A_1436 = arith.select %eq3A_1433, %iota3A_1370, %broadcast_in_dim3A_1435 : vector<256x64xi1>, vector<256x64xi32>
    %reduce_min3A_1437 = arith.constant dense<2147483647> : vector<256xi32>
    %reduce_min3A_1438 = vector.multi_reduction <minsi>, %select_n3A_1436, %reduce_min3A_1437 [1] : vector<256x64xi32> to vector<256xi32>
    %broadcast_in_dim3A_1439 = vector.shape_cast %reduce_min3A_1438 : vector<256xi32> to vector<256x1xi32>
    %eq3A_1440 = vector.broadcast %broadcast_in_dim3A_1439 : vector<256x1xi32> to vector<256x64xi32>
    %eq3A_1441 = arith.cmpi eq, %iota3A_1370, %eq3A_1440 : vector<256x64xi32>
    %or3A_1442 = arith.ori %broadcast_in_dim3A_1428, %eq3A_1441 : vector<256x64xi1>
    %jit3A_1443 = arith.constant 0xFF800000 : f32
    %broadcast_in_dim3A_1444 = vector.broadcast %jit3A_1443 : f32 to vector<256x64xf32>
    %select_n3A_1445 = arith.select %eq3A_1441, %broadcast_in_dim3A_1444, %select_n3A_1426 : vector<256x64xi1>, vector<256x64xf32>
    %reduce_max3A_1446 = arith.constant dense<0xFF800000> : vector<256xf32>
    %reduce_max3A_1447 = vector.multi_reduction <maximumf>, %select_n3A_1445, %reduce_max3A_1446 [1] : vector<256x64xf32> to vector<256xf32>
    %broadcast_in_dim3A_1448 = vector.shape_cast %reduce_max3A_1447 : vector<256xf32> to vector<256x1xf32>
    %eq3A_1449 = vector.broadcast %broadcast_in_dim3A_1448 : vector<256x1xf32> to vector<256x64xf32>
    %eq3A_1450 = arith.cmpf oeq, %select_n3A_1445, %eq3A_1449 : vector<256x64xf32>
    %jit3A_1451 = arith.constant 65 : i32
    %broadcast_in_dim3A_1452 = vector.broadcast %jit3A_1451 : i32 to vector<256x64xi32>
    %select_n3A_1453 = arith.select %eq3A_1450, %iota3A_1370, %broadcast_in_dim3A_1452 : vector<256x64xi1>, vector<256x64xi32>
    %reduce_min3A_1454 = arith.constant dense<2147483647> : vector<256xi32>
    %reduce_min3A_1455 = vector.multi_reduction <minsi>, %select_n3A_1453, %reduce_min3A_1454 [1] : vector<256x64xi32> to vector<256xi32>
    %broadcast_in_dim3A_1456 = vector.shape_cast %reduce_min3A_1455 : vector<256xi32> to vector<256x1xi32>
    %eq3A_1457 = vector.broadcast %broadcast_in_dim3A_1456 : vector<256x1xi32> to vector<256x64xi32>
    %eq3A_1458 = arith.cmpi eq, %iota3A_1370, %eq3A_1457 : vector<256x64xi32>
    %or3A_1459 = arith.ori %or3A_1442, %eq3A_1458 : vector<256x64xi1>
    %jit3A_1460 = arith.constant 0xFF800000 : f32
    %broadcast_in_dim3A_1461 = vector.broadcast %jit3A_1460 : f32 to vector<256x64xf32>
    %select_n3A_1462 = arith.select %eq3A_1458, %broadcast_in_dim3A_1461, %select_n3A_1445 : vector<256x64xi1>, vector<256x64xf32>
    %reduce_max3A_1463 = arith.constant dense<0xFF800000> : vector<256xf32>
    %reduce_max3A_1464 = vector.multi_reduction <maximumf>, %select_n3A_1462, %reduce_max3A_1463 [1] : vector<256x64xf32> to vector<256xf32>
    %broadcast_in_dim3A_1465 = vector.shape_cast %reduce_max3A_1464 : vector<256xf32> to vector<256x1xf32>
    %eq3A_1466 = vector.broadcast %broadcast_in_dim3A_1465 : vector<256x1xf32> to vector<256x64xf32>
    %eq3A_1467 = arith.cmpf oeq, %select_n3A_1462, %eq3A_1466 : vector<256x64xf32>
    %jit3A_1468 = arith.constant 65 : i32
    %broadcast_in_dim3A_1469 = vector.broadcast %jit3A_1468 : i32 to vector<256x64xi32>
    %select_n3A_1470 = arith.select %eq3A_1467, %iota3A_1370, %broadcast_in_dim3A_1469 : vector<256x64xi1>, vector<256x64xi32>
    %reduce_min3A_1471 = arith.constant dense<2147483647> : vector<256xi32>
    %reduce_min3A_1472 = vector.multi_reduction <minsi>, %select_n3A_1470, %reduce_min3A_1471 [1] : vector<256x64xi32> to vector<256xi32>
    %broadcast_in_dim3A_1473 = vector.shape_cast %reduce_min3A_1472 : vector<256xi32> to vector<256x1xi32>
    %eq3A_1474 = vector.broadcast %broadcast_in_dim3A_1473 : vector<256x1xi32> to vector<256x64xi32>
    %eq3A_1475 = arith.cmpi eq, %iota3A_1370, %eq3A_1474 : vector<256x64xi32>
    %or3A_1476 = arith.ori %or3A_1459, %eq3A_1475 : vector<256x64xi1>
    %jit3A_1477 = arith.constant 0xFF800000 : f32
    %broadcast_in_dim3A_1478 = vector.broadcast %jit3A_1477 : f32 to vector<256x64xf32>
    %select_n3A_1479 = arith.select %eq3A_1475, %broadcast_in_dim3A_1478, %select_n3A_1462 : vector<256x64xi1>, vector<256x64xf32>
    %reduce_max3A_1480 = arith.constant dense<0xFF800000> : vector<256xf32>
    %reduce_max3A_1481 = vector.multi_reduction <maximumf>, %select_n3A_1479, %reduce_max3A_1480 [1] : vector<256x64xf32> to vector<256xf32>
    %broadcast_in_dim3A_1482 = vector.shape_cast %reduce_max3A_1481 : vector<256xf32> to vector<256x1xf32>
    %eq3A_1483 = vector.broadcast %broadcast_in_dim3A_1482 : vector<256x1xf32> to vector<256x64xf32>
    %eq3A_1484 = arith.cmpf oeq, %select_n3A_1479, %eq3A_1483 : vector<256x64xf32>
    %jit3A_1485 = arith.constant 65 : i32
    %broadcast_in_dim3A_1486 = vector.broadcast %jit3A_1485 : i32 to vector<256x64xi32>
    %select_n3A_1487 = arith.select %eq3A_1484, %iota3A_1370, %broadcast_in_dim3A_1486 : vector<256x64xi1>, vector<256x64xi32>
    %reduce_min3A_1488 = arith.constant dense<2147483647> : vector<256xi32>
    %reduce_min3A_1489 = vector.multi_reduction <minsi>, %select_n3A_1487, %reduce_min3A_1488 [1] : vector<256x64xi32> to vector<256xi32>
    %broadcast_in_dim3A_1490 = vector.shape_cast %reduce_min3A_1489 : vector<256xi32> to vector<256x1xi32>
    %eq3A_1491 = vector.broadcast %broadcast_in_dim3A_1490 : vector<256x1xi32> to vector<256x64xi32>
    %eq3A_1492 = arith.cmpi eq, %iota3A_1370, %eq3A_1491 : vector<256x64xi32>
    %or3A_1493 = arith.ori %or3A_1476, %eq3A_1492 : vector<256x64xi1>
    %convert_element_type3A_1494 = arith.extui %or3A_1493 : vector<256x64xi1> to vector<256x64xi32>
    %convert_element_type3A_1495 = arith.sitofp %convert_element_type3A_1494 : vector<256x64xi32> to vector<256x64xf32>
    %iota3A_1496 = tpu.iota {dimensions = array<i32: 0>} : vector<64x256xi32>
    %iota3A_1497 = tpu.iota {dimensions = array<i32: 1>} : vector<64x256xi32>
    %jit3A_1498 = arith.constant 32 : i32
    %div3A_1499 = vector.broadcast %jit3A_1498 : i32 to vector<64x256xi32>
    %div3A_1500 = arith.divsi %iota3A_1497, %div3A_1499 : vector<64x256xi32>
    %sign3A_1501 = arith.constant 0 : i32
    %sign3A_1502 = vector.broadcast %sign3A_1501 : i32 to vector<64x256xi32>
    %sign3A_1503 = arith.cmpi sgt, %iota3A_1497, %sign3A_1502 : vector<64x256xi32>
    %sign3A_1504 = arith.extui %sign3A_1503 : vector<64x256xi1> to vector<64x256xi32>
    %sign3A_1505 = arith.constant 0 : i32
    %sign3A_1506 = vector.broadcast %sign3A_1505 : i32 to vector<64x256xi32>
    %sign3A_1507 = arith.cmpi slt, %iota3A_1497, %sign3A_1506 : vector<64x256xi32>
    %sign3A_1508 = arith.extui %sign3A_1507 : vector<64x256xi1> to vector<64x256xi32>
    %sign3A_1509 = arith.subi %sign3A_1504, %sign3A_1508 : vector<64x256xi32>
    %sign3A_1510 = arith.constant 0 : i32
    %sign3A_1511 = arith.cmpi sgt, %jit3A_1498, %sign3A_1510 : i32
    %sign3A_1512 = arith.extui %sign3A_1511 : i1 to i32
    %sign3A_1513 = arith.constant 0 : i32
    %sign3A_1514 = arith.cmpi slt, %jit3A_1498, %sign3A_1513 : i32
    %sign3A_1515 = arith.extui %sign3A_1514 : i1 to i32
    %sign3A_1516 = arith.subi %sign3A_1512, %sign3A_1515 : i32
    %ne3A_1517 = vector.broadcast %sign3A_1516 : i32 to vector<64x256xi32>
    %ne3A_1518 = arith.cmpi ne, %sign3A_1509, %ne3A_1517 : vector<64x256xi32>
    %rem3A_1519 = vector.broadcast %jit3A_1498 : i32 to vector<64x256xi32>
    %rem3A_1520 = arith.remsi %iota3A_1497, %rem3A_1519 : vector<64x256xi32>
    %ne3A_1521 = arith.constant 0 : i32
    %ne3A_1522 = vector.broadcast %ne3A_1521 : i32 to vector<64x256xi32>
    %ne3A_1523 = arith.cmpi ne, %rem3A_1520, %ne3A_1522 : vector<64x256xi32>
    %and3A_1524 = arith.andi %ne3A_1518, %ne3A_1523 : vector<64x256xi1>
    %sub3A_1525 = arith.constant 1 : i32
    %sub3A_1526 = vector.broadcast %sub3A_1525 : i32 to vector<64x256xi32>
    %sub3A_1527 = arith.subi %div3A_1500, %sub3A_1526 : vector<64x256xi32>
    %select_n3A_1528 = arith.select %and3A_1524, %sub3A_1527, %div3A_1500 : vector<64x256xi1>, vector<64x256xi32>
    %iota3A_1529 = tpu.iota {dimensions = array<i32: 1>} : vector<256x256xi32>
    %get3A_1530 = arith.constant 0 : index
    %get3A_1531 = arith.constant 512 : index
    %get3A_1532 = vector.load %arg1[%get3A_1530, %get3A_1531] : memref<256x1024xf32, #tpu.memory_space<vmem>>, vector<256x64xf32>
    %get3A_1533 = arith.constant 0 : index
    %get3A_1534 = arith.constant 576 : index
    %get3A_1535 = vector.load %arg1[%get3A_1533, %get3A_1534] : memref<256x1024xf32, #tpu.memory_space<vmem>>, vector<256x64xf32>
    %get3A_1536 = arith.constant 0 : index
    %get3A_1537 = arith.constant 640 : index
    %get3A_1538 = vector.load %arg1[%get3A_1536, %get3A_1537] : memref<256x1024xf32, #tpu.memory_space<vmem>>, vector<256x64xf32>
    %get3A_1539 = arith.constant 0 : index
    %get3A_1540 = arith.constant 704 : index
    %get3A_1541 = vector.load %arg1[%get3A_1539, %get3A_1540] : memref<256x1024xf32, #tpu.memory_space<vmem>>, vector<256x64xf32>
    %broadcast_in_dim3A_1542 = arith.constant 0.000000e+00 : f32
    %broadcast_in_dim3A_1543 = vector.broadcast %broadcast_in_dim3A_1542 : f32 to vector<256x1xf32>
    %broadcast_in_dim3A_1544 = arith.constant 0.000000e+00 : f32
    %broadcast_in_dim3A_1545 = vector.broadcast %broadcast_in_dim3A_1544 : f32 to vector<256x1xf32>
    %broadcast_in_dim3A_1546 = arith.constant 0.000000e+00 : f32
    %broadcast_in_dim3A_1547 = vector.broadcast %broadcast_in_dim3A_1546 : f32 to vector<256x1xf32>
    %broadcast_in_dim3A_1548 = arith.constant 0.000000e+00 : f32
    %broadcast_in_dim3A_1549 = vector.broadcast %broadcast_in_dim3A_1548 : f32 to vector<256x1xf32>
    %add3A_1550 = arith.constant 1 : i32
    %add3A_1551 = arith.addi %arg0, %add3A_1550 : i32
    %while3A_1552 = arith.constant 0 : i32
    %while3A_1553 = arith.subi %add3A_1551, %while3A_1552 : i32
    %while3A_1554 = arith.addi %while3A_1552, %while3A_1553 : i32
    %while3A_1555 = arith.constant 1 : i32
    %while3A_1556 = arith.divsi %while3A_1553, %while3A_1555 : i32
    %while3A_1557 = arith.muli %while3A_1556, %while3A_1555 : i32
    %while3A_1558 = arith.addi %while3A_1552, %while3A_1557 : i32
    %while3A_1559 = arith.constant 1 : i32
    %while3A_1560:4 = scf.for %while3A_2375 = %while3A_1552 to %while3A_1558 step %while3A_1559 iter_args(%while3A_2376 = %broadcast_in_dim3A_1543, %while3A_2377 = %broadcast_in_dim3A_1545, %while3A_2378 = %broadcast_in_dim3A_1547, %while3A_2379 = %broadcast_in_dim3A_1549) -> (vector<256x1xf32>, vector<256x1xf32>, vector<256x1xf32>, vector<256x1xf32>)  : i32 {
      %mul3A_2380 = arith.constant 256 : i32
      %mul3A_2381 = arith.muli %while3A_2375, %mul3A_2380 : i32
      %get3A_2382 = arith.index_cast %mul3A_2381 : i32 to index
      %get3A_2383 = arith.constant 128 : index
      %get3A_2384 = vector.load %arg2[%get3A_2382, %get3A_2383] : memref<2048x256xf32, #tpu.memory_space<vmem>>, vector<256x64xf32>
      %mul3A_2385 = arith.constant 8 : i32
      %mul3A_2386 = arith.muli %while3A_2375, %mul3A_2385 : i32
      %add3A_2387 = vector.broadcast %mul3A_2386 : i32 to vector<64x256xi32>
      %add3A_2388 = arith.addi %add3A_2387, %select_n3A_1528 : vector<64x256xi32>
      %eq3A_2389 = arith.cmpi eq, %iota3A_1496, %add3A_2388 : vector<64x256xi32>
      %convert_element_type3A_2390 = arith.extui %eq3A_2389 : vector<64x256xi1> to vector<64x256xi32>
      %convert_element_type3A_2391 = arith.sitofp %convert_element_type3A_2390 : vector<64x256xi32> to vector<64x256xf32>
      %dot_general3A_2392 = arith.constant dense<0.000000e+00> : vector<256x256xf32>
      %dot_general3A_2393 = tpu.matmul %convert_element_type3A_1495, %convert_element_type3A_2391, %dot_general3A_2392 {dimension_numbers = #tpu.dot_dimension_numbers<[1], [0], [0], [1], [0, 0, 1, 1], [], []>, transpose_lhs_hint = false} : vector<256x64xf32>, vector<64x256xf32>, vector<256x256xf32> -> vector<256x256xf32>
      %mul3A_2394 = arith.constant 256 : i32
      %mul3A_2395 = arith.muli %while3A_2375, %mul3A_2394 : i32
      %add3A_2396 = vector.broadcast %mul3A_2395 : i32 to vector<256x256xi32>
      %add3A_2397 = arith.addi %add3A_2396, %iota3A_1529 : vector<256x256xi32>
      %gt3A = arith.constant 5.000000e-01 : f32
      %gt3A_2398 = vector.broadcast %gt3A : f32 to vector<256x256xf32>
      %gt3A_2399 = arith.cmpf ogt, %dot_general3A_2393, %gt3A_2398 : vector<256x256xf32>
      %le3A_2400 = vector.broadcast %add3A_1 : vector<256x1xi32> to vector<256x256xi32>
      %le3A_2401 = arith.cmpi sle, %add3A_2397, %le3A_2400 : vector<256x256xi32>
      %and3A_2402 = arith.andi %gt3A_2399, %le3A_2401 : vector<256x256xi1>
      %jit3A_2403 = arith.constant 0.000000e+00 : f32
      %jit3A_2404 = arith.constant -1.000000e+30 : f32
      %broadcast_in_dim3A_2405 = vector.broadcast %jit3A_2403 : f32 to vector<256x256xf32>
      %broadcast_in_dim3A_2406 = vector.broadcast %jit3A_2404 : f32 to vector<256x256xf32>
      %select_n3A_2407 = arith.select %and3A_2402, %broadcast_in_dim3A_2405, %broadcast_in_dim3A_2406 : vector<256x256xi1>, vector<256x256xf32>
      %dot_general3A_2408 = arith.constant dense<0.000000e+00> : vector<256x256xf32>
      %dot_general3A_2409 = tpu.matmul %get3A_1532, %get3A_2384, %dot_general3A_2408 {dimension_numbers = #tpu.dot_dimension_numbers<[1], [1], [0], [0], [0, 0, 1, 0], [], []>, transpose_lhs_hint = false} : vector<256x64xf32>, vector<256x64xf32>, vector<256x256xf32> -> vector<256x256xf32>
      %mul3A_2410 = arith.constant 1.250000e-01 : f32
      %mul3A_2411 = vector.broadcast %mul3A_2410 : f32 to vector<256x256xf32>
      %mul3A_2412 = arith.mulf %dot_general3A_2409, %mul3A_2411 : vector<256x256xf32>
      %add3A_2413 = arith.addf %mul3A_2412, %select_n3A_2407 : vector<256x256xf32>
      %exp3A_2414 = math.exp %add3A_2413 : vector<256x256xf32>
      %swap3A_2415 = arith.constant 0 : index
      %swap3A_2416 = arith.index_cast %while3A_2375 : i32 to index
      %swap3A_2417 = arith.constant 0 : index
      %swap3A_2418 = arith.constant 0 : index
      %swap3A_2419 = vector.load %arg10[%swap3A_2415, %swap3A_2416, %swap3A_2417, %swap3A_2418] : memref<4x8x256x256xf32, #tpu.memory_space<vmem>>, vector<1x1x256x256xf32>
      %swap3A_2420 = vector.shape_cast %swap3A_2419 : vector<1x1x256x256xf32> to vector<256x256xf32>
      %swap3A_2421 = vector.shape_cast %exp3A_2414 : vector<256x256xf32> to vector<1x1x256x256xf32>
      tpu.vector_store %arg10[%swap3A_2415, %swap3A_2416, %swap3A_2417, %swap3A_2418], %swap3A_2421 {strides = array<i32>} : memref<4x8x256x256xf32, #tpu.memory_space<vmem>>, vector<1x1x256x256xf32>,
      %reduce_sum3A_2422 = arith.constant dense<0.000000e+00> : vector<256xf32>
      %reduce_sum3A_2423 = vector.multi_reduction <add>, %exp3A_2414, %reduce_sum3A_2422 [1] : vector<256x256xf32> to vector<256xf32>
      %broadcast_in_dim3A_2424 = vector.shape_cast %reduce_sum3A_2423 : vector<256xf32> to vector<256x1xf32>
      %add3A_2425 = arith.addf %while3A_2376, %broadcast_in_dim3A_2424 : vector<256x1xf32>
      %dot_general3A_2426 = arith.constant dense<0.000000e+00> : vector<256x256xf32>
      %dot_general3A_2427 = tpu.matmul %get3A_1535, %get3A_2384, %dot_general3A_2426 {dimension_numbers = #tpu.dot_dimension_numbers<[1], [1], [0], [0], [0, 0, 1, 0], [], []>, transpose_lhs_hint = false} : vector<256x64xf32>, vector<256x64xf32>, vector<256x256xf32> -> vector<256x256xf32>
      %mul3A_2428 = arith.constant 1.250000e-01 : f32
      %mul3A_2429 = vector.broadcast %mul3A_2428 : f32 to vector<256x256xf32>
      %mul3A_2430 = arith.mulf %dot_general3A_2427, %mul3A_2429 : vector<256x256xf32>
      %add3A_2431 = arith.addf %mul3A_2430, %select_n3A_2407 : vector<256x256xf32>
      %exp3A_2432 = math.exp %add3A_2431 : vector<256x256xf32>
      %swap3A_2433 = arith.constant 1 : index
      %swap3A_2434 = arith.index_cast %while3A_2375 : i32 to index
      %swap3A_2435 = arith.constant 0 : index
      %swap3A_2436 = arith.constant 0 : index
      %swap3A_2437 = vector.load %arg10[%swap3A_2433, %swap3A_2434, %swap3A_2435, %swap3A_2436] : memref<4x8x256x256xf32, #tpu.memory_space<vmem>>, vector<1x1x256x256xf32>
      %swap3A_2438 = vector.shape_cast %swap3A_2437 : vector<1x1x256x256xf32> to vector<256x256xf32>
      %swap3A_2439 = vector.shape_cast %exp3A_2432 : vector<256x256xf32> to vector<1x1x256x256xf32>
      tpu.vector_store %arg10[%swap3A_2433, %swap3A_2434, %swap3A_2435, %swap3A_2436], %swap3A_2439 {strides = array<i32>} : memref<4x8x256x256xf32, #tpu.memory_space<vmem>>, vector<1x1x256x256xf32>,
      %reduce_sum3A_2440 = arith.constant dense<0.000000e+00> : vector<256xf32>
      %reduce_sum3A_2441 = vector.multi_reduction <add>, %exp3A_2432, %reduce_sum3A_2440 [1] : vector<256x256xf32> to vector<256xf32>
      %broadcast_in_dim3A_2442 = vector.shape_cast %reduce_sum3A_2441 : vector<256xf32> to vector<256x1xf32>
      %add3A_2443 = arith.addf %while3A_2377, %broadcast_in_dim3A_2442 : vector<256x1xf32>
      %dot_general3A_2444 = arith.constant dense<0.000000e+00> : vector<256x256xf32>
      %dot_general3A_2445 = tpu.matmul %get3A_1538, %get3A_2384, %dot_general3A_2444 {dimension_numbers = #tpu.dot_dimension_numbers<[1], [1], [0], [0], [0, 0, 1, 0], [], []>, transpose_lhs_hint = false} : vector<256x64xf32>, vector<256x64xf32>, vector<256x256xf32> -> vector<256x256xf32>
      %mul3A_2446 = arith.constant 1.250000e-01 : f32
      %mul3A_2447 = vector.broadcast %mul3A_2446 : f32 to vector<256x256xf32>
      %mul3A_2448 = arith.mulf %dot_general3A_2445, %mul3A_2447 : vector<256x256xf32>
      %add3A_2449 = arith.addf %mul3A_2448, %select_n3A_2407 : vector<256x256xf32>
      %exp3A_2450 = math.exp %add3A_2449 : vector<256x256xf32>
      %swap3A_2451 = arith.constant 2 : index
      %swap3A_2452 = arith.index_cast %while3A_2375 : i32 to index
      %swap3A_2453 = arith.constant 0 : index
      %swap3A_2454 = arith.constant 0 : index
      %swap3A_2455 = vector.load %arg10[%swap3A_2451, %swap3A_2452, %swap3A_2453, %swap3A_2454] : memref<4x8x256x256xf32, #tpu.memory_space<vmem>>, vector<1x1x256x256xf32>
      %swap3A_2456 = vector.shape_cast %swap3A_2455 : vector<1x1x256x256xf32> to vector<256x256xf32>
      %swap3A_2457 = vector.shape_cast %exp3A_2450 : vector<256x256xf32> to vector<1x1x256x256xf32>
      tpu.vector_store %arg10[%swap3A_2451, %swap3A_2452, %swap3A_2453, %swap3A_2454], %swap3A_2457 {strides = array<i32>} : memref<4x8x256x256xf32, #tpu.memory_space<vmem>>, vector<1x1x256x256xf32>,
      %reduce_sum3A_2458 = arith.constant dense<0.000000e+00> : vector<256xf32>
      %reduce_sum3A_2459 = vector.multi_reduction <add>, %exp3A_2450, %reduce_sum3A_2458 [1] : vector<256x256xf32> to vector<256xf32>
      %broadcast_in_dim3A_2460 = vector.shape_cast %reduce_sum3A_2459 : vector<256xf32> to vector<256x1xf32>
      %add3A_2461 = arith.addf %while3A_2378, %broadcast_in_dim3A_2460 : vector<256x1xf32>
      %dot_general3A_2462 = arith.constant dense<0.000000e+00> : vector<256x256xf32>
      %dot_general3A_2463 = tpu.matmul %get3A_1541, %get3A_2384, %dot_general3A_2462 {dimension_numbers = #tpu.dot_dimension_numbers<[1], [1], [0], [0], [0, 0, 1, 0], [], []>, transpose_lhs_hint = false} : vector<256x64xf32>, vector<256x64xf32>, vector<256x256xf32> -> vector<256x256xf32>
      %mul3A_2464 = arith.constant 1.250000e-01 : f32
      %mul3A_2465 = vector.broadcast %mul3A_2464 : f32 to vector<256x256xf32>
      %mul3A_2466 = arith.mulf %dot_general3A_2463, %mul3A_2465 : vector<256x256xf32>
      %add3A_2467 = arith.addf %mul3A_2466, %select_n3A_2407 : vector<256x256xf32>
      %exp3A_2468 = math.exp %add3A_2467 : vector<256x256xf32>
      %swap3A_2469 = arith.constant 3 : index
      %swap3A_2470 = arith.index_cast %while3A_2375 : i32 to index
      %swap3A_2471 = arith.constant 0 : index
      %swap3A_2472 = arith.constant 0 : index
      %swap3A_2473 = vector.load %arg10[%swap3A_2469, %swap3A_2470, %swap3A_2471, %swap3A_2472] : memref<4x8x256x256xf32, #tpu.memory_space<vmem>>, vector<1x1x256x256xf32>
      %swap3A_2474 = vector.shape_cast %swap3A_2473 : vector<1x1x256x256xf32> to vector<256x256xf32>
      %swap3A_2475 = vector.shape_cast %exp3A_2468 : vector<256x256xf32> to vector<1x1x256x256xf32>
      tpu.vector_store %arg10[%swap3A_2469, %swap3A_2470, %swap3A_2471, %swap3A_2472], %swap3A_2475 {strides = array<i32>} : memref<4x8x256x256xf32, #tpu.memory_space<vmem>>, vector<1x1x256x256xf32>,
      %reduce_sum3A_2476 = arith.constant dense<0.000000e+00> : vector<256xf32>
      %reduce_sum3A_2477 = vector.multi_reduction <add>, %exp3A_2468, %reduce_sum3A_2476 [1] : vector<256x256xf32> to vector<256xf32>
      %broadcast_in_dim3A_2478 = vector.shape_cast %reduce_sum3A_2477 : vector<256xf32> to vector<256x1xf32>
      %add3A_2479 = arith.addf %while3A_2379, %broadcast_in_dim3A_2478 : vector<256x1xf32>
      scf.yield %add3A_2425, %add3A_2443, %add3A_2461, %add3A_2479 : vector<256x1xf32>, vector<256x1xf32>, vector<256x1xf32>, vector<256x1xf32>
    }
    %while3A_1561 = arith.constant 1 : i32
    %while3A_1562:4 = scf.for %while3A_2375 = %while3A_1558 to %while3A_1554 step %while3A_1561 iter_args(%while3A_2376 = %while3A_1560#0, %while3A_2377 = %while3A_1560#1, %while3A_2378 = %while3A_1560#2, %while3A_2379 = %while3A_1560#3) -> (vector<256x1xf32>, vector<256x1xf32>, vector<256x1xf32>, vector<256x1xf32>)  : i32 {
      %mul3A_2380 = arith.constant 256 : i32
      %mul3A_2381 = arith.muli %while3A_2375, %mul3A_2380 : i32
      %get3A_2382 = arith.index_cast %mul3A_2381 : i32 to index
      %get3A_2383 = arith.constant 128 : index
      %get3A_2384 = vector.load %arg2[%get3A_2382, %get3A_2383] : memref<2048x256xf32, #tpu.memory_space<vmem>>, vector<256x64xf32>
      %mul3A_2385 = arith.constant 8 : i32
      %mul3A_2386 = arith.muli %while3A_2375, %mul3A_2385 : i32
      %add3A_2387 = vector.broadcast %mul3A_2386 : i32 to vector<64x256xi32>
      %add3A_2388 = arith.addi %add3A_2387, %select_n3A_1528 : vector<64x256xi32>
      %eq3A_2389 = arith.cmpi eq, %iota3A_1496, %add3A_2388 : vector<64x256xi32>
      %convert_element_type3A_2390 = arith.extui %eq3A_2389 : vector<64x256xi1> to vector<64x256xi32>
      %convert_element_type3A_2391 = arith.sitofp %convert_element_type3A_2390 : vector<64x256xi32> to vector<64x256xf32>
      %dot_general3A_2392 = arith.constant dense<0.000000e+00> : vector<256x256xf32>
      %dot_general3A_2393 = tpu.matmul %convert_element_type3A_1495, %convert_element_type3A_2391, %dot_general3A_2392 {dimension_numbers = #tpu.dot_dimension_numbers<[1], [0], [0], [1], [0, 0, 1, 1], [], []>, transpose_lhs_hint = false} : vector<256x64xf32>, vector<64x256xf32>, vector<256x256xf32> -> vector<256x256xf32>
      %mul3A_2394 = arith.constant 256 : i32
      %mul3A_2395 = arith.muli %while3A_2375, %mul3A_2394 : i32
      %add3A_2396 = vector.broadcast %mul3A_2395 : i32 to vector<256x256xi32>
      %add3A_2397 = arith.addi %add3A_2396, %iota3A_1529 : vector<256x256xi32>
      %gt3A = arith.constant 5.000000e-01 : f32
      %gt3A_2398 = vector.broadcast %gt3A : f32 to vector<256x256xf32>
      %gt3A_2399 = arith.cmpf ogt, %dot_general3A_2393, %gt3A_2398 : vector<256x256xf32>
      %le3A_2400 = vector.broadcast %add3A_1 : vector<256x1xi32> to vector<256x256xi32>
      %le3A_2401 = arith.cmpi sle, %add3A_2397, %le3A_2400 : vector<256x256xi32>
      %and3A_2402 = arith.andi %gt3A_2399, %le3A_2401 : vector<256x256xi1>
      %jit3A_2403 = arith.constant 0.000000e+00 : f32
      %jit3A_2404 = arith.constant -1.000000e+30 : f32
      %broadcast_in_dim3A_2405 = vector.broadcast %jit3A_2403 : f32 to vector<256x256xf32>
      %broadcast_in_dim3A_2406 = vector.broadcast %jit3A_2404 : f32 to vector<256x256xf32>
      %select_n3A_2407 = arith.select %and3A_2402, %broadcast_in_dim3A_2405, %broadcast_in_dim3A_2406 : vector<256x256xi1>, vector<256x256xf32>
      %dot_general3A_2408 = arith.constant dense<0.000000e+00> : vector<256x256xf32>
      %dot_general3A_2409 = tpu.matmul %get3A_1532, %get3A_2384, %dot_general3A_2408 {dimension_numbers = #tpu.dot_dimension_numbers<[1], [1], [0], [0], [0, 0, 1, 0], [], []>, transpose_lhs_hint = false} : vector<256x64xf32>, vector<256x64xf32>, vector<256x256xf32> -> vector<256x256xf32>
      %mul3A_2410 = arith.constant 1.250000e-01 : f32
      %mul3A_2411 = vector.broadcast %mul3A_2410 : f32 to vector<256x256xf32>
      %mul3A_2412 = arith.mulf %dot_general3A_2409, %mul3A_2411 : vector<256x256xf32>
      %add3A_2413 = arith.addf %mul3A_2412, %select_n3A_2407 : vector<256x256xf32>
      %exp3A_2414 = math.exp %add3A_2413 : vector<256x256xf32>
      %swap3A_2415 = arith.constant 0 : index
      %swap3A_2416 = arith.index_cast %while3A_2375 : i32 to index
      %swap3A_2417 = arith.constant 0 : index
      %swap3A_2418 = arith.constant 0 : index
      %swap3A_2419 = vector.load %arg10[%swap3A_2415, %swap3A_2416, %swap3A_2417, %swap3A_2418] : memref<4x8x256x256xf32, #tpu.memory_space<vmem>>, vector<1x1x256x256xf32>
      %swap3A_2420 = vector.shape_cast %swap3A_2419 : vector<1x1x256x256xf32> to vector<256x256xf32>
      %swap3A_2421 = vector.shape_cast %exp3A_2414 : vector<256x256xf32> to vector<1x1x256x256xf32>
      tpu.vector_store %arg10[%swap3A_2415, %swap3A_2416, %swap3A_2417, %swap3A_2418], %swap3A_2421 {strides = array<i32>} : memref<4x8x256x256xf32, #tpu.memory_space<vmem>>, vector<1x1x256x256xf32>,
      %reduce_sum3A_2422 = arith.constant dense<0.000000e+00> : vector<256xf32>
      %reduce_sum3A_2423 = vector.multi_reduction <add>, %exp3A_2414, %reduce_sum3A_2422 [1] : vector<256x256xf32> to vector<256xf32>
      %broadcast_in_dim3A_2424 = vector.shape_cast %reduce_sum3A_2423 : vector<256xf32> to vector<256x1xf32>
      %add3A_2425 = arith.addf %while3A_2376, %broadcast_in_dim3A_2424 : vector<256x1xf32>
      %dot_general3A_2426 = arith.constant dense<0.000000e+00> : vector<256x256xf32>
      %dot_general3A_2427 = tpu.matmul %get3A_1535, %get3A_2384, %dot_general3A_2426 {dimension_numbers = #tpu.dot_dimension_numbers<[1], [1], [0], [0], [0, 0, 1, 0], [], []>, transpose_lhs_hint = false} : vector<256x64xf32>, vector<256x64xf32>, vector<256x256xf32> -> vector<256x256xf32>
      %mul3A_2428 = arith.constant 1.250000e-01 : f32
      %mul3A_2429 = vector.broadcast %mul3A_2428 : f32 to vector<256x256xf32>
      %mul3A_2430 = arith.mulf %dot_general3A_2427, %mul3A_2429 : vector<256x256xf32>
      %add3A_2431 = arith.addf %mul3A_2430, %select_n3A_2407 : vector<256x256xf32>
      %exp3A_2432 = math.exp %add3A_2431 : vector<256x256xf32>
      %swap3A_2433 = arith.constant 1 : index
      %swap3A_2434 = arith.index_cast %while3A_2375 : i32 to index
      %swap3A_2435 = arith.constant 0 : index
      %swap3A_2436 = arith.constant 0 : index
      %swap3A_2437 = vector.load %arg10[%swap3A_2433, %swap3A_2434, %swap3A_2435, %swap3A_2436] : memref<4x8x256x256xf32, #tpu.memory_space<vmem>>, vector<1x1x256x256xf32>
      %swap3A_2438 = vector.shape_cast %swap3A_2437 : vector<1x1x256x256xf32> to vector<256x256xf32>
      %swap3A_2439 = vector.shape_cast %exp3A_2432 : vector<256x256xf32> to vector<1x1x256x256xf32>
      tpu.vector_store %arg10[%swap3A_2433, %swap3A_2434, %swap3A_2435, %swap3A_2436], %swap3A_2439 {strides = array<i32>} : memref<4x8x256x256xf32, #tpu.memory_space<vmem>>, vector<1x1x256x256xf32>,
      %reduce_sum3A_2440 = arith.constant dense<0.000000e+00> : vector<256xf32>
      %reduce_sum3A_2441 = vector.multi_reduction <add>, %exp3A_2432, %reduce_sum3A_2440 [1] : vector<256x256xf32> to vector<256xf32>
      %broadcast_in_dim3A_2442 = vector.shape_cast %reduce_sum3A_2441 : vector<256xf32> to vector<256x1xf32>
      %add3A_2443 = arith.addf %while3A_2377, %broadcast_in_dim3A_2442 : vector<256x1xf32>
      %dot_general3A_2444 = arith.constant dense<0.000000e+00> : vector<256x256xf32>
      %dot_general3A_2445 = tpu.matmul %get3A_1538, %get3A_2384, %dot_general3A_2444 {dimension_numbers = #tpu.dot_dimension_numbers<[1], [1], [0], [0], [0, 0, 1, 0], [], []>, transpose_lhs_hint = false} : vector<256x64xf32>, vector<256x64xf32>, vector<256x256xf32> -> vector<256x256xf32>
      %mul3A_2446 = arith.constant 1.250000e-01 : f32
      %mul3A_2447 = vector.broadcast %mul3A_2446 : f32 to vector<256x256xf32>
      %mul3A_2448 = arith.mulf %dot_general3A_2445, %mul3A_2447 : vector<256x256xf32>
      %add3A_2449 = arith.addf %mul3A_2448, %select_n3A_2407 : vector<256x256xf32>
      %exp3A_2450 = math.exp %add3A_2449 : vector<256x256xf32>
      %swap3A_2451 = arith.constant 2 : index
      %swap3A_2452 = arith.index_cast %while3A_2375 : i32 to index
      %swap3A_2453 = arith.constant 0 : index
      %swap3A_2454 = arith.constant 0 : index
      %swap3A_2455 = vector.load %arg10[%swap3A_2451, %swap3A_2452, %swap3A_2453, %swap3A_2454] : memref<4x8x256x256xf32, #tpu.memory_space<vmem>>, vector<1x1x256x256xf32>
      %swap3A_2456 = vector.shape_cast %swap3A_2455 : vector<1x1x256x256xf32> to vector<256x256xf32>
      %swap3A_2457 = vector.shape_cast %exp3A_2450 : vector<256x256xf32> to vector<1x1x256x256xf32>
      tpu.vector_store %arg10[%swap3A_2451, %swap3A_2452, %swap3A_2453, %swap3A_2454], %swap3A_2457 {strides = array<i32>} : memref<4x8x256x256xf32, #tpu.memory_space<vmem>>, vector<1x1x256x256xf32>,
      %reduce_sum3A_2458 = arith.constant dense<0.000000e+00> : vector<256xf32>
      %reduce_sum3A_2459 = vector.multi_reduction <add>, %exp3A_2450, %reduce_sum3A_2458 [1] : vector<256x256xf32> to vector<256xf32>
      %broadcast_in_dim3A_2460 = vector.shape_cast %reduce_sum3A_2459 : vector<256xf32> to vector<256x1xf32>
      %add3A_2461 = arith.addf %while3A_2378, %broadcast_in_dim3A_2460 : vector<256x1xf32>
      %dot_general3A_2462 = arith.constant dense<0.000000e+00> : vector<256x256xf32>
      %dot_general3A_2463 = tpu.matmul %get3A_1541, %get3A_2384, %dot_general3A_2462 {dimension_numbers = #tpu.dot_dimension_numbers<[1], [1], [0], [0], [0, 0, 1, 0], [], []>, transpose_lhs_hint = false} : vector<256x64xf32>, vector<256x64xf32>, vector<256x256xf32> -> vector<256x256xf32>
      %mul3A_2464 = arith.constant 1.250000e-01 : f32
      %mul3A_2465 = vector.broadcast %mul3A_2464 : f32 to vector<256x256xf32>
      %mul3A_2466 = arith.mulf %dot_general3A_2463, %mul3A_2465 : vector<256x256xf32>
      %add3A_2467 = arith.addf %mul3A_2466, %select_n3A_2407 : vector<256x256xf32>
      %exp3A_2468 = math.exp %add3A_2467 : vector<256x256xf32>
      %swap3A_2469 = arith.constant 3 : index
      %swap3A_2470 = arith.index_cast %while3A_2375 : i32 to index
      %swap3A_2471 = arith.constant 0 : index
      %swap3A_2472 = arith.constant 0 : index
      %swap3A_2473 = vector.load %arg10[%swap3A_2469, %swap3A_2470, %swap3A_2471, %swap3A_2472] : memref<4x8x256x256xf32, #tpu.memory_space<vmem>>, vector<1x1x256x256xf32>
      %swap3A_2474 = vector.shape_cast %swap3A_2473 : vector<1x1x256x256xf32> to vector<256x256xf32>
      %swap3A_2475 = vector.shape_cast %exp3A_2468 : vector<256x256xf32> to vector<1x1x256x256xf32>
      tpu.vector_store %arg10[%swap3A_2469, %swap3A_2470, %swap3A_2471, %swap3A_2472], %swap3A_2475 {strides = array<i32>} : memref<4x8x256x256xf32, #tpu.memory_space<vmem>>, vector<1x1x256x256xf32>,
      %reduce_sum3A_2476 = arith.constant dense<0.000000e+00> : vector<256xf32>
      %reduce_sum3A_2477 = vector.multi_reduction <add>, %exp3A_2468, %reduce_sum3A_2476 [1] : vector<256x256xf32> to vector<256xf32>
      %broadcast_in_dim3A_2478 = vector.shape_cast %reduce_sum3A_2477 : vector<256xf32> to vector<256x1xf32>
      %add3A_2479 = arith.addf %while3A_2379, %broadcast_in_dim3A_2478 : vector<256x1xf32>
      scf.yield %add3A_2425, %add3A_2443, %add3A_2461, %add3A_2479 : vector<256x1xf32>, vector<256x1xf32>, vector<256x1xf32>, vector<256x1xf32>
    }
    %max3A_1563 = arith.constant 9.99999971E-10 : f32
    %max3A_1564 = vector.broadcast %max3A_1563 : f32 to vector<256x1xf32>
    %max3A_1565 = arith.maximumf %while3A_1562#0, %max3A_1564 : vector<256x1xf32>
    %div3A_1566 = arith.constant 1.000000e+00 : f32
    %div3A_1567 = vector.broadcast %div3A_1566 : f32 to vector<256x1xf32>
    %div3A_1568 = arith.divf %div3A_1567, %max3A_1565 : vector<256x1xf32>
    %max3A_1569 = arith.constant 9.99999971E-10 : f32
    %max3A_1570 = vector.broadcast %max3A_1569 : f32 to vector<256x1xf32>
    %max3A_1571 = arith.maximumf %while3A_1562#1, %max3A_1570 : vector<256x1xf32>
    %div3A_1572 = arith.constant 1.000000e+00 : f32
    %div3A_1573 = vector.broadcast %div3A_1572 : f32 to vector<256x1xf32>
    %div3A_1574 = arith.divf %div3A_1573, %max3A_1571 : vector<256x1xf32>
    %max3A_1575 = arith.constant 9.99999971E-10 : f32
    %max3A_1576 = vector.broadcast %max3A_1575 : f32 to vector<256x1xf32>
    %max3A_1577 = arith.maximumf %while3A_1562#2, %max3A_1576 : vector<256x1xf32>
    %div3A_1578 = arith.constant 1.000000e+00 : f32
    %div3A_1579 = vector.broadcast %div3A_1578 : f32 to vector<256x1xf32>
    %div3A_1580 = arith.divf %div3A_1579, %max3A_1577 : vector<256x1xf32>
    %max3A_1581 = arith.constant 9.99999971E-10 : f32
    %max3A_1582 = vector.broadcast %max3A_1581 : f32 to vector<256x1xf32>
    %max3A_1583 = arith.maximumf %while3A_1562#3, %max3A_1582 : vector<256x1xf32>
    %div3A_1584 = arith.constant 1.000000e+00 : f32
    %div3A_1585 = vector.broadcast %div3A_1584 : f32 to vector<256x1xf32>
    %div3A_1586 = arith.divf %div3A_1585, %max3A_1583 : vector<256x1xf32>
    %broadcast_in_dim3A_1587 = arith.constant 0.000000e+00 : f32
    %broadcast_in_dim3A_1588 = vector.broadcast %broadcast_in_dim3A_1587 : f32 to vector<256x64xf32>
    %broadcast_in_dim3A_1589 = arith.constant 0.000000e+00 : f32
    %broadcast_in_dim3A_1590 = vector.broadcast %broadcast_in_dim3A_1589 : f32 to vector<256x64xf32>
    %broadcast_in_dim3A_1591 = arith.constant 0.000000e+00 : f32
    %broadcast_in_dim3A_1592 = vector.broadcast %broadcast_in_dim3A_1591 : f32 to vector<256x64xf32>
    %broadcast_in_dim3A_1593 = arith.constant 0.000000e+00 : f32
    %broadcast_in_dim3A_1594 = vector.broadcast %broadcast_in_dim3A_1593 : f32 to vector<256x64xf32>
    %add3A_1595 = arith.constant 1 : i32
    %add3A_1596 = arith.addi %arg0, %add3A_1595 : i32
    %while3A_1597 = arith.constant 0 : i32
    %while3A_1598 = arith.subi %add3A_1596, %while3A_1597 : i32
    %while3A_1599 = arith.addi %while3A_1597, %while3A_1598 : i32
    %while3A_1600 = arith.constant 1 : i32
    %while3A_1601 = arith.divsi %while3A_1598, %while3A_1600 : i32
    %while3A_1602 = arith.muli %while3A_1601, %while3A_1600 : i32
    %while3A_1603 = arith.addi %while3A_1597, %while3A_1602 : i32
    %while3A_1604 = arith.constant 1 : i32
    %while3A_1605:4 = scf.for %while3A_2375 = %while3A_1597 to %while3A_1603 step %while3A_1604 iter_args(%while3A_2376 = %broadcast_in_dim3A_1588, %while3A_2377 = %broadcast_in_dim3A_1590, %while3A_2378 = %broadcast_in_dim3A_1592, %while3A_2379 = %broadcast_in_dim3A_1594) -> (vector<256x64xf32>, vector<256x64xf32>, vector<256x64xf32>, vector<256x64xf32>)  : i32 {
      %mul3A_2380 = arith.constant 256 : i32
      %mul3A_2381 = arith.muli %while3A_2375, %mul3A_2380 : i32
      %get3A_2382 = arith.index_cast %mul3A_2381 : i32 to index
      %get3A_2383 = arith.constant 128 : index
      %get3A_2384 = vector.load %arg3[%get3A_2382, %get3A_2383] : memref<2048x256xf32, #tpu.memory_space<vmem>>, vector<256x64xf32>
      %get3A_2385 = arith.constant 0 : index
      %get3A_2386 = arith.index_cast %while3A_2375 : i32 to index
      %get3A_2387 = arith.constant 0 : index
      %get3A_2388 = arith.constant 0 : index
      %get3A_2389 = vector.load %arg10[%get3A_2385, %get3A_2386, %get3A_2387, %get3A_2388] : memref<4x8x256x256xf32, #tpu.memory_space<vmem>>, vector<1x1x256x256xf32>
      %get3A_2390 = vector.shape_cast %get3A_2389 : vector<1x1x256x256xf32> to vector<256x256xf32>
      %mul3A_2391 = vector.broadcast %div3A_1568 : vector<256x1xf32> to vector<256x256xf32>
      %mul3A_2392 = arith.mulf %get3A_2390, %mul3A_2391 : vector<256x256xf32>
      %dot_general3A_2393 = arith.constant dense<0.000000e+00> : vector<256x64xf32>
      %dot_general3A_2394 = tpu.matmul %mul3A_2392, %get3A_2384, %dot_general3A_2393 {dimension_numbers = #tpu.dot_dimension_numbers<[1], [0], [0], [1], [0, 0, 1, 1], [], []>, transpose_lhs_hint = false} : vector<256x256xf32>, vector<256x64xf32>, vector<256x64xf32> -> vector<256x64xf32>
      %add3A_2395 = arith.addf %while3A_2376, %dot_general3A_2394 : vector<256x64xf32>
      %get3A_2396 = arith.constant 1 : index
      %get3A_2397 = arith.index_cast %while3A_2375 : i32 to index
      %get3A_2398 = arith.constant 0 : index
      %get3A_2399 = arith.constant 0 : index
      %get3A_2400 = vector.load %arg10[%get3A_2396, %get3A_2397, %get3A_2398, %get3A_2399] : memref<4x8x256x256xf32, #tpu.memory_space<vmem>>, vector<1x1x256x256xf32>
      %get3A_2401 = vector.shape_cast %get3A_2400 : vector<1x1x256x256xf32> to vector<256x256xf32>
      %mul3A_2402 = vector.broadcast %div3A_1574 : vector<256x1xf32> to vector<256x256xf32>
      %mul3A_2403 = arith.mulf %get3A_2401, %mul3A_2402 : vector<256x256xf32>
      %dot_general3A_2404 = arith.constant dense<0.000000e+00> : vector<256x64xf32>
      %dot_general3A_2405 = tpu.matmul %mul3A_2403, %get3A_2384, %dot_general3A_2404 {dimension_numbers = #tpu.dot_dimension_numbers<[1], [0], [0], [1], [0, 0, 1, 1], [], []>, transpose_lhs_hint = false} : vector<256x256xf32>, vector<256x64xf32>, vector<256x64xf32> -> vector<256x64xf32>
      %add3A_2406 = arith.addf %while3A_2377, %dot_general3A_2405 : vector<256x64xf32>
      %get3A_2407 = arith.constant 2 : index
      %get3A_2408 = arith.index_cast %while3A_2375 : i32 to index
      %get3A_2409 = arith.constant 0 : index
      %get3A_2410 = arith.constant 0 : index
      %get3A_2411 = vector.load %arg10[%get3A_2407, %get3A_2408, %get3A_2409, %get3A_2410] : memref<4x8x256x256xf32, #tpu.memory_space<vmem>>, vector<1x1x256x256xf32>
      %get3A_2412 = vector.shape_cast %get3A_2411 : vector<1x1x256x256xf32> to vector<256x256xf32>
      %mul3A_2413 = vector.broadcast %div3A_1580 : vector<256x1xf32> to vector<256x256xf32>
      %mul3A_2414 = arith.mulf %get3A_2412, %mul3A_2413 : vector<256x256xf32>
      %dot_general3A_2415 = arith.constant dense<0.000000e+00> : vector<256x64xf32>
      %dot_general3A_2416 = tpu.matmul %mul3A_2414, %get3A_2384, %dot_general3A_2415 {dimension_numbers = #tpu.dot_dimension_numbers<[1], [0], [0], [1], [0, 0, 1, 1], [], []>, transpose_lhs_hint = false} : vector<256x256xf32>, vector<256x64xf32>, vector<256x64xf32> -> vector<256x64xf32>
      %add3A_2417 = arith.addf %while3A_2378, %dot_general3A_2416 : vector<256x64xf32>
      %get3A_2418 = arith.constant 3 : index
      %get3A_2419 = arith.index_cast %while3A_2375 : i32 to index
      %get3A_2420 = arith.constant 0 : index
      %get3A_2421 = arith.constant 0 : index
      %get3A_2422 = vector.load %arg10[%get3A_2418, %get3A_2419, %get3A_2420, %get3A_2421] : memref<4x8x256x256xf32, #tpu.memory_space<vmem>>, vector<1x1x256x256xf32>
      %get3A_2423 = vector.shape_cast %get3A_2422 : vector<1x1x256x256xf32> to vector<256x256xf32>
      %mul3A_2424 = vector.broadcast %div3A_1586 : vector<256x1xf32> to vector<256x256xf32>
      %mul3A_2425 = arith.mulf %get3A_2423, %mul3A_2424 : vector<256x256xf32>
      %dot_general3A_2426 = arith.constant dense<0.000000e+00> : vector<256x64xf32>
      %dot_general3A_2427 = tpu.matmul %mul3A_2425, %get3A_2384, %dot_general3A_2426 {dimension_numbers = #tpu.dot_dimension_numbers<[1], [0], [0], [1], [0, 0, 1, 1], [], []>, transpose_lhs_hint = false} : vector<256x256xf32>, vector<256x64xf32>, vector<256x64xf32> -> vector<256x64xf32>
      %add3A_2428 = arith.addf %while3A_2379, %dot_general3A_2427 : vector<256x64xf32>
      scf.yield %add3A_2395, %add3A_2406, %add3A_2417, %add3A_2428 : vector<256x64xf32>, vector<256x64xf32>, vector<256x64xf32>, vector<256x64xf32>
    }
    %while3A_1606 = arith.constant 1 : i32
    %while3A_1607:4 = scf.for %while3A_2375 = %while3A_1603 to %while3A_1599 step %while3A_1606 iter_args(%while3A_2376 = %while3A_1605#0, %while3A_2377 = %while3A_1605#1, %while3A_2378 = %while3A_1605#2, %while3A_2379 = %while3A_1605#3) -> (vector<256x64xf32>, vector<256x64xf32>, vector<256x64xf32>, vector<256x64xf32>)  : i32 {
      %mul3A_2380 = arith.constant 256 : i32
      %mul3A_2381 = arith.muli %while3A_2375, %mul3A_2380 : i32
      %get3A_2382 = arith.index_cast %mul3A_2381 : i32 to index
      %get3A_2383 = arith.constant 128 : index
      %get3A_2384 = vector.load %arg3[%get3A_2382, %get3A_2383] : memref<2048x256xf32, #tpu.memory_space<vmem>>, vector<256x64xf32>
      %get3A_2385 = arith.constant 0 : index
      %get3A_2386 = arith.index_cast %while3A_2375 : i32 to index
      %get3A_2387 = arith.constant 0 : index
      %get3A_2388 = arith.constant 0 : index
      %get3A_2389 = vector.load %arg10[%get3A_2385, %get3A_2386, %get3A_2387, %get3A_2388] : memref<4x8x256x256xf32, #tpu.memory_space<vmem>>, vector<1x1x256x256xf32>
      %get3A_2390 = vector.shape_cast %get3A_2389 : vector<1x1x256x256xf32> to vector<256x256xf32>
      %mul3A_2391 = vector.broadcast %div3A_1568 : vector<256x1xf32> to vector<256x256xf32>
      %mul3A_2392 = arith.mulf %get3A_2390, %mul3A_2391 : vector<256x256xf32>
      %dot_general3A_2393 = arith.constant dense<0.000000e+00> : vector<256x64xf32>
      %dot_general3A_2394 = tpu.matmul %mul3A_2392, %get3A_2384, %dot_general3A_2393 {dimension_numbers = #tpu.dot_dimension_numbers<[1], [0], [0], [1], [0, 0, 1, 1], [], []>, transpose_lhs_hint = false} : vector<256x256xf32>, vector<256x64xf32>, vector<256x64xf32> -> vector<256x64xf32>
      %add3A_2395 = arith.addf %while3A_2376, %dot_general3A_2394 : vector<256x64xf32>
      %get3A_2396 = arith.constant 1 : index
      %get3A_2397 = arith.index_cast %while3A_2375 : i32 to index
      %get3A_2398 = arith.constant 0 : index
      %get3A_2399 = arith.constant 0 : index
      %get3A_2400 = vector.load %arg10[%get3A_2396, %get3A_2397, %get3A_2398, %get3A_2399] : memref<4x8x256x256xf32, #tpu.memory_space<vmem>>, vector<1x1x256x256xf32>
      %get3A_2401 = vector.shape_cast %get3A_2400 : vector<1x1x256x256xf32> to vector<256x256xf32>
      %mul3A_2402 = vector.broadcast %div3A_1574 : vector<256x1xf32> to vector<256x256xf32>
      %mul3A_2403 = arith.mulf %get3A_2401, %mul3A_2402 : vector<256x256xf32>
      %dot_general3A_2404 = arith.constant dense<0.000000e+00> : vector<256x64xf32>
      %dot_general3A_2405 = tpu.matmul %mul3A_2403, %get3A_2384, %dot_general3A_2404 {dimension_numbers = #tpu.dot_dimension_numbers<[1], [0], [0], [1], [0, 0, 1, 1], [], []>, transpose_lhs_hint = false} : vector<256x256xf32>, vector<256x64xf32>, vector<256x64xf32> -> vector<256x64xf32>
      %add3A_2406 = arith.addf %while3A_2377, %dot_general3A_2405 : vector<256x64xf32>
      %get3A_2407 = arith.constant 2 : index
      %get3A_2408 = arith.index_cast %while3A_2375 : i32 to index
      %get3A_2409 = arith.constant 0 : index
      %get3A_2410 = arith.constant 0 : index
      %get3A_2411 = vector.load %arg10[%get3A_2407, %get3A_2408, %get3A_2409, %get3A_2410] : memref<4x8x256x256xf32, #tpu.memory_space<vmem>>, vector<1x1x256x256xf32>
      %get3A_2412 = vector.shape_cast %get3A_2411 : vector<1x1x256x256xf32> to vector<256x256xf32>
      %mul3A_2413 = vector.broadcast %div3A_1580 : vector<256x1xf32> to vector<256x256xf32>
      %mul3A_2414 = arith.mulf %get3A_2412, %mul3A_2413 : vector<256x256xf32>
      %dot_general3A_2415 = arith.constant dense<0.000000e+00> : vector<256x64xf32>
      %dot_general3A_2416 = tpu.matmul %mul3A_2414, %get3A_2384, %dot_general3A_2415 {dimension_numbers = #tpu.dot_dimension_numbers<[1], [0], [0], [1], [0, 0, 1, 1], [], []>, transpose_lhs_hint = false} : vector<256x256xf32>, vector<256x64xf32>, vector<256x64xf32> -> vector<256x64xf32>
      %add3A_2417 = arith.addf %while3A_2378, %dot_general3A_2416 : vector<256x64xf32>
      %get3A_2418 = arith.constant 3 : index
      %get3A_2419 = arith.index_cast %while3A_2375 : i32 to index
      %get3A_2420 = arith.constant 0 : index
      %get3A_2421 = arith.constant 0 : index
      %get3A_2422 = vector.load %arg10[%get3A_2418, %get3A_2419, %get3A_2420, %get3A_2421] : memref<4x8x256x256xf32, #tpu.memory_space<vmem>>, vector<1x1x256x256xf32>
      %get3A_2423 = vector.shape_cast %get3A_2422 : vector<1x1x256x256xf32> to vector<256x256xf32>
      %mul3A_2424 = vector.broadcast %div3A_1586 : vector<256x1xf32> to vector<256x256xf32>
      %mul3A_2425 = arith.mulf %get3A_2423, %mul3A_2424 : vector<256x256xf32>
      %dot_general3A_2426 = arith.constant dense<0.000000e+00> : vector<256x64xf32>
      %dot_general3A_2427 = tpu.matmul %mul3A_2425, %get3A_2384, %dot_general3A_2426 {dimension_numbers = #tpu.dot_dimension_numbers<[1], [0], [0], [1], [0, 0, 1, 1], [], []>, transpose_lhs_hint = false} : vector<256x256xf32>, vector<256x64xf32>, vector<256x64xf32> -> vector<256x64xf32>
      %add3A_2428 = arith.addf %while3A_2379, %dot_general3A_2427 : vector<256x64xf32>
      scf.yield %add3A_2395, %add3A_2406, %add3A_2417, %add3A_2428 : vector<256x64xf32>, vector<256x64xf32>, vector<256x64xf32>, vector<256x64xf32>
    }
    %get3A_1608 = arith.index_cast %mul3A_5 : i32 to index
    %get3A_1609 = arith.constant 128 : index
    %get3A_1610 = vector.load %arg2[%get3A_1608, %get3A_1609] : memref<2048x256xf32, #tpu.memory_space<vmem>>, vector<512x64xf32>
    %get3A_1611 = arith.index_cast %mul3A_5 : i32 to index
    %get3A_1612 = arith.constant 128 : index
    %get3A_1613 = vector.load %arg3[%get3A_1611, %get3A_1612] : memref<2048x256xf32, #tpu.memory_space<vmem>>, vector<512x64xf32>
    %iota3A_1614 = tpu.iota {dimensions = array<i32: 1>} : vector<256x512xi32>
    %add3A_1615 = vector.broadcast %mul3A_5 : i32 to vector<256x512xi32>
    %add3A_1616 = arith.addi %add3A_1615, %iota3A_1614 : vector<256x512xi32>
    %le3A_1617 = vector.broadcast %add3A_1 : vector<256x1xi32> to vector<256x512xi32>
    %le3A_1618 = arith.cmpi sle, %add3A_1616, %le3A_1617 : vector<256x512xi32>
    %sub3A_1619 = vector.broadcast %add3A_1 : vector<256x1xi32> to vector<256x512xi32>
    %sub3A_1620 = arith.subi %sub3A_1619, %add3A_1616 : vector<256x512xi32>
    %lt3A_1621 = arith.constant 256 : i32
    %lt3A_1622 = vector.broadcast %lt3A_1621 : i32 to vector<256x512xi32>
    %lt3A_1623 = arith.cmpi slt, %sub3A_1620, %lt3A_1622 : vector<256x512xi32>
    %and3A_1624 = arith.andi %le3A_1618, %lt3A_1623 : vector<256x512xi1>
    %jit3A_1625 = arith.constant 0.000000e+00 : f32
    %jit3A_1626 = arith.constant -1.000000e+30 : f32
    %broadcast_in_dim3A_1627 = vector.broadcast %jit3A_1625 : f32 to vector<256x512xf32>
    %broadcast_in_dim3A_1628 = vector.broadcast %jit3A_1626 : f32 to vector<256x512xf32>
    %select_n3A_1629 = arith.select %and3A_1624, %broadcast_in_dim3A_1627, %broadcast_in_dim3A_1628 : vector<256x512xi1>, vector<256x512xf32>
    %dot_general3A_1630 = arith.constant dense<0.000000e+00> : vector<256x512xf32>
    %dot_general3A_1631 = tpu.matmul %get3A_1532, %get3A_1610, %dot_general3A_1630 {dimension_numbers = #tpu.dot_dimension_numbers<[1], [1], [0], [0], [0, 0, 1, 0], [], []>, transpose_lhs_hint = false} : vector<256x64xf32>, vector<512x64xf32>, vector<256x512xf32> -> vector<256x512xf32>
    %mul3A_1632 = arith.constant 1.250000e-01 : f32
    %mul3A_1633 = vector.broadcast %mul3A_1632 : f32 to vector<256x512xf32>
    %mul3A_1634 = arith.mulf %dot_general3A_1631, %mul3A_1633 : vector<256x512xf32>
    %add3A_1635 = arith.addf %mul3A_1634, %select_n3A_1629 : vector<256x512xf32>
    %exp3A_1636 = math.exp %add3A_1635 : vector<256x512xf32>
    %reduce_sum3A_1637 = arith.constant dense<0.000000e+00> : vector<256xf32>
    %reduce_sum3A_1638 = vector.multi_reduction <add>, %exp3A_1636, %reduce_sum3A_1637 [1] : vector<256x512xf32> to vector<256xf32>
    %broadcast_in_dim3A_1639 = vector.shape_cast %reduce_sum3A_1638 : vector<256xf32> to vector<256x1xf32>
    %div3A_1640 = vector.broadcast %broadcast_in_dim3A_1639 : vector<256x1xf32> to vector<256x512xf32>
    %div3A_1641 = arith.divf %exp3A_1636, %div3A_1640 : vector<256x512xf32>
    %dot_general3A_1642 = arith.constant dense<0.000000e+00> : vector<256x64xf32>
    %dot_general3A_1643 = tpu.matmul %div3A_1641, %get3A_1613, %dot_general3A_1642 {dimension_numbers = #tpu.dot_dimension_numbers<[1], [0], [0], [1], [0, 0, 1, 1], [], []>, transpose_lhs_hint = false} : vector<256x512xf32>, vector<512x64xf32>, vector<256x64xf32> -> vector<256x64xf32>
    %get3A_1644 = arith.constant 0 : index
    %get3A_1645 = arith.constant 24 : index
    %get3A_1646 = vector.load %arg4[%get3A_1644, %get3A_1645] : memref<256x48xf32, #tpu.memory_space<vmem>>, vector<256x1xf32>
    %get3A_1647 = arith.constant 0 : index
    %get3A_1648 = arith.constant 25 : index
    %get3A_1649 = vector.load %arg4[%get3A_1647, %get3A_1648] : memref<256x48xf32, #tpu.memory_space<vmem>>, vector<256x1xf32>
    %get3A_1650 = arith.constant 0 : index
    %get3A_1651 = arith.constant 26 : index
    %get3A_1652 = vector.load %arg4[%get3A_1650, %get3A_1651] : memref<256x48xf32, #tpu.memory_space<vmem>>, vector<256x1xf32>
    %mul3A_1653 = vector.broadcast %get3A_1646 : vector<256x1xf32> to vector<256x64xf32>
    %mul3A_1654 = arith.mulf %mul3A_1653, %dot_general3A_1238 : vector<256x64xf32>
    %mul3A_1655 = vector.broadcast %get3A_1649 : vector<256x1xf32> to vector<256x64xf32>
    %mul3A_1656 = arith.mulf %mul3A_1655, %while3A_1607#0 : vector<256x64xf32>
    %add3A_1657 = arith.addf %mul3A_1654, %mul3A_1656 : vector<256x64xf32>
    %mul3A_1658 = vector.broadcast %get3A_1652 : vector<256x1xf32> to vector<256x64xf32>
    %mul3A_1659 = arith.mulf %mul3A_1658, %dot_general3A_1643 : vector<256x64xf32>
    %add3A_1660 = arith.addf %add3A_1657, %mul3A_1659 : vector<256x64xf32>
    %dot_general3A_1661 = arith.constant dense<0.000000e+00> : vector<256x512xf32>
    %dot_general3A_1662 = tpu.matmul %get3A_1535, %get3A_1610, %dot_general3A_1661 {dimension_numbers = #tpu.dot_dimension_numbers<[1], [1], [0], [0], [0, 0, 1, 0], [], []>, transpose_lhs_hint = false} : vector<256x64xf32>, vector<512x64xf32>, vector<256x512xf32> -> vector<256x512xf32>
    %mul3A_1663 = arith.constant 1.250000e-01 : f32
    %mul3A_1664 = vector.broadcast %mul3A_1663 : f32 to vector<256x512xf32>
    %mul3A_1665 = arith.mulf %dot_general3A_1662, %mul3A_1664 : vector<256x512xf32>
    %add3A_1666 = arith.addf %mul3A_1665, %select_n3A_1629 : vector<256x512xf32>
    %exp3A_1667 = math.exp %add3A_1666 : vector<256x512xf32>
    %reduce_sum3A_1668 = arith.constant dense<0.000000e+00> : vector<256xf32>
    %reduce_sum3A_1669 = vector.multi_reduction <add>, %exp3A_1667, %reduce_sum3A_1668 [1] : vector<256x512xf32> to vector<256xf32>
    %broadcast_in_dim3A_1670 = vector.shape_cast %reduce_sum3A_1669 : vector<256xf32> to vector<256x1xf32>
    %div3A_1671 = vector.broadcast %broadcast_in_dim3A_1670 : vector<256x1xf32> to vector<256x512xf32>
    %div3A_1672 = arith.divf %exp3A_1667, %div3A_1671 : vector<256x512xf32>
    %dot_general3A_1673 = arith.constant dense<0.000000e+00> : vector<256x64xf32>
    %dot_general3A_1674 = tpu.matmul %div3A_1672, %get3A_1613, %dot_general3A_1673 {dimension_numbers = #tpu.dot_dimension_numbers<[1], [0], [0], [1], [0, 0, 1, 1], [], []>, transpose_lhs_hint = false} : vector<256x512xf32>, vector<512x64xf32>, vector<256x64xf32> -> vector<256x64xf32>
    %get3A_1675 = arith.constant 0 : index
    %get3A_1676 = arith.constant 27 : index
    %get3A_1677 = vector.load %arg4[%get3A_1675, %get3A_1676] : memref<256x48xf32, #tpu.memory_space<vmem>>, vector<256x1xf32>
    %get3A_1678 = arith.constant 0 : index
    %get3A_1679 = arith.constant 28 : index
    %get3A_1680 = vector.load %arg4[%get3A_1678, %get3A_1679] : memref<256x48xf32, #tpu.memory_space<vmem>>, vector<256x1xf32>
    %get3A_1681 = arith.constant 0 : index
    %get3A_1682 = arith.constant 29 : index
    %get3A_1683 = vector.load %arg4[%get3A_1681, %get3A_1682] : memref<256x48xf32, #tpu.memory_space<vmem>>, vector<256x1xf32>
    %mul3A_1684 = vector.broadcast %get3A_1677 : vector<256x1xf32> to vector<256x64xf32>
    %mul3A_1685 = arith.mulf %mul3A_1684, %dot_general3A_1269 : vector<256x64xf32>
    %mul3A_1686 = vector.broadcast %get3A_1680 : vector<256x1xf32> to vector<256x64xf32>
    %mul3A_1687 = arith.mulf %mul3A_1686, %while3A_1607#1 : vector<256x64xf32>
    %add3A_1688 = arith.addf %mul3A_1685, %mul3A_1687 : vector<256x64xf32>
    %mul3A_1689 = vector.broadcast %get3A_1683 : vector<256x1xf32> to vector<256x64xf32>
    %mul3A_1690 = arith.mulf %mul3A_1689, %dot_general3A_1674 : vector<256x64xf32>
    %add3A_1691 = arith.addf %add3A_1688, %mul3A_1690 : vector<256x64xf32>
    %dot_general3A_1692 = arith.constant dense<0.000000e+00> : vector<256x512xf32>
    %dot_general3A_1693 = tpu.matmul %get3A_1538, %get3A_1610, %dot_general3A_1692 {dimension_numbers = #tpu.dot_dimension_numbers<[1], [1], [0], [0], [0, 0, 1, 0], [], []>, transpose_lhs_hint = false} : vector<256x64xf32>, vector<512x64xf32>, vector<256x512xf32> -> vector<256x512xf32>
    %mul3A_1694 = arith.constant 1.250000e-01 : f32
    %mul3A_1695 = vector.broadcast %mul3A_1694 : f32 to vector<256x512xf32>
    %mul3A_1696 = arith.mulf %dot_general3A_1693, %mul3A_1695 : vector<256x512xf32>
    %add3A_1697 = arith.addf %mul3A_1696, %select_n3A_1629 : vector<256x512xf32>
    %exp3A_1698 = math.exp %add3A_1697 : vector<256x512xf32>
    %reduce_sum3A_1699 = arith.constant dense<0.000000e+00> : vector<256xf32>
    %reduce_sum3A_1700 = vector.multi_reduction <add>, %exp3A_1698, %reduce_sum3A_1699 [1] : vector<256x512xf32> to vector<256xf32>
    %broadcast_in_dim3A_1701 = vector.shape_cast %reduce_sum3A_1700 : vector<256xf32> to vector<256x1xf32>
    %div3A_1702 = vector.broadcast %broadcast_in_dim3A_1701 : vector<256x1xf32> to vector<256x512xf32>
    %div3A_1703 = arith.divf %exp3A_1698, %div3A_1702 : vector<256x512xf32>
    %dot_general3A_1704 = arith.constant dense<0.000000e+00> : vector<256x64xf32>
    %dot_general3A_1705 = tpu.matmul %div3A_1703, %get3A_1613, %dot_general3A_1704 {dimension_numbers = #tpu.dot_dimension_numbers<[1], [0], [0], [1], [0, 0, 1, 1], [], []>, transpose_lhs_hint = false} : vector<256x512xf32>, vector<512x64xf32>, vector<256x64xf32> -> vector<256x64xf32>
    %get3A_1706 = arith.constant 0 : index
    %get3A_1707 = arith.constant 30 : index
    %get3A_1708 = vector.load %arg4[%get3A_1706, %get3A_1707] : memref<256x48xf32, #tpu.memory_space<vmem>>, vector<256x1xf32>
    %get3A_1709 = arith.constant 0 : index
    %get3A_1710 = arith.constant 31 : index
    %get3A_1711 = vector.load %arg4[%get3A_1709, %get3A_1710] : memref<256x48xf32, #tpu.memory_space<vmem>>, vector<256x1xf32>
    %get3A_1712 = arith.constant 0 : index
    %get3A_1713 = arith.constant 32 : index
    %get3A_1714 = vector.load %arg4[%get3A_1712, %get3A_1713] : memref<256x48xf32, #tpu.memory_space<vmem>>, vector<256x1xf32>
    %mul3A_1715 = vector.broadcast %get3A_1708 : vector<256x1xf32> to vector<256x64xf32>
    %mul3A_1716 = arith.mulf %mul3A_1715, %dot_general3A_1300 : vector<256x64xf32>
    %mul3A_1717 = vector.broadcast %get3A_1711 : vector<256x1xf32> to vector<256x64xf32>
    %mul3A_1718 = arith.mulf %mul3A_1717, %while3A_1607#2 : vector<256x64xf32>
    %add3A_1719 = arith.addf %mul3A_1716, %mul3A_1718 : vector<256x64xf32>
    %mul3A_1720 = vector.broadcast %get3A_1714 : vector<256x1xf32> to vector<256x64xf32>
    %mul3A_1721 = arith.mulf %mul3A_1720, %dot_general3A_1705 : vector<256x64xf32>
    %add3A_1722 = arith.addf %add3A_1719, %mul3A_1721 : vector<256x64xf32>
    %dot_general3A_1723 = arith.constant dense<0.000000e+00> : vector<256x512xf32>
    %dot_general3A_1724 = tpu.matmul %get3A_1541, %get3A_1610, %dot_general3A_1723 {dimension_numbers = #tpu.dot_dimension_numbers<[1], [1], [0], [0], [0, 0, 1, 0], [], []>, transpose_lhs_hint = false} : vector<256x64xf32>, vector<512x64xf32>, vector<256x512xf32> -> vector<256x512xf32>
    %mul3A_1725 = arith.constant 1.250000e-01 : f32
    %mul3A_1726 = vector.broadcast %mul3A_1725 : f32 to vector<256x512xf32>
    %mul3A_1727 = arith.mulf %dot_general3A_1724, %mul3A_1726 : vector<256x512xf32>
    %add3A_1728 = arith.addf %mul3A_1727, %select_n3A_1629 : vector<256x512xf32>
    %exp3A_1729 = math.exp %add3A_1728 : vector<256x512xf32>
    %reduce_sum3A_1730 = arith.constant dense<0.000000e+00> : vector<256xf32>
    %reduce_sum3A_1731 = vector.multi_reduction <add>, %exp3A_1729, %reduce_sum3A_1730 [1] : vector<256x512xf32> to vector<256xf32>
    %broadcast_in_dim3A_1732 = vector.shape_cast %reduce_sum3A_1731 : vector<256xf32> to vector<256x1xf32>
    %div3A_1733 = vector.broadcast %broadcast_in_dim3A_1732 : vector<256x1xf32> to vector<256x512xf32>
    %div3A_1734 = arith.divf %exp3A_1729, %div3A_1733 : vector<256x512xf32>
    %dot_general3A_1735 = arith.constant dense<0.000000e+00> : vector<256x64xf32>
    %dot_general3A_1736 = tpu.matmul %div3A_1734, %get3A_1613, %dot_general3A_1735 {dimension_numbers = #tpu.dot_dimension_numbers<[1], [0], [0], [1], [0, 0, 1, 1], [], []>, transpose_lhs_hint = false} : vector<256x512xf32>, vector<512x64xf32>, vector<256x64xf32> -> vector<256x64xf32>
    %get3A_1737 = arith.constant 0 : index
    %get3A_1738 = arith.constant 33 : index
    %get3A_1739 = vector.load %arg4[%get3A_1737, %get3A_1738] : memref<256x48xf32, #tpu.memory_space<vmem>>, vector<256x1xf32>
    %get3A_1740 = arith.constant 0 : index
    %get3A_1741 = arith.constant 34 : index
    %get3A_1742 = vector.load %arg4[%get3A_1740, %get3A_1741] : memref<256x48xf32, #tpu.memory_space<vmem>>, vector<256x1xf32>
    %get3A_1743 = arith.constant 0 : index
    %get3A_1744 = arith.constant 35 : index
    %get3A_1745 = vector.load %arg4[%get3A_1743, %get3A_1744] : memref<256x48xf32, #tpu.memory_space<vmem>>, vector<256x1xf32>
    %mul3A_1746 = vector.broadcast %get3A_1739 : vector<256x1xf32> to vector<256x64xf32>
    %mul3A_1747 = arith.mulf %mul3A_1746, %dot_general3A_1331 : vector<256x64xf32>
    %mul3A_1748 = vector.broadcast %get3A_1742 : vector<256x1xf32> to vector<256x64xf32>
    %mul3A_1749 = arith.mulf %mul3A_1748, %while3A_1607#3 : vector<256x64xf32>
    %add3A_1750 = arith.addf %mul3A_1747, %mul3A_1749 : vector<256x64xf32>
    %mul3A_1751 = vector.broadcast %get3A_1745 : vector<256x1xf32> to vector<256x64xf32>
    %mul3A_1752 = arith.mulf %mul3A_1751, %dot_general3A_1736 : vector<256x64xf32>
    %add3A_1753 = arith.addf %add3A_1750, %mul3A_1752 : vector<256x64xf32>
    %get3A_1754 = arith.constant 0 : index
    %get3A_1755 = arith.constant 192 : index
    %get3A_1756 = vector.load %arg2[%get3A_1754, %get3A_1755] : memref<2048x256xf32, #tpu.memory_space<vmem>>, vector<2048x64xf32>
    %get3A_1757 = arith.constant 0 : index
    %get3A_1758 = arith.constant 192 : index
    %get3A_1759 = vector.load %arg3[%get3A_1757, %get3A_1758] : memref<2048x256xf32, #tpu.memory_space<vmem>>, vector<2048x64xf32>
    %reshape3A_1760 = vector.shape_cast %get3A_1756 : vector<2048x64xf32> to vector<128x16x64xf32>
    %reduce_sum3A_1761 = arith.constant dense<0.000000e+00> : vector<128x64xf32>
    %reduce_sum3A_1762 = vector.multi_reduction <add>, %reshape3A_1760, %reduce_sum3A_1761 [1] : vector<128x16x64xf32> to vector<128x64xf32>
    %div3A_1763 = arith.constant 1.600000e+01 : f32
    %div3A_1764 = vector.broadcast %div3A_1763 : f32 to vector<128x64xf32>
    %div3A_1765 = arith.divf %reduce_sum3A_1762, %div3A_1764 : vector<128x64xf32>
    %reshape3A_1766 = vector.shape_cast %get3A_1759 : vector<2048x64xf32> to vector<128x16x64xf32>
    %reduce_sum3A_1767 = arith.constant dense<0.000000e+00> : vector<128x64xf32>
    %reduce_sum3A_1768 = vector.multi_reduction <add>, %reshape3A_1766, %reduce_sum3A_1767 [1] : vector<128x16x64xf32> to vector<128x64xf32>
    %div3A_1769 = arith.constant 1.600000e+01 : f32
    %div3A_1770 = vector.broadcast %div3A_1769 : f32 to vector<128x64xf32>
    %div3A_1771 = arith.divf %reduce_sum3A_1768, %div3A_1770 : vector<128x64xf32>
    %slice3A_1772 = vector.extract_strided_slice %div3A_1765 {offsets = [0, 0], sizes = [127, 64], strides = [1, 1]} : vector<128x64xf32> to vector<127x64xf32>
    %slice3A_1773 = vector.extract_strided_slice %div3A_1765 {offsets = [1, 0], sizes = [127, 64], strides = [1, 1]} : vector<128x64xf32> to vector<127x64xf32>
    %add3A_1774 = arith.addf %slice3A_1772, %slice3A_1773 : vector<127x64xf32>
    %mul3A_1775 = arith.constant 5.000000e-01 : f32
    %mul3A_1776 = vector.broadcast %mul3A_1775 : f32 to vector<127x64xf32>
    %mul3A_1777 = arith.mulf %add3A_1774, %mul3A_1776 : vector<127x64xf32>
    %slice3A_1778 = vector.extract_strided_slice %div3A_1771 {offsets = [0, 0], sizes = [127, 64], strides = [1, 1]} : vector<128x64xf32> to vector<127x64xf32>
    %slice3A_1779 = vector.extract_strided_slice %div3A_1771 {offsets = [1, 0], sizes = [127, 64], strides = [1, 1]} : vector<128x64xf32> to vector<127x64xf32>
    %add3A_1780 = arith.addf %slice3A_1778, %slice3A_1779 : vector<127x64xf32>
    %mul3A_1781 = arith.constant 5.000000e-01 : f32
    %mul3A_1782 = vector.broadcast %mul3A_1781 : f32 to vector<127x64xf32>
    %mul3A_1783 = arith.mulf %add3A_1780, %mul3A_1782 : vector<127x64xf32>
    %iota3A_1784 = tpu.iota {dimensions = array<i32: 1>} : vector<256x127xi32>
    %mul3A_1785 = arith.constant 16 : i32
    %mul3A_1786 = vector.broadcast %mul3A_1785 : i32 to vector<256x127xi32>
    %mul3A_1787 = arith.muli %mul3A_1786, %iota3A_1784 : vector<256x127xi32>
    %add3A_1788 = arith.constant 32 : i32
    %add3A_1789 = vector.broadcast %add3A_1788 : i32 to vector<256x127xi32>
    %add3A_1790 = arith.addi %mul3A_1787, %add3A_1789 : vector<256x127xi32>
    %sub3A_1791 = arith.constant 1 : i32
    %sub3A_1792 = vector.broadcast %sub3A_1791 : i32 to vector<256x127xi32>
    %sub3A_1793 = arith.subi %add3A_1790, %sub3A_1792 : vector<256x127xi32>
    %le3A_1794 = vector.broadcast %add3A_1 : vector<256x1xi32> to vector<256x127xi32>
    %le3A_1795 = arith.cmpi sle, %sub3A_1793, %le3A_1794 : vector<256x127xi32>
    %broadcast_in_dim3A_1796 = arith.constant 0.000000e+00 : f32
    %broadcast_in_dim3A_1797 = vector.broadcast %broadcast_in_dim3A_1796 : f32 to vector<256x127xf32>
    %get3A_1798 = arith.constant 0 : index
    %get3A_1799 = arith.constant 768 : index
    %get3A_1800 = vector.load %arg1[%get3A_1798, %get3A_1799] : memref<256x1024xf32, #tpu.memory_space<vmem>>, vector<256x64xf32>
    %dot_general3A_1801 = arith.constant dense<0.000000e+00> : vector<256x127xf32>
    %dot_general3A_1802 = tpu.matmul %get3A_1800, %mul3A_1777, %dot_general3A_1801 {dimension_numbers = #tpu.dot_dimension_numbers<[1], [1], [0], [0], [0, 0, 1, 0], [], []>, transpose_lhs_hint = false} : vector<256x64xf32>, vector<127x64xf32>, vector<256x127xf32> -> vector<256x127xf32>
    %mul3A_1803 = arith.constant 1.250000e-01 : f32
    %mul3A_1804 = vector.broadcast %mul3A_1803 : f32 to vector<256x127xf32>
    %mul3A_1805 = arith.mulf %dot_general3A_1802, %mul3A_1804 : vector<256x127xf32>
    %jit3A_1806 = arith.constant -1.000000e+30 : f32
    %broadcast_in_dim3A_1807 = vector.broadcast %jit3A_1806 : f32 to vector<256x127xf32>
    %select_n3A_1808 = arith.select %le3A_1795, %mul3A_1805, %broadcast_in_dim3A_1807 : vector<256x127xi1>, vector<256x127xf32>
    %reduce_max3A_1809 = arith.constant dense<0xFF800000> : vector<256xf32>
    %reduce_max3A_1810 = vector.multi_reduction <maximumf>, %select_n3A_1808, %reduce_max3A_1809 [1] : vector<256x127xf32> to vector<256xf32>
    %broadcast_in_dim3A_1811 = vector.shape_cast %reduce_max3A_1810 : vector<256xf32> to vector<256x1xf32>
    %sub3A_1812 = vector.broadcast %broadcast_in_dim3A_1811 : vector<256x1xf32> to vector<256x127xf32>
    %sub3A_1813 = arith.subf %select_n3A_1808, %sub3A_1812 : vector<256x127xf32>
    %exp3A_1814 = math.exp %sub3A_1813 : vector<256x127xf32>
    %convert_element_type3A_1815 = arith.extui %le3A_1795 : vector<256x127xi1> to vector<256x127xi32>
    %convert_element_type3A_1816 = arith.sitofp %convert_element_type3A_1815 : vector<256x127xi32> to vector<256x127xf32>
    %mul3A_1817 = arith.mulf %exp3A_1814, %convert_element_type3A_1816 : vector<256x127xf32>
    %reduce_sum3A_1818 = arith.constant dense<0.000000e+00> : vector<256xf32>
    %reduce_sum3A_1819 = vector.multi_reduction <add>, %mul3A_1817, %reduce_sum3A_1818 [1] : vector<256x127xf32> to vector<256xf32>
    %broadcast_in_dim3A_1820 = vector.shape_cast %reduce_sum3A_1819 : vector<256xf32> to vector<256x1xf32>
    %max3A_1821 = arith.constant 9.99999971E-10 : f32
    %max3A_1822 = vector.broadcast %max3A_1821 : f32 to vector<256x1xf32>
    %max3A_1823 = arith.maximumf %broadcast_in_dim3A_1820, %max3A_1822 : vector<256x1xf32>
    %div3A_1824 = vector.broadcast %max3A_1823 : vector<256x1xf32> to vector<256x127xf32>
    %div3A_1825 = arith.divf %mul3A_1817, %div3A_1824 : vector<256x127xf32>
    %add3A_1826 = arith.addf %broadcast_in_dim3A_1797, %div3A_1825 : vector<256x127xf32>
    %dot_general3A_1827 = arith.constant dense<0.000000e+00> : vector<256x64xf32>
    %dot_general3A_1828 = tpu.matmul %div3A_1825, %mul3A_1783, %dot_general3A_1827 {dimension_numbers = #tpu.dot_dimension_numbers<[1], [0], [0], [1], [0, 0, 1, 1], [], []>, transpose_lhs_hint = false} : vector<256x127xf32>, vector<127x64xf32>, vector<256x64xf32> -> vector<256x64xf32>
    %get3A_1829 = arith.constant 0 : index
    %get3A_1830 = arith.constant 832 : index
    %get3A_1831 = vector.load %arg1[%get3A_1829, %get3A_1830] : memref<256x1024xf32, #tpu.memory_space<vmem>>, vector<256x64xf32>
    %dot_general3A_1832 = arith.constant dense<0.000000e+00> : vector<256x127xf32>
    %dot_general3A_1833 = tpu.matmul %get3A_1831, %mul3A_1777, %dot_general3A_1832 {dimension_numbers = #tpu.dot_dimension_numbers<[1], [1], [0], [0], [0, 0, 1, 0], [], []>, transpose_lhs_hint = false} : vector<256x64xf32>, vector<127x64xf32>, vector<256x127xf32> -> vector<256x127xf32>
    %mul3A_1834 = arith.constant 1.250000e-01 : f32
    %mul3A_1835 = vector.broadcast %mul3A_1834 : f32 to vector<256x127xf32>
    %mul3A_1836 = arith.mulf %dot_general3A_1833, %mul3A_1835 : vector<256x127xf32>
    %jit3A_1837 = arith.constant -1.000000e+30 : f32
    %broadcast_in_dim3A_1838 = vector.broadcast %jit3A_1837 : f32 to vector<256x127xf32>
    %select_n3A_1839 = arith.select %le3A_1795, %mul3A_1836, %broadcast_in_dim3A_1838 : vector<256x127xi1>, vector<256x127xf32>
    %reduce_max3A_1840 = arith.constant dense<0xFF800000> : vector<256xf32>
    %reduce_max3A_1841 = vector.multi_reduction <maximumf>, %select_n3A_1839, %reduce_max3A_1840 [1] : vector<256x127xf32> to vector<256xf32>
    %broadcast_in_dim3A_1842 = vector.shape_cast %reduce_max3A_1841 : vector<256xf32> to vector<256x1xf32>
    %sub3A_1843 = vector.broadcast %broadcast_in_dim3A_1842 : vector<256x1xf32> to vector<256x127xf32>
    %sub3A_1844 = arith.subf %select_n3A_1839, %sub3A_1843 : vector<256x127xf32>
    %exp3A_1845 = math.exp %sub3A_1844 : vector<256x127xf32>
    %convert_element_type3A_1846 = arith.extui %le3A_1795 : vector<256x127xi1> to vector<256x127xi32>
    %convert_element_type3A_1847 = arith.sitofp %convert_element_type3A_1846 : vector<256x127xi32> to vector<256x127xf32>
    %mul3A_1848 = arith.mulf %exp3A_1845, %convert_element_type3A_1847 : vector<256x127xf32>
    %reduce_sum3A_1849 = arith.constant dense<0.000000e+00> : vector<256xf32>
    %reduce_sum3A_1850 = vector.multi_reduction <add>, %mul3A_1848, %reduce_sum3A_1849 [1] : vector<256x127xf32> to vector<256xf32>
    %broadcast_in_dim3A_1851 = vector.shape_cast %reduce_sum3A_1850 : vector<256xf32> to vector<256x1xf32>
    %max3A_1852 = arith.constant 9.99999971E-10 : f32
    %max3A_1853 = vector.broadcast %max3A_1852 : f32 to vector<256x1xf32>
    %max3A_1854 = arith.maximumf %broadcast_in_dim3A_1851, %max3A_1853 : vector<256x1xf32>
    %div3A_1855 = vector.broadcast %max3A_1854 : vector<256x1xf32> to vector<256x127xf32>
    %div3A_1856 = arith.divf %mul3A_1848, %div3A_1855 : vector<256x127xf32>
    %add3A_1857 = arith.addf %add3A_1826, %div3A_1856 : vector<256x127xf32>
    %dot_general3A_1858 = arith.constant dense<0.000000e+00> : vector<256x64xf32>
    %dot_general3A_1859 = tpu.matmul %div3A_1856, %mul3A_1783, %dot_general3A_1858 {dimension_numbers = #tpu.dot_dimension_numbers<[1], [0], [0], [1], [0, 0, 1, 1], [], []>, transpose_lhs_hint = false} : vector<256x127xf32>, vector<127x64xf32>, vector<256x64xf32> -> vector<256x64xf32>
    %get3A_1860 = arith.constant 0 : index
    %get3A_1861 = arith.constant 896 : index
    %get3A_1862 = vector.load %arg1[%get3A_1860, %get3A_1861] : memref<256x1024xf32, #tpu.memory_space<vmem>>, vector<256x64xf32>
    %dot_general3A_1863 = arith.constant dense<0.000000e+00> : vector<256x127xf32>
    %dot_general3A_1864 = tpu.matmul %get3A_1862, %mul3A_1777, %dot_general3A_1863 {dimension_numbers = #tpu.dot_dimension_numbers<[1], [1], [0], [0], [0, 0, 1, 0], [], []>, transpose_lhs_hint = false} : vector<256x64xf32>, vector<127x64xf32>, vector<256x127xf32> -> vector<256x127xf32>
    %mul3A_1865 = arith.constant 1.250000e-01 : f32
    %mul3A_1866 = vector.broadcast %mul3A_1865 : f32 to vector<256x127xf32>
    %mul3A_1867 = arith.mulf %dot_general3A_1864, %mul3A_1866 : vector<256x127xf32>
    %jit3A_1868 = arith.constant -1.000000e+30 : f32
    %broadcast_in_dim3A_1869 = vector.broadcast %jit3A_1868 : f32 to vector<256x127xf32>
    %select_n3A_1870 = arith.select %le3A_1795, %mul3A_1867, %broadcast_in_dim3A_1869 : vector<256x127xi1>, vector<256x127xf32>
    %reduce_max3A_1871 = arith.constant dense<0xFF800000> : vector<256xf32>
    %reduce_max3A_1872 = vector.multi_reduction <maximumf>, %select_n3A_1870, %reduce_max3A_1871 [1] : vector<256x127xf32> to vector<256xf32>
    %broadcast_in_dim3A_1873 = vector.shape_cast %reduce_max3A_1872 : vector<256xf32> to vector<256x1xf32>
    %sub3A_1874 = vector.broadcast %broadcast_in_dim3A_1873 : vector<256x1xf32> to vector<256x127xf32>
    %sub3A_1875 = arith.subf %select_n3A_1870, %sub3A_1874 : vector<256x127xf32>
    %exp3A_1876 = math.exp %sub3A_1875 : vector<256x127xf32>
    %convert_element_type3A_1877 = arith.extui %le3A_1795 : vector<256x127xi1> to vector<256x127xi32>
    %convert_element_type3A_1878 = arith.sitofp %convert_element_type3A_1877 : vector<256x127xi32> to vector<256x127xf32>
    %mul3A_1879 = arith.mulf %exp3A_1876, %convert_element_type3A_1878 : vector<256x127xf32>
    %reduce_sum3A_1880 = arith.constant dense<0.000000e+00> : vector<256xf32>
    %reduce_sum3A_1881 = vector.multi_reduction <add>, %mul3A_1879, %reduce_sum3A_1880 [1] : vector<256x127xf32> to vector<256xf32>
    %broadcast_in_dim3A_1882 = vector.shape_cast %reduce_sum3A_1881 : vector<256xf32> to vector<256x1xf32>
    %max3A_1883 = arith.constant 9.99999971E-10 : f32
    %max3A_1884 = vector.broadcast %max3A_1883 : f32 to vector<256x1xf32>
    %max3A_1885 = arith.maximumf %broadcast_in_dim3A_1882, %max3A_1884 : vector<256x1xf32>
    %div3A_1886 = vector.broadcast %max3A_1885 : vector<256x1xf32> to vector<256x127xf32>
    %div3A_1887 = arith.divf %mul3A_1879, %div3A_1886 : vector<256x127xf32>
    %add3A_1888 = arith.addf %add3A_1857, %div3A_1887 : vector<256x127xf32>
    %dot_general3A_1889 = arith.constant dense<0.000000e+00> : vector<256x64xf32>
    %dot_general3A_1890 = tpu.matmul %div3A_1887, %mul3A_1783, %dot_general3A_1889 {dimension_numbers = #tpu.dot_dimension_numbers<[1], [0], [0], [1], [0, 0, 1, 1], [], []>, transpose_lhs_hint = false} : vector<256x127xf32>, vector<127x64xf32>, vector<256x64xf32> -> vector<256x64xf32>
    %get3A_1891 = arith.constant 0 : index
    %get3A_1892 = arith.constant 960 : index
    %get3A_1893 = vector.load %arg1[%get3A_1891, %get3A_1892] : memref<256x1024xf32, #tpu.memory_space<vmem>>, vector<256x64xf32>
    %dot_general3A_1894 = arith.constant dense<0.000000e+00> : vector<256x127xf32>
    %dot_general3A_1895 = tpu.matmul %get3A_1893, %mul3A_1777, %dot_general3A_1894 {dimension_numbers = #tpu.dot_dimension_numbers<[1], [1], [0], [0], [0, 0, 1, 0], [], []>, transpose_lhs_hint = false} : vector<256x64xf32>, vector<127x64xf32>, vector<256x127xf32> -> vector<256x127xf32>
    %mul3A_1896 = arith.constant 1.250000e-01 : f32
    %mul3A_1897 = vector.broadcast %mul3A_1896 : f32 to vector<256x127xf32>
    %mul3A_1898 = arith.mulf %dot_general3A_1895, %mul3A_1897 : vector<256x127xf32>
    %jit3A_1899 = arith.constant -1.000000e+30 : f32
    %broadcast_in_dim3A_1900 = vector.broadcast %jit3A_1899 : f32 to vector<256x127xf32>
    %select_n3A_1901 = arith.select %le3A_1795, %mul3A_1898, %broadcast_in_dim3A_1900 : vector<256x127xi1>, vector<256x127xf32>
    %reduce_max3A_1902 = arith.constant dense<0xFF800000> : vector<256xf32>
    %reduce_max3A_1903 = vector.multi_reduction <maximumf>, %select_n3A_1901, %reduce_max3A_1902 [1] : vector<256x127xf32> to vector<256xf32>
    %broadcast_in_dim3A_1904 = vector.shape_cast %reduce_max3A_1903 : vector<256xf32> to vector<256x1xf32>
    %sub3A_1905 = vector.broadcast %broadcast_in_dim3A_1904 : vector<256x1xf32> to vector<256x127xf32>
    %sub3A_1906 = arith.subf %select_n3A_1901, %sub3A_1905 : vector<256x127xf32>
    %exp3A_1907 = math.exp %sub3A_1906 : vector<256x127xf32>
    %convert_element_type3A_1908 = arith.extui %le3A_1795 : vector<256x127xi1> to vector<256x127xi32>
    %convert_element_type3A_1909 = arith.sitofp %convert_element_type3A_1908 : vector<256x127xi32> to vector<256x127xf32>
    %mul3A_1910 = arith.mulf %exp3A_1907, %convert_element_type3A_1909 : vector<256x127xf32>
    %reduce_sum3A_1911 = arith.constant dense<0.000000e+00> : vector<256xf32>
    %reduce_sum3A_1912 = vector.multi_reduction <add>, %mul3A_1910, %reduce_sum3A_1911 [1] : vector<256x127xf32> to vector<256xf32>
    %broadcast_in_dim3A_1913 = vector.shape_cast %reduce_sum3A_1912 : vector<256xf32> to vector<256x1xf32>
    %max3A_1914 = arith.constant 9.99999971E-10 : f32
    %max3A_1915 = vector.broadcast %max3A_1914 : f32 to vector<256x1xf32>
    %max3A_1916 = arith.maximumf %broadcast_in_dim3A_1913, %max3A_1915 : vector<256x1xf32>
    %div3A_1917 = vector.broadcast %max3A_1916 : vector<256x1xf32> to vector<256x127xf32>
    %div3A_1918 = arith.divf %mul3A_1910, %div3A_1917 : vector<256x127xf32>
    %add3A_1919 = arith.addf %add3A_1888, %div3A_1918 : vector<256x127xf32>
    %dot_general3A_1920 = arith.constant dense<0.000000e+00> : vector<256x64xf32>
    %dot_general3A_1921 = tpu.matmul %div3A_1918, %mul3A_1783, %dot_general3A_1920 {dimension_numbers = #tpu.dot_dimension_numbers<[1], [0], [0], [1], [0, 0, 1, 1], [], []>, transpose_lhs_hint = false} : vector<256x127xf32>, vector<127x64xf32>, vector<256x64xf32> -> vector<256x64xf32>
    %iota3A_1922 = tpu.iota {dimensions = array<i32: 0>} : vector<127x64xi32>
    %iota3A_1923 = tpu.iota {dimensions = array<i32: 1>} : vector<127x64xi32>
    %jit3A_1924 = arith.constant 2 : i32
    %div3A_1925 = vector.broadcast %jit3A_1924 : i32 to vector<127x64xi32>
    %div3A_1926 = arith.divsi %iota3A_1922, %div3A_1925 : vector<127x64xi32>
    %sign3A_1927 = arith.constant 0 : i32
    %sign3A_1928 = vector.broadcast %sign3A_1927 : i32 to vector<127x64xi32>
    %sign3A_1929 = arith.cmpi sgt, %iota3A_1922, %sign3A_1928 : vector<127x64xi32>
    %sign3A_1930 = arith.extui %sign3A_1929 : vector<127x64xi1> to vector<127x64xi32>
    %sign3A_1931 = arith.constant 0 : i32
    %sign3A_1932 = vector.broadcast %sign3A_1931 : i32 to vector<127x64xi32>
    %sign3A_1933 = arith.cmpi slt, %iota3A_1922, %sign3A_1932 : vector<127x64xi32>
    %sign3A_1934 = arith.extui %sign3A_1933 : vector<127x64xi1> to vector<127x64xi32>
    %sign3A_1935 = arith.subi %sign3A_1930, %sign3A_1934 : vector<127x64xi32>
    %sign3A_1936 = arith.constant 0 : i32
    %sign3A_1937 = arith.cmpi sgt, %jit3A_1924, %sign3A_1936 : i32
    %sign3A_1938 = arith.extui %sign3A_1937 : i1 to i32
    %sign3A_1939 = arith.constant 0 : i32
    %sign3A_1940 = arith.cmpi slt, %jit3A_1924, %sign3A_1939 : i32
    %sign3A_1941 = arith.extui %sign3A_1940 : i1 to i32
    %sign3A_1942 = arith.subi %sign3A_1938, %sign3A_1941 : i32
    %ne3A_1943 = vector.broadcast %sign3A_1942 : i32 to vector<127x64xi32>
    %ne3A_1944 = arith.cmpi ne, %sign3A_1935, %ne3A_1943 : vector<127x64xi32>
    %rem3A_1945 = vector.broadcast %jit3A_1924 : i32 to vector<127x64xi32>
    %rem3A_1946 = arith.remsi %iota3A_1922, %rem3A_1945 : vector<127x64xi32>
    %ne3A_1947 = arith.constant 0 : i32
    %ne3A_1948 = vector.broadcast %ne3A_1947 : i32 to vector<127x64xi32>
    %ne3A_1949 = arith.cmpi ne, %rem3A_1946, %ne3A_1948 : vector<127x64xi32>
    %and3A_1950 = arith.andi %ne3A_1944, %ne3A_1949 : vector<127x64xi1>
    %sub3A_1951 = arith.constant 1 : i32
    %sub3A_1952 = vector.broadcast %sub3A_1951 : i32 to vector<127x64xi32>
    %sub3A_1953 = arith.subi %div3A_1926, %sub3A_1952 : vector<127x64xi32>
    %select_n3A_1954 = arith.select %and3A_1950, %sub3A_1953, %div3A_1926 : vector<127x64xi1>, vector<127x64xi32>
    %eq3A_1955 = arith.cmpi eq, %select_n3A_1954, %iota3A_1923 : vector<127x64xi32>
    %convert_element_type3A_1956 = arith.extui %eq3A_1955 : vector<127x64xi1> to vector<127x64xi32>
    %convert_element_type3A_1957 = arith.sitofp %convert_element_type3A_1956 : vector<127x64xi32> to vector<127x64xf32>
    %dot_general3A_1958 = arith.constant dense<0.000000e+00> : vector<256x64xf32>
    %dot_general3A_1959 = tpu.matmul %add3A_1919, %convert_element_type3A_1957, %dot_general3A_1958 {dimension_numbers = #tpu.dot_dimension_numbers<[1], [0], [0], [1], [0, 0, 1, 1], [], []>, transpose_lhs_hint = false} : vector<256x127xf32>, vector<127x64xf32>, vector<256x64xf32> -> vector<256x64xf32>
    %iota3A_1960 = tpu.iota {dimensions = array<i32: 1>} : vector<256x64xi32>
    %jit3A_1961 = arith.constant 32 : i32
    %div3A_1962 = vector.broadcast %jit3A_1961 : i32 to vector<256x1xi32>
    %div3A_1963 = arith.divsi %add3A_1, %div3A_1962 : vector<256x1xi32>
    %sign3A_1964 = arith.constant 0 : i32
    %sign3A_1965 = vector.broadcast %sign3A_1964 : i32 to vector<256x1xi32>
    %sign3A_1966 = arith.cmpi sgt, %add3A_1, %sign3A_1965 : vector<256x1xi32>
    %sign3A_1967 = arith.extui %sign3A_1966 : vector<256x1xi1> to vector<256x1xi32>
    %sign3A_1968 = arith.constant 0 : i32
    %sign3A_1969 = vector.broadcast %sign3A_1968 : i32 to vector<256x1xi32>
    %sign3A_1970 = arith.cmpi slt, %add3A_1, %sign3A_1969 : vector<256x1xi32>
    %sign3A_1971 = arith.extui %sign3A_1970 : vector<256x1xi1> to vector<256x1xi32>
    %sign3A_1972 = arith.subi %sign3A_1967, %sign3A_1971 : vector<256x1xi32>
    %sign3A_1973 = arith.constant 0 : i32
    %sign3A_1974 = arith.cmpi sgt, %jit3A_1961, %sign3A_1973 : i32
    %sign3A_1975 = arith.extui %sign3A_1974 : i1 to i32
    %sign3A_1976 = arith.constant 0 : i32
    %sign3A_1977 = arith.cmpi slt, %jit3A_1961, %sign3A_1976 : i32
    %sign3A_1978 = arith.extui %sign3A_1977 : i1 to i32
    %sign3A_1979 = arith.subi %sign3A_1975, %sign3A_1978 : i32
    %ne3A_1980 = vector.broadcast %sign3A_1979 : i32 to vector<256x1xi32>
    %ne3A_1981 = arith.cmpi ne, %sign3A_1972, %ne3A_1980 : vector<256x1xi32>
    %rem3A_1982 = vector.broadcast %jit3A_1961 : i32 to vector<256x1xi32>
    %rem3A_1983 = arith.remsi %add3A_1, %rem3A_1982 : vector<256x1xi32>
    %ne3A_1984 = arith.constant 0 : i32
    %ne3A_1985 = vector.broadcast %ne3A_1984 : i32 to vector<256x1xi32>
    %ne3A_1986 = arith.cmpi ne, %rem3A_1983, %ne3A_1985 : vector<256x1xi32>
    %and3A_1987 = arith.andi %ne3A_1981, %ne3A_1986 : vector<256x1xi1>
    %sub3A_1988 = arith.constant 1 : i32
    %sub3A_1989 = vector.broadcast %sub3A_1988 : i32 to vector<256x1xi32>
    %sub3A_1990 = arith.subi %div3A_1963, %sub3A_1989 : vector<256x1xi32>
    %select_n3A_1991 = arith.select %and3A_1987, %sub3A_1990, %div3A_1963 : vector<256x1xi1>, vector<256x1xi32>
    %eq3A_1992 = vector.broadcast %select_n3A_1991 : vector<256x1xi32> to vector<256x64xi32>
    %eq3A_1993 = arith.cmpi eq, %iota3A_1960, %eq3A_1992 : vector<256x64xi32>
    %jit3A_1994 = arith.constant 1.000000e+06 : f32
    %jit3A_1995 = arith.constant 0.000000e+00 : f32
    %broadcast_in_dim3A_1996 = vector.broadcast %jit3A_1994 : f32 to vector<256x64xf32>
    %broadcast_in_dim3A_1997 = vector.broadcast %jit3A_1995 : f32 to vector<256x64xf32>
    %select_n3A_1998 = arith.select %eq3A_1993, %broadcast_in_dim3A_1996, %broadcast_in_dim3A_1997 : vector<256x64xi1>, vector<256x64xf32>
    %eq3A_1999 = arith.constant 0 : i32
    %eq3A_2000 = vector.broadcast %eq3A_1999 : i32 to vector<256x64xi32>
    %eq3A_2001 = arith.cmpi eq, %iota3A_1960, %eq3A_2000 : vector<256x64xi32>
    %jit3A_2002 = arith.constant 1.000000e+06 : f32
    %jit3A_2003 = arith.constant 0.000000e+00 : f32
    %broadcast_in_dim3A_2004 = vector.broadcast %jit3A_2002 : f32 to vector<256x64xf32>
    %broadcast_in_dim3A_2005 = vector.broadcast %jit3A_2003 : f32 to vector<256x64xf32>
    %select_n3A_2006 = arith.select %eq3A_2001, %broadcast_in_dim3A_2004, %broadcast_in_dim3A_2005 : vector<256x64xi1>, vector<256x64xf32>
    %add3A_2007 = arith.addf %select_n3A_1998, %select_n3A_2006 : vector<256x64xf32>
    %mul3A_2008 = arith.constant 32 : i32
    %mul3A_2009 = vector.broadcast %mul3A_2008 : i32 to vector<256x64xi32>
    %mul3A_2010 = arith.muli %iota3A_1960, %mul3A_2009 : vector<256x64xi32>
    %le3A_2011 = vector.broadcast %add3A_1 : vector<256x1xi32> to vector<256x64xi32>
    %le3A_2012 = arith.cmpi sle, %mul3A_2010, %le3A_2011 : vector<256x64xi32>
    %add3A_2013 = arith.addf %dot_general3A_1959, %add3A_2007 : vector<256x64xf32>
    %jit3A_2014 = arith.constant 0xFF800000 : f32
    %broadcast_in_dim3A_2015 = vector.broadcast %jit3A_2014 : f32 to vector<256x64xf32>
    %select_n3A_2016 = arith.select %le3A_2012, %add3A_2013, %broadcast_in_dim3A_2015 : vector<256x64xi1>, vector<256x64xf32>
    %broadcast_in_dim3A_2017 = arith.constant false
    %broadcast_in_dim3A_2018 = vector.broadcast %broadcast_in_dim3A_2017 : i1 to vector<256x64xi1>
    %reduce_max3A_2019 = arith.constant dense<0xFF800000> : vector<256xf32>
    %reduce_max3A_2020 = vector.multi_reduction <maximumf>, %select_n3A_2016, %reduce_max3A_2019 [1] : vector<256x64xf32> to vector<256xf32>
    %broadcast_in_dim3A_2021 = vector.shape_cast %reduce_max3A_2020 : vector<256xf32> to vector<256x1xf32>
    %eq3A_2022 = vector.broadcast %broadcast_in_dim3A_2021 : vector<256x1xf32> to vector<256x64xf32>
    %eq3A_2023 = arith.cmpf oeq, %select_n3A_2016, %eq3A_2022 : vector<256x64xf32>
    %jit3A_2024 = arith.constant 65 : i32
    %broadcast_in_dim3A_2025 = vector.broadcast %jit3A_2024 : i32 to vector<256x64xi32>
    %select_n3A_2026 = arith.select %eq3A_2023, %iota3A_1960, %broadcast_in_dim3A_2025 : vector<256x64xi1>, vector<256x64xi32>
    %reduce_min3A_2027 = arith.constant dense<2147483647> : vector<256xi32>
    %reduce_min3A_2028 = vector.multi_reduction <minsi>, %select_n3A_2026, %reduce_min3A_2027 [1] : vector<256x64xi32> to vector<256xi32>
    %broadcast_in_dim3A_2029 = vector.shape_cast %reduce_min3A_2028 : vector<256xi32> to vector<256x1xi32>
    %eq3A_2030 = vector.broadcast %broadcast_in_dim3A_2029 : vector<256x1xi32> to vector<256x64xi32>
    %eq3A_2031 = arith.cmpi eq, %iota3A_1960, %eq3A_2030 : vector<256x64xi32>
    %or3A_2032 = arith.ori %broadcast_in_dim3A_2018, %eq3A_2031 : vector<256x64xi1>
    %jit3A_2033 = arith.constant 0xFF800000 : f32
    %broadcast_in_dim3A_2034 = vector.broadcast %jit3A_2033 : f32 to vector<256x64xf32>
    %select_n3A_2035 = arith.select %eq3A_2031, %broadcast_in_dim3A_2034, %select_n3A_2016 : vector<256x64xi1>, vector<256x64xf32>
    %reduce_max3A_2036 = arith.constant dense<0xFF800000> : vector<256xf32>
    %reduce_max3A_2037 = vector.multi_reduction <maximumf>, %select_n3A_2035, %reduce_max3A_2036 [1] : vector<256x64xf32> to vector<256xf32>
    %broadcast_in_dim3A_2038 = vector.shape_cast %reduce_max3A_2037 : vector<256xf32> to vector<256x1xf32>
    %eq3A_2039 = vector.broadcast %broadcast_in_dim3A_2038 : vector<256x1xf32> to vector<256x64xf32>
    %eq3A_2040 = arith.cmpf oeq, %select_n3A_2035, %eq3A_2039 : vector<256x64xf32>
    %jit3A_2041 = arith.constant 65 : i32
    %broadcast_in_dim3A_2042 = vector.broadcast %jit3A_2041 : i32 to vector<256x64xi32>
    %select_n3A_2043 = arith.select %eq3A_2040, %iota3A_1960, %broadcast_in_dim3A_2042 : vector<256x64xi1>, vector<256x64xi32>
    %reduce_min3A_2044 = arith.constant dense<2147483647> : vector<256xi32>
    %reduce_min3A_2045 = vector.multi_reduction <minsi>, %select_n3A_2043, %reduce_min3A_2044 [1] : vector<256x64xi32> to vector<256xi32>
    %broadcast_in_dim3A_2046 = vector.shape_cast %reduce_min3A_2045 : vector<256xi32> to vector<256x1xi32>
    %eq3A_2047 = vector.broadcast %broadcast_in_dim3A_2046 : vector<256x1xi32> to vector<256x64xi32>
    %eq3A_2048 = arith.cmpi eq, %iota3A_1960, %eq3A_2047 : vector<256x64xi32>
    %or3A_2049 = arith.ori %or3A_2032, %eq3A_2048 : vector<256x64xi1>
    %jit3A_2050 = arith.constant 0xFF800000 : f32
    %broadcast_in_dim3A_2051 = vector.broadcast %jit3A_2050 : f32 to vector<256x64xf32>
    %select_n3A_2052 = arith.select %eq3A_2048, %broadcast_in_dim3A_2051, %select_n3A_2035 : vector<256x64xi1>, vector<256x64xf32>
    %reduce_max3A_2053 = arith.constant dense<0xFF800000> : vector<256xf32>
    %reduce_max3A_2054 = vector.multi_reduction <maximumf>, %select_n3A_2052, %reduce_max3A_2053 [1] : vector<256x64xf32> to vector<256xf32>
    %broadcast_in_dim3A_2055 = vector.shape_cast %reduce_max3A_2054 : vector<256xf32> to vector<256x1xf32>
    %eq3A_2056 = vector.broadcast %broadcast_in_dim3A_2055 : vector<256x1xf32> to vector<256x64xf32>
    %eq3A_2057 = arith.cmpf oeq, %select_n3A_2052, %eq3A_2056 : vector<256x64xf32>
    %jit3A_2058 = arith.constant 65 : i32
    %broadcast_in_dim3A_2059 = vector.broadcast %jit3A_2058 : i32 to vector<256x64xi32>
    %select_n3A_2060 = arith.select %eq3A_2057, %iota3A_1960, %broadcast_in_dim3A_2059 : vector<256x64xi1>, vector<256x64xi32>
    %reduce_min3A_2061 = arith.constant dense<2147483647> : vector<256xi32>
    %reduce_min3A_2062 = vector.multi_reduction <minsi>, %select_n3A_2060, %reduce_min3A_2061 [1] : vector<256x64xi32> to vector<256xi32>
    %broadcast_in_dim3A_2063 = vector.shape_cast %reduce_min3A_2062 : vector<256xi32> to vector<256x1xi32>
    %eq3A_2064 = vector.broadcast %broadcast_in_dim3A_2063 : vector<256x1xi32> to vector<256x64xi32>
    %eq3A_2065 = arith.cmpi eq, %iota3A_1960, %eq3A_2064 : vector<256x64xi32>
    %or3A_2066 = arith.ori %or3A_2049, %eq3A_2065 : vector<256x64xi1>
    %jit3A_2067 = arith.constant 0xFF800000 : f32
    %broadcast_in_dim3A_2068 = vector.broadcast %jit3A_2067 : f32 to vector<256x64xf32>
    %select_n3A_2069 = arith.select %eq3A_2065, %broadcast_in_dim3A_2068, %select_n3A_2052 : vector<256x64xi1>, vector<256x64xf32>
    %reduce_max3A_2070 = arith.constant dense<0xFF800000> : vector<256xf32>
    %reduce_max3A_2071 = vector.multi_reduction <maximumf>, %select_n3A_2069, %reduce_max3A_2070 [1] : vector<256x64xf32> to vector<256xf32>
    %broadcast_in_dim3A_2072 = vector.shape_cast %reduce_max3A_2071 : vector<256xf32> to vector<256x1xf32>
    %eq3A_2073 = vector.broadcast %broadcast_in_dim3A_2072 : vector<256x1xf32> to vector<256x64xf32>
    %eq3A_2074 = arith.cmpf oeq, %select_n3A_2069, %eq3A_2073 : vector<256x64xf32>
    %jit3A_2075 = arith.constant 65 : i32
    %broadcast_in_dim3A_2076 = vector.broadcast %jit3A_2075 : i32 to vector<256x64xi32>
    %select_n3A_2077 = arith.select %eq3A_2074, %iota3A_1960, %broadcast_in_dim3A_2076 : vector<256x64xi1>, vector<256x64xi32>
    %reduce_min3A_2078 = arith.constant dense<2147483647> : vector<256xi32>
    %reduce_min3A_2079 = vector.multi_reduction <minsi>, %select_n3A_2077, %reduce_min3A_2078 [1] : vector<256x64xi32> to vector<256xi32>
    %broadcast_in_dim3A_2080 = vector.shape_cast %reduce_min3A_2079 : vector<256xi32> to vector<256x1xi32>
    %eq3A_2081 = vector.broadcast %broadcast_in_dim3A_2080 : vector<256x1xi32> to vector<256x64xi32>
    %eq3A_2082 = arith.cmpi eq, %iota3A_1960, %eq3A_2081 : vector<256x64xi32>
    %or3A_2083 = arith.ori %or3A_2066, %eq3A_2082 : vector<256x64xi1>
    %convert_element_type3A_2084 = arith.extui %or3A_2083 : vector<256x64xi1> to vector<256x64xi32>
    %convert_element_type3A_2085 = arith.sitofp %convert_element_type3A_2084 : vector<256x64xi32> to vector<256x64xf32>
    %iota3A_2086 = tpu.iota {dimensions = array<i32: 0>} : vector<64x256xi32>
    %iota3A_2087 = tpu.iota {dimensions = array<i32: 1>} : vector<64x256xi32>
    %jit3A_2088 = arith.constant 32 : i32
    %div3A_2089 = vector.broadcast %jit3A_2088 : i32 to vector<64x256xi32>
    %div3A_2090 = arith.divsi %iota3A_2087, %div3A_2089 : vector<64x256xi32>
    %sign3A_2091 = arith.constant 0 : i32
    %sign3A_2092 = vector.broadcast %sign3A_2091 : i32 to vector<64x256xi32>
    %sign3A_2093 = arith.cmpi sgt, %iota3A_2087, %sign3A_2092 : vector<64x256xi32>
    %sign3A_2094 = arith.extui %sign3A_2093 : vector<64x256xi1> to vector<64x256xi32>
    %sign3A_2095 = arith.constant 0 : i32
    %sign3A_2096 = vector.broadcast %sign3A_2095 : i32 to vector<64x256xi32>
    %sign3A_2097 = arith.cmpi slt, %iota3A_2087, %sign3A_2096 : vector<64x256xi32>
    %sign3A_2098 = arith.extui %sign3A_2097 : vector<64x256xi1> to vector<64x256xi32>
    %sign3A_2099 = arith.subi %sign3A_2094, %sign3A_2098 : vector<64x256xi32>
    %sign3A_2100 = arith.constant 0 : i32
    %sign3A_2101 = arith.cmpi sgt, %jit3A_2088, %sign3A_2100 : i32
    %sign3A_2102 = arith.extui %sign3A_2101 : i1 to i32
    %sign3A_2103 = arith.constant 0 : i32
    %sign3A_2104 = arith.cmpi slt, %jit3A_2088, %sign3A_2103 : i32
    %sign3A_2105 = arith.extui %sign3A_2104 : i1 to i32
    %sign3A_2106 = arith.subi %sign3A_2102, %sign3A_2105 : i32
    %ne3A_2107 = vector.broadcast %sign3A_2106 : i32 to vector<64x256xi32>
    %ne3A_2108 = arith.cmpi ne, %sign3A_2099, %ne3A_2107 : vector<64x256xi32>
    %rem3A_2109 = vector.broadcast %jit3A_2088 : i32 to vector<64x256xi32>
    %rem3A_2110 = arith.remsi %iota3A_2087, %rem3A_2109 : vector<64x256xi32>
    %ne3A_2111 = arith.constant 0 : i32
    %ne3A_2112 = vector.broadcast %ne3A_2111 : i32 to vector<64x256xi32>
    %ne3A_2113 = arith.cmpi ne, %rem3A_2110, %ne3A_2112 : vector<64x256xi32>
    %and3A_2114 = arith.andi %ne3A_2108, %ne3A_2113 : vector<64x256xi1>
    %sub3A_2115 = arith.constant 1 : i32
    %sub3A_2116 = vector.broadcast %sub3A_2115 : i32 to vector<64x256xi32>
    %sub3A_2117 = arith.subi %div3A_2090, %sub3A_2116 : vector<64x256xi32>
    %select_n3A_2118 = arith.select %and3A_2114, %sub3A_2117, %div3A_2090 : vector<64x256xi1>, vector<64x256xi32>
    %iota3A_2119 = tpu.iota {dimensions = array<i32: 1>} : vector<256x256xi32>
    %get3A_2120 = arith.constant 0 : index
    %get3A_2121 = arith.constant 768 : index
    %get3A_2122 = vector.load %arg1[%get3A_2120, %get3A_2121] : memref<256x1024xf32, #tpu.memory_space<vmem>>, vector<256x64xf32>
    %get3A_2123 = arith.constant 0 : index
    %get3A_2124 = arith.constant 832 : index
    %get3A_2125 = vector.load %arg1[%get3A_2123, %get3A_2124] : memref<256x1024xf32, #tpu.memory_space<vmem>>, vector<256x64xf32>
    %get3A_2126 = arith.constant 0 : index
    %get3A_2127 = arith.constant 896 : index
    %get3A_2128 = vector.load %arg1[%get3A_2126, %get3A_2127] : memref<256x1024xf32, #tpu.memory_space<vmem>>, vector<256x64xf32>
    %get3A_2129 = arith.constant 0 : index
    %get3A_2130 = arith.constant 960 : index
    %get3A_2131 = vector.load %arg1[%get3A_2129, %get3A_2130] : memref<256x1024xf32, #tpu.memory_space<vmem>>, vector<256x64xf32>
    %broadcast_in_dim3A_2132 = arith.constant 0.000000e+00 : f32
    %broadcast_in_dim3A_2133 = vector.broadcast %broadcast_in_dim3A_2132 : f32 to vector<256x1xf32>
    %broadcast_in_dim3A_2134 = arith.constant 0.000000e+00 : f32
    %broadcast_in_dim3A_2135 = vector.broadcast %broadcast_in_dim3A_2134 : f32 to vector<256x1xf32>
    %broadcast_in_dim3A_2136 = arith.constant 0.000000e+00 : f32
    %broadcast_in_dim3A_2137 = vector.broadcast %broadcast_in_dim3A_2136 : f32 to vector<256x1xf32>
    %broadcast_in_dim3A_2138 = arith.constant 0.000000e+00 : f32
    %broadcast_in_dim3A_2139 = vector.broadcast %broadcast_in_dim3A_2138 : f32 to vector<256x1xf32>
    %add3A_2140 = arith.constant 1 : i32
    %add3A_2141 = arith.addi %arg0, %add3A_2140 : i32
    %while3A_2142 = arith.constant 0 : i32
    %while3A_2143 = arith.subi %add3A_2141, %while3A_2142 : i32
    %while3A_2144 = arith.addi %while3A_2142, %while3A_2143 : i32
    %while3A_2145 = arith.constant 1 : i32
    %while3A_2146 = arith.divsi %while3A_2143, %while3A_2145 : i32
    %while3A_2147 = arith.muli %while3A_2146, %while3A_2145 : i32
    %while3A_2148 = arith.addi %while3A_2142, %while3A_2147 : i32
    %while3A_2149 = arith.constant 1 : i32
    %while3A_2150:4 = scf.for %while3A_2375 = %while3A_2142 to %while3A_2148 step %while3A_2149 iter_args(%while3A_2376 = %broadcast_in_dim3A_2133, %while3A_2377 = %broadcast_in_dim3A_2135, %while3A_2378 = %broadcast_in_dim3A_2137, %while3A_2379 = %broadcast_in_dim3A_2139) -> (vector<256x1xf32>, vector<256x1xf32>, vector<256x1xf32>, vector<256x1xf32>)  : i32 {
      %mul3A_2380 = arith.constant 256 : i32
      %mul3A_2381 = arith.muli %while3A_2375, %mul3A_2380 : i32
      %get3A_2382 = arith.index_cast %mul3A_2381 : i32 to index
      %get3A_2383 = arith.constant 192 : index
      %get3A_2384 = vector.load %arg2[%get3A_2382, %get3A_2383] : memref<2048x256xf32, #tpu.memory_space<vmem>>, vector<256x64xf32>
      %mul3A_2385 = arith.constant 8 : i32
      %mul3A_2386 = arith.muli %while3A_2375, %mul3A_2385 : i32
      %add3A_2387 = vector.broadcast %mul3A_2386 : i32 to vector<64x256xi32>
      %add3A_2388 = arith.addi %add3A_2387, %select_n3A_2118 : vector<64x256xi32>
      %eq3A_2389 = arith.cmpi eq, %iota3A_2086, %add3A_2388 : vector<64x256xi32>
      %convert_element_type3A_2390 = arith.extui %eq3A_2389 : vector<64x256xi1> to vector<64x256xi32>
      %convert_element_type3A_2391 = arith.sitofp %convert_element_type3A_2390 : vector<64x256xi32> to vector<64x256xf32>
      %dot_general3A_2392 = arith.constant dense<0.000000e+00> : vector<256x256xf32>
      %dot_general3A_2393 = tpu.matmul %convert_element_type3A_2085, %convert_element_type3A_2391, %dot_general3A_2392 {dimension_numbers = #tpu.dot_dimension_numbers<[1], [0], [0], [1], [0, 0, 1, 1], [], []>, transpose_lhs_hint = false} : vector<256x64xf32>, vector<64x256xf32>, vector<256x256xf32> -> vector<256x256xf32>
      %mul3A_2394 = arith.constant 256 : i32
      %mul3A_2395 = arith.muli %while3A_2375, %mul3A_2394 : i32
      %add3A_2396 = vector.broadcast %mul3A_2395 : i32 to vector<256x256xi32>
      %add3A_2397 = arith.addi %add3A_2396, %iota3A_2119 : vector<256x256xi32>
      %gt3A = arith.constant 5.000000e-01 : f32
      %gt3A_2398 = vector.broadcast %gt3A : f32 to vector<256x256xf32>
      %gt3A_2399 = arith.cmpf ogt, %dot_general3A_2393, %gt3A_2398 : vector<256x256xf32>
      %le3A_2400 = vector.broadcast %add3A_1 : vector<256x1xi32> to vector<256x256xi32>
      %le3A_2401 = arith.cmpi sle, %add3A_2397, %le3A_2400 : vector<256x256xi32>
      %and3A_2402 = arith.andi %gt3A_2399, %le3A_2401 : vector<256x256xi1>
      %jit3A_2403 = arith.constant 0.000000e+00 : f32
      %jit3A_2404 = arith.constant -1.000000e+30 : f32
      %broadcast_in_dim3A_2405 = vector.broadcast %jit3A_2403 : f32 to vector<256x256xf32>
      %broadcast_in_dim3A_2406 = vector.broadcast %jit3A_2404 : f32 to vector<256x256xf32>
      %select_n3A_2407 = arith.select %and3A_2402, %broadcast_in_dim3A_2405, %broadcast_in_dim3A_2406 : vector<256x256xi1>, vector<256x256xf32>
      %dot_general3A_2408 = arith.constant dense<0.000000e+00> : vector<256x256xf32>
      %dot_general3A_2409 = tpu.matmul %get3A_2122, %get3A_2384, %dot_general3A_2408 {dimension_numbers = #tpu.dot_dimension_numbers<[1], [1], [0], [0], [0, 0, 1, 0], [], []>, transpose_lhs_hint = false} : vector<256x64xf32>, vector<256x64xf32>, vector<256x256xf32> -> vector<256x256xf32>
      %mul3A_2410 = arith.constant 1.250000e-01 : f32
      %mul3A_2411 = vector.broadcast %mul3A_2410 : f32 to vector<256x256xf32>
      %mul3A_2412 = arith.mulf %dot_general3A_2409, %mul3A_2411 : vector<256x256xf32>
      %add3A_2413 = arith.addf %mul3A_2412, %select_n3A_2407 : vector<256x256xf32>
      %exp3A_2414 = math.exp %add3A_2413 : vector<256x256xf32>
      %swap3A_2415 = arith.constant 0 : index
      %swap3A_2416 = arith.index_cast %while3A_2375 : i32 to index
      %swap3A_2417 = arith.constant 0 : index
      %swap3A_2418 = arith.constant 0 : index
      %swap3A_2419 = vector.load %arg10[%swap3A_2415, %swap3A_2416, %swap3A_2417, %swap3A_2418] : memref<4x8x256x256xf32, #tpu.memory_space<vmem>>, vector<1x1x256x256xf32>
      %swap3A_2420 = vector.shape_cast %swap3A_2419 : vector<1x1x256x256xf32> to vector<256x256xf32>
      %swap3A_2421 = vector.shape_cast %exp3A_2414 : vector<256x256xf32> to vector<1x1x256x256xf32>
      tpu.vector_store %arg10[%swap3A_2415, %swap3A_2416, %swap3A_2417, %swap3A_2418], %swap3A_2421 {strides = array<i32>} : memref<4x8x256x256xf32, #tpu.memory_space<vmem>>, vector<1x1x256x256xf32>,
      %reduce_sum3A_2422 = arith.constant dense<0.000000e+00> : vector<256xf32>
      %reduce_sum3A_2423 = vector.multi_reduction <add>, %exp3A_2414, %reduce_sum3A_2422 [1] : vector<256x256xf32> to vector<256xf32>
      %broadcast_in_dim3A_2424 = vector.shape_cast %reduce_sum3A_2423 : vector<256xf32> to vector<256x1xf32>
      %add3A_2425 = arith.addf %while3A_2376, %broadcast_in_dim3A_2424 : vector<256x1xf32>
      %dot_general3A_2426 = arith.constant dense<0.000000e+00> : vector<256x256xf32>
      %dot_general3A_2427 = tpu.matmul %get3A_2125, %get3A_2384, %dot_general3A_2426 {dimension_numbers = #tpu.dot_dimension_numbers<[1], [1], [0], [0], [0, 0, 1, 0], [], []>, transpose_lhs_hint = false} : vector<256x64xf32>, vector<256x64xf32>, vector<256x256xf32> -> vector<256x256xf32>
      %mul3A_2428 = arith.constant 1.250000e-01 : f32
      %mul3A_2429 = vector.broadcast %mul3A_2428 : f32 to vector<256x256xf32>
      %mul3A_2430 = arith.mulf %dot_general3A_2427, %mul3A_2429 : vector<256x256xf32>
      %add3A_2431 = arith.addf %mul3A_2430, %select_n3A_2407 : vector<256x256xf32>
      %exp3A_2432 = math.exp %add3A_2431 : vector<256x256xf32>
      %swap3A_2433 = arith.constant 1 : index
      %swap3A_2434 = arith.index_cast %while3A_2375 : i32 to index
      %swap3A_2435 = arith.constant 0 : index
      %swap3A_2436 = arith.constant 0 : index
      %swap3A_2437 = vector.load %arg10[%swap3A_2433, %swap3A_2434, %swap3A_2435, %swap3A_2436] : memref<4x8x256x256xf32, #tpu.memory_space<vmem>>, vector<1x1x256x256xf32>
      %swap3A_2438 = vector.shape_cast %swap3A_2437 : vector<1x1x256x256xf32> to vector<256x256xf32>
      %swap3A_2439 = vector.shape_cast %exp3A_2432 : vector<256x256xf32> to vector<1x1x256x256xf32>
      tpu.vector_store %arg10[%swap3A_2433, %swap3A_2434, %swap3A_2435, %swap3A_2436], %swap3A_2439 {strides = array<i32>} : memref<4x8x256x256xf32, #tpu.memory_space<vmem>>, vector<1x1x256x256xf32>,
      %reduce_sum3A_2440 = arith.constant dense<0.000000e+00> : vector<256xf32>
      %reduce_sum3A_2441 = vector.multi_reduction <add>, %exp3A_2432, %reduce_sum3A_2440 [1] : vector<256x256xf32> to vector<256xf32>
      %broadcast_in_dim3A_2442 = vector.shape_cast %reduce_sum3A_2441 : vector<256xf32> to vector<256x1xf32>
      %add3A_2443 = arith.addf %while3A_2377, %broadcast_in_dim3A_2442 : vector<256x1xf32>
      %dot_general3A_2444 = arith.constant dense<0.000000e+00> : vector<256x256xf32>
      %dot_general3A_2445 = tpu.matmul %get3A_2128, %get3A_2384, %dot_general3A_2444 {dimension_numbers = #tpu.dot_dimension_numbers<[1], [1], [0], [0], [0, 0, 1, 0], [], []>, transpose_lhs_hint = false} : vector<256x64xf32>, vector<256x64xf32>, vector<256x256xf32> -> vector<256x256xf32>
      %mul3A_2446 = arith.constant 1.250000e-01 : f32
      %mul3A_2447 = vector.broadcast %mul3A_2446 : f32 to vector<256x256xf32>
      %mul3A_2448 = arith.mulf %dot_general3A_2445, %mul3A_2447 : vector<256x256xf32>
      %add3A_2449 = arith.addf %mul3A_2448, %select_n3A_2407 : vector<256x256xf32>
      %exp3A_2450 = math.exp %add3A_2449 : vector<256x256xf32>
      %swap3A_2451 = arith.constant 2 : index
      %swap3A_2452 = arith.index_cast %while3A_2375 : i32 to index
      %swap3A_2453 = arith.constant 0 : index
      %swap3A_2454 = arith.constant 0 : index
      %swap3A_2455 = vector.load %arg10[%swap3A_2451, %swap3A_2452, %swap3A_2453, %swap3A_2454] : memref<4x8x256x256xf32, #tpu.memory_space<vmem>>, vector<1x1x256x256xf32>
      %swap3A_2456 = vector.shape_cast %swap3A_2455 : vector<1x1x256x256xf32> to vector<256x256xf32>
      %swap3A_2457 = vector.shape_cast %exp3A_2450 : vector<256x256xf32> to vector<1x1x256x256xf32>
      tpu.vector_store %arg10[%swap3A_2451, %swap3A_2452, %swap3A_2453, %swap3A_2454], %swap3A_2457 {strides = array<i32>} : memref<4x8x256x256xf32, #tpu.memory_space<vmem>>, vector<1x1x256x256xf32>,
      %reduce_sum3A_2458 = arith.constant dense<0.000000e+00> : vector<256xf32>
      %reduce_sum3A_2459 = vector.multi_reduction <add>, %exp3A_2450, %reduce_sum3A_2458 [1] : vector<256x256xf32> to vector<256xf32>
      %broadcast_in_dim3A_2460 = vector.shape_cast %reduce_sum3A_2459 : vector<256xf32> to vector<256x1xf32>
      %add3A_2461 = arith.addf %while3A_2378, %broadcast_in_dim3A_2460 : vector<256x1xf32>
      %dot_general3A_2462 = arith.constant dense<0.000000e+00> : vector<256x256xf32>
      %dot_general3A_2463 = tpu.matmul %get3A_2131, %get3A_2384, %dot_general3A_2462 {dimension_numbers = #tpu.dot_dimension_numbers<[1], [1], [0], [0], [0, 0, 1, 0], [], []>, transpose_lhs_hint = false} : vector<256x64xf32>, vector<256x64xf32>, vector<256x256xf32> -> vector<256x256xf32>
      %mul3A_2464 = arith.constant 1.250000e-01 : f32
      %mul3A_2465 = vector.broadcast %mul3A_2464 : f32 to vector<256x256xf32>
      %mul3A_2466 = arith.mulf %dot_general3A_2463, %mul3A_2465 : vector<256x256xf32>
      %add3A_2467 = arith.addf %mul3A_2466, %select_n3A_2407 : vector<256x256xf32>
      %exp3A_2468 = math.exp %add3A_2467 : vector<256x256xf32>
      %swap3A_2469 = arith.constant 3 : index
      %swap3A_2470 = arith.index_cast %while3A_2375 : i32 to index
      %swap3A_2471 = arith.constant 0 : index
      %swap3A_2472 = arith.constant 0 : index
      %swap3A_2473 = vector.load %arg10[%swap3A_2469, %swap3A_2470, %swap3A_2471, %swap3A_2472] : memref<4x8x256x256xf32, #tpu.memory_space<vmem>>, vector<1x1x256x256xf32>
      %swap3A_2474 = vector.shape_cast %swap3A_2473 : vector<1x1x256x256xf32> to vector<256x256xf32>
      %swap3A_2475 = vector.shape_cast %exp3A_2468 : vector<256x256xf32> to vector<1x1x256x256xf32>
      tpu.vector_store %arg10[%swap3A_2469, %swap3A_2470, %swap3A_2471, %swap3A_2472], %swap3A_2475 {strides = array<i32>} : memref<4x8x256x256xf32, #tpu.memory_space<vmem>>, vector<1x1x256x256xf32>,
      %reduce_sum3A_2476 = arith.constant dense<0.000000e+00> : vector<256xf32>
      %reduce_sum3A_2477 = vector.multi_reduction <add>, %exp3A_2468, %reduce_sum3A_2476 [1] : vector<256x256xf32> to vector<256xf32>
      %broadcast_in_dim3A_2478 = vector.shape_cast %reduce_sum3A_2477 : vector<256xf32> to vector<256x1xf32>
      %add3A_2479 = arith.addf %while3A_2379, %broadcast_in_dim3A_2478 : vector<256x1xf32>
      scf.yield %add3A_2425, %add3A_2443, %add3A_2461, %add3A_2479 : vector<256x1xf32>, vector<256x1xf32>, vector<256x1xf32>, vector<256x1xf32>
    }
    %while3A_2151 = arith.constant 1 : i32
    %while3A_2152:4 = scf.for %while3A_2375 = %while3A_2148 to %while3A_2144 step %while3A_2151 iter_args(%while3A_2376 = %while3A_2150#0, %while3A_2377 = %while3A_2150#1, %while3A_2378 = %while3A_2150#2, %while3A_2379 = %while3A_2150#3) -> (vector<256x1xf32>, vector<256x1xf32>, vector<256x1xf32>, vector<256x1xf32>)  : i32 {
      %mul3A_2380 = arith.constant 256 : i32
      %mul3A_2381 = arith.muli %while3A_2375, %mul3A_2380 : i32
      %get3A_2382 = arith.index_cast %mul3A_2381 : i32 to index
      %get3A_2383 = arith.constant 192 : index
      %get3A_2384 = vector.load %arg2[%get3A_2382, %get3A_2383] : memref<2048x256xf32, #tpu.memory_space<vmem>>, vector<256x64xf32>
      %mul3A_2385 = arith.constant 8 : i32
      %mul3A_2386 = arith.muli %while3A_2375, %mul3A_2385 : i32
      %add3A_2387 = vector.broadcast %mul3A_2386 : i32 to vector<64x256xi32>
      %add3A_2388 = arith.addi %add3A_2387, %select_n3A_2118 : vector<64x256xi32>
      %eq3A_2389 = arith.cmpi eq, %iota3A_2086, %add3A_2388 : vector<64x256xi32>
      %convert_element_type3A_2390 = arith.extui %eq3A_2389 : vector<64x256xi1> to vector<64x256xi32>
      %convert_element_type3A_2391 = arith.sitofp %convert_element_type3A_2390 : vector<64x256xi32> to vector<64x256xf32>
      %dot_general3A_2392 = arith.constant dense<0.000000e+00> : vector<256x256xf32>
      %dot_general3A_2393 = tpu.matmul %convert_element_type3A_2085, %convert_element_type3A_2391, %dot_general3A_2392 {dimension_numbers = #tpu.dot_dimension_numbers<[1], [0], [0], [1], [0, 0, 1, 1], [], []>, transpose_lhs_hint = false} : vector<256x64xf32>, vector<64x256xf32>, vector<256x256xf32> -> vector<256x256xf32>
      %mul3A_2394 = arith.constant 256 : i32
      %mul3A_2395 = arith.muli %while3A_2375, %mul3A_2394 : i32
      %add3A_2396 = vector.broadcast %mul3A_2395 : i32 to vector<256x256xi32>
      %add3A_2397 = arith.addi %add3A_2396, %iota3A_2119 : vector<256x256xi32>
      %gt3A = arith.constant 5.000000e-01 : f32
      %gt3A_2398 = vector.broadcast %gt3A : f32 to vector<256x256xf32>
      %gt3A_2399 = arith.cmpf ogt, %dot_general3A_2393, %gt3A_2398 : vector<256x256xf32>
      %le3A_2400 = vector.broadcast %add3A_1 : vector<256x1xi32> to vector<256x256xi32>
      %le3A_2401 = arith.cmpi sle, %add3A_2397, %le3A_2400 : vector<256x256xi32>
      %and3A_2402 = arith.andi %gt3A_2399, %le3A_2401 : vector<256x256xi1>
      %jit3A_2403 = arith.constant 0.000000e+00 : f32
      %jit3A_2404 = arith.constant -1.000000e+30 : f32
      %broadcast_in_dim3A_2405 = vector.broadcast %jit3A_2403 : f32 to vector<256x256xf32>
      %broadcast_in_dim3A_2406 = vector.broadcast %jit3A_2404 : f32 to vector<256x256xf32>
      %select_n3A_2407 = arith.select %and3A_2402, %broadcast_in_dim3A_2405, %broadcast_in_dim3A_2406 : vector<256x256xi1>, vector<256x256xf32>
      %dot_general3A_2408 = arith.constant dense<0.000000e+00> : vector<256x256xf32>
      %dot_general3A_2409 = tpu.matmul %get3A_2122, %get3A_2384, %dot_general3A_2408 {dimension_numbers = #tpu.dot_dimension_numbers<[1], [1], [0], [0], [0, 0, 1, 0], [], []>, transpose_lhs_hint = false} : vector<256x64xf32>, vector<256x64xf32>, vector<256x256xf32> -> vector<256x256xf32>
      %mul3A_2410 = arith.constant 1.250000e-01 : f32
      %mul3A_2411 = vector.broadcast %mul3A_2410 : f32 to vector<256x256xf32>
      %mul3A_2412 = arith.mulf %dot_general3A_2409, %mul3A_2411 : vector<256x256xf32>
      %add3A_2413 = arith.addf %mul3A_2412, %select_n3A_2407 : vector<256x256xf32>
      %exp3A_2414 = math.exp %add3A_2413 : vector<256x256xf32>
      %swap3A_2415 = arith.constant 0 : index
      %swap3A_2416 = arith.index_cast %while3A_2375 : i32 to index
      %swap3A_2417 = arith.constant 0 : index
      %swap3A_2418 = arith.constant 0 : index
      %swap3A_2419 = vector.load %arg10[%swap3A_2415, %swap3A_2416, %swap3A_2417, %swap3A_2418] : memref<4x8x256x256xf32, #tpu.memory_space<vmem>>, vector<1x1x256x256xf32>
      %swap3A_2420 = vector.shape_cast %swap3A_2419 : vector<1x1x256x256xf32> to vector<256x256xf32>
      %swap3A_2421 = vector.shape_cast %exp3A_2414 : vector<256x256xf32> to vector<1x1x256x256xf32>
      tpu.vector_store %arg10[%swap3A_2415, %swap3A_2416, %swap3A_2417, %swap3A_2418], %swap3A_2421 {strides = array<i32>} : memref<4x8x256x256xf32, #tpu.memory_space<vmem>>, vector<1x1x256x256xf32>,
      %reduce_sum3A_2422 = arith.constant dense<0.000000e+00> : vector<256xf32>
      %reduce_sum3A_2423 = vector.multi_reduction <add>, %exp3A_2414, %reduce_sum3A_2422 [1] : vector<256x256xf32> to vector<256xf32>
      %broadcast_in_dim3A_2424 = vector.shape_cast %reduce_sum3A_2423 : vector<256xf32> to vector<256x1xf32>
      %add3A_2425 = arith.addf %while3A_2376, %broadcast_in_dim3A_2424 : vector<256x1xf32>
      %dot_general3A_2426 = arith.constant dense<0.000000e+00> : vector<256x256xf32>
      %dot_general3A_2427 = tpu.matmul %get3A_2125, %get3A_2384, %dot_general3A_2426 {dimension_numbers = #tpu.dot_dimension_numbers<[1], [1], [0], [0], [0, 0, 1, 0], [], []>, transpose_lhs_hint = false} : vector<256x64xf32>, vector<256x64xf32>, vector<256x256xf32> -> vector<256x256xf32>
      %mul3A_2428 = arith.constant 1.250000e-01 : f32
      %mul3A_2429 = vector.broadcast %mul3A_2428 : f32 to vector<256x256xf32>
      %mul3A_2430 = arith.mulf %dot_general3A_2427, %mul3A_2429 : vector<256x256xf32>
      %add3A_2431 = arith.addf %mul3A_2430, %select_n3A_2407 : vector<256x256xf32>
      %exp3A_2432 = math.exp %add3A_2431 : vector<256x256xf32>
      %swap3A_2433 = arith.constant 1 : index
      %swap3A_2434 = arith.index_cast %while3A_2375 : i32 to index
      %swap3A_2435 = arith.constant 0 : index
      %swap3A_2436 = arith.constant 0 : index
      %swap3A_2437 = vector.load %arg10[%swap3A_2433, %swap3A_2434, %swap3A_2435, %swap3A_2436] : memref<4x8x256x256xf32, #tpu.memory_space<vmem>>, vector<1x1x256x256xf32>
      %swap3A_2438 = vector.shape_cast %swap3A_2437 : vector<1x1x256x256xf32> to vector<256x256xf32>
      %swap3A_2439 = vector.shape_cast %exp3A_2432 : vector<256x256xf32> to vector<1x1x256x256xf32>
      tpu.vector_store %arg10[%swap3A_2433, %swap3A_2434, %swap3A_2435, %swap3A_2436], %swap3A_2439 {strides = array<i32>} : memref<4x8x256x256xf32, #tpu.memory_space<vmem>>, vector<1x1x256x256xf32>,
      %reduce_sum3A_2440 = arith.constant dense<0.000000e+00> : vector<256xf32>
      %reduce_sum3A_2441 = vector.multi_reduction <add>, %exp3A_2432, %reduce_sum3A_2440 [1] : vector<256x256xf32> to vector<256xf32>
      %broadcast_in_dim3A_2442 = vector.shape_cast %reduce_sum3A_2441 : vector<256xf32> to vector<256x1xf32>
      %add3A_2443 = arith.addf %while3A_2377, %broadcast_in_dim3A_2442 : vector<256x1xf32>
      %dot_general3A_2444 = arith.constant dense<0.000000e+00> : vector<256x256xf32>
      %dot_general3A_2445 = tpu.matmul %get3A_2128, %get3A_2384, %dot_general3A_2444 {dimension_numbers = #tpu.dot_dimension_numbers<[1], [1], [0], [0], [0, 0, 1, 0], [], []>, transpose_lhs_hint = false} : vector<256x64xf32>, vector<256x64xf32>, vector<256x256xf32> -> vector<256x256xf32>
      %mul3A_2446 = arith.constant 1.250000e-01 : f32
      %mul3A_2447 = vector.broadcast %mul3A_2446 : f32 to vector<256x256xf32>
      %mul3A_2448 = arith.mulf %dot_general3A_2445, %mul3A_2447 : vector<256x256xf32>
      %add3A_2449 = arith.addf %mul3A_2448, %select_n3A_2407 : vector<256x256xf32>
      %exp3A_2450 = math.exp %add3A_2449 : vector<256x256xf32>
      %swap3A_2451 = arith.constant 2 : index
      %swap3A_2452 = arith.index_cast %while3A_2375 : i32 to index
      %swap3A_2453 = arith.constant 0 : index
      %swap3A_2454 = arith.constant 0 : index
      %swap3A_2455 = vector.load %arg10[%swap3A_2451, %swap3A_2452, %swap3A_2453, %swap3A_2454] : memref<4x8x256x256xf32, #tpu.memory_space<vmem>>, vector<1x1x256x256xf32>
      %swap3A_2456 = vector.shape_cast %swap3A_2455 : vector<1x1x256x256xf32> to vector<256x256xf32>
      %swap3A_2457 = vector.shape_cast %exp3A_2450 : vector<256x256xf32> to vector<1x1x256x256xf32>
      tpu.vector_store %arg10[%swap3A_2451, %swap3A_2452, %swap3A_2453, %swap3A_2454], %swap3A_2457 {strides = array<i32>} : memref<4x8x256x256xf32, #tpu.memory_space<vmem>>, vector<1x1x256x256xf32>,
      %reduce_sum3A_2458 = arith.constant dense<0.000000e+00> : vector<256xf32>
      %reduce_sum3A_2459 = vector.multi_reduction <add>, %exp3A_2450, %reduce_sum3A_2458 [1] : vector<256x256xf32> to vector<256xf32>
      %broadcast_in_dim3A_2460 = vector.shape_cast %reduce_sum3A_2459 : vector<256xf32> to vector<256x1xf32>
      %add3A_2461 = arith.addf %while3A_2378, %broadcast_in_dim3A_2460 : vector<256x1xf32>
      %dot_general3A_2462 = arith.constant dense<0.000000e+00> : vector<256x256xf32>
      %dot_general3A_2463 = tpu.matmul %get3A_2131, %get3A_2384, %dot_general3A_2462 {dimension_numbers = #tpu.dot_dimension_numbers<[1], [1], [0], [0], [0, 0, 1, 0], [], []>, transpose_lhs_hint = false} : vector<256x64xf32>, vector<256x64xf32>, vector<256x256xf32> -> vector<256x256xf32>
      %mul3A_2464 = arith.constant 1.250000e-01 : f32
      %mul3A_2465 = vector.broadcast %mul3A_2464 : f32 to vector<256x256xf32>
      %mul3A_2466 = arith.mulf %dot_general3A_2463, %mul3A_2465 : vector<256x256xf32>
      %add3A_2467 = arith.addf %mul3A_2466, %select_n3A_2407 : vector<256x256xf32>
      %exp3A_2468 = math.exp %add3A_2467 : vector<256x256xf32>
      %swap3A_2469 = arith.constant 3 : index
      %swap3A_2470 = arith.index_cast %while3A_2375 : i32 to index
      %swap3A_2471 = arith.constant 0 : index
      %swap3A_2472 = arith.constant 0 : index
      %swap3A_2473 = vector.load %arg10[%swap3A_2469, %swap3A_2470, %swap3A_2471, %swap3A_2472] : memref<4x8x256x256xf32, #tpu.memory_space<vmem>>, vector<1x1x256x256xf32>
      %swap3A_2474 = vector.shape_cast %swap3A_2473 : vector<1x1x256x256xf32> to vector<256x256xf32>
      %swap3A_2475 = vector.shape_cast %exp3A_2468 : vector<256x256xf32> to vector<1x1x256x256xf32>
      tpu.vector_store %arg10[%swap3A_2469, %swap3A_2470, %swap3A_2471, %swap3A_2472], %swap3A_2475 {strides = array<i32>} : memref<4x8x256x256xf32, #tpu.memory_space<vmem>>, vector<1x1x256x256xf32>,
      %reduce_sum3A_2476 = arith.constant dense<0.000000e+00> : vector<256xf32>
      %reduce_sum3A_2477 = vector.multi_reduction <add>, %exp3A_2468, %reduce_sum3A_2476 [1] : vector<256x256xf32> to vector<256xf32>
      %broadcast_in_dim3A_2478 = vector.shape_cast %reduce_sum3A_2477 : vector<256xf32> to vector<256x1xf32>
      %add3A_2479 = arith.addf %while3A_2379, %broadcast_in_dim3A_2478 : vector<256x1xf32>
      scf.yield %add3A_2425, %add3A_2443, %add3A_2461, %add3A_2479 : vector<256x1xf32>, vector<256x1xf32>, vector<256x1xf32>, vector<256x1xf32>
    }
    %max3A_2153 = arith.constant 9.99999971E-10 : f32
    %max3A_2154 = vector.broadcast %max3A_2153 : f32 to vector<256x1xf32>
    %max3A_2155 = arith.maximumf %while3A_2152#0, %max3A_2154 : vector<256x1xf32>
    %div3A_2156 = arith.constant 1.000000e+00 : f32
    %div3A_2157 = vector.broadcast %div3A_2156 : f32 to vector<256x1xf32>
    %div3A_2158 = arith.divf %div3A_2157, %max3A_2155 : vector<256x1xf32>
    %max3A_2159 = arith.constant 9.99999971E-10 : f32
    %max3A_2160 = vector.broadcast %max3A_2159 : f32 to vector<256x1xf32>
    %max3A_2161 = arith.maximumf %while3A_2152#1, %max3A_2160 : vector<256x1xf32>
    %div3A_2162 = arith.constant 1.000000e+00 : f32
    %div3A_2163 = vector.broadcast %div3A_2162 : f32 to vector<256x1xf32>
    %div3A_2164 = arith.divf %div3A_2163, %max3A_2161 : vector<256x1xf32>
    %max3A_2165 = arith.constant 9.99999971E-10 : f32
    %max3A_2166 = vector.broadcast %max3A_2165 : f32 to vector<256x1xf32>
    %max3A_2167 = arith.maximumf %while3A_2152#2, %max3A_2166 : vector<256x1xf32>
    %div3A_2168 = arith.constant 1.000000e+00 : f32
    %div3A_2169 = vector.broadcast %div3A_2168 : f32 to vector<256x1xf32>
    %div3A_2170 = arith.divf %div3A_2169, %max3A_2167 : vector<256x1xf32>
    %max3A_2171 = arith.constant 9.99999971E-10 : f32
    %max3A_2172 = vector.broadcast %max3A_2171 : f32 to vector<256x1xf32>
    %max3A_2173 = arith.maximumf %while3A_2152#3, %max3A_2172 : vector<256x1xf32>
    %div3A_2174 = arith.constant 1.000000e+00 : f32
    %div3A_2175 = vector.broadcast %div3A_2174 : f32 to vector<256x1xf32>
    %div3A_2176 = arith.divf %div3A_2175, %max3A_2173 : vector<256x1xf32>
    %broadcast_in_dim3A_2177 = arith.constant 0.000000e+00 : f32
    %broadcast_in_dim3A_2178 = vector.broadcast %broadcast_in_dim3A_2177 : f32 to vector<256x64xf32>
    %broadcast_in_dim3A_2179 = arith.constant 0.000000e+00 : f32
    %broadcast_in_dim3A_2180 = vector.broadcast %broadcast_in_dim3A_2179 : f32 to vector<256x64xf32>
    %broadcast_in_dim3A_2181 = arith.constant 0.000000e+00 : f32
    %broadcast_in_dim3A_2182 = vector.broadcast %broadcast_in_dim3A_2181 : f32 to vector<256x64xf32>
    %broadcast_in_dim3A_2183 = arith.constant 0.000000e+00 : f32
    %broadcast_in_dim3A_2184 = vector.broadcast %broadcast_in_dim3A_2183 : f32 to vector<256x64xf32>
    %add3A_2185 = arith.constant 1 : i32
    %add3A_2186 = arith.addi %arg0, %add3A_2185 : i32
    %while3A_2187 = arith.constant 0 : i32
    %while3A_2188 = arith.subi %add3A_2186, %while3A_2187 : i32
    %while3A_2189 = arith.addi %while3A_2187, %while3A_2188 : i32
    %while3A_2190 = arith.constant 1 : i32
    %while3A_2191 = arith.divsi %while3A_2188, %while3A_2190 : i32
    %while3A_2192 = arith.muli %while3A_2191, %while3A_2190 : i32
    %while3A_2193 = arith.addi %while3A_2187, %while3A_2192 : i32
    %while3A_2194 = arith.constant 1 : i32
    %while3A_2195:4 = scf.for %while3A_2375 = %while3A_2187 to %while3A_2193 step %while3A_2194 iter_args(%while3A_2376 = %broadcast_in_dim3A_2178, %while3A_2377 = %broadcast_in_dim3A_2180, %while3A_2378 = %broadcast_in_dim3A_2182, %while3A_2379 = %broadcast_in_dim3A_2184) -> (vector<256x64xf32>, vector<256x64xf32>, vector<256x64xf32>, vector<256x64xf32>)  : i32 {
      %mul3A_2380 = arith.constant 256 : i32
      %mul3A_2381 = arith.muli %while3A_2375, %mul3A_2380 : i32
      %get3A_2382 = arith.index_cast %mul3A_2381 : i32 to index
      %get3A_2383 = arith.constant 192 : index
      %get3A_2384 = vector.load %arg3[%get3A_2382, %get3A_2383] : memref<2048x256xf32, #tpu.memory_space<vmem>>, vector<256x64xf32>
      %get3A_2385 = arith.constant 0 : index
      %get3A_2386 = arith.index_cast %while3A_2375 : i32 to index
      %get3A_2387 = arith.constant 0 : index
      %get3A_2388 = arith.constant 0 : index
      %get3A_2389 = vector.load %arg10[%get3A_2385, %get3A_2386, %get3A_2387, %get3A_2388] : memref<4x8x256x256xf32, #tpu.memory_space<vmem>>, vector<1x1x256x256xf32>
      %get3A_2390 = vector.shape_cast %get3A_2389 : vector<1x1x256x256xf32> to vector<256x256xf32>
      %mul3A_2391 = vector.broadcast %div3A_2158 : vector<256x1xf32> to vector<256x256xf32>
      %mul3A_2392 = arith.mulf %get3A_2390, %mul3A_2391 : vector<256x256xf32>
      %dot_general3A_2393 = arith.constant dense<0.000000e+00> : vector<256x64xf32>
      %dot_general3A_2394 = tpu.matmul %mul3A_2392, %get3A_2384, %dot_general3A_2393 {dimension_numbers = #tpu.dot_dimension_numbers<[1], [0], [0], [1], [0, 0, 1, 1], [], []>, transpose_lhs_hint = false} : vector<256x256xf32>, vector<256x64xf32>, vector<256x64xf32> -> vector<256x64xf32>
      %add3A_2395 = arith.addf %while3A_2376, %dot_general3A_2394 : vector<256x64xf32>
      %get3A_2396 = arith.constant 1 : index
      %get3A_2397 = arith.index_cast %while3A_2375 : i32 to index
      %get3A_2398 = arith.constant 0 : index
      %get3A_2399 = arith.constant 0 : index
      %get3A_2400 = vector.load %arg10[%get3A_2396, %get3A_2397, %get3A_2398, %get3A_2399] : memref<4x8x256x256xf32, #tpu.memory_space<vmem>>, vector<1x1x256x256xf32>
      %get3A_2401 = vector.shape_cast %get3A_2400 : vector<1x1x256x256xf32> to vector<256x256xf32>
      %mul3A_2402 = vector.broadcast %div3A_2164 : vector<256x1xf32> to vector<256x256xf32>
      %mul3A_2403 = arith.mulf %get3A_2401, %mul3A_2402 : vector<256x256xf32>
      %dot_general3A_2404 = arith.constant dense<0.000000e+00> : vector<256x64xf32>
      %dot_general3A_2405 = tpu.matmul %mul3A_2403, %get3A_2384, %dot_general3A_2404 {dimension_numbers = #tpu.dot_dimension_numbers<[1], [0], [0], [1], [0, 0, 1, 1], [], []>, transpose_lhs_hint = false} : vector<256x256xf32>, vector<256x64xf32>, vector<256x64xf32> -> vector<256x64xf32>
      %add3A_2406 = arith.addf %while3A_2377, %dot_general3A_2405 : vector<256x64xf32>
      %get3A_2407 = arith.constant 2 : index
      %get3A_2408 = arith.index_cast %while3A_2375 : i32 to index
      %get3A_2409 = arith.constant 0 : index
      %get3A_2410 = arith.constant 0 : index
      %get3A_2411 = vector.load %arg10[%get3A_2407, %get3A_2408, %get3A_2409, %get3A_2410] : memref<4x8x256x256xf32, #tpu.memory_space<vmem>>, vector<1x1x256x256xf32>
      %get3A_2412 = vector.shape_cast %get3A_2411 : vector<1x1x256x256xf32> to vector<256x256xf32>
      %mul3A_2413 = vector.broadcast %div3A_2170 : vector<256x1xf32> to vector<256x256xf32>
      %mul3A_2414 = arith.mulf %get3A_2412, %mul3A_2413 : vector<256x256xf32>
      %dot_general3A_2415 = arith.constant dense<0.000000e+00> : vector<256x64xf32>
      %dot_general3A_2416 = tpu.matmul %mul3A_2414, %get3A_2384, %dot_general3A_2415 {dimension_numbers = #tpu.dot_dimension_numbers<[1], [0], [0], [1], [0, 0, 1, 1], [], []>, transpose_lhs_hint = false} : vector<256x256xf32>, vector<256x64xf32>, vector<256x64xf32> -> vector<256x64xf32>
      %add3A_2417 = arith.addf %while3A_2378, %dot_general3A_2416 : vector<256x64xf32>
      %get3A_2418 = arith.constant 3 : index
      %get3A_2419 = arith.index_cast %while3A_2375 : i32 to index
      %get3A_2420 = arith.constant 0 : index
      %get3A_2421 = arith.constant 0 : index
      %get3A_2422 = vector.load %arg10[%get3A_2418, %get3A_2419, %get3A_2420, %get3A_2421] : memref<4x8x256x256xf32, #tpu.memory_space<vmem>>, vector<1x1x256x256xf32>
      %get3A_2423 = vector.shape_cast %get3A_2422 : vector<1x1x256x256xf32> to vector<256x256xf32>
      %mul3A_2424 = vector.broadcast %div3A_2176 : vector<256x1xf32> to vector<256x256xf32>
      %mul3A_2425 = arith.mulf %get3A_2423, %mul3A_2424 : vector<256x256xf32>
      %dot_general3A_2426 = arith.constant dense<0.000000e+00> : vector<256x64xf32>
      %dot_general3A_2427 = tpu.matmul %mul3A_2425, %get3A_2384, %dot_general3A_2426 {dimension_numbers = #tpu.dot_dimension_numbers<[1], [0], [0], [1], [0, 0, 1, 1], [], []>, transpose_lhs_hint = false} : vector<256x256xf32>, vector<256x64xf32>, vector<256x64xf32> -> vector<256x64xf32>
      %add3A_2428 = arith.addf %while3A_2379, %dot_general3A_2427 : vector<256x64xf32>
      scf.yield %add3A_2395, %add3A_2406, %add3A_2417, %add3A_2428 : vector<256x64xf32>, vector<256x64xf32>, vector<256x64xf32>, vector<256x64xf32>
    }
    %while3A_2196 = arith.constant 1 : i32
    %while3A_2197:4 = scf.for %while3A_2375 = %while3A_2193 to %while3A_2189 step %while3A_2196 iter_args(%while3A_2376 = %while3A_2195#0, %while3A_2377 = %while3A_2195#1, %while3A_2378 = %while3A_2195#2, %while3A_2379 = %while3A_2195#3) -> (vector<256x64xf32>, vector<256x64xf32>, vector<256x64xf32>, vector<256x64xf32>)  : i32 {
      %mul3A_2380 = arith.constant 256 : i32
      %mul3A_2381 = arith.muli %while3A_2375, %mul3A_2380 : i32
      %get3A_2382 = arith.index_cast %mul3A_2381 : i32 to index
      %get3A_2383 = arith.constant 192 : index
      %get3A_2384 = vector.load %arg3[%get3A_2382, %get3A_2383] : memref<2048x256xf32, #tpu.memory_space<vmem>>, vector<256x64xf32>
      %get3A_2385 = arith.constant 0 : index
      %get3A_2386 = arith.index_cast %while3A_2375 : i32 to index
      %get3A_2387 = arith.constant 0 : index
      %get3A_2388 = arith.constant 0 : index
      %get3A_2389 = vector.load %arg10[%get3A_2385, %get3A_2386, %get3A_2387, %get3A_2388] : memref<4x8x256x256xf32, #tpu.memory_space<vmem>>, vector<1x1x256x256xf32>
      %get3A_2390 = vector.shape_cast %get3A_2389 : vector<1x1x256x256xf32> to vector<256x256xf32>
      %mul3A_2391 = vector.broadcast %div3A_2158 : vector<256x1xf32> to vector<256x256xf32>
      %mul3A_2392 = arith.mulf %get3A_2390, %mul3A_2391 : vector<256x256xf32>
      %dot_general3A_2393 = arith.constant dense<0.000000e+00> : vector<256x64xf32>
      %dot_general3A_2394 = tpu.matmul %mul3A_2392, %get3A_2384, %dot_general3A_2393 {dimension_numbers = #tpu.dot_dimension_numbers<[1], [0], [0], [1], [0, 0, 1, 1], [], []>, transpose_lhs_hint = false} : vector<256x256xf32>, vector<256x64xf32>, vector<256x64xf32> -> vector<256x64xf32>
      %add3A_2395 = arith.addf %while3A_2376, %dot_general3A_2394 : vector<256x64xf32>
      %get3A_2396 = arith.constant 1 : index
      %get3A_2397 = arith.index_cast %while3A_2375 : i32 to index
      %get3A_2398 = arith.constant 0 : index
      %get3A_2399 = arith.constant 0 : index
      %get3A_2400 = vector.load %arg10[%get3A_2396, %get3A_2397, %get3A_2398, %get3A_2399] : memref<4x8x256x256xf32, #tpu.memory_space<vmem>>, vector<1x1x256x256xf32>
      %get3A_2401 = vector.shape_cast %get3A_2400 : vector<1x1x256x256xf32> to vector<256x256xf32>
      %mul3A_2402 = vector.broadcast %div3A_2164 : vector<256x1xf32> to vector<256x256xf32>
      %mul3A_2403 = arith.mulf %get3A_2401, %mul3A_2402 : vector<256x256xf32>
      %dot_general3A_2404 = arith.constant dense<0.000000e+00> : vector<256x64xf32>
      %dot_general3A_2405 = tpu.matmul %mul3A_2403, %get3A_2384, %dot_general3A_2404 {dimension_numbers = #tpu.dot_dimension_numbers<[1], [0], [0], [1], [0, 0, 1, 1], [], []>, transpose_lhs_hint = false} : vector<256x256xf32>, vector<256x64xf32>, vector<256x64xf32> -> vector<256x64xf32>
      %add3A_2406 = arith.addf %while3A_2377, %dot_general3A_2405 : vector<256x64xf32>
      %get3A_2407 = arith.constant 2 : index
      %get3A_2408 = arith.index_cast %while3A_2375 : i32 to index
      %get3A_2409 = arith.constant 0 : index
      %get3A_2410 = arith.constant 0 : index
      %get3A_2411 = vector.load %arg10[%get3A_2407, %get3A_2408, %get3A_2409, %get3A_2410] : memref<4x8x256x256xf32, #tpu.memory_space<vmem>>, vector<1x1x256x256xf32>
      %get3A_2412 = vector.shape_cast %get3A_2411 : vector<1x1x256x256xf32> to vector<256x256xf32>
      %mul3A_2413 = vector.broadcast %div3A_2170 : vector<256x1xf32> to vector<256x256xf32>
      %mul3A_2414 = arith.mulf %get3A_2412, %mul3A_2413 : vector<256x256xf32>
      %dot_general3A_2415 = arith.constant dense<0.000000e+00> : vector<256x64xf32>
      %dot_general3A_2416 = tpu.matmul %mul3A_2414, %get3A_2384, %dot_general3A_2415 {dimension_numbers = #tpu.dot_dimension_numbers<[1], [0], [0], [1], [0, 0, 1, 1], [], []>, transpose_lhs_hint = false} : vector<256x256xf32>, vector<256x64xf32>, vector<256x64xf32> -> vector<256x64xf32>
      %add3A_2417 = arith.addf %while3A_2378, %dot_general3A_2416 : vector<256x64xf32>
      %get3A_2418 = arith.constant 3 : index
      %get3A_2419 = arith.index_cast %while3A_2375 : i32 to index
      %get3A_2420 = arith.constant 0 : index
      %get3A_2421 = arith.constant 0 : index
      %get3A_2422 = vector.load %arg10[%get3A_2418, %get3A_2419, %get3A_2420, %get3A_2421] : memref<4x8x256x256xf32, #tpu.memory_space<vmem>>, vector<1x1x256x256xf32>
      %get3A_2423 = vector.shape_cast %get3A_2422 : vector<1x1x256x256xf32> to vector<256x256xf32>
      %mul3A_2424 = vector.broadcast %div3A_2176 : vector<256x1xf32> to vector<256x256xf32>
      %mul3A_2425 = arith.mulf %get3A_2423, %mul3A_2424 : vector<256x256xf32>
      %dot_general3A_2426 = arith.constant dense<0.000000e+00> : vector<256x64xf32>
      %dot_general3A_2427 = tpu.matmul %mul3A_2425, %get3A_2384, %dot_general3A_2426 {dimension_numbers = #tpu.dot_dimension_numbers<[1], [0], [0], [1], [0, 0, 1, 1], [], []>, transpose_lhs_hint = false} : vector<256x256xf32>, vector<256x64xf32>, vector<256x64xf32> -> vector<256x64xf32>
      %add3A_2428 = arith.addf %while3A_2379, %dot_general3A_2427 : vector<256x64xf32>
      scf.yield %add3A_2395, %add3A_2406, %add3A_2417, %add3A_2428 : vector<256x64xf32>, vector<256x64xf32>, vector<256x64xf32>, vector<256x64xf32>
    }
    %get3A_2198 = arith.index_cast %mul3A_5 : i32 to index
    %get3A_2199 = arith.constant 192 : index
    %get3A_2200 = vector.load %arg2[%get3A_2198, %get3A_2199] : memref<2048x256xf32, #tpu.memory_space<vmem>>, vector<512x64xf32>
    %get3A_2201 = arith.index_cast %mul3A_5 : i32 to index
    %get3A_2202 = arith.constant 192 : index
    %get3A_2203 = vector.load %arg3[%get3A_2201, %get3A_2202] : memref<2048x256xf32, #tpu.memory_space<vmem>>, vector<512x64xf32>
    %iota3A_2204 = tpu.iota {dimensions = array<i32: 1>} : vector<256x512xi32>
    %add3A_2205 = vector.broadcast %mul3A_5 : i32 to vector<256x512xi32>
    %add3A_2206 = arith.addi %add3A_2205, %iota3A_2204 : vector<256x512xi32>
    %le3A_2207 = vector.broadcast %add3A_1 : vector<256x1xi32> to vector<256x512xi32>
    %le3A_2208 = arith.cmpi sle, %add3A_2206, %le3A_2207 : vector<256x512xi32>
    %sub3A_2209 = vector.broadcast %add3A_1 : vector<256x1xi32> to vector<256x512xi32>
    %sub3A_2210 = arith.subi %sub3A_2209, %add3A_2206 : vector<256x512xi32>
    %lt3A_2211 = arith.constant 256 : i32
    %lt3A_2212 = vector.broadcast %lt3A_2211 : i32 to vector<256x512xi32>
    %lt3A_2213 = arith.cmpi slt, %sub3A_2210, %lt3A_2212 : vector<256x512xi32>
    %and3A_2214 = arith.andi %le3A_2208, %lt3A_2213 : vector<256x512xi1>
    %jit3A_2215 = arith.constant 0.000000e+00 : f32
    %jit3A_2216 = arith.constant -1.000000e+30 : f32
    %broadcast_in_dim3A_2217 = vector.broadcast %jit3A_2215 : f32 to vector<256x512xf32>
    %broadcast_in_dim3A_2218 = vector.broadcast %jit3A_2216 : f32 to vector<256x512xf32>
    %select_n3A_2219 = arith.select %and3A_2214, %broadcast_in_dim3A_2217, %broadcast_in_dim3A_2218 : vector<256x512xi1>, vector<256x512xf32>
    %dot_general3A_2220 = arith.constant dense<0.000000e+00> : vector<256x512xf32>
    %dot_general3A_2221 = tpu.matmul %get3A_2122, %get3A_2200, %dot_general3A_2220 {dimension_numbers = #tpu.dot_dimension_numbers<[1], [1], [0], [0], [0, 0, 1, 0], [], []>, transpose_lhs_hint = false} : vector<256x64xf32>, vector<512x64xf32>, vector<256x512xf32> -> vector<256x512xf32>
    %mul3A_2222 = arith.constant 1.250000e-01 : f32
    %mul3A_2223 = vector.broadcast %mul3A_2222 : f32 to vector<256x512xf32>
    %mul3A_2224 = arith.mulf %dot_general3A_2221, %mul3A_2223 : vector<256x512xf32>
    %add3A_2225 = arith.addf %mul3A_2224, %select_n3A_2219 : vector<256x512xf32>
    %exp3A_2226 = math.exp %add3A_2225 : vector<256x512xf32>
    %reduce_sum3A_2227 = arith.constant dense<0.000000e+00> : vector<256xf32>
    %reduce_sum3A_2228 = vector.multi_reduction <add>, %exp3A_2226, %reduce_sum3A_2227 [1] : vector<256x512xf32> to vector<256xf32>
    %broadcast_in_dim3A_2229 = vector.shape_cast %reduce_sum3A_2228 : vector<256xf32> to vector<256x1xf32>
    %div3A_2230 = vector.broadcast %broadcast_in_dim3A_2229 : vector<256x1xf32> to vector<256x512xf32>
    %div3A_2231 = arith.divf %exp3A_2226, %div3A_2230 : vector<256x512xf32>
    %dot_general3A_2232 = arith.constant dense<0.000000e+00> : vector<256x64xf32>
    %dot_general3A_2233 = tpu.matmul %div3A_2231, %get3A_2203, %dot_general3A_2232 {dimension_numbers = #tpu.dot_dimension_numbers<[1], [0], [0], [1], [0, 0, 1, 1], [], []>, transpose_lhs_hint = false} : vector<256x512xf32>, vector<512x64xf32>, vector<256x64xf32> -> vector<256x64xf32>
    %get3A_2234 = arith.constant 0 : index
    %get3A_2235 = arith.constant 36 : index
    %get3A_2236 = vector.load %arg4[%get3A_2234, %get3A_2235] : memref<256x48xf32, #tpu.memory_space<vmem>>, vector<256x1xf32>
    %get3A_2237 = arith.constant 0 : index
    %get3A_2238 = arith.constant 37 : index
    %get3A_2239 = vector.load %arg4[%get3A_2237, %get3A_2238] : memref<256x48xf32, #tpu.memory_space<vmem>>, vector<256x1xf32>
    %get3A_2240 = arith.constant 0 : index
    %get3A_2241 = arith.constant 38 : index
    %get3A_2242 = vector.load %arg4[%get3A_2240, %get3A_2241] : memref<256x48xf32, #tpu.memory_space<vmem>>, vector<256x1xf32>
    %mul3A_2243 = vector.broadcast %get3A_2236 : vector<256x1xf32> to vector<256x64xf32>
    %mul3A_2244 = arith.mulf %mul3A_2243, %dot_general3A_1828 : vector<256x64xf32>
    %mul3A_2245 = vector.broadcast %get3A_2239 : vector<256x1xf32> to vector<256x64xf32>
    %mul3A_2246 = arith.mulf %mul3A_2245, %while3A_2197#0 : vector<256x64xf32>
    %add3A_2247 = arith.addf %mul3A_2244, %mul3A_2246 : vector<256x64xf32>
    %mul3A_2248 = vector.broadcast %get3A_2242 : vector<256x1xf32> to vector<256x64xf32>
    %mul3A_2249 = arith.mulf %mul3A_2248, %dot_general3A_2233 : vector<256x64xf32>
    %add3A_2250 = arith.addf %add3A_2247, %mul3A_2249 : vector<256x64xf32>
    %dot_general3A_2251 = arith.constant dense<0.000000e+00> : vector<256x512xf32>
    %dot_general3A_2252 = tpu.matmul %get3A_2125, %get3A_2200, %dot_general3A_2251 {dimension_numbers = #tpu.dot_dimension_numbers<[1], [1], [0], [0], [0, 0, 1, 0], [], []>, transpose_lhs_hint = false} : vector<256x64xf32>, vector<512x64xf32>, vector<256x512xf32> -> vector<256x512xf32>
    %mul3A_2253 = arith.constant 1.250000e-01 : f32
    %mul3A_2254 = vector.broadcast %mul3A_2253 : f32 to vector<256x512xf32>
    %mul3A_2255 = arith.mulf %dot_general3A_2252, %mul3A_2254 : vector<256x512xf32>
    %add3A_2256 = arith.addf %mul3A_2255, %select_n3A_2219 : vector<256x512xf32>
    %exp3A_2257 = math.exp %add3A_2256 : vector<256x512xf32>
    %reduce_sum3A_2258 = arith.constant dense<0.000000e+00> : vector<256xf32>
    %reduce_sum3A_2259 = vector.multi_reduction <add>, %exp3A_2257, %reduce_sum3A_2258 [1] : vector<256x512xf32> to vector<256xf32>
    %broadcast_in_dim3A_2260 = vector.shape_cast %reduce_sum3A_2259 : vector<256xf32> to vector<256x1xf32>
    %div3A_2261 = vector.broadcast %broadcast_in_dim3A_2260 : vector<256x1xf32> to vector<256x512xf32>
    %div3A_2262 = arith.divf %exp3A_2257, %div3A_2261 : vector<256x512xf32>
    %dot_general3A_2263 = arith.constant dense<0.000000e+00> : vector<256x64xf32>
    %dot_general3A_2264 = tpu.matmul %div3A_2262, %get3A_2203, %dot_general3A_2263 {dimension_numbers = #tpu.dot_dimension_numbers<[1], [0], [0], [1], [0, 0, 1, 1], [], []>, transpose_lhs_hint = false} : vector<256x512xf32>, vector<512x64xf32>, vector<256x64xf32> -> vector<256x64xf32>
    %get3A_2265 = arith.constant 0 : index
    %get3A_2266 = arith.constant 39 : index
    %get3A_2267 = vector.load %arg4[%get3A_2265, %get3A_2266] : memref<256x48xf32, #tpu.memory_space<vmem>>, vector<256x1xf32>
    %get3A_2268 = arith.constant 0 : index
    %get3A_2269 = arith.constant 40 : index
    %get3A_2270 = vector.load %arg4[%get3A_2268, %get3A_2269] : memref<256x48xf32, #tpu.memory_space<vmem>>, vector<256x1xf32>
    %get3A_2271 = arith.constant 0 : index
    %get3A_2272 = arith.constant 41 : index
    %get3A_2273 = vector.load %arg4[%get3A_2271, %get3A_2272] : memref<256x48xf32, #tpu.memory_space<vmem>>, vector<256x1xf32>
    %mul3A_2274 = vector.broadcast %get3A_2267 : vector<256x1xf32> to vector<256x64xf32>
    %mul3A_2275 = arith.mulf %mul3A_2274, %dot_general3A_1859 : vector<256x64xf32>
    %mul3A_2276 = vector.broadcast %get3A_2270 : vector<256x1xf32> to vector<256x64xf32>
    %mul3A_2277 = arith.mulf %mul3A_2276, %while3A_2197#1 : vector<256x64xf32>
    %add3A_2278 = arith.addf %mul3A_2275, %mul3A_2277 : vector<256x64xf32>
    %mul3A_2279 = vector.broadcast %get3A_2273 : vector<256x1xf32> to vector<256x64xf32>
    %mul3A_2280 = arith.mulf %mul3A_2279, %dot_general3A_2264 : vector<256x64xf32>
    %add3A_2281 = arith.addf %add3A_2278, %mul3A_2280 : vector<256x64xf32>
    %dot_general3A_2282 = arith.constant dense<0.000000e+00> : vector<256x512xf32>
    %dot_general3A_2283 = tpu.matmul %get3A_2128, %get3A_2200, %dot_general3A_2282 {dimension_numbers = #tpu.dot_dimension_numbers<[1], [1], [0], [0], [0, 0, 1, 0], [], []>, transpose_lhs_hint = false} : vector<256x64xf32>, vector<512x64xf32>, vector<256x512xf32> -> vector<256x512xf32>
    %mul3A_2284 = arith.constant 1.250000e-01 : f32
    %mul3A_2285 = vector.broadcast %mul3A_2284 : f32 to vector<256x512xf32>
    %mul3A_2286 = arith.mulf %dot_general3A_2283, %mul3A_2285 : vector<256x512xf32>
    %add3A_2287 = arith.addf %mul3A_2286, %select_n3A_2219 : vector<256x512xf32>
    %exp3A_2288 = math.exp %add3A_2287 : vector<256x512xf32>
    %reduce_sum3A_2289 = arith.constant dense<0.000000e+00> : vector<256xf32>
    %reduce_sum3A_2290 = vector.multi_reduction <add>, %exp3A_2288, %reduce_sum3A_2289 [1] : vector<256x512xf32> to vector<256xf32>
    %broadcast_in_dim3A_2291 = vector.shape_cast %reduce_sum3A_2290 : vector<256xf32> to vector<256x1xf32>
    %div3A_2292 = vector.broadcast %broadcast_in_dim3A_2291 : vector<256x1xf32> to vector<256x512xf32>
    %div3A_2293 = arith.divf %exp3A_2288, %div3A_2292 : vector<256x512xf32>
    %dot_general3A_2294 = arith.constant dense<0.000000e+00> : vector<256x64xf32>
    %dot_general3A_2295 = tpu.matmul %div3A_2293, %get3A_2203, %dot_general3A_2294 {dimension_numbers = #tpu.dot_dimension_numbers<[1], [0], [0], [1], [0, 0, 1, 1], [], []>, transpose_lhs_hint = false} : vector<256x512xf32>, vector<512x64xf32>, vector<256x64xf32> -> vector<256x64xf32>
    %get3A_2296 = arith.constant 0 : index
    %get3A_2297 = arith.constant 42 : index
    %get3A_2298 = vector.load %arg4[%get3A_2296, %get3A_2297] : memref<256x48xf32, #tpu.memory_space<vmem>>, vector<256x1xf32>
    %get3A_2299 = arith.constant 0 : index
    %get3A_2300 = arith.constant 43 : index
    %get3A_2301 = vector.load %arg4[%get3A_2299, %get3A_2300] : memref<256x48xf32, #tpu.memory_space<vmem>>, vector<256x1xf32>
    %get3A_2302 = arith.constant 0 : index
    %get3A_2303 = arith.constant 44 : index
    %get3A_2304 = vector.load %arg4[%get3A_2302, %get3A_2303] : memref<256x48xf32, #tpu.memory_space<vmem>>, vector<256x1xf32>
    %mul3A_2305 = vector.broadcast %get3A_2298 : vector<256x1xf32> to vector<256x64xf32>
    %mul3A_2306 = arith.mulf %mul3A_2305, %dot_general3A_1890 : vector<256x64xf32>
    %mul3A_2307 = vector.broadcast %get3A_2301 : vector<256x1xf32> to vector<256x64xf32>
    %mul3A_2308 = arith.mulf %mul3A_2307, %while3A_2197#2 : vector<256x64xf32>
    %add3A_2309 = arith.addf %mul3A_2306, %mul3A_2308 : vector<256x64xf32>
    %mul3A_2310 = vector.broadcast %get3A_2304 : vector<256x1xf32> to vector<256x64xf32>
    %mul3A_2311 = arith.mulf %mul3A_2310, %dot_general3A_2295 : vector<256x64xf32>
    %add3A_2312 = arith.addf %add3A_2309, %mul3A_2311 : vector<256x64xf32>
    %dot_general3A_2313 = arith.constant dense<0.000000e+00> : vector<256x512xf32>
    %dot_general3A_2314 = tpu.matmul %get3A_2131, %get3A_2200, %dot_general3A_2313 {dimension_numbers = #tpu.dot_dimension_numbers<[1], [1], [0], [0], [0, 0, 1, 0], [], []>, transpose_lhs_hint = false} : vector<256x64xf32>, vector<512x64xf32>, vector<256x512xf32> -> vector<256x512xf32>
    %mul3A_2315 = arith.constant 1.250000e-01 : f32
    %mul3A_2316 = vector.broadcast %mul3A_2315 : f32 to vector<256x512xf32>
    %mul3A_2317 = arith.mulf %dot_general3A_2314, %mul3A_2316 : vector<256x512xf32>
    %add3A_2318 = arith.addf %mul3A_2317, %select_n3A_2219 : vector<256x512xf32>
    %exp3A_2319 = math.exp %add3A_2318 : vector<256x512xf32>
    %reduce_sum3A_2320 = arith.constant dense<0.000000e+00> : vector<256xf32>
    %reduce_sum3A_2321 = vector.multi_reduction <add>, %exp3A_2319, %reduce_sum3A_2320 [1] : vector<256x512xf32> to vector<256xf32>
    %broadcast_in_dim3A_2322 = vector.shape_cast %reduce_sum3A_2321 : vector<256xf32> to vector<256x1xf32>
    %div3A_2323 = vector.broadcast %broadcast_in_dim3A_2322 : vector<256x1xf32> to vector<256x512xf32>
    %div3A_2324 = arith.divf %exp3A_2319, %div3A_2323 : vector<256x512xf32>
    %dot_general3A_2325 = arith.constant dense<0.000000e+00> : vector<256x64xf32>
    %dot_general3A_2326 = tpu.matmul %div3A_2324, %get3A_2203, %dot_general3A_2325 {dimension_numbers = #tpu.dot_dimension_numbers<[1], [0], [0], [1], [0, 0, 1, 1], [], []>, transpose_lhs_hint = false} : vector<256x512xf32>, vector<512x64xf32>, vector<256x64xf32> -> vector<256x64xf32>
    %get3A_2327 = arith.constant 0 : index
    %get3A_2328 = arith.constant 45 : index
    %get3A_2329 = vector.load %arg4[%get3A_2327, %get3A_2328] : memref<256x48xf32, #tpu.memory_space<vmem>>, vector<256x1xf32>
    %get3A_2330 = arith.constant 0 : index
    %get3A_2331 = arith.constant 46 : index
    %get3A_2332 = vector.load %arg4[%get3A_2330, %get3A_2331] : memref<256x48xf32, #tpu.memory_space<vmem>>, vector<256x1xf32>
    %get3A_2333 = arith.constant 0 : index
    %get3A_2334 = arith.constant 47 : index
    %get3A_2335 = vector.load %arg4[%get3A_2333, %get3A_2334] : memref<256x48xf32, #tpu.memory_space<vmem>>, vector<256x1xf32>
    %mul3A_2336 = vector.broadcast %get3A_2329 : vector<256x1xf32> to vector<256x64xf32>
    %mul3A_2337 = arith.mulf %mul3A_2336, %dot_general3A_1921 : vector<256x64xf32>
    %mul3A_2338 = vector.broadcast %get3A_2332 : vector<256x1xf32> to vector<256x64xf32>
    %mul3A_2339 = arith.mulf %mul3A_2338, %while3A_2197#3 : vector<256x64xf32>
    %add3A_2340 = arith.addf %mul3A_2337, %mul3A_2339 : vector<256x64xf32>
    %mul3A_2341 = vector.broadcast %get3A_2335 : vector<256x1xf32> to vector<256x64xf32>
    %mul3A_2342 = arith.mulf %mul3A_2341, %dot_general3A_2326 : vector<256x64xf32>
    %add3A_2343 = arith.addf %add3A_2340, %mul3A_2342 : vector<256x64xf32>
    %concatenate3A = tpu.concatenate %add3A_480, %add3A_511, %add3A_542, %add3A_573, %add3A_1070, %add3A_1101, %add3A_1132, %add3A_1163, %add3A_1660, %add3A_1691, %add3A_1722, %add3A_1753, %add3A_2250, %add3A_2281, %add3A_2312, %add3A_2343 in 1 : vector<256x64xf32>, vector<256x64xf32>, vector<256x64xf32>, vector<256x64xf32>, vector<256x64xf32>, vector<256x64xf32>, vector<256x64xf32>, vector<256x64xf32>, vector<256x64xf32>, vector<256x64xf32>, vector<256x64xf32>, vector<256x64xf32>, vector<256x64xf32>, vector<256x64xf32>, vector<256x64xf32>, vector<256x64xf32> -> vector<256x1024xf32>
    %get3A_2344 = arith.constant 0 : index
    %get3A_2345 = arith.constant 0 : index
    %get3A_2346 = vector.load %arg5[%get3A_2344, %get3A_2345] : memref<256x1024xf32, #tpu.memory_space<vmem>>, vector<256x1024xf32>
    %get3A_2347 = arith.constant 0 : index
    %get3A_2348 = arith.constant 0 : index
    %get3A_2349 = vector.load %arg6[%get3A_2347, %get3A_2348] : memref<1024x1024xf32, #tpu.memory_space<vmem>>, vector<1024x1024xf32>
    %dot_general3A_2350 = arith.constant dense<0.000000e+00> : vector<256x1024xf32>
    %dot_general3A_2351 = tpu.matmul %concatenate3A, %get3A_2349, %dot_general3A_2350 {dimension_numbers = #tpu.dot_dimension_numbers<[1], [0], [0], [1], [0, 0, 1, 1], [], []>, transpose_lhs_hint = false} : vector<256x1024xf32>, vector<1024x1024xf32>, vector<256x1024xf32> -> vector<256x1024xf32>
    %add3A_2352 = arith.addf %get3A_2346, %dot_general3A_2351 : vector<256x1024xf32>
    %swap3A = arith.constant 0 : index
    %swap3A_2353 = arith.constant 0 : index
    %swap3A_2354 = vector.load %arg8[%swap3A, %swap3A_2353] : memref<256x1024xf32, #tpu.memory_space<vmem>>, vector<256x1024xf32>
    tpu.vector_store %arg8[%swap3A, %swap3A_2353], %add3A_2352 {strides = array<i32>} : memref<256x1024xf32, #tpu.memory_space<vmem>>, vector<256x1024xf32>,
    %mul3A_2355 = arith.mulf %add3A_2352, %add3A_2352 : vector<256x1024xf32>
    %reduce_sum3A_2356 = arith.constant dense<0.000000e+00> : vector<256xf32>
    %reduce_sum3A_2357 = vector.multi_reduction <add>, %mul3A_2355, %reduce_sum3A_2356 [1] : vector<256x1024xf32> to vector<256xf32>
    %broadcast_in_dim3A_2358 = vector.shape_cast %reduce_sum3A_2357 : vector<256xf32> to vector<256x1xf32>
    %div3A_2359 = arith.constant 1.024000e+03 : f32
    %div3A_2360 = vector.broadcast %div3A_2359 : f32 to vector<256x1xf32>
    %div3A_2361 = arith.divf %broadcast_in_dim3A_2358, %div3A_2360 : vector<256x1xf32>
    %add3A_2362 = arith.constant 9.99999997E-7 : f32
    %add3A_2363 = vector.broadcast %add3A_2362 : f32 to vector<256x1xf32>
    %add3A_2364 = arith.addf %div3A_2361, %add3A_2363 : vector<256x1xf32>
    %rsqrt3A = math.rsqrt %add3A_2364 : vector<256x1xf32>
    %mul3A_2365 = vector.broadcast %rsqrt3A : vector<256x1xf32> to vector<256x1024xf32>
    %mul3A_2366 = arith.mulf %add3A_2352, %mul3A_2365 : vector<256x1024xf32>
    %get3A_2367 = arith.constant 0 : index
    %get3A_2368 = arith.constant 0 : index
    %get3A_2369 = vector.load %arg7[%get3A_2367, %get3A_2368] : memref<1x1024xf32, #tpu.memory_space<vmem>>, vector<1x1024xf32>
    %mul3A_2370 = vector.broadcast %get3A_2369 : vector<1x1024xf32> to vector<256x1024xf32>
    %mul3A_2371 = arith.mulf %mul3A_2366, %mul3A_2370 : vector<256x1024xf32>
    %swap3A_2372 = arith.constant 0 : index
    %swap3A_2373 = arith.constant 0 : index
    %swap3A_2374 = vector.load %arg9[%swap3A_2372, %swap3A_2373] : memref<256x1024xf32, #tpu.memory_space<vmem>>, vector<256x1024xf32>
    tpu.vector_store %arg9[%swap3A_2372, %swap3A_2373], %mul3A_2371 {strides = array<i32>} : memref<256x1024xf32, #tpu.memory_space<vmem>>, vector<256x1024xf32>,
    return
  }
  func.func @transform_0(%arg0: i32) -> (i32, i32) {
    %c0_i32 = arith.constant 0 : i32
    %c0_i32_0 = arith.constant 0 : i32
    return %arg0, %c0_i32 : i32, i32
  }
  func.func @transform_1(%arg0: i32) -> (i32, i32) {
    %c0_i32 = arith.constant 0 : i32
    %c0_i32_0 = arith.constant 0 : i32
    %c0_i32_1 = arith.constant 0 : i32
    return %c0_i32, %c0_i32_0 : i32, i32
  }
  func.func @transform_2(%arg0: i32) -> (i32, i32) {
    %c0_i32 = arith.constant 0 : i32
    %c0_i32_0 = arith.constant 0 : i32
    %c0_i32_1 = arith.constant 0 : i32
    return %c0_i32, %c0_i32_0 : i32, i32
  }
  func.func @transform_3(%arg0: i32) -> (i32, i32) {
    %c0_i32 = arith.constant 0 : i32
    %c0_i32_0 = arith.constant 0 : i32
    return %arg0, %c0_i32 : i32, i32
  }
  func.func @transform_4(%arg0: i32) -> (i32, i32) {
    %c0_i32 = arith.constant 0 : i32
    %c0_i32_0 = arith.constant 0 : i32
    return %arg0, %c0_i32 : i32, i32
  }
  func.func @transform_5(%arg0: i32) -> (i32, i32) {
    %c0_i32 = arith.constant 0 : i32
    %c0_i32_0 = arith.constant 0 : i32
    %c0_i32_1 = arith.constant 0 : i32
    return %c0_i32, %c0_i32_0 : i32, i32
  }
  func.func @transform_6(%arg0: i32) -> (i32, i32) {
    %c0_i32 = arith.constant 0 : i32
    %c0_i32_0 = arith.constant 0 : i32
    %c0_i32_1 = arith.constant 0 : i32
    return %c0_i32, %c0_i32_0 : i32, i32
  }
  func.func @transform_7(%arg0: i32) -> (i32, i32) {
    %c0_i32 = arith.constant 0 : i32
    %c0_i32_0 = arith.constant 0 : i32
    return %arg0, %c0_i32 : i32, i32
  }
  func.func @transform_8(%arg0: i32) -> (i32, i32) {
    %c0_i32 = arith.constant 0 : i32
    %c0_i32_0 = arith.constant 0 : i32
    return %arg0, %c0_i32 : i32, i32
  }
}

module attributes {stable_mosaic.version = 14 : i64} {
  func.func @_mlp_body(%arg0: i32, %arg1: memref<2048x1024xf32, #tpu.memory_space<vmem>>, %arg2: memref<2048x1024xf32, #tpu.memory_space<vmem>>, %arg3: memref<1024x512xf32, #tpu.memory_space<vmem>>, %arg4: memref<1024x512xf32, #tpu.memory_space<vmem>>, %arg5: memref<512x1024xf32, #tpu.memory_space<vmem>>, %arg6: memref<2048x1024xf32, #tpu.memory_space<vmem>>) attributes {dimension_semantics = [#tpu.dimension_semantics<arbitrary>], iteration_bounds = array<i64: 8>, scalar_prefetch = 0 : i64, scratch_operands = 0 : i64, tpu.core_type = #tpu.core_type<tc>, window_params = [{pipeline_mode = #tpu.pipeline_mode<synchronous>, transform_indices = @transform_0, window_bounds = array<i64: 2048, 1024>}, {pipeline_mode = #tpu.pipeline_mode<synchronous>, transform_indices = @transform_1, window_bounds = array<i64: 2048, 1024>}, {transform_indices = @transform_2, window_bounds = array<i64: 1024, 512>}, {transform_indices = @transform_3, window_bounds = array<i64: 1024, 512>}, {transform_indices = @transform_4, window_bounds = array<i64: 512, 1024>}, {pipeline_mode = #tpu.pipeline_mode<synchronous>, transform_indices = @transform_5, window_bounds = array<i64: 2048, 1024>}]} {
    %get3A = arith.constant 0 : index
    %get3A_0 = arith.constant 0 : index
    %get3A_1 = vector.load %arg1[%get3A, %get3A_0] : memref<2048x1024xf32, #tpu.memory_space<vmem>>, vector<2048x1024xf32>
    %get3A_2 = arith.constant 0 : index
    %get3A_3 = arith.constant 0 : index
    %get3A_4 = vector.load %arg3[%get3A_2, %get3A_3] : memref<1024x512xf32, #tpu.memory_space<vmem>>, vector<1024x512xf32>
    %dot_general3A = arith.constant dense<0.000000e+00> : vector<2048x512xf32>
    %dot_general3A_5 = tpu.matmul %get3A_1, %get3A_4, %dot_general3A {dimension_numbers = #tpu.dot_dimension_numbers<[1], [0], [0], [1], [0, 0, 1, 1], [], []>, transpose_lhs_hint = false} : vector<2048x1024xf32>, vector<1024x512xf32>, vector<2048x512xf32> -> vector<2048x512xf32>
    %logistic3A = arith.negf %dot_general3A_5 : vector<2048x512xf32>
    %logistic3A_6 = math.exp %logistic3A : vector<2048x512xf32>
    %logistic3A_7 = arith.constant 1.000000e+00 : f32
    %logistic3A_8 = vector.broadcast %logistic3A_7 : f32 to vector<2048x512xf32>
    %logistic3A_9 = arith.addf %logistic3A_8, %logistic3A_6 : vector<2048x512xf32>
    %logistic3A_10 = arith.divf %logistic3A_8, %logistic3A_9 : vector<2048x512xf32>
    %mul3A = arith.mulf %dot_general3A_5, %logistic3A_10 : vector<2048x512xf32>
    %get3A_11 = arith.constant 0 : index
    %get3A_12 = arith.constant 0 : index
    %get3A_13 = vector.load %arg4[%get3A_11, %get3A_12] : memref<1024x512xf32, #tpu.memory_space<vmem>>, vector<1024x512xf32>
    %dot_general3A_14 = arith.constant dense<0.000000e+00> : vector<2048x512xf32>
    %dot_general3A_15 = tpu.matmul %get3A_1, %get3A_13, %dot_general3A_14 {dimension_numbers = #tpu.dot_dimension_numbers<[1], [0], [0], [1], [0, 0, 1, 1], [], []>, transpose_lhs_hint = false} : vector<2048x1024xf32>, vector<1024x512xf32>, vector<2048x512xf32> -> vector<2048x512xf32>
    %mul3A_16 = arith.mulf %mul3A, %dot_general3A_15 : vector<2048x512xf32>
    %get3A_17 = arith.constant 0 : index
    %get3A_18 = arith.constant 0 : index
    %get3A_19 = vector.load %arg5[%get3A_17, %get3A_18] : memref<512x1024xf32, #tpu.memory_space<vmem>>, vector<512x1024xf32>
    %dot_general3A_20 = arith.constant dense<0.000000e+00> : vector<2048x1024xf32>
    %dot_general3A_21 = tpu.matmul %mul3A_16, %get3A_19, %dot_general3A_20 {dimension_numbers = #tpu.dot_dimension_numbers<[1], [0], [0], [1], [0, 0, 1, 1], [], []>, transpose_lhs_hint = false} : vector<2048x512xf32>, vector<512x1024xf32>, vector<2048x1024xf32> -> vector<2048x1024xf32>
    %eq3A = arith.constant 0 : i32
    %eq3A_22 = arith.cmpi eq, %arg0, %eq3A : i32
    %convert_element_type3A = arith.extui %eq3A_22 : i1 to i32
    %cond3A = arith.constant 0 : i32
    %cond3A_23 = arith.cmpi ne, %convert_element_type3A, %cond3A : i32
    scf.if %cond3A_23 {
      %get3A_28 = arith.constant 0 : index
      %get3A_29 = arith.constant 0 : index
      %get3A_30 = vector.load %arg2[%get3A_28, %get3A_29] : memref<2048x1024xf32, #tpu.memory_space<vmem>>, vector<2048x1024xf32>
      %add3A = arith.addf %get3A_30, %dot_general3A_21 : vector<2048x1024xf32>
      %swap3A = arith.constant 0 : index
      %swap3A_31 = arith.constant 0 : index
      %swap3A_32 = vector.load %arg6[%swap3A, %swap3A_31] : memref<2048x1024xf32, #tpu.memory_space<vmem>>, vector<2048x1024xf32>
      tpu.vector_store %arg6[%swap3A, %swap3A_31], %add3A {strides = array<i32>} : memref<2048x1024xf32, #tpu.memory_space<vmem>>, vector<2048x1024xf32>,
    } else {
    }
    %gt3A = arith.constant 0 : i32
    %gt3A_24 = arith.cmpi sgt, %arg0, %gt3A : i32
    %convert_element_type3A_25 = arith.extui %gt3A_24 : i1 to i32
    %cond3A_26 = arith.constant 0 : i32
    %cond3A_27 = arith.cmpi ne, %convert_element_type3A_25, %cond3A_26 : i32
    scf.if %cond3A_27 {
      %get3A_28 = arith.constant 0 : index
      %get3A_29 = arith.constant 0 : index
      %get3A_30 = vector.load %arg6[%get3A_28, %get3A_29] : memref<2048x1024xf32, #tpu.memory_space<vmem>>, vector<2048x1024xf32>
      %add3A = arith.addf %get3A_30, %dot_general3A_21 : vector<2048x1024xf32>
      %swap3A = arith.constant 0 : index
      %swap3A_31 = arith.constant 0 : index
      %swap3A_32 = vector.load %arg6[%swap3A, %swap3A_31] : memref<2048x1024xf32, #tpu.memory_space<vmem>>, vector<2048x1024xf32>
      tpu.vector_store %arg6[%swap3A, %swap3A_31], %add3A {strides = array<i32>} : memref<2048x1024xf32, #tpu.memory_space<vmem>>, vector<2048x1024xf32>,
    } else {
    }
    return
  }
  func.func @transform_0(%arg0: i32) -> (i32, i32) {
    %c0_i32 = arith.constant 0 : i32
    %c0_i32_0 = arith.constant 0 : i32
    %c0_i32_1 = arith.constant 0 : i32
    return %c0_i32, %c0_i32_0 : i32, i32
  }
  func.func @transform_1(%arg0: i32) -> (i32, i32) {
    %c0_i32 = arith.constant 0 : i32
    %c0_i32_0 = arith.constant 0 : i32
    %c0_i32_1 = arith.constant 0 : i32
    return %c0_i32, %c0_i32_0 : i32, i32
  }
  func.func @transform_2(%arg0: i32) -> (i32, i32) {
    %c0_i32 = arith.constant 0 : i32
    %c0_i32_0 = arith.constant 0 : i32
    return %c0_i32, %arg0 : i32, i32
  }
  func.func @transform_3(%arg0: i32) -> (i32, i32) {
    %c0_i32 = arith.constant 0 : i32
    %c0_i32_0 = arith.constant 0 : i32
    return %c0_i32, %arg0 : i32, i32
  }
  func.func @transform_4(%arg0: i32) -> (i32, i32) {
    %c0_i32 = arith.constant 0 : i32
    %c0_i32_0 = arith.constant 0 : i32
    return %arg0, %c0_i32 : i32, i32
  }
  func.func @transform_5(%arg0: i32) -> (i32, i32) {
    %c0_i32 = arith.constant 0 : i32
    %c0_i32_0 = arith.constant 0 : i32
    %c0_i32_1 = arith.constant 0 : i32
    return %c0_i32, %c0_i32_0 : i32, i32
  }
}

module attributes {stable_mosaic.version = 14 : i64} {
  func.func @_lmhead_body(%arg0: i32, %arg1: memref<2048x1024xf32, #tpu.memory_space<vmem>>, %arg2: memref<1024x1024xf32, #tpu.memory_space<vmem>>, %arg3: memref<2048x1024xf32, #tpu.memory_space<vmem>>) attributes {dimension_semantics = [#tpu.dimension_semantics<arbitrary>], iteration_bounds = array<i64: 16>, scalar_prefetch = 0 : i64, scratch_operands = 0 : i64, tpu.core_type = #tpu.core_type<tc>, window_params = [{pipeline_mode = #tpu.pipeline_mode<synchronous>, transform_indices = @transform_0, window_bounds = array<i64: 2048, 1024>}, {transform_indices = @transform_1, window_bounds = array<i64: 1024, 1024>}, {transform_indices = @transform_2, window_bounds = array<i64: 2048, 1024>}]} {
    %get3A = arith.constant 0 : index
    %get3A_0 = arith.constant 0 : index
    %get3A_1 = vector.load %arg1[%get3A, %get3A_0] : memref<2048x1024xf32, #tpu.memory_space<vmem>>, vector<2048x1024xf32>
    %get3A_2 = arith.constant 0 : index
    %get3A_3 = arith.constant 0 : index
    %get3A_4 = vector.load %arg2[%get3A_2, %get3A_3] : memref<1024x1024xf32, #tpu.memory_space<vmem>>, vector<1024x1024xf32>
    %dot_general3A = arith.constant dense<0.000000e+00> : vector<2048x1024xf32>
    %dot_general3A_5 = tpu.matmul %get3A_1, %get3A_4, %dot_general3A {dimension_numbers = #tpu.dot_dimension_numbers<[1], [0], [0], [1], [0, 0, 1, 1], [], []>, transpose_lhs_hint = false} : vector<2048x1024xf32>, vector<1024x1024xf32>, vector<2048x1024xf32> -> vector<2048x1024xf32>
    %swap3A = arith.constant 0 : index
    %swap3A_6 = arith.constant 0 : index
    %swap3A_7 = vector.load %arg3[%swap3A, %swap3A_6] : memref<2048x1024xf32, #tpu.memory_space<vmem>>, vector<2048x1024xf32>
    tpu.vector_store %arg3[%swap3A, %swap3A_6], %dot_general3A_5 {strides = array<i32>} : memref<2048x1024xf32, #tpu.memory_space<vmem>>, vector<2048x1024xf32>,
    return
  }
  func.func @transform_0(%arg0: i32) -> (i32, i32) {
    %c0_i32 = arith.constant 0 : i32
    %c0_i32_0 = arith.constant 0 : i32
    %c0_i32_1 = arith.constant 0 : i32
    return %c0_i32, %c0_i32_0 : i32, i32
  }
  func.func @transform_1(%arg0: i32) -> (i32, i32) {
    %c0_i32 = arith.constant 0 : i32
    %c0_i32_0 = arith.constant 0 : i32
    return %c0_i32, %arg0 : i32, i32
  }
  func.func @transform_2(%arg0: i32) -> (i32, i32) {
    %c0_i32 = arith.constant 0 : i32
    %c0_i32_0 = arith.constant 0 : i32
    return %c0_i32, %arg0 : i32, i32
  }
}

</mosaic_0001>

<sc_bundles>
// kernel: kernel.7.cloned.1.call-start
scs
__scs_entry_jumppad:
0x0: {  	(pc) =	sbr.rel $0x88, $3  }
0x1: {  	(tag) =	ssettag $0x0;
	lr =	simm.s32 $0x1  }
0x2: {  	[smem:$0x3F94] =	sst lr;
	_ =	strace $0xD0000000  }
0x3: {  	_ = 	snop  }
0x4: {  	_ = 	snop  }
0x5: {  	_ = 	snop  }
0x6: {  	_ = 	snop  }
0x7: {  	_ = 	snop  }
__scs_overlays_trampoline_lowered:
0x8: {  	[smem:$0x3FA3] =	sst s0  }
0x9: {  	[smem:$0x3FA4] =	sst s1  }
0xa: {  	[smem:$0x3FA5] =	sst s2  }
0xb: {  	[smem:$0x3FA6] =	sst s3  }
0xc: {  	[smem:$0x3FA7] =	sst s4  }
0xd: {  	[smem:$0x3FA8] =	sst s5  }
0xe: {  	[smem:$0x3FA9] =	sst s6  }
0xf: {  	[smem:$0x3FAA] =	sst s7  }
0x10: {  	[smem:$0x3FAB] =	sst s8  }
0x11: {  	[smem:$0x3FAC] =	sst s9;
	s0 =	simm.s32 @!p0 $0x0  }
0x12: {  	s1 =	sld [smem:$0x3F92];
	s0 =	simm.s32 @p0 $0x1  }
0x13: {  	[smem:$0x3FAD] =	sst s0;
	s0 =	simm.s32 @!p1 $0x0  }
0x14: {  	s2 =	sld [smem:$0x3F91];
	s0 =	simm.s32 @p1 $0x1  }
0x15: {  	[smem:$0x3FAE] =	sst s0;
	s0 =	simm.s32 @!p2 $0x0  }
0x16: {  	s3 =	sld [smem:$0x3FDB];
	s0 =	simm.s32 @p2 $0x1  }
0x17: {  	s4 =	simm.s32 $0x1BF5;
	[smem:$0x3FB0] =	sst s0  }
0x18: {  	s0 =	sld [smem:$0x3F93];
	_ =	swait.ge [sflag:s4], $0x0  }
0x19: {  	s7 =	sld [smem:$0x3F94]  }
0x1a: {  	s8 =	sadd.s32 $0xFFFFE003, lr  }
0x1b: {  	s9 =	sadd.s32 $0xFFFFFEF7, lr;
	s5 =	simm.s32 $0xFFFFFFFF;
	p2 =	slt.u32 s8, $0xFFFFF086  }
0x1c: {  	p1 =	slt.u32 s9, $0xF7A;
	s5 =	simm.s32 @!p2 $0x0  }
0x1d: {  	s5 =	simm.s32 @p1 $0x1;
	p0 =	seq.s32 s7, s2  }
0x1e: {  	s7 =	smul.u32 @!p0 $0xF7A, s2;
	p2 =	seq.s32 @!p0 s5, $0x0  }
0x1f: {  	s9 =	smul.u32 $0xF7A, s1;
	s8 =	simm.s32 @!p0 $0x1BF5;
	p2 =	por !p2, p0  }
0x20: {  	[sflag:s8] =	ssyncset.s32 @!p0 $0xFFFFF086;
	s6 =	sadd.s32 @!p0 s3, s7;
	s7 =	simm.s32 @!p0 $0x108  }
0x21: {  	s3 =	sadd.s32 s3, s9;
	s6 =	sadd.s32 @!p0 $0x88, s6;
	s7 =	simm.s32 @p2 $0x1082  }
0x22: {  	[simem:s7], [sflag:s8] =	dma.local @!p0 [hbm:s6], $0xF7A  }
0x23: {  	s9 =	sor.u32 $0xD0000000, s2;
	s6 =	simm.s32 $0x108;
	_ =	swait.ge @!p0 [sflag:s8], $0x0  }
0x24: {  	s3 =	sadd.s32 $0x88, s3;
	s6 =	simm.s32 @!p1 $0x1082;
	[sflag:s4] =	ssyncset.s32 $0xFFFFF086  }
0x25: {  	[simem:s6], [sflag:s4] =	dma.local [hbm:s3], $0xF7A  }
0x26: {  	[smem:$0x3F94] =	sst s1;
	(tag) =	ssettag s2;
	_ =	strace s9  }
0x27: {  	s1 =	sld [smem:$0x3FA4]  }
0x28: {  	s2 =	sld [smem:$0x3FA5]  }
0x29: {  	s4 =	sld [smem:$0x3FA7]  }
0x2a: {  	p0 =	seq.s32 s5, $0x0;
	s5 =	sld [smem:$0x3FA8]  }
0x2b: {  	s6 =	sld [smem:$0x3FA9]  }
0x2c: {  	s7 =	sld [smem:$0x3FAA]  }
0x2d: {  	s3 =	simm.s32 $0x108;
	s8 =	sld [smem:$0x3FAB]  }
0x2e: {  	s3 =	simm.s32 @!p0 $0x1082;
	s9 =	sld [smem:$0x3FAC]  }
0x2f: {  	lr =	sadd.s32 s0, s3;
	s0 =	sld [smem:$0x3FA3]  }
0x30: {  	s3 =	sld [smem:$0x3FA6]  }
0x31: {  	[smem:$0x3FAF] =	sst s10  }
0x32: {  	s10 =	sld [smem:$0x3FAD];
	_ =	sdelay $0x3  }
0x33: {  	p0 =	seq.s32 s10, $0x1;
	s10 =	sld [smem:$0x3FAF];
	_ =	sdelay $0x3  }
0x34: {  	[smem:$0x3FAF] =	sst s10  }
0x35: {  	s10 =	sld [smem:$0x3FAE];
	_ =	sdelay $0x3  }
0x36: {  	p1 =	seq.s32 s10, $0x1;
	s10 =	sld [smem:$0x3FAF];
	_ =	sdelay $0x3  }
0x37: {  	[smem:$0x3FAF] =	sst s10  }
0x38: {  	s10 =	sld [smem:$0x3FB0]  }
0x39: {  	_ = 	snop;
	(pc) =	sbr.ind lr, $3  }
0x3a: {  	_ = 	snop  }
0x3b: {  	_ = 	snop  }
0x3c: {  	p2 =	seq.s32 s10, $0x1;
	s10 =	sld [smem:$0x3FAF]  }
0x3d: {  	_ =	shalt  }
0x3e: {  	_ =	shalt  }
0x3f: {  	_ =	shalt  }
0x40: {  	_ =	shalt  }
0x41: {  	_ =	shalt  }
0x42: {  	_ =	shalt  }
0x43: {  	_ =	shalt  }
0x44: {  	_ =	shalt  }
0x45: {  	_ =	shalt  }
0x46: {  	_ =	shalt  }
0x47: {  	_ =	shalt  }
0x48: {  	_ =	shalt  }
0x49: {  	_ =	shalt  }
0x4a: {  	_ =	shalt  }
0x4b: {  	_ =	shalt  }
0x4c: {  	_ =	shalt  }
0x4d: {  	_ =	shalt  }
0x4e: {  	_ =	shalt  }
0x4f: {  	_ =	shalt  }
0x50: {  	_ =	shalt  }
0x51: {  	_ =	shalt  }
0x52: {  	_ =	shalt  }
0x53: {  	_ =	shalt  }
0x54: {  	_ =	shalt  }
0x55: {  	_ =	shalt  }
0x56: {  	_ =	shalt  }
0x57: {  	_ =	shalt  }
0x58: {  	_ =	shalt  }
0x59: {  	_ =	shalt  }
0x5a: {  	_ =	shalt  }
0x5b: {  	_ =	shalt  }
0x5c: {  	_ =	shalt  }
0x5d: {  	_ =	shalt  }
0x5e: {  	_ =	shalt  }
0x5f: {  	_ =	shalt  }
0x60: {  	_ =	shalt  }
0x61: {  	_ =	shalt  }
0x62: {  	_ =	shalt  }
0x63: {  	_ =	shalt  }
0x64: {  	_ =	shalt  }
0x65: {  	_ =	shalt  }
0x66: {  	_ =	shalt  }
0x67: {  	_ =	shalt  }
0x68: {  	_ =	shalt  }
0x69: {  	_ =	shalt  }
0x6a: {  	_ =	shalt  }
0x6b: {  	_ =	shalt  }
0x6c: {  	_ =	shalt  }
0x6d: {  	_ =	shalt  }
0x6e: {  	_ =	shalt  }
0x6f: {  	_ =	shalt  }
0x70: {  	_ =	shalt  }
0x71: {  	_ =	shalt  }
0x72: {  	_ =	shalt  }
0x73: {  	_ =	shalt  }
0x74: {  	_ =	shalt  }
0x75: {  	_ =	shalt  }
0x76: {  	_ =	shalt  }
0x77: {  	_ =	shalt  }
0x78: {  	_ =	shalt  }
0x79: {  	_ =	shalt  }
0x7a: {  	_ =	shalt  }
0x7b: {  	_ =	shalt  }
0x7c: {  	_ =	shalt  }
0x7d: {  	_ =	shalt  }
0x7e: {  	_ =	shalt  }
0x7f: {  	_ =	shalt  }
0x80: {  	_ =	shalt  }
0x81: {  	_ =	shalt  }
0x82: {  	_ =	shalt  }
0x83: {  	_ =	shalt  }
0x84: {  	_ =	shalt  }
0x85: {  	_ =	shalt  }
0x86: {  	_ =	shalt  }
0x87: {  	_ =	shalt  }
.Lfunc_end0:
.L_simem_size_0:
called_computation_lowered:
.L_overlay_start_0:
0x88: {  	s2 =	sld [smem:$0x3FD9]  }
0x89: {  	s3 =	sld [smem:$0x3FFE];
	_ =	sdelay $0x1  }
0x8a: {  	s1 =	srdreg.scid  }
0x8b: {  	s0 =	sand.u32 $0x1, s1  }
0x8c: {  	s17 =	sshll.u32 s0, $0xA;
	s2 =	sadd.s32 s3, s2  }
0x8d: {  	s2 =	sadd.s32 s2, s17  }
0x8e: {  	[smem:$0x3FBB] =	sst s2  }
0x8f: {  	_ = 	snop  }
0x90: {  	s2 =	sld [smem:$0x3FD0];
	(tm) =	ssettm $0x1  }
0x91: {  	s18 =	sld [smem:$0x3FFB];
	_ =	sdelay $0x3  }
0x92: {  	_ =	strace s18  }
0x93: {  	s3 =	sld [smem:$0x3FFC];
	_ =	sdelay $0x3  }
0x94: {  	_ =	strace s3  }
0x95: {  	s3 =	sld [smem:$0x3FFD];
	_ =	sdelay $0x3  }
0x96: {  	_ =	strace s3  }
0x97: {  	_ =	strace $0x8FFFFFFF  }
0x98: {  	s19 =	sld [smem:$0x3FDB];
	_ =	sdelay $0x1  }
0x99: {  	s4 =	simm.s32 $_scs_section_size  }
0x9a: {  	s5 =	simm.s32 $_size__tile_overlayer_lowered;
	s6 =	simm.s32 $_tile_overlayer_lowered  }
0x9b: {  	s22 =	simm.s32 $0x1BFF;
	s21 =	sshll.u32 s6, $0x1;
	s3 =	sadd.s32 s4, s19  }
0x9c: {  	s7 =	simm.s32 $0x0;
	s20 =	sshll.u32 s5, $0x1;
	s5 =	sadd.s32 s21, s3  }
0x9d: {  	[timem:s7], [sflag:s22] =	dma.local [hbm:s5], s20  }
0x9e: {  	_ =	swait.ge [sflag:s22], s20  }
0x9f: {  	s4 =	ssub.s32 $0x0, s20;
	[sflag:s22] =	ssyncset.done $0x0  }
0xa0: {  	[sflag:s22] =	ssyncadd.s32 s4;
	_ =	sdelay $0x1  }
0xa1: {  	s23 =	simm.s32 $0x1B8B  }
0xa2: {  	_ =	swait.ge [sflag:s23], $0x1  }
0xa3: {  	[sflag:s23] =	ssyncset.done $0x0  }
0xa4: {  	s25 =	simm.s32 $0x1B8E;
	s24 =	sld [smem:$0x3FFE];
	[sflag:s23] =	ssyncadd.s32 $0xFFFFFFFF  }
0xa5: {  	s26 =	simm.s32 $execute0_lowered;
	[smem:$0x3FD2] =	sst s25  }
0xa6: {  	s5 =	sshll.u32 s26, $0x1;
	_ =	strace $0x80000046;
	[dreg:$0x1] =	wrdreg $0xFFFFFFFF  }
0xa7: {  	s28 =	simm.s32 $_size_execute0_lowered;
	s3 =	sadd.s32 s3, s5;
	[dreg:$0x0] =	wrdreg $0x0  }
0xa8: {  	s5 =	sshll.u32 s28, $0x1;
	[dreg:$0x2] =	wrdreg s3  }
0xa9: {  	[dreg:$0x3] =	wrdreg s5  }
0xaa: {  	[dreg:$0x4] =	wrdreg $0xC0  }
0xab: {  	_ =	task [dreg:s7], $0x5FFFF  }
0xac: {  	[dreg:$0x1] =	wrdreg $0xFFFFFFFF  }
0xad: {  	[dreg:$0x0] =	wrdreg $0x60  }
0xae: {  	[dreg:$0x2] =	wrdreg s2  }
0xaf: {  	[dreg:$0x3] =	wrdreg s24  }
0xb0: {  	[dreg:$0x4] =	wrdreg $0x9  }
0xb1: {  	_ =	task.clear_ibuf [dreg:s7], $0x5FFFF;
	_ =	strace $0x90000046  }
0xb2: {  	s29 =	simm.s32 $0x9;
	_ =	strace $0x8000004F  }
0xb3: {  	_ =	swait.ge [sflag:s29], $0x1  }
0xb4: {  	[sflag:s29] =	ssyncadd.s32 $0xFFFFFFFF  }
0xb5: {  	_ =	strace $0x9000004F  }
0xb6: {  	_ =	sfence  }
0xb7: {  	s30 =	sld [smem:$0x0];
	_ =	sdelay $0x2  }
0xb8: {  	s31 =	sshll.u32 s1, $0xD;
	s1 =	sshrl.u32 s1, $0x2  }
0xb9: {  	s3 =	sand.u32 $0x4000, s31;
	s1 =	sadd.s32 s1, s30  }
0xba: {  	s0 =	sor.u32 s3, s0;
	s1 =	sshll.u32 s1, $0x11  }
0xbb: {  	s0 =	sor.u32 s1, s0  }
0xbc: {  	s0 =	sadd.s32 $0x8F2B, s0  }
0xbd: {  	[sflag:s0] =	ssyncadd.remote.s32 $0x1  }
0xbe: {  	_ =	sfence.sel $0xFFFF  }
0xbf: {  	[dreg:$0x0] =	wrdreg $0xFFFFFFFF;
	(pc) =	sbr.abs _section_cstart, $3  }
0xc0: {  	[dreg:$0x1] =	wrdreg $0xFFFFFFFF  }
0xc1: {  	_ =	task.clear_ibuf [dreg:s7], $0x2FFFF;
	_ =	strace $0x9FFFFFFF  }
0xc2: {  	(tm) =	ssettm $0x7FFFFFFF  }
0xc3: {  	_ =	shalt  }
tec
execute0_lowered:
.L_overlay_start_1:
0x0: {  	(tag) =	ssettag $0x1  }
0x1: {  	s1 =	rddreg [dreg:$0x0]  }
0x2: {  	s5 =	rddreg [dreg:$0x1]  }
0x3: {  	s0 =	rddreg [dreg:$0x2]  }
0x4: {  	s2 =	simm.s32 $0x0;
	s3 =	srdreg.scid;
	s10 =	simm.s32 $0x4  }
0x5: {  	s11 =	simm.s32 $0x0;
	[smem:$0x7FF] =	sst s2;
	s4 =	sand.u32 $0x1, s3  }
.Ltmp0:
0x6: {  	s3 =	stileid.u32;
	_ =	strace $0x80000047;
	(pc) =	sbr.rel .LBB2_1-.Ltmp0, $4  }
0x7: {  	s6 =	ssub.s32 $0x2, s4;
	s7 =	sshll.u32 s4, $0x4;
	s4 =	sadd.s32 $0x1E00, s5  }
0x8: {  	v2 =	vlaneseq.u32;
	s5 =	sadd.s32 $0x2200, s5;
	s8 =	sshrl.u32 s6, $0x1;
	s7 =	sor.u32 s3, s7  }
0x9: {  	vm0 =	vmmov $0xffff;
	v1 =	vshrl.u32 v2, $0x3;
	s8 =	ssub.s32 s6, s8;
	s9 =	sshll.u32 s7, $0x5;
	s6 =	sshll.u32 s7, $0x1  }
0xa: {  	v0 =	vand.u32 $0x7, v2;
	v2 =	vor.u32 $0x8, v2;
	v1 =	vmul.u32 $0x8, v1;
	s7 =	sadd.s32 s4, s9;
	s8 =	smax.u32 s8, $0x1;
	s9 =	simm.s32 $0x5  }
.LBB2_4:
0xb: {  	s12 =	sand.u32 $0x1, s12  }
0xc: {  	_ =	strace $0x8000004D;
	s12 =	sadd.s32 $0x3, s12  }
0xd: {  	_ =	swait.ge [sflag:s12], $0x8000  }
0xe: {  	[sflag:s12] =	ssyncset.done $0x0  }
0xf: {  	s11 =	sadd.s32 $0x1, s11;
	[sflag:s12] =	ssyncadd.s32 $0xFFFF8000  }
0x10: {  	p0 =	sne.s32 s11, s8;
	_ =	strace $0x9000004D  }
.Ltmp1:
0x11: {  	_ =	strace $0x8000004E;
	(pc) =	sbr.rel @!p0 .LBB2_5-.Ltmp1, $4  }
0x12: {  	_ =	swait.ge [sflag:s10], $0x8000  }
0x13: {  	[sflag:s10] =	ssyncset.done $0x0  }
0x14: {  	[sflag:s10] =	ssyncadd.s32 $0xFFFF8000  }
0x15: {  	_ =	strace $0x9000004E  }
.LBB2_1:
0x16: {  	_ =	strace $0x80000048  }
0x17: {  	p0 =	por $0x1, $0x1;
	p2 =	por $0x0, $0x0;
	s13 =	simm.s32 $0x0  }
0x18: {  	s12 =	simm.s32 $0x0;
	s17 =	simm.s32 $0x0;
	s14 =	simm.s32 $0x0  }
0x19: {  	[tilespmem:s2], [sflag:$0x1] =	stream.linear.gather [hbm4b:s7+s2], $0x80, $0x200038;
	[tilespmem:$0x10100] =	vst v63  }
0x1a: {  	s15 =	simm.s32 $0x1;
	s16 =	simm.s32 $0x0;
	_ =	strace $0x90000048  }
.LBB2_2:
0x1b: {  	s18 =	smov.u32 s13;
	s13 =	sadd.s32 $0x1, s13  }
0x1c: {  	p1 =	seq.s32 s13, $0x2  }
0x1d: {  	s13 =	simm.s32 @p1 $0x0  }
0x1e: {  	p1 =	sne.s32 s18, s13  }
0x1f: {  	p1 =	por !p0, !p1  }
0x20: {  	p1 =	por !p1, !p1  }
0x21: {  	s19 =	sadd.s32 @p1 s6, s13  }
0x22: {  	s20 =	sand.u32 @p1 $0x1, s15;
	s19 =	sshll.u32 @p1 s19, $0x4  }
0x23: {  	_ =	strace @p1 $0x80000049;
	s22 =	simm.s32 @p1 $0x0;
	s19 =	sand.u32 @p1 $0x1FFFFFF0, s19  }
0x24: {  	s21 =	sshll.u32 @p1 s20, $0x7;
	s20 =	sadd.s32 @p1 $0x1, s20;
	s19 =	sadd.s32 @p1 s4, s19  }
0x25: {  	[tilespmem:s21], [sflag:s20] =	stream.linear.gather @p1 [hbm4b:s19+s22], $0x80, $0x200038;
	[tilespmem:$0x10100] =	vst v63  }
0x26: {  	s23 =	sand.u32 $0x1, s14;
	_ =	strace @p1 $0x90000049  }
0x27: {  	s19 =	sadd.s32 $0x1, s23;
	_ =	strace $0x8000004A  }
0x28: {  	_ =	swait.ge [sflag:s19], $0x80  }
0x29: {  	[sflag:s19] =	ssyncset.done $0x0  }
0x2a: {  	[sflag:s19] =	ssyncadd.s32 $0xFFFFFF80  }
0x2b: {  	s24 =	sshll.u32 s14, $0x7;
	_ =	strace $0x9000004A  }
0x2c: {  	s22 =	sand.u32 $0x80, s24;
	_ =	strace $0x8000004B  }
0x2d: {  	v3 =	vld [tilespmem:s22+$0x0];
	_ =	sdelay $0x4  }
0x2e: {  	v4 =	vshll.u32 v3, $0x1  }
0x2f: {  	v3 =	vand.u32 $0x7, v3;
	v4 =	vand.u32 $0xFFFFFFF0, v4  }
0x30: {  	v3 =	vor.u32 v3, v4  }
0x31: {  	v4 =	vperm.xlane v3, v0;
	_ =	sdelay $0x1  }
0x32: {  	v3 =	vperm.xlane v3, v2;
	v4 =	vadd.s32 v1, v4;
	_ =	sdelay $0x1  }
0x33: {  	s19 =	sand.u32 $0x1, s17;
	v3 =	vadd.s32 v1, v3  }
0x34: {  	s21 =	sshll.u32 s19, $0xF  }
0x35: {  	s20 =	sor.u32 $0x100, s21  }
0x36: {  	[tilespmem:s20], [sflag:$0x5] =	stream.indirect_vreg.gather [hbm4b:s1+s2], $0x80, v4, vm0, $0x2000b8;
	[tilespmem:$0x10100] =	vst v63  }
0x37: {  	s23 =	sor.u32 $0x900, s21  }
0x38: {  	[tilespmem:s23], [sflag:$0x5] =	stream.indirect_vreg.gather [hbm4b:s1+s2], $0x80, v3, vm0, $0x2000b8;
	[tilespmem:$0x10100] =	vst v63  }
0x39: {  	v3 =	vld [tilespmem:s22+$0x10];
	_ =	sdelay $0x4  }
0x3a: {  	v57 =	vshll.u32 v3, $0x1  }
0x3b: {  	v3 =	vand.u32 $0x7, v3;
	v4 =	vand.u32 $0xFFFFFFF0, v57  }
0x3c: {  	v3 =	vor.u32 v3, v4  }
0x3d: {  	v4 =	vperm.xlane v3, v0;
	_ =	sdelay $0x1  }
0x3e: {  	v3 =	vperm.xlane v3, v2;
	v4 =	vadd.s32 v1, v4;
	_ =	sdelay $0x1  }
0x3f: {  	v3 =	vadd.s32 v1, v3;
	_ =	sdelay $0x1  }
0x40: {  	s25 =	sor.u32 $0x1100, s21  }
0x41: {  	[tilespmem:s25], [sflag:$0x5] =	stream.indirect_vreg.gather [hbm4b:s1+s2], $0x80, v4, vm0, $0x2000b8;
	[tilespmem:$0x10100] =	vst v63  }
0x42: {  	s26 =	sor.u32 $0x1900, s21  }
0x43: {  	[tilespmem:s26], [sflag:$0x5] =	stream.indirect_vreg.gather [hbm4b:s1+s2], $0x80, v3, vm0, $0x2000b8;
	[tilespmem:$0x10100] =	vst v63  }
0x44: {  	v3 =	vld [tilespmem:s22+$0x20];
	_ =	sdelay $0x4  }
0x45: {  	v58 =	vshll.u32 v3, $0x1  }
0x46: {  	v3 =	vand.u32 $0x7, v3;
	v4 =	vand.u32 $0xFFFFFFF0, v58  }
0x47: {  	v3 =	vor.u32 v3, v4  }
0x48: {  	v4 =	vperm.xlane v3, v0;
	_ =	sdelay $0x1  }
0x49: {  	v3 =	vperm.xlane v3, v2;
	v4 =	vadd.s32 v1, v4;
	_ =	sdelay $0x1  }
0x4a: {  	v3 =	vadd.s32 v1, v3;
	_ =	sdelay $0x1  }
0x4b: {  	s28 =	sor.u32 $0x2100, s21  }
0x4c: {  	[tilespmem:s28], [sflag:$0x5] =	stream.indirect_vreg.gather [hbm4b:s1+s2], $0x80, v4, vm0, $0x2000b8;
	[tilespmem:$0x10100] =	vst v63  }
0x4d: {  	s29 =	sor.u32 $0x2900, s21  }
0x4e: {  	[tilespmem:s29], [sflag:$0x5] =	stream.indirect_vreg.gather [hbm4b:s1+s2], $0x80, v3, vm0, $0x2000b8;
	[tilespmem:$0x10100] =	vst v63  }
0x4f: {  	v3 =	vld [tilespmem:s22+$0x30];
	_ =	sdelay $0x4  }
0x50: {  	v59 =	vshll.u32 v3, $0x1  }
0x51: {  	v3 =	vand.u32 $0x7, v3;
	v4 =	vand.u32 $0xFFFFFFF0, v59  }
0x52: {  	v3 =	vor.u32 v3, v4  }
0x53: {  	v4 =	vperm.xlane v3, v0;
	_ =	sdelay $0x1  }
0x54: {  	v3 =	vperm.xlane v3, v2;
	v4 =	vadd.s32 v1, v4;
	_ =	sdelay $0x1  }
0x55: {  	v3 =	vadd.s32 v1, v3;
	_ =	sdelay $0x1  }
0x56: {  	s30 =	sor.u32 $0x3100, s21  }
0x57: {  	[tilespmem:s30], [sflag:$0x5] =	stream.indirect_vreg.gather [hbm4b:s1+s2], $0x80, v4, vm0, $0x2000b8;
	[tilespmem:$0x10100] =	vst v63  }
0x58: {  	s31 =	sor.u32 $0x3900, s21  }
0x59: {  	[tilespmem:s31], [sflag:$0x5] =	stream.indirect_vreg.gather [hbm4b:s1+s2], $0x80, v3, vm0, $0x2000b8;
	[tilespmem:$0x10100] =	vst v63  }
0x5a: {  	v3 =	vld [tilespmem:s22+$0x40];
	_ =	sdelay $0x4  }
0x5b: {  	v60 =	vshll.u32 v3, $0x1  }
0x5c: {  	v3 =	vand.u32 $0x7, v3;
	v4 =	vand.u32 $0xFFFFFFF0, v60  }
0x5d: {  	v3 =	vor.u32 v3, v4  }
0x5e: {  	v4 =	vperm.xlane v3, v0;
	_ =	sdelay $0x1  }
0x5f: {  	v3 =	vperm.xlane v3, v2;
	v4 =	vadd.s32 v1, v4;
	_ =	sdelay $0x1  }
0x60: {  	v3 =	vadd.s32 v1, v3;
	_ =	sdelay $0x1  }
0x61: {  	s24 =	sor.u32 $0x4100, s21  }
0x62: {  	[tilespmem:s24], [sflag:$0x5] =	stream.indirect_vreg.gather [hbm4b:s1+s2], $0x80, v4, vm0, $0x2000b8;
	[tilespmem:$0x10100] =	vst v63  }
0x63: {  	s25 =	sor.u32 $0x4900, s21  }
0x64: {  	[tilespmem:s25], [sflag:$0x5] =	stream.indirect_vreg.gather [hbm4b:s1+s2], $0x80, v3, vm0, $0x2000b8;
	[tilespmem:$0x10100] =	vst v63  }
0x65: {  	v3 =	vld [tilespmem:s22+$0x50];
	_ =	sdelay $0x4  }
0x66: {  	v61 =	vshll.u32 v3, $0x1  }
0x67: {  	v3 =	vand.u32 $0x7, v3;
	v4 =	vand.u32 $0xFFFFFFF0, v61  }
0x68: {  	v3 =	vor.u32 v3, v4  }
0x69: {  	v4 =	vperm.xlane v3, v0;
	_ =	sdelay $0x1  }
0x6a: {  	v3 =	vperm.xlane v3, v2;
	v4 =	vadd.s32 v1, v4;
	_ =	sdelay $0x1  }
0x6b: {  	v3 =	vadd.s32 v1, v3;
	_ =	sdelay $0x1  }
0x6c: {  	s26 =	sor.u32 $0x5100, s21  }
0x6d: {  	[tilespmem:s26], [sflag:$0x5] =	stream.indirect_vreg.gather [hbm4b:s1+s2], $0x80, v4, vm0, $0x2000b8;
	[tilespmem:$0x10100] =	vst v63  }
0x6e: {  	s28 =	sor.u32 $0x5900, s21  }
0x6f: {  	[tilespmem:s28], [sflag:$0x5] =	stream.indirect_vreg.gather [hbm4b:s1+s2], $0x80, v3, vm0, $0x2000b8;
	[tilespmem:$0x10100] =	vst v63  }
0x70: {  	v3 =	vld [tilespmem:s22+$0x60];
	_ =	sdelay $0x4  }
0x71: {  	v62 =	vshll.u32 v3, $0x1  }
0x72: {  	v3 =	vand.u32 $0x7, v3;
	v4 =	vand.u32 $0xFFFFFFF0, v62  }
0x73: {  	v3 =	vor.u32 v3, v4  }
0x74: {  	v4 =	vperm.xlane v3, v0;
	_ =	sdelay $0x1  }
0x75: {  	v3 =	vperm.xlane v3, v2;
	v4 =	vadd.s32 v1, v4;
	_ =	sdelay $0x1  }
0x76: {  	v3 =	vadd.s32 v1, v3;
	_ =	sdelay $0x1  }
0x77: {  	s29 =	sor.u32 $0x6100, s21  }
0x78: {  	[tilespmem:s29], [sflag:$0x5] =	stream.indirect_vreg.gather [hbm4b:s1+s2], $0x80, v4, vm0, $0x2000b8;
	[tilespmem:$0x10100] =	vst v63  }
0x79: {  	s30 =	sor.u32 $0x6900, s21  }
0x7a: {  	[tilespmem:s30], [sflag:$0x5] =	stream.indirect_vreg.gather [hbm4b:s1+s2], $0x80, v3, vm0, $0x2000b8;
	[tilespmem:$0x10100] =	vst v63  }
0x7b: {  	v3 =	vld [tilespmem:s22+$0x70];
	_ =	sdelay $0x4  }
0x7c: {  	v63 =	vshll.u32 v3, $0x1  }
0x7d: {  	v3 =	vand.u32 $0x7, v3;
	v4 =	vand.u32 $0xFFFFFFF0, v63  }
0x7e: {  	v3 =	vor.u32 v3, v4  }
0x7f: {  	v4 =	vperm.xlane v3, v0;
	_ =	sdelay $0x1  }
0x80: {  	v3 =	vperm.xlane v3, v2;
	v4 =	vadd.s32 v1, v4;
	_ =	sdelay $0x1  }
0x81: {  	v3 =	vadd.s32 v1, v3;
	_ =	sdelay $0x1  }
0x82: {  	p2 =	por !p2, !p2;
	p3 =	seq.s32 s18, s13;
	s31 =	sor.u32 $0x7100, s21  }
0x83: {  	[tilespmem:s31], [sflag:$0x5] =	stream.indirect_vreg.gather [hbm4b:s1+s2], $0x80, v4, vm0, $0x2000b8;
	[tilespmem:$0x10100] =	vst v63  }
0x84: {  	p2 =	por !p2, !p3;
	s21 =	sor.u32 $0x7900, s21  }
0x85: {  	[tilespmem:s21], [sflag:$0x5] =	stream.indirect_vreg.gather [hbm4b:s1+s2], $0x80, v3, vm0, $0x2000b8;
	[tilespmem:$0x10100] =	vst v63  }
0x86: {  	s18 =	sadd.s32 s6, s18;
	p2 =	por !p2, !p2;
	_ =	swait.ge [sflag:s9], $0x8000  }
0x87: {  	s18 =	sshll.u32 @!p2 s18, $0xC;
	p0 =	por p2, p0;
	[sflag:s9] =	ssyncset.done $0x0  }
.Ltmp2:
0x88: {  	s18 =	sand.u32 @!p2 $0x1FFFF000, s18;
	[sflag:s9] =	ssyncadd.s32 $0xFFFF8000;
	(pc) =	sbr.rel @!p0 .LBB2_4-.Ltmp2, $4  }
0x89: {  	s18 =	sadd.s32 @!p2 s5, s18;
	_ =	strace $0x9000004B  }
0x8a: {  	s19 =	sadd.s32 @!p2 $0x3, s19;
	s21 =	simm.s32 @!p2 $0x0;
	_ =	strace @!p2 $0x8000004C  }
0x8b: {  	[hbm4b:s18+s21] =	stream.linear.scatter @!p2 [tilespmem:s20], [sflag:s19], $0x8000, $0x200038;
	[tilespmem:$0x10100] =	vst v63  }
0x8c: {  	_ =	strace @!p2 $0x9000004C  }
.Ltmp3:
0x8d: {  	s18 =	simm.s32 $0x1;
	(pc) =	sbr.rel .LBB2_2-.Ltmp3, $4  }
0x8e: {  	s19 =	simm.s32 @!p2 $0x1;
	s12 =	sadd.s32 s16, s12;
	s18 =	simm.s32 @!p1 $0x0  }
0x8f: {  	s16 =	simm.s32 $0x1;
	s15 =	sadd.s32 s18, s15;
	s18 =	sadd.s32 @!p2 $0x1, s17  }
0x90: {  	p0 =	por $0x0, $0x0;
	s19 =	simm.s32 @p2 $0x0;
	s18 =	smov.u32 @p2 s17  }
0x91: {  	s14 =	sadd.s32 s14, s19;
	p2 =	por $0x1, $0x1;
	s17 =	smov.u32 s18  }
.LBB2_5:
0x92: {  	_ =	sfence.sel $0x180000  }
0x93: {  	[bflag:$0x0] =	sbarrier.arrive $0xFFFF  }
0x94: {  	p0 =	sne.s32 s3, $0x0;
	_ =	strace $0x90000047  }
0x95: {  	s0 =	sadd.s32 @!p0 $0x100000, s0;
	[bflag:$0x2] =	sbarrier.arrive $0xFFFF  }
0x96: {  	[sflag:s0] =	ssyncadd.tile.s32 @!p0 $0x1;
	_ =	shalt  }
.Lfunc_end2:
_tile_overlayer_lowered:
.L_overlay_start_2:
0x97: {  	(tag) =	ssettag $0x2  }
0x98: {  	s0 =	rddreg [dreg:$0x0];
	s2 =	stileid.u32  }
0x99: {  	s1 =	rddreg [dreg:$0x1];
	p0 =	sne.s32 s2, $0x0  }
0x9a: {  	s3 =	rddreg [dreg:$0x2];
	[bflag:$0x3] =	sbarrier.arrive $0xFFFF;
	s2 =	simm.s32 @!p0 $0x1C01  }
0x9b: {  	[timem:s3], [sflag:s2] =	dma.local @!p0 [hbm:s0], s1  }
0x9c: {  	s0 =	simm.s32 @!p0 $0x1  }
0x9d: {  	_ =	swait.ge @!p0 [sflag:s0], s1  }
0x9e: {  	s1 =	ssub.s32 @!p0 $0x0, s1;
	[sflag:s0] =	ssyncset.done @!p0 $0x0  }
0x9f: {  	[sflag:s0] =	ssyncadd.s32 @!p0 s1  }
0xa0: {  	[bflag:$0x3] =	sbarrier.arrive $0xFFFF  }
0xa1: {  	_ =	shalt  }

</sc_bundles>
